<compile_context>
chip_gen: v7x
topology: tpu7x:2x2x1
jax: 0.10.2.dev20260603
libtpu: 0.0.44.dev20260713+nightly
codegen_flags: <defaults>
</compile_context>

<pallas_src>
import jax
import jax.numpy as jnp
from jax import lax
from jax.experimental import pallas as pl
from jax.experimental.pallas import tpu as pltpu
from jax.experimental.pallas import tpu_sc as plsc

N = 10000
E = 320000
D = 128
DE = 16
OUT = 128

NC = 2
NS = 16
NW = NC * NS
RPW = 312
LAST_ROWS = N - (NW - 1) * RPW
CHUNK = 4000
NCHUNKS = E // CHUNK
G = 128
LCAP = CHUNK + G


def _sc_agg_body(src_hbm, dst_hbm, p1_hbm, e3_hbm, agg_hbm,
                 dstv, srcv, ids_buf, srcc, dstc, gsrc, gdst, gids,
                 p1b, e3b, acc, sem_lin, sem_g):
    cid = lax.axis_index("c")
    sid = lax.axis_index("s")
    wid = sid * NC + cid
    n0 = wid * RPW
    n1 = jnp.where(wid == NW - 1, N, n0 + RPW)
    lanes = lax.iota(jnp.int32, 16)

    zf = jnp.full((16,), -3e38, jnp.float32)

    def _zacc(i, carry):
        acc[i // 8, pl.ds((i % 8) * 16, 16)] = zf
        return carry

    lax.fori_loop(0, LAST_ROWS * 8, _zacc, 0)

    zi = jnp.zeros((16,), jnp.int32)

    def _zidx(i, carry):
        s = pl.ds(i * 16, 16)
        ids_buf[s] = zi
        srcc[s] = zi
        dstc[s] = zi
        return carry

    lax.fori_loop(0, LCAP // 16, _zidx, 0)

    def scan_chunk(c):
        e0 = c * CHUNK

        def scan_body(v, m):
            s = pl.ds(v * 16, 16)
            dv = dstv[s]
            sv = srcv[s]
            mask = (dv >= n0) & (dv < n1)
            ids = e0 + v * 16 + lanes
            cum = plsc.cumsum(mask.astype(jnp.int32))
            pos = m + cum - 1
            plsc.store_scatter(ids_buf, [pos], ids, mask=mask)
            plsc.store_scatter(srcc, [pos], sv, mask=mask)
            plsc.store_scatter(dstc, [pos], dv, mask=mask)
            return m + cum[15]

        return lax.fori_loop(0, CHUNK // 16, scan_body, jnp.int32(0))

    def stage_block(off):
        for k in range(G // 16):
            si = pl.ds(off + k * 16, 16)
            di = pl.ds(k * 16, 16)
            gsrc[di] = srcc[si]
            gdst[di] = dstc[si]
            gids[di] = ids_buf[si]

    def fire_gather():
        pltpu.async_copy(p1_hbm.at[gsrc], p1b, sem_g)
        pltpu.async_copy(e3_hbm.at[gids], e3b, sem_g)

    def wait_gather():
        pltpu.make_async_copy(p1_hbm.at[pl.ds(0, G)], p1b, sem_g).wait()
        pltpu.make_async_copy(p1_hbm.at[pl.ds(0, G)], e3b, sem_g).wait()

    def accumulate(m_eff):
        def acc_body(j, carry):
            base16 = (j // 16) * 16
            dvec = gdst[pl.ds(base16, 16)]
            lane = j - base16
            d = jnp.sum(jnp.where(lanes == lane, dvec, 0)) - n0
            for k in range(OUT // 16):
                sk = pl.ds(k * 16, 16)
                z = p1b[j, sk] + e3b[j, sk]
                acc[d, sk] = jnp.maximum(acc[d, sk], z)
            return carry

        lax.fori_loop(0, m_eff, acc_body, 0)

    def accumulate_extra(m_tot):
        nex = (m_tot + (G - 1)) // G - 1

        def ov(b, carry):
            off = (b + 1) * G
            stage_block(off)
            fire_gather()
            wait_gather()
            accumulate(jnp.minimum(m_tot - off, G))
            return carry

        lax.fori_loop(0, nex, ov, 0)

    pltpu.sync_copy(dst_hbm.at[pl.ds(0, CHUNK)], dstv)
    pltpu.sync_copy(src_hbm.at[pl.ds(0, CHUNK)], srcv)
    m0 = scan_chunk(0)
    stage_block(0)
    fire_gather()
    nxt0 = jnp.minimum(CHUNK, E - CHUNK)
    pltpu.async_copy(dst_hbm.at[pl.ds(nxt0, CHUNK)], dstv, sem_lin)
    pltpu.async_copy(src_hbm.at[pl.ds(nxt0, CHUNK)], srcv, sem_lin)

    def body(i, m_prev):
        early = m_prev > G

        @pl.when(early)
        def _():
            wait_gather()
            accumulate(G)
            accumulate_extra(m_prev)

        pltpu.make_async_copy(dst_hbm.at[pl.ds(0, CHUNK)], dstv,
                              sem_lin).wait()
        pltpu.make_async_copy(src_hbm.at[pl.ds(0, CHUNK)], srcv,
                              sem_lin).wait()
        m_i = scan_chunk(i)

        @pl.when(jnp.logical_not(early))
        def _():
            wait_gather()
            accumulate(jnp.minimum(m_prev, G))

        stage_block(0)
        fire_gather()
        nxt = jnp.minimum((i + 1) * CHUNK, E - CHUNK)
        pltpu.async_copy(dst_hbm.at[pl.ds(nxt, CHUNK)], dstv, sem_lin)
        pltpu.async_copy(src_hbm.at[pl.ds(nxt, CHUNK)], srcv, sem_lin)
        return m_i

    m_last = lax.fori_loop(1, NCHUNKS, body, m0)

    pltpu.make_async_copy(dst_hbm.at[pl.ds(0, CHUNK)], dstv, sem_lin).wait()
    pltpu.make_async_copy(src_hbm.at[pl.ds(0, CHUNK)], srcv, sem_lin).wait()
    wait_gather()
    accumulate(jnp.minimum(m_last, G))
    accumulate_extra(m_last)

    @pl.when(wid < NW - 1)
    def _():
        pltpu.sync_copy(acc.at[:RPW], agg_hbm.at[pl.ds(n0, RPW)])

    @pl.when(wid == NW - 1)
    def _():
        pltpu.sync_copy(acc, agg_hbm.at[pl.ds(n0, LAST_ROWS)])


def _sc_agg(src, dst, P1, E3):
    mesh = plsc.VectorSubcoreMesh(core_axis_name="c", subcore_axis_name="s")
    return pl.kernel(
        _sc_agg_body,
        out_type=jax.ShapeDtypeStruct((N, OUT), jnp.float32),
        mesh=mesh,
        compiler_params=pltpu.CompilerParams(needs_layout_passes=False),
        scratch_types=[
            pltpu.VMEM((CHUNK,), jnp.int32),
            pltpu.VMEM((CHUNK,), jnp.int32),
            pltpu.VMEM((LCAP,), jnp.int32),
            pltpu.VMEM((LCAP,), jnp.int32),
            pltpu.VMEM((LCAP,), jnp.int32),
            pltpu.VMEM((G,), jnp.int32),
            pltpu.VMEM((G,), jnp.int32),
            pltpu.VMEM((G,), jnp.int32),
            pltpu.VMEM((G, OUT), jnp.float32),
            pltpu.VMEM((G, OUT), jnp.float32),
            pltpu.VMEM((LAST_ROWS, OUT), jnp.float32),
            pltpu.SemaphoreType.DMA,
            pltpu.SemaphoreType.DMA,
        ],
    )(src, dst, P1, E3)


def _proj_nodes_kernel(x_ref, w12_ref, p12_ref):
    p12_ref[...] = jnp.dot(x_ref[...], w12_ref[...],
                           preferred_element_type=jnp.float32)


def _proj_edges_kernel(ea_ref, w3_ref, b_ref, e3_ref):
    e3_ref[...] = jnp.dot(ea_ref[...], w3_ref[...],
                          preferred_element_type=jnp.float32) + b_ref[...]


def _final_kernel(x_ref, m_ref, p2_ref, wu_ref, b_ref, out_ref):
    agg = jnp.maximum(m_ref[...] + p2_ref[...], 0.0)
    xin = jnp.concatenate([x_ref[...], agg], axis=-1)
    out_ref[...] = jnp.dot(xin, wu_ref[...],
                           preferred_element_type=jnp.float32) + b_ref[...]


def kernel(x, edge_index, edge_attr, W_msg, b_msg, W_upd, b_upd):
    src = edge_index[0]
    dst = edge_index[1]

    W12_cat = jnp.concatenate([W_msg[:D], W_msg[D:2 * D]], axis=1)
    P12 = pl.pallas_call(
        _proj_nodes_kernel,
        out_shape=jax.ShapeDtypeStruct((N, 2 * OUT), jnp.float32),
    )(x, W12_cat)
    P1 = P12[:, :OUT]
    P2 = P12[:, OUT:]

    EB = 8000
    E3 = pl.pallas_call(
        _proj_edges_kernel,
        grid=(E // EB,),
        in_specs=[
            pl.BlockSpec((EB, DE), lambda i: (i, 0)),
            pl.BlockSpec((DE, OUT), lambda i: (0, 0)),
            pl.BlockSpec((1, OUT), lambda i: (0, 0)),
        ],
        out_specs=pl.BlockSpec((EB, OUT), lambda i: (i, 0)),
        out_shape=jax.ShapeDtypeStruct((E, OUT), jnp.float32),
    )(edge_attr, W_msg[2 * D:], b_msg.reshape(1, OUT))

    m_raw = _sc_agg(src, dst, P1, E3)

    out = pl.pallas_call(
        _final_kernel,
        out_shape=jax.ShapeDtypeStruct((N, OUT), jnp.float32),
    )(x, m_raw, P2, W_upd, b_upd.reshape(1, OUT))
    return out

# --- scband reference (transcript-rebuilt; emitter-appended) ---
"""Pipeline reference for scband-path-gnnlayers-5059471475169 (READ-ONLY COPY).

The authoritative reference and input builder live on the scoring server;
editing this copy changes nothing except your own understanding.
"""

import jax, jax.numpy as jnp
import numpy as np

N = 10000
E = 320000
D = 128
DE = 16
OUT = 128


def setup_inputs(seed: int = 0) -> dict:
    key = jax.random.key(seed)
    ks = jax.random.split(key, 8)
    x = jax.random.normal(ks[0], (N, D), dtype=jnp.float32)
    edge_index = jax.random.randint(ks[1], (2, E), 0, N, dtype=jnp.int32)
    edge_attr = jax.random.normal(ks[2], (E, DE), dtype=jnp.float32)
    # MPNNMaxConv parameters: message MLP over [x_src, x_dst, e_ij], update linear over [x, agg]
    fan_msg = D + D + DE
    W_msg = jax.random.normal(ks[3], (fan_msg, OUT), dtype=jnp.float32) / np.sqrt(fan_msg)
    b_msg = jnp.zeros((OUT,), dtype=jnp.float32)
    fan_upd = D + OUT
    W_upd = jax.random.normal(ks[4], (fan_upd, OUT), dtype=jnp.float32) / np.sqrt(fan_upd)
    b_upd = jnp.zeros((OUT,), dtype=jnp.float32)
    return {"x": x, "edge_index": edge_index, "edge_attr": edge_attr,
            "W_msg": W_msg, "b_msg": b_msg, "W_upd": W_upd, "b_upd": b_upd}


def reference(x, edge_index, edge_attr, W_msg, b_msg, W_upd, b_upd):
    # PathGNNLayers.forward with input_feat_flag=False: node feat = x
    # MPNNMaxConv: m_ij = relu(Linear([x_src, x_dst, e_ij])); agg_i = max_j m_ij; out = Linear([x_i, agg_i])
    src = edge_index[0]
    dst = edge_index[1]
    x_src = jnp.take(x, src, axis=0)          # gather [E, D]
    x_dst = jnp.take(x, dst, axis=0)          # gather [E, D]
    m_in = jnp.concatenate([x_src, x_dst, edge_attr], axis=-1)  # [E, 2D+DE]
    msg = jax.nn.relu(m_in @ W_msg + b_msg)   # [E, OUT]
    agg = jax.ops.segment_max(msg, dst, num_segments=N)  # scatter-max [N, OUT]
    agg = jnp.where(jnp.isfinite(agg), agg, 0.0)
    out = jnp.concatenate([x, agg], axis=-1) @ W_upd + b_upd  # [N, OUT]
    return out

if __name__ == "__main__":
    import jax
    _d = setup_inputs()
    print(jax.jit(kernel)(*tuple(_d.values())))

</pallas_src>

<mosaic_0001>
#map = affine_map<(d0, d1) -> (0)>
#map1 = affine_map<(d0, d1) -> (0, 0)>
module attributes {stable_mosaic.version = 14 : i64} {
  func.func @_sc_agg_body(%arg0: i32, %arg1: i32, %arg2: memref<320000xi32, #tpu.memory_space<hbm>>, %arg3: memref<320000xi32, #tpu.memory_space<hbm>>, %arg4: memref<10000x128xf32, #tpu.memory_space<hbm>>, %arg5: memref<320000x128xf32, #tpu.memory_space<hbm>>, %arg6: memref<10000x128xf32, #tpu.memory_space<hbm>>, %arg7: memref<4000xi32, #tpu.memory_space<vmem>>, %arg8: memref<4000xi32, #tpu.memory_space<vmem>>, %arg9: memref<4128xi32, #tpu.memory_space<vmem>>, %arg10: memref<4128xi32, #tpu.memory_space<vmem>>, %arg11: memref<4128xi32, #tpu.memory_space<vmem>>, %arg12: memref<128xi32, #tpu.memory_space<vmem>>, %arg13: memref<128xi32, #tpu.memory_space<vmem>>, %arg14: memref<128xi32, #tpu.memory_space<vmem>>, %arg15: memref<128x128xf32, #tpu.memory_space<vmem>>, %arg16: memref<128x128xf32, #tpu.memory_space<vmem>>, %arg17: memref<328x128xf32, #tpu.memory_space<vmem>>, %arg18: memref<!tpu.dma_semaphore, #tpu.memory_space<semaphore_mem>>, %arg19: memref<!tpu.dma_semaphore, #tpu.memory_space<semaphore_mem>>) attributes {dimension_semantics = [#tpu.dimension_semantics<core_parallel>, #tpu.dimension_semantics<subcore_parallel>], iteration_bounds = array<i64: 2, 16>, scalar_prefetch = 0 : i64, scratch_operands = 13 : i64, tpu.core_type = #tpu.core_type<sc_vector_subcore>, window_params = [{transform_indices = #map}, {transform_indices = #map}, {transform_indices = #map1}, {transform_indices = #map1}, {transform_indices = #map1}]} {
    %mul3A = arith.constant 2 : i32
    %mul3A_0 = arith.muli %arg1, %mul3A : i32
    %add3A = arith.addi %mul3A_0, %arg0 : i32
    %mul3A_1 = arith.constant 312 : i32
    %mul3A_2 = arith.muli %add3A, %mul3A_1 : i32
    %eq3A = arith.constant 31 : i32
    %eq3A_3 = arith.cmpi eq, %add3A, %eq3A : i32
    %add3A_4 = arith.constant 312 : i32
    %add3A_5 = arith.addi %mul3A_2, %add3A_4 : i32
    %jit3A = arith.constant 10000 : i32
    %select_n3A = arith.select %eq3A_3, %jit3A, %add3A_5 : i32
    %iota3A = tpu.iota {dimensions = array<i32: 0>} : vector<16xi32>
    %broadcast_in_dim3A = arith.constant -3.000000e+38 : f32
    %broadcast_in_dim3A_6 = vector.broadcast %broadcast_in_dim3A : f32 to vector<16xf32>
    %scan3A = arith.constant 0 : i32
    %scan3A_7 = arith.constant 0 : i32
    %scan3A_8 = arith.constant 2624 : i32
    %scan3A_9 = arith.addi %scan3A_7, %scan3A_8 : i32
    %scan3A_10 = arith.constant 1 : i32
    scf.for %scan3A_207 = %scan3A_7 to %scan3A_9 step %scan3A_10  : i32 {
      %jit3A_208 = arith.constant 8 : i32
      %div3A_209 = arith.divsi %scan3A_207, %jit3A_208 : i32
      %sign3A_210 = arith.constant 0 : i32
      %sign3A_211 = arith.cmpi sgt, %scan3A_207, %sign3A_210 : i32
      %sign3A_212 = arith.extui %sign3A_211 : i1 to i32
      %sign3A_213 = arith.constant 0 : i32
      %sign3A_214 = arith.cmpi slt, %scan3A_207, %sign3A_213 : i32
      %sign3A_215 = arith.extui %sign3A_214 : i1 to i32
      %sign3A_216 = arith.subi %sign3A_212, %sign3A_215 : i32
      %sign3A_217 = arith.constant 0 : i32
      %sign3A_218 = arith.cmpi sgt, %jit3A_208, %sign3A_217 : i32
      %sign3A_219 = arith.extui %sign3A_218 : i1 to i32
      %sign3A_220 = arith.constant 0 : i32
      %sign3A_221 = arith.cmpi slt, %jit3A_208, %sign3A_220 : i32
      %sign3A_222 = arith.extui %sign3A_221 : i1 to i32
      %sign3A_223 = arith.subi %sign3A_219, %sign3A_222 : i32
      %ne3A_224 = arith.cmpi ne, %sign3A_216, %sign3A_223 : i32
      %rem3A_225 = arith.remsi %scan3A_207, %jit3A_208 : i32
      %ne3A_226 = arith.constant 0 : i32
      %ne3A_227 = arith.cmpi ne, %rem3A_225, %ne3A_226 : i32
      %and3A_228 = arith.andi %ne3A_224, %ne3A_227 : i1
      %sub3A_229 = arith.constant 1 : i32
      %sub3A_230 = arith.subi %div3A_209, %sub3A_229 : i32
      %select_n3A_231 = arith.select %and3A_228, %sub3A_230, %div3A_209 : i32
      %jit3A_232 = arith.constant 8 : i32
      %eq3A_233 = arith.constant 0 : i32
      %eq3A_234 = arith.cmpi eq, %jit3A_232, %eq3A_233 : i32
      %jit3A_235 = arith.constant 1 : i32
      %select_n3A_236 = arith.select %eq3A_234, %jit3A_235, %jit3A_232 : i32
      %rem3A_237 = arith.remsi %scan3A_207, %select_n3A_236 : i32
      %ne3A_238 = arith.constant 0 : i32
      %ne3A_239 = arith.cmpi ne, %rem3A_237, %ne3A_238 : i32
      %lt3A_240 = arith.constant 0 : i32
      %lt3A_241 = arith.cmpi slt, %rem3A_237, %lt3A_240 : i32
      %lt3A_242 = arith.constant 0 : i32
      %lt3A_243 = arith.cmpi slt, %select_n3A_236, %lt3A_242 : i32
      %ne3A_244 = arith.xori %lt3A_241, %lt3A_243 : i1
      %and3A_245 = arith.andi %ne3A_244, %ne3A_239 : i1
      %add3A_246 = arith.addi %rem3A_237, %select_n3A_236 : i32
      %select_n3A_247 = arith.select %and3A_245, %add3A_246, %rem3A_237 : i32
      %mul3A_248 = arith.constant 16 : i32
      %mul3A_249 = arith.muli %select_n3A_247, %mul3A_248 : i32
      %swap3A_250 = arith.index_cast %select_n3A_231 : i32 to index
      %swap3A_251 = arith.index_cast %mul3A_249 : i32 to index
      %swap3A_252 = tpu.vector_load %arg17[%swap3A_250, %swap3A_251] {strides = array<i32>} : memref<328x128xf32, #tpu.memory_space<vmem>>, vector<16xf32>,
      tpu.vector_store %arg17[%swap3A_250, %swap3A_251], %broadcast_in_dim3A_6 {strides = array<i32>} : memref<328x128xf32, #tpu.memory_space<vmem>>, vector<16xf32>,
    }
    %scan3A_11 = arith.constant 2624 : i32
    %broadcast_in_dim3A_12 = arith.constant 0 : i32
    %broadcast_in_dim3A_13 = vector.broadcast %broadcast_in_dim3A_12 : i32 to vector<16xi32>
    %scan3A_14 = arith.constant 0 : i32
    %scan3A_15 = arith.constant 0 : i32
    %scan3A_16 = arith.constant 258 : i32
    %scan3A_17 = arith.addi %scan3A_15, %scan3A_16 : i32
    %scan3A_18 = arith.constant 1 : i32
    scf.for %scan3A_207 = %scan3A_15 to %scan3A_17 step %scan3A_18  : i32 {
      %mul3A_208 = arith.constant 16 : i32
      %mul3A_209 = arith.muli %scan3A_207, %mul3A_208 : i32
      %swap3A_210 = arith.index_cast %mul3A_209 : i32 to index
      %swap3A_211 = tpu.vector_load %arg9[%swap3A_210] {strides = array<i32>} : memref<4128xi32, #tpu.memory_space<vmem>>, vector<16xi32>,
      tpu.vector_store %arg9[%swap3A_210], %broadcast_in_dim3A_13 {strides = array<i32>} : memref<4128xi32, #tpu.memory_space<vmem>>, vector<16xi32>,
      %swap3A_212 = arith.index_cast %mul3A_209 : i32 to index
      %swap3A_213 = tpu.vector_load %arg10[%swap3A_212] {strides = array<i32>} : memref<4128xi32, #tpu.memory_space<vmem>>, vector<16xi32>,
      tpu.vector_store %arg10[%swap3A_212], %broadcast_in_dim3A_13 {strides = array<i32>} : memref<4128xi32, #tpu.memory_space<vmem>>, vector<16xi32>,
      %swap3A_214 = arith.index_cast %mul3A_209 : i32 to index
      %swap3A_215 = tpu.vector_load %arg11[%swap3A_214] {strides = array<i32>} : memref<4128xi32, #tpu.memory_space<vmem>>, vector<16xi32>,
      tpu.vector_store %arg11[%swap3A_214], %broadcast_in_dim3A_13 {strides = array<i32>} : memref<4128xi32, #tpu.memory_space<vmem>>, vector<16xi32>,
    }
    %scan3A_19 = arith.constant 258 : i32
    "tpu.region"() ({
      %run_scoped3A = tpu.sem_alloc : memref<!tpu.dma_semaphore, #tpu.memory_space<semaphore_mem>>
      %dma_start3A_207 = arith.constant 0 : i32
      %dma_start3A_208 = tpu.memref_slice %arg3[%dma_start3A_207] : memref<320000xi32, #tpu.memory_space<hbm>> -> memref<4000xi32, #tpu.memory_space<hbm>>
      %dma_start3A_209 = arith.constant 0 : i32
      %dma_start3A_210 = tpu.memref_slice %arg3[%dma_start3A_209] : memref<320000xi32, #tpu.memory_space<hbm>> -> memref<4000xi32, #tpu.memory_space<hbm>>
      tpu.enqueue_dma source(%dma_start3A_210 : memref<4000xi32, #tpu.memory_space<hbm>>) target(%arg7 : memref<4000xi32, #tpu.memory_space<vmem>>) target_semaphore(%run_scoped3A : memref<!tpu.dma_semaphore, #tpu.memory_space<semaphore_mem>>)
      %dma_wait3A_211 = arith.constant 0 : i32
      %dma_wait3A_212 = tpu.memref_slice %arg3[%dma_wait3A_211] : memref<320000xi32, #tpu.memory_space<hbm>> -> memref<4000xi32, #tpu.memory_space<hbm>>
      %dma_wait3A_213 = arith.constant 0 : i32
      %dma_wait3A_214 = tpu.memref_slice %arg3[%dma_wait3A_213] : memref<320000xi32, #tpu.memory_space<hbm>> -> memref<4000xi32, #tpu.memory_space<hbm>>
      tpu.wait_dma2 semaphore(%run_scoped3A : memref<!tpu.dma_semaphore, #tpu.memory_space<semaphore_mem>>) src(%dma_wait3A_214 : memref<4000xi32, #tpu.memory_space<hbm>>) dst(%arg7 : memref<4000xi32, #tpu.memory_space<vmem>>)
      tpu.yield
    }) : () -> ()
    "tpu.region"() ({
      %run_scoped3A = tpu.sem_alloc : memref<!tpu.dma_semaphore, #tpu.memory_space<semaphore_mem>>
      %dma_start3A_207 = arith.constant 0 : i32
      %dma_start3A_208 = tpu.memref_slice %arg2[%dma_start3A_207] : memref<320000xi32, #tpu.memory_space<hbm>> -> memref<4000xi32, #tpu.memory_space<hbm>>
      %dma_start3A_209 = arith.constant 0 : i32
      %dma_start3A_210 = tpu.memref_slice %arg2[%dma_start3A_209] : memref<320000xi32, #tpu.memory_space<hbm>> -> memref<4000xi32, #tpu.memory_space<hbm>>
      tpu.enqueue_dma source(%dma_start3A_210 : memref<4000xi32, #tpu.memory_space<hbm>>) target(%arg8 : memref<4000xi32, #tpu.memory_space<vmem>>) target_semaphore(%run_scoped3A : memref<!tpu.dma_semaphore, #tpu.memory_space<semaphore_mem>>)
      %dma_wait3A_211 = arith.constant 0 : i32
      %dma_wait3A_212 = tpu.memref_slice %arg2[%dma_wait3A_211] : memref<320000xi32, #tpu.memory_space<hbm>> -> memref<4000xi32, #tpu.memory_space<hbm>>
      %dma_wait3A_213 = arith.constant 0 : i32
      %dma_wait3A_214 = tpu.memref_slice %arg2[%dma_wait3A_213] : memref<320000xi32, #tpu.memory_space<hbm>> -> memref<4000xi32, #tpu.memory_space<hbm>>
      tpu.wait_dma2 semaphore(%run_scoped3A : memref<!tpu.dma_semaphore, #tpu.memory_space<semaphore_mem>>) src(%dma_wait3A_214 : memref<4000xi32, #tpu.memory_space<hbm>>) dst(%arg8 : memref<4000xi32, #tpu.memory_space<vmem>>)
      tpu.yield
    }) : () -> ()
    %scan3A_20 = arith.constant 0 : i32
    %scan3A_21 = arith.constant 0 : i32
    %scan3A_22 = arith.constant 250 : i32
    %scan3A_23 = arith.addi %scan3A_21, %scan3A_22 : i32
    %scan3A_24 = arith.constant 1 : i32
    %scan3A_25 = scf.for %scan3A_207 = %scan3A_21 to %scan3A_23 step %scan3A_24 iter_args(%scan3A_208 = %scan3A_20) -> (i32)  : i32 {
      %mul3A_209 = arith.constant 16 : i32
      %mul3A_210 = arith.muli %scan3A_207, %mul3A_209 : i32
      %get3A_211 = arith.index_cast %mul3A_210 : i32 to index
      %get3A_212 = tpu.vector_load %arg7[%get3A_211] {strides = array<i32>} : memref<4000xi32, #tpu.memory_space<vmem>>, vector<16xi32>,
      %get3A_213 = arith.index_cast %mul3A_210 : i32 to index
      %get3A_214 = tpu.vector_load %arg8[%get3A_213] {strides = array<i32>} : memref<4000xi32, #tpu.memory_space<vmem>>, vector<16xi32>,
      %ge3A = vector.broadcast %mul3A_2 : i32 to vector<16xi32>
      %ge3A_215 = arith.cmpi sge, %get3A_212, %ge3A : vector<16xi32>
      %lt3A_216 = vector.broadcast %select_n3A : i32 to vector<16xi32>
      %lt3A_217 = arith.cmpi slt, %get3A_212, %lt3A_216 : vector<16xi32>
      %and3A_218 = arith.andi %ge3A_215, %lt3A_217 : vector<16xi1>
      %mul3A_219 = arith.constant 16 : i32
      %mul3A_220 = arith.muli %scan3A_207, %mul3A_219 : i32
      %add3A_221 = arith.constant 0 : i32
      %add3A_222 = arith.addi %add3A_221, %mul3A_220 : i32
      %add3A_223 = vector.broadcast %add3A_222 : i32 to vector<16xi32>
      %add3A_224 = arith.addi %add3A_223, %iota3A : vector<16xi32>
      %convert_element_type3A_225 = arith.extui %and3A_218 : vector<16xi1> to vector<16xi32>
      %broadcast_in_dim3A_226 = arith.constant true
      %broadcast_in_dim3A_227 = vector.broadcast %broadcast_in_dim3A_226 : i1 to vector<16xi1>
      %masked_cumsum3A = tpu.scan <sum>, %convert_element_type3A_225 masked %broadcast_in_dim3A_227 : vector<16xi32>, vector<16xi1> -> vector<16xi32>
      %add3A_228 = vector.broadcast %scan3A_208 : i32 to vector<16xi32>
      %add3A_229 = arith.addi %add3A_228, %masked_cumsum3A : vector<16xi32>
      %sub3A_230 = arith.constant 1 : i32
      %sub3A_231 = vector.broadcast %sub3A_230 : i32 to vector<16xi32>
      %sub3A_232 = arith.subi %add3A_229, %sub3A_231 : vector<16xi32>
      tpu.vector_store_idx %arg9[%sub3A_232], %add3A_224 masked %and3A_218 : memref<4128xi32, #tpu.memory_space<vmem>>[vector<16xi32>], vector<16xi32>, vector<16xi1>
      tpu.vector_store_idx %arg10[%sub3A_232], %get3A_214 masked %and3A_218 : memref<4128xi32, #tpu.memory_space<vmem>>[vector<16xi32>], vector<16xi32>, vector<16xi1>
      tpu.vector_store_idx %arg11[%sub3A_232], %get3A_212 masked %and3A_218 : memref<4128xi32, #tpu.memory_space<vmem>>[vector<16xi32>], vector<16xi32>, vector<16xi1>
      %slice3A = vector.extract_strided_slice %masked_cumsum3A {offsets = [15], sizes = [1], strides = [1]} : vector<16xi32> to vector<1xi32>
      %squeeze3A = vector.extract %slice3A[0] : i32 from vector<1xi32>
      %add3A_233 = arith.addi %scan3A_208, %squeeze3A : i32
      scf.yield %add3A_233 : i32
    }
    %scan3A_26 = arith.constant 250 : i32
    %get3A = arith.constant 0 : index
    %get3A_27 = tpu.vector_load %arg10[%get3A] {strides = array<i32>} : memref<4128xi32, #tpu.memory_space<vmem>>, vector<16xi32>,
    %swap3A = arith.constant 0 : index
    %swap3A_28 = tpu.vector_load %arg12[%swap3A] {strides = array<i32>} : memref<128xi32, #tpu.memory_space<vmem>>, vector<16xi32>,
    tpu.vector_store %arg12[%swap3A], %get3A_27 {strides = array<i32>} : memref<128xi32, #tpu.memory_space<vmem>>, vector<16xi32>,
    %get3A_29 = arith.constant 0 : index
    %get3A_30 = tpu.vector_load %arg11[%get3A_29] {strides = array<i32>} : memref<4128xi32, #tpu.memory_space<vmem>>, vector<16xi32>,
    %swap3A_31 = arith.constant 0 : index
    %swap3A_32 = tpu.vector_load %arg13[%swap3A_31] {strides = array<i32>} : memref<128xi32, #tpu.memory_space<vmem>>, vector<16xi32>,
    tpu.vector_store %arg13[%swap3A_31], %get3A_30 {strides = array<i32>} : memref<128xi32, #tpu.memory_space<vmem>>, vector<16xi32>,
    %get3A_33 = arith.constant 0 : index
    %get3A_34 = tpu.vector_load %arg9[%get3A_33] {strides = array<i32>} : memref<4128xi32, #tpu.memory_space<vmem>>, vector<16xi32>,
    %swap3A_35 = arith.constant 0 : index
    %swap3A_36 = tpu.vector_load %arg14[%swap3A_35] {strides = array<i32>} : memref<128xi32, #tpu.memory_space<vmem>>, vector<16xi32>,
    tpu.vector_store %arg14[%swap3A_35], %get3A_34 {strides = array<i32>} : memref<128xi32, #tpu.memory_space<vmem>>, vector<16xi32>,
    %get3A_37 = arith.constant 16 : index
    %get3A_38 = tpu.vector_load %arg10[%get3A_37] {strides = array<i32>} : memref<4128xi32, #tpu.memory_space<vmem>>, vector<16xi32>,
    %swap3A_39 = arith.constant 16 : index
    %swap3A_40 = tpu.vector_load %arg12[%swap3A_39] {strides = array<i32>} : memref<128xi32, #tpu.memory_space<vmem>>, vector<16xi32>,
    tpu.vector_store %arg12[%swap3A_39], %get3A_38 {strides = array<i32>} : memref<128xi32, #tpu.memory_space<vmem>>, vector<16xi32>,
    %get3A_41 = arith.constant 16 : index
    %get3A_42 = tpu.vector_load %arg11[%get3A_41] {strides = array<i32>} : memref<4128xi32, #tpu.memory_space<vmem>>, vector<16xi32>,
    %swap3A_43 = arith.constant 16 : index
    %swap3A_44 = tpu.vector_load %arg13[%swap3A_43] {strides = array<i32>} : memref<128xi32, #tpu.memory_space<vmem>>, vector<16xi32>,
    tpu.vector_store %arg13[%swap3A_43], %get3A_42 {strides = array<i32>} : memref<128xi32, #tpu.memory_space<vmem>>, vector<16xi32>,
    %get3A_45 = arith.constant 16 : index
    %get3A_46 = tpu.vector_load %arg9[%get3A_45] {strides = array<i32>} : memref<4128xi32, #tpu.memory_space<vmem>>, vector<16xi32>,
    %swap3A_47 = arith.constant 16 : index
    %swap3A_48 = tpu.vector_load %arg14[%swap3A_47] {strides = array<i32>} : memref<128xi32, #tpu.memory_space<vmem>>, vector<16xi32>,
    tpu.vector_store %arg14[%swap3A_47], %get3A_46 {strides = array<i32>} : memref<128xi32, #tpu.memory_space<vmem>>, vector<16xi32>,
    %get3A_49 = arith.constant 32 : index
    %get3A_50 = tpu.vector_load %arg10[%get3A_49] {strides = array<i32>} : memref<4128xi32, #tpu.memory_space<vmem>>, vector<16xi32>,
    %swap3A_51 = arith.constant 32 : index
    %swap3A_52 = tpu.vector_load %arg12[%swap3A_51] {strides = array<i32>} : memref<128xi32, #tpu.memory_space<vmem>>, vector<16xi32>,
    tpu.vector_store %arg12[%swap3A_51], %get3A_50 {strides = array<i32>} : memref<128xi32, #tpu.memory_space<vmem>>, vector<16xi32>,
    %get3A_53 = arith.constant 32 : index
    %get3A_54 = tpu.vector_load %arg11[%get3A_53] {strides = array<i32>} : memref<4128xi32, #tpu.memory_space<vmem>>, vector<16xi32>,
    %swap3A_55 = arith.constant 32 : index
    %swap3A_56 = tpu.vector_load %arg13[%swap3A_55] {strides = array<i32>} : memref<128xi32, #tpu.memory_space<vmem>>, vector<16xi32>,
    tpu.vector_store %arg13[%swap3A_55], %get3A_54 {strides = array<i32>} : memref<128xi32, #tpu.memory_space<vmem>>, vector<16xi32>,
    %get3A_57 = arith.constant 32 : index
    %get3A_58 = tpu.vector_load %arg9[%get3A_57] {strides = array<i32>} : memref<4128xi32, #tpu.memory_space<vmem>>, vector<16xi32>,
    %swap3A_59 = arith.constant 32 : index
    %swap3A_60 = tpu.vector_load %arg14[%swap3A_59] {strides = array<i32>} : memref<128xi32, #tpu.memory_space<vmem>>, vector<16xi32>,
    tpu.vector_store %arg14[%swap3A_59], %get3A_58 {strides = array<i32>} : memref<128xi32, #tpu.memory_space<vmem>>, vector<16xi32>,
    %get3A_61 = arith.constant 48 : index
    %get3A_62 = tpu.vector_load %arg10[%get3A_61] {strides = array<i32>} : memref<4128xi32, #tpu.memory_space<vmem>>, vector<16xi32>,
    %swap3A_63 = arith.constant 48 : index
    %swap3A_64 = tpu.vector_load %arg12[%swap3A_63] {strides = array<i32>} : memref<128xi32, #tpu.memory_space<vmem>>, vector<16xi32>,
    tpu.vector_store %arg12[%swap3A_63], %get3A_62 {strides = array<i32>} : memref<128xi32, #tpu.memory_space<vmem>>, vector<16xi32>,
    %get3A_65 = arith.constant 48 : index
    %get3A_66 = tpu.vector_load %arg11[%get3A_65] {strides = array<i32>} : memref<4128xi32, #tpu.memory_space<vmem>>, vector<16xi32>,
    %swap3A_67 = arith.constant 48 : index
    %swap3A_68 = tpu.vector_load %arg13[%swap3A_67] {strides = array<i32>} : memref<128xi32, #tpu.memory_space<vmem>>, vector<16xi32>,
    tpu.vector_store %arg13[%swap3A_67], %get3A_66 {strides = array<i32>} : memref<128xi32, #tpu.memory_space<vmem>>, vector<16xi32>,
    %get3A_69 = arith.constant 48 : index
    %get3A_70 = tpu.vector_load %arg9[%get3A_69] {strides = array<i32>} : memref<4128xi32, #tpu.memory_space<vmem>>, vector<16xi32>,
    %swap3A_71 = arith.constant 48 : index
    %swap3A_72 = tpu.vector_load %arg14[%swap3A_71] {strides = array<i32>} : memref<128xi32, #tpu.memory_space<vmem>>, vector<16xi32>,
    tpu.vector_store %arg14[%swap3A_71], %get3A_70 {strides = array<i32>} : memref<128xi32, #tpu.memory_space<vmem>>, vector<16xi32>,
    %get3A_73 = arith.constant 64 : index
    %get3A_74 = tpu.vector_load %arg10[%get3A_73] {strides = array<i32>} : memref<4128xi32, #tpu.memory_space<vmem>>, vector<16xi32>,
    %swap3A_75 = arith.constant 64 : index
    %swap3A_76 = tpu.vector_load %arg12[%swap3A_75] {strides = array<i32>} : memref<128xi32, #tpu.memory_space<vmem>>, vector<16xi32>,
    tpu.vector_store %arg12[%swap3A_75], %get3A_74 {strides = array<i32>} : memref<128xi32, #tpu.memory_space<vmem>>, vector<16xi32>,
    %get3A_77 = arith.constant 64 : index
    %get3A_78 = tpu.vector_load %arg11[%get3A_77] {strides = array<i32>} : memref<4128xi32, #tpu.memory_space<vmem>>, vector<16xi32>,
    %swap3A_79 = arith.constant 64 : index
    %swap3A_80 = tpu.vector_load %arg13[%swap3A_79] {strides = array<i32>} : memref<128xi32, #tpu.memory_space<vmem>>, vector<16xi32>,
    tpu.vector_store %arg13[%swap3A_79], %get3A_78 {strides = array<i32>} : memref<128xi32, #tpu.memory_space<vmem>>, vector<16xi32>,
    %get3A_81 = arith.constant 64 : index
    %get3A_82 = tpu.vector_load %arg9[%get3A_81] {strides = array<i32>} : memref<4128xi32, #tpu.memory_space<vmem>>, vector<16xi32>,
    %swap3A_83 = arith.constant 64 : index
    %swap3A_84 = tpu.vector_load %arg14[%swap3A_83] {strides = array<i32>} : memref<128xi32, #tpu.memory_space<vmem>>, vector<16xi32>,
    tpu.vector_store %arg14[%swap3A_83], %get3A_82 {strides = array<i32>} : memref<128xi32, #tpu.memory_space<vmem>>, vector<16xi32>,
    %get3A_85 = arith.constant 80 : index
    %get3A_86 = tpu.vector_load %arg10[%get3A_85] {strides = array<i32>} : memref<4128xi32, #tpu.memory_space<vmem>>, vector<16xi32>,
    %swap3A_87 = arith.constant 80 : index
    %swap3A_88 = tpu.vector_load %arg12[%swap3A_87] {strides = array<i32>} : memref<128xi32, #tpu.memory_space<vmem>>, vector<16xi32>,
    tpu.vector_store %arg12[%swap3A_87], %get3A_86 {strides = array<i32>} : memref<128xi32, #tpu.memory_space<vmem>>, vector<16xi32>,
    %get3A_89 = arith.constant 80 : index
    %get3A_90 = tpu.vector_load %arg11[%get3A_89] {strides = array<i32>} : memref<4128xi32, #tpu.memory_space<vmem>>, vector<16xi32>,
    %swap3A_91 = arith.constant 80 : index
    %swap3A_92 = tpu.vector_load %arg13[%swap3A_91] {strides = array<i32>} : memref<128xi32, #tpu.memory_space<vmem>>, vector<16xi32>,
    tpu.vector_store %arg13[%swap3A_91], %get3A_90 {strides = array<i32>} : memref<128xi32, #tpu.memory_space<vmem>>, vector<16xi32>,
    %get3A_93 = arith.constant 80 : index
    %get3A_94 = tpu.vector_load %arg9[%get3A_93] {strides = array<i32>} : memref<4128xi32, #tpu.memory_space<vmem>>, vector<16xi32>,
    %swap3A_95 = arith.constant 80 : index
    %swap3A_96 = tpu.vector_load %arg14[%swap3A_95] {strides = array<i32>} : memref<128xi32, #tpu.memory_space<vmem>>, vector<16xi32>,
    tpu.vector_store %arg14[%swap3A_95], %get3A_94 {strides = array<i32>} : memref<128xi32, #tpu.memory_space<vmem>>, vector<16xi32>,
    %get3A_97 = arith.constant 96 : index
    %get3A_98 = tpu.vector_load %arg10[%get3A_97] {strides = array<i32>} : memref<4128xi32, #tpu.memory_space<vmem>>, vector<16xi32>,
    %swap3A_99 = arith.constant 96 : index
    %swap3A_100 = tpu.vector_load %arg12[%swap3A_99] {strides = array<i32>} : memref<128xi32, #tpu.memory_space<vmem>>, vector<16xi32>,
    tpu.vector_store %arg12[%swap3A_99], %get3A_98 {strides = array<i32>} : memref<128xi32, #tpu.memory_space<vmem>>, vector<16xi32>,
    %get3A_101 = arith.constant 96 : index
    %get3A_102 = tpu.vector_load %arg11[%get3A_101] {strides = array<i32>} : memref<4128xi32, #tpu.memory_space<vmem>>, vector<16xi32>,
    %swap3A_103 = arith.constant 96 : index
    %swap3A_104 = tpu.vector_load %arg13[%swap3A_103] {strides = array<i32>} : memref<128xi32, #tpu.memory_space<vmem>>, vector<16xi32>,
    tpu.vector_store %arg13[%swap3A_103], %get3A_102 {strides = array<i32>} : memref<128xi32, #tpu.memory_space<vmem>>, vector<16xi32>,
    %get3A_105 = arith.constant 96 : index
    %get3A_106 = tpu.vector_load %arg9[%get3A_105] {strides = array<i32>} : memref<4128xi32, #tpu.memory_space<vmem>>, vector<16xi32>,
    %swap3A_107 = arith.constant 96 : index
    %swap3A_108 = tpu.vector_load %arg14[%swap3A_107] {strides = array<i32>} : memref<128xi32, #tpu.memory_space<vmem>>, vector<16xi32>,
    tpu.vector_store %arg14[%swap3A_107], %get3A_106 {strides = array<i32>} : memref<128xi32, #tpu.memory_space<vmem>>, vector<16xi32>,
    %get3A_109 = arith.constant 112 : index
    %get3A_110 = tpu.vector_load %arg10[%get3A_109] {strides = array<i32>} : memref<4128xi32, #tpu.memory_space<vmem>>, vector<16xi32>,
    %swap3A_111 = arith.constant 112 : index
    %swap3A_112 = tpu.vector_load %arg12[%swap3A_111] {strides = array<i32>} : memref<128xi32, #tpu.memory_space<vmem>>, vector<16xi32>,
    tpu.vector_store %arg12[%swap3A_111], %get3A_110 {strides = array<i32>} : memref<128xi32, #tpu.memory_space<vmem>>, vector<16xi32>,
    %get3A_113 = arith.constant 112 : index
    %get3A_114 = tpu.vector_load %arg11[%get3A_113] {strides = array<i32>} : memref<4128xi32, #tpu.memory_space<vmem>>, vector<16xi32>,
    %swap3A_115 = arith.constant 112 : index
    %swap3A_116 = tpu.vector_load %arg13[%swap3A_115] {strides = array<i32>} : memref<128xi32, #tpu.memory_space<vmem>>, vector<16xi32>,
    tpu.vector_store %arg13[%swap3A_115], %get3A_114 {strides = array<i32>} : memref<128xi32, #tpu.memory_space<vmem>>, vector<16xi32>,
    %get3A_117 = arith.constant 112 : index
    %get3A_118 = tpu.vector_load %arg9[%get3A_117] {strides = array<i32>} : memref<4128xi32, #tpu.memory_space<vmem>>, vector<16xi32>,
    %swap3A_119 = arith.constant 112 : index
    %swap3A_120 = tpu.vector_load %arg14[%swap3A_119] {strides = array<i32>} : memref<128xi32, #tpu.memory_space<vmem>>, vector<16xi32>,
    tpu.vector_store %arg14[%swap3A_119], %get3A_118 {strides = array<i32>} : memref<128xi32, #tpu.memory_space<vmem>>, vector<16xi32>,
    %dma_start3A = arith.constant 0 : i32
    %dma_start3A_121 = arith.constant 0 : i32
    %dma_start3A_122 = tpu.memref_slice %arg4[%dma_start3A, %dma_start3A_121] : memref<10000x128xf32, #tpu.memory_space<hbm>> -> memref<10000x128xf32, #tpu.memory_space<hbm>>
    tpu.enqueue_indirect_dma source(%dma_start3A_122 : memref<10000x128xf32, #tpu.memory_space<hbm>>) target(%arg15 : memref<128x128xf32, #tpu.memory_space<vmem>>) offsets(%arg12 : memref<128xi32, #tpu.memory_space<vmem>>) semaphore(%arg19 : memref<!tpu.dma_semaphore, #tpu.memory_space<semaphore_mem>>)
    %dma_start3A_123 = arith.constant 0 : i32
    %dma_start3A_124 = arith.constant 0 : i32
    %dma_start3A_125 = tpu.memref_slice %arg5[%dma_start3A_123, %dma_start3A_124] : memref<320000x128xf32, #tpu.memory_space<hbm>> -> memref<320000x128xf32, #tpu.memory_space<hbm>>
    tpu.enqueue_indirect_dma source(%dma_start3A_125 : memref<320000x128xf32, #tpu.memory_space<hbm>>) target(%arg16 : memref<128x128xf32, #tpu.memory_space<vmem>>) offsets(%arg14 : memref<128xi32, #tpu.memory_space<vmem>>) semaphore(%arg19 : memref<!tpu.dma_semaphore, #tpu.memory_space<semaphore_mem>>)
    %min3A = arith.constant 4000 : i32
    %min3A_126 = arith.constant 316000 : i32
    %min3A_127 = arith.minsi %min3A, %min3A_126 : i32
    %dma_start3A_128 = tpu.memref_slice %arg3[%min3A_127] : memref<320000xi32, #tpu.memory_space<hbm>> -> memref<4000xi32, #tpu.memory_space<hbm>>
    %dma_start3A_129 = tpu.memref_slice %arg3[%min3A_127] : memref<320000xi32, #tpu.memory_space<hbm>> -> memref<4000xi32, #tpu.memory_space<hbm>>
    tpu.enqueue_dma source(%dma_start3A_129 : memref<4000xi32, #tpu.memory_space<hbm>>) target(%arg7 : memref<4000xi32, #tpu.memory_space<vmem>>) target_semaphore(%arg18 : memref<!tpu.dma_semaphore, #tpu.memory_space<semaphore_mem>>)
    %dma_start3A_130 = tpu.memref_slice %arg2[%min3A_127] : memref<320000xi32, #tpu.memory_space<hbm>> -> memref<4000xi32, #tpu.memory_space<hbm>>
    %dma_start3A_131 = tpu.memref_slice %arg2[%min3A_127] : memref<320000xi32, #tpu.memory_space<hbm>> -> memref<4000xi32, #tpu.memory_space<hbm>>
    tpu.enqueue_dma source(%dma_start3A_131 : memref<4000xi32, #tpu.memory_space<hbm>>) target(%arg8 : memref<4000xi32, #tpu.memory_space<vmem>>) target_semaphore(%arg18 : memref<!tpu.dma_semaphore, #tpu.memory_space<semaphore_mem>>)
    %scan3A_132 = arith.constant 1 : i32
    %scan3A_133 = arith.constant 79 : i32
    %scan3A_134 = arith.addi %scan3A_132, %scan3A_133 : i32
    %scan3A_135 = arith.constant 1 : i32
    %scan3A_136 = scf.for %scan3A_207 = %scan3A_132 to %scan3A_134 step %scan3A_135 iter_args(%scan3A_208 = %scan3A_25) -> (i32)  : i32 {
      %gt3A = arith.constant 128 : i32
      %gt3A_209 = arith.cmpi sgt, %scan3A_208, %gt3A : i32
      %convert_element_type3A_210 = arith.extui %gt3A_209 : i1 to i32
      %cond3A_211 = arith.constant 0 : i32
      %cond3A_212 = arith.cmpi ne, %convert_element_type3A_210, %cond3A_211 : i32
      scf.if %cond3A_212 {
        %dma_wait3A_346 = arith.constant 0 : i32
        %dma_wait3A_347 = arith.constant 0 : i32
        %dma_wait3A_348 = tpu.memref_slice %arg4[%dma_wait3A_346, %dma_wait3A_347] : memref<10000x128xf32, #tpu.memory_space<hbm>> -> memref<128x128xf32, #tpu.memory_space<hbm>>
        %dma_wait3A_349 = arith.constant 0 : i32
        %dma_wait3A_350 = arith.constant 0 : i32
        %dma_wait3A_351 = tpu.memref_slice %arg4[%dma_wait3A_349, %dma_wait3A_350] : memref<10000x128xf32, #tpu.memory_space<hbm>> -> memref<128x128xf32, #tpu.memory_space<hbm>>
        tpu.wait_dma2 semaphore(%arg19 : memref<!tpu.dma_semaphore, #tpu.memory_space<semaphore_mem>>) src(%dma_wait3A_351 : memref<128x128xf32, #tpu.memory_space<hbm>>) dst(%arg15 : memref<128x128xf32, #tpu.memory_space<vmem>>)
        %dma_wait3A_352 = arith.constant 0 : i32
        %dma_wait3A_353 = arith.constant 0 : i32
        %dma_wait3A_354 = tpu.memref_slice %arg4[%dma_wait3A_352, %dma_wait3A_353] : memref<10000x128xf32, #tpu.memory_space<hbm>> -> memref<128x128xf32, #tpu.memory_space<hbm>>
        %dma_wait3A_355 = arith.constant 0 : i32
        %dma_wait3A_356 = arith.constant 0 : i32
        %dma_wait3A_357 = tpu.memref_slice %arg4[%dma_wait3A_355, %dma_wait3A_356] : memref<10000x128xf32, #tpu.memory_space<hbm>> -> memref<128x128xf32, #tpu.memory_space<hbm>>
        tpu.wait_dma2 semaphore(%arg19 : memref<!tpu.dma_semaphore, #tpu.memory_space<semaphore_mem>>) src(%dma_wait3A_357 : memref<128x128xf32, #tpu.memory_space<hbm>>) dst(%arg16 : memref<128x128xf32, #tpu.memory_space<vmem>>)
        %scan3A_358 = arith.constant 0 : i32
        %scan3A_359 = arith.constant 0 : i32
        %scan3A_360 = arith.constant 128 : i32
        %scan3A_361 = arith.addi %scan3A_359, %scan3A_360 : i32
        %scan3A_362 = arith.constant 1 : i32
        scf.for %scan3A_402 = %scan3A_359 to %scan3A_361 step %scan3A_362  : i32 {
          %jit3A_403 = arith.constant 16 : i32
          %div3A_404 = arith.divsi %scan3A_402, %jit3A_403 : i32
          %sign3A_405 = arith.constant 0 : i32
          %sign3A_406 = arith.cmpi sgt, %scan3A_402, %sign3A_405 : i32
          %sign3A_407 = arith.extui %sign3A_406 : i1 to i32
          %sign3A_408 = arith.constant 0 : i32
          %sign3A_409 = arith.cmpi slt, %scan3A_402, %sign3A_408 : i32
          %sign3A_410 = arith.extui %sign3A_409 : i1 to i32
          %sign3A_411 = arith.subi %sign3A_407, %sign3A_410 : i32
          %sign3A_412 = arith.constant 0 : i32
          %sign3A_413 = arith.cmpi sgt, %jit3A_403, %sign3A_412 : i32
          %sign3A_414 = arith.extui %sign3A_413 : i1 to i32
          %sign3A_415 = arith.constant 0 : i32
          %sign3A_416 = arith.cmpi slt, %jit3A_403, %sign3A_415 : i32
          %sign3A_417 = arith.extui %sign3A_416 : i1 to i32
          %sign3A_418 = arith.subi %sign3A_414, %sign3A_417 : i32
          %ne3A_419 = arith.cmpi ne, %sign3A_411, %sign3A_418 : i32
          %rem3A_420 = arith.remsi %scan3A_402, %jit3A_403 : i32
          %ne3A_421 = arith.constant 0 : i32
          %ne3A_422 = arith.cmpi ne, %rem3A_420, %ne3A_421 : i32
          %and3A_423 = arith.andi %ne3A_419, %ne3A_422 : i1
          %sub3A_424 = arith.constant 1 : i32
          %sub3A_425 = arith.subi %div3A_404, %sub3A_424 : i32
          %select_n3A_426 = arith.select %and3A_423, %sub3A_425, %div3A_404 : i32
          %mul3A_427 = arith.constant 16 : i32
          %mul3A_428 = arith.muli %select_n3A_426, %mul3A_427 : i32
          %get3A_429 = arith.index_cast %mul3A_428 : i32 to index
          %get3A_430 = tpu.vector_load %arg13[%get3A_429] {strides = array<i32>} : memref<128xi32, #tpu.memory_space<vmem>>, vector<16xi32>,
          %sub3A_431 = arith.subi %scan3A_402, %mul3A_428 : i32
          %eq3A_432 = vector.broadcast %sub3A_431 : i32 to vector<16xi32>
          %eq3A_433 = arith.cmpi eq, %iota3A, %eq3A_432 : vector<16xi32>
          %jit3A_434 = arith.constant 0 : i32
          %broadcast_in_dim3A_435 = vector.broadcast %jit3A_434 : i32 to vector<16xi32>
          %select_n3A_436 = arith.select %eq3A_433, %get3A_430, %broadcast_in_dim3A_435 : vector<16xi1>, vector<16xi32>
          %reduce_sum3A = arith.constant true
          %reduce_sum3A_437 = vector.broadcast %reduce_sum3A : i1 to vector<16xi1>
          %reduce_sum3A_438 = tpu.scan <sum>, %select_n3A_436 masked %reduce_sum3A_437 : vector<16xi32>, vector<16xi1> -> vector<16xi32>
          %reduce_sum3A_439 = vector.extract %reduce_sum3A_438[15] : i32 from vector<16xi32>
          %sub3A_440 = arith.subi %reduce_sum3A_439, %mul3A_2 : i32
          %get3A_441 = arith.index_cast %scan3A_402 : i32 to index
          %get3A_442 = arith.constant 0 : index
          %get3A_443 = tpu.vector_load %arg15[%get3A_441, %get3A_442] {strides = array<i32>} : memref<128x128xf32, #tpu.memory_space<vmem>>, vector<16xf32>,
          %get3A_444 = arith.index_cast %scan3A_402 : i32 to index
          %get3A_445 = arith.constant 0 : index
          %get3A_446 = tpu.vector_load %arg16[%get3A_444, %get3A_445] {strides = array<i32>} : memref<128x128xf32, #tpu.memory_space<vmem>>, vector<16xf32>,
          %add3A_447 = arith.addf %get3A_443, %get3A_446 : vector<16xf32>
          %get3A_448 = arith.index_cast %sub3A_440 : i32 to index
          %get3A_449 = arith.constant 0 : index
          %get3A_450 = tpu.vector_load %arg17[%get3A_448, %get3A_449] {strides = array<i32>} : memref<328x128xf32, #tpu.memory_space<vmem>>, vector<16xf32>,
          %max3A = arith.maximumf %get3A_450, %add3A_447 : vector<16xf32>
          %swap3A_451 = arith.index_cast %sub3A_440 : i32 to index
          %swap3A_452 = arith.constant 0 : index
          %swap3A_453 = tpu.vector_load %arg17[%swap3A_451, %swap3A_452] {strides = array<i32>} : memref<328x128xf32, #tpu.memory_space<vmem>>, vector<16xf32>,
          tpu.vector_store %arg17[%swap3A_451, %swap3A_452], %max3A {strides = array<i32>} : memref<328x128xf32, #tpu.memory_space<vmem>>, vector<16xf32>,
          %get3A_454 = arith.index_cast %scan3A_402 : i32 to index
          %get3A_455 = arith.constant 16 : index
          %get3A_456 = tpu.vector_load %arg15[%get3A_454, %get3A_455] {strides = array<i32>} : memref<128x128xf32, #tpu.memory_space<vmem>>, vector<16xf32>,
          %get3A_457 = arith.index_cast %scan3A_402 : i32 to index
          %get3A_458 = arith.constant 16 : index
          %get3A_459 = tpu.vector_load %arg16[%get3A_457, %get3A_458] {strides = array<i32>} : memref<128x128xf32, #tpu.memory_space<vmem>>, vector<16xf32>,
          %add3A_460 = arith.addf %get3A_456, %get3A_459 : vector<16xf32>
          %get3A_461 = arith.index_cast %sub3A_440 : i32 to index
          %get3A_462 = arith.constant 16 : index
          %get3A_463 = tpu.vector_load %arg17[%get3A_461, %get3A_462] {strides = array<i32>} : memref<328x128xf32, #tpu.memory_space<vmem>>, vector<16xf32>,
          %max3A_464 = arith.maximumf %get3A_463, %add3A_460 : vector<16xf32>
          %swap3A_465 = arith.index_cast %sub3A_440 : i32 to index
          %swap3A_466 = arith.constant 16 : index
          %swap3A_467 = tpu.vector_load %arg17[%swap3A_465, %swap3A_466] {strides = array<i32>} : memref<328x128xf32, #tpu.memory_space<vmem>>, vector<16xf32>,
          tpu.vector_store %arg17[%swap3A_465, %swap3A_466], %max3A_464 {strides = array<i32>} : memref<328x128xf32, #tpu.memory_space<vmem>>, vector<16xf32>,
          %get3A_468 = arith.index_cast %scan3A_402 : i32 to index
          %get3A_469 = arith.constant 32 : index
          %get3A_470 = tpu.vector_load %arg15[%get3A_468, %get3A_469] {strides = array<i32>} : memref<128x128xf32, #tpu.memory_space<vmem>>, vector<16xf32>,
          %get3A_471 = arith.index_cast %scan3A_402 : i32 to index
          %get3A_472 = arith.constant 32 : index
          %get3A_473 = tpu.vector_load %arg16[%get3A_471, %get3A_472] {strides = array<i32>} : memref<128x128xf32, #tpu.memory_space<vmem>>, vector<16xf32>,
          %add3A_474 = arith.addf %get3A_470, %get3A_473 : vector<16xf32>
          %get3A_475 = arith.index_cast %sub3A_440 : i32 to index
          %get3A_476 = arith.constant 32 : index
          %get3A_477 = tpu.vector_load %arg17[%get3A_475, %get3A_476] {strides = array<i32>} : memref<328x128xf32, #tpu.memory_space<vmem>>, vector<16xf32>,
          %max3A_478 = arith.maximumf %get3A_477, %add3A_474 : vector<16xf32>
          %swap3A_479 = arith.index_cast %sub3A_440 : i32 to index
          %swap3A_480 = arith.constant 32 : index
          %swap3A_481 = tpu.vector_load %arg17[%swap3A_479, %swap3A_480] {strides = array<i32>} : memref<328x128xf32, #tpu.memory_space<vmem>>, vector<16xf32>,
          tpu.vector_store %arg17[%swap3A_479, %swap3A_480], %max3A_478 {strides = array<i32>} : memref<328x128xf32, #tpu.memory_space<vmem>>, vector<16xf32>,
          %get3A_482 = arith.index_cast %scan3A_402 : i32 to index
          %get3A_483 = arith.constant 48 : index
          %get3A_484 = tpu.vector_load %arg15[%get3A_482, %get3A_483] {strides = array<i32>} : memref<128x128xf32, #tpu.memory_space<vmem>>, vector<16xf32>,
          %get3A_485 = arith.index_cast %scan3A_402 : i32 to index
          %get3A_486 = arith.constant 48 : index
          %get3A_487 = tpu.vector_load %arg16[%get3A_485, %get3A_486] {strides = array<i32>} : memref<128x128xf32, #tpu.memory_space<vmem>>, vector<16xf32>,
          %add3A_488 = arith.addf %get3A_484, %get3A_487 : vector<16xf32>
          %get3A_489 = arith.index_cast %sub3A_440 : i32 to index
          %get3A_490 = arith.constant 48 : index
          %get3A_491 = tpu.vector_load %arg17[%get3A_489, %get3A_490] {strides = array<i32>} : memref<328x128xf32, #tpu.memory_space<vmem>>, vector<16xf32>,
          %max3A_492 = arith.maximumf %get3A_491, %add3A_488 : vector<16xf32>
          %swap3A_493 = arith.index_cast %sub3A_440 : i32 to index
          %swap3A_494 = arith.constant 48 : index
          %swap3A_495 = tpu.vector_load %arg17[%swap3A_493, %swap3A_494] {strides = array<i32>} : memref<328x128xf32, #tpu.memory_space<vmem>>, vector<16xf32>,
          tpu.vector_store %arg17[%swap3A_493, %swap3A_494], %max3A_492 {strides = array<i32>} : memref<328x128xf32, #tpu.memory_space<vmem>>, vector<16xf32>,
          %get3A_496 = arith.index_cast %scan3A_402 : i32 to index
          %get3A_497 = arith.constant 64 : index
          %get3A_498 = tpu.vector_load %arg15[%get3A_496, %get3A_497] {strides = array<i32>} : memref<128x128xf32, #tpu.memory_space<vmem>>, vector<16xf32>,
          %get3A_499 = arith.index_cast %scan3A_402 : i32 to index
          %get3A_500 = arith.constant 64 : index
          %get3A_501 = tpu.vector_load %arg16[%get3A_499, %get3A_500] {strides = array<i32>} : memref<128x128xf32, #tpu.memory_space<vmem>>, vector<16xf32>,
          %add3A_502 = arith.addf %get3A_498, %get3A_501 : vector<16xf32>
          %get3A_503 = arith.index_cast %sub3A_440 : i32 to index
          %get3A_504 = arith.constant 64 : index
          %get3A_505 = tpu.vector_load %arg17[%get3A_503, %get3A_504] {strides = array<i32>} : memref<328x128xf32, #tpu.memory_space<vmem>>, vector<16xf32>,
          %max3A_506 = arith.maximumf %get3A_505, %add3A_502 : vector<16xf32>
          %swap3A_507 = arith.index_cast %sub3A_440 : i32 to index
          %swap3A_508 = arith.constant 64 : index
          %swap3A_509 = tpu.vector_load %arg17[%swap3A_507, %swap3A_508] {strides = array<i32>} : memref<328x128xf32, #tpu.memory_space<vmem>>, vector<16xf32>,
          tpu.vector_store %arg17[%swap3A_507, %swap3A_508], %max3A_506 {strides = array<i32>} : memref<328x128xf32, #tpu.memory_space<vmem>>, vector<16xf32>,
          %get3A_510 = arith.index_cast %scan3A_402 : i32 to index
          %get3A_511 = arith.constant 80 : index
          %get3A_512 = tpu.vector_load %arg15[%get3A_510, %get3A_511] {strides = array<i32>} : memref<128x128xf32, #tpu.memory_space<vmem>>, vector<16xf32>,
          %get3A_513 = arith.index_cast %scan3A_402 : i32 to index
          %get3A_514 = arith.constant 80 : index
          %get3A_515 = tpu.vector_load %arg16[%get3A_513, %get3A_514] {strides = array<i32>} : memref<128x128xf32, #tpu.memory_space<vmem>>, vector<16xf32>,
          %add3A_516 = arith.addf %get3A_512, %get3A_515 : vector<16xf32>
          %get3A_517 = arith.index_cast %sub3A_440 : i32 to index
          %get3A_518 = arith.constant 80 : index
          %get3A_519 = tpu.vector_load %arg17[%get3A_517, %get3A_518] {strides = array<i32>} : memref<328x128xf32, #tpu.memory_space<vmem>>, vector<16xf32>,
          %max3A_520 = arith.maximumf %get3A_519, %add3A_516 : vector<16xf32>
          %swap3A_521 = arith.index_cast %sub3A_440 : i32 to index
          %swap3A_522 = arith.constant 80 : index
          %swap3A_523 = tpu.vector_load %arg17[%swap3A_521, %swap3A_522] {strides = array<i32>} : memref<328x128xf32, #tpu.memory_space<vmem>>, vector<16xf32>,
          tpu.vector_store %arg17[%swap3A_521, %swap3A_522], %max3A_520 {strides = array<i32>} : memref<328x128xf32, #tpu.memory_space<vmem>>, vector<16xf32>,
          %get3A_524 = arith.index_cast %scan3A_402 : i32 to index
          %get3A_525 = arith.constant 96 : index
          %get3A_526 = tpu.vector_load %arg15[%get3A_524, %get3A_525] {strides = array<i32>} : memref<128x128xf32, #tpu.memory_space<vmem>>, vector<16xf32>,
          %get3A_527 = arith.index_cast %scan3A_402 : i32 to index
          %get3A_528 = arith.constant 96 : index
          %get3A_529 = tpu.vector_load %arg16[%get3A_527, %get3A_528] {strides = array<i32>} : memref<128x128xf32, #tpu.memory_space<vmem>>, vector<16xf32>,
          %add3A_530 = arith.addf %get3A_526, %get3A_529 : vector<16xf32>
          %get3A_531 = arith.index_cast %sub3A_440 : i32 to index
          %get3A_532 = arith.constant 96 : index
          %get3A_533 = tpu.vector_load %arg17[%get3A_531, %get3A_532] {strides = array<i32>} : memref<328x128xf32, #tpu.memory_space<vmem>>, vector<16xf32>,
          %max3A_534 = arith.maximumf %get3A_533, %add3A_530 : vector<16xf32>
          %swap3A_535 = arith.index_cast %sub3A_440 : i32 to index
          %swap3A_536 = arith.constant 96 : index
          %swap3A_537 = tpu.vector_load %arg17[%swap3A_535, %swap3A_536] {strides = array<i32>} : memref<328x128xf32, #tpu.memory_space<vmem>>, vector<16xf32>,
          tpu.vector_store %arg17[%swap3A_535, %swap3A_536], %max3A_534 {strides = array<i32>} : memref<328x128xf32, #tpu.memory_space<vmem>>, vector<16xf32>,
          %get3A_538 = arith.index_cast %scan3A_402 : i32 to index
          %get3A_539 = arith.constant 112 : index
          %get3A_540 = tpu.vector_load %arg15[%get3A_538, %get3A_539] {strides = array<i32>} : memref<128x128xf32, #tpu.memory_space<vmem>>, vector<16xf32>,
          %get3A_541 = arith.index_cast %scan3A_402 : i32 to index
          %get3A_542 = arith.constant 112 : index
          %get3A_543 = tpu.vector_load %arg16[%get3A_541, %get3A_542] {strides = array<i32>} : memref<128x128xf32, #tpu.memory_space<vmem>>, vector<16xf32>,
          %add3A_544 = arith.addf %get3A_540, %get3A_543 : vector<16xf32>
          %get3A_545 = arith.index_cast %sub3A_440 : i32 to index
          %get3A_546 = arith.constant 112 : index
          %get3A_547 = tpu.vector_load %arg17[%get3A_545, %get3A_546] {strides = array<i32>} : memref<328x128xf32, #tpu.memory_space<vmem>>, vector<16xf32>,
          %max3A_548 = arith.maximumf %get3A_547, %add3A_544 : vector<16xf32>
          %swap3A_549 = arith.index_cast %sub3A_440 : i32 to index
          %swap3A_550 = arith.constant 112 : index
          %swap3A_551 = tpu.vector_load %arg17[%swap3A_549, %swap3A_550] {strides = array<i32>} : memref<328x128xf32, #tpu.memory_space<vmem>>, vector<16xf32>,
          tpu.vector_store %arg17[%swap3A_549, %swap3A_550], %max3A_548 {strides = array<i32>} : memref<328x128xf32, #tpu.memory_space<vmem>>, vector<16xf32>,
        }
        %scan3A_363 = arith.constant 128 : i32
        %add3A_364 = arith.constant 127 : i32
        %add3A_365 = arith.addi %scan3A_208, %add3A_364 : i32
        %jit3A_366 = arith.constant 128 : i32
        %div3A_367 = arith.divsi %add3A_365, %jit3A_366 : i32
        %sign3A_368 = arith.constant 0 : i32
        %sign3A_369 = arith.cmpi sgt, %add3A_365, %sign3A_368 : i32
        %sign3A_370 = arith.extui %sign3A_369 : i1 to i32
        %sign3A_371 = arith.constant 0 : i32
        %sign3A_372 = arith.cmpi slt, %add3A_365, %sign3A_371 : i32
        %sign3A_373 = arith.extui %sign3A_372 : i1 to i32
        %sign3A_374 = arith.subi %sign3A_370, %sign3A_373 : i32
        %sign3A_375 = arith.constant 0 : i32
        %sign3A_376 = arith.cmpi sgt, %jit3A_366, %sign3A_375 : i32
        %sign3A_377 = arith.extui %sign3A_376 : i1 to i32
        %sign3A_378 = arith.constant 0 : i32
        %sign3A_379 = arith.cmpi slt, %jit3A_366, %sign3A_378 : i32
        %sign3A_380 = arith.extui %sign3A_379 : i1 to i32
        %sign3A_381 = arith.subi %sign3A_377, %sign3A_380 : i32
        %ne3A_382 = arith.cmpi ne, %sign3A_374, %sign3A_381 : i32
        %rem3A_383 = arith.remsi %add3A_365, %jit3A_366 : i32
        %ne3A_384 = arith.constant 0 : i32
        %ne3A_385 = arith.cmpi ne, %rem3A_383, %ne3A_384 : i32
        %and3A_386 = arith.andi %ne3A_382, %ne3A_385 : i1
        %sub3A_387 = arith.constant 1 : i32
        %sub3A_388 = arith.subi %div3A_367, %sub3A_387 : i32
        %select_n3A_389 = arith.select %and3A_386, %sub3A_388, %div3A_367 : i32
        %sub3A_390 = arith.constant 1 : i32
        %sub3A_391 = arith.subi %select_n3A_389, %sub3A_390 : i32
        %while3A_392 = arith.constant 0 : i32
        %while3A_393 = arith.constant 0 : i32
        %while3A_394 = arith.subi %sub3A_391, %while3A_393 : i32
        %while3A_395 = arith.addi %while3A_393, %while3A_394 : i32
        %while3A_396 = arith.constant 1 : i32
        %while3A_397 = arith.divsi %while3A_394, %while3A_396 : i32
        %while3A_398 = arith.muli %while3A_397, %while3A_396 : i32
        %while3A_399 = arith.addi %while3A_393, %while3A_398 : i32
        %while3A_400 = arith.constant 1 : i32
        scf.for %while3A_402 = %while3A_393 to %while3A_399 step %while3A_400  : i32 {
          %add3A_403 = arith.constant 1 : i32
          %add3A_404 = arith.addi %while3A_402, %add3A_403 : i32
          %mul3A_405 = arith.constant 128 : i32
          %mul3A_406 = arith.muli %add3A_404, %mul3A_405 : i32
          %add3A_407 = arith.constant 0 : i32
          %add3A_408 = arith.addi %mul3A_406, %add3A_407 : i32
          %get3A_409 = arith.index_cast %add3A_408 : i32 to index
          %get3A_410 = tpu.vector_load %arg10[%get3A_409] {strides = array<i32>} : memref<4128xi32, #tpu.memory_space<vmem>>, vector<16xi32>,
          %swap3A_411 = arith.constant 0 : index
          %swap3A_412 = tpu.vector_load %arg12[%swap3A_411] {strides = array<i32>} : memref<128xi32, #tpu.memory_space<vmem>>, vector<16xi32>,
          tpu.vector_store %arg12[%swap3A_411], %get3A_410 {strides = array<i32>} : memref<128xi32, #tpu.memory_space<vmem>>, vector<16xi32>,
          %get3A_413 = arith.index_cast %add3A_408 : i32 to index
          %get3A_414 = tpu.vector_load %arg11[%get3A_413] {strides = array<i32>} : memref<4128xi32, #tpu.memory_space<vmem>>, vector<16xi32>,
          %swap3A_415 = arith.constant 0 : index
          %swap3A_416 = tpu.vector_load %arg13[%swap3A_415] {strides = array<i32>} : memref<128xi32, #tpu.memory_space<vmem>>, vector<16xi32>,
          tpu.vector_store %arg13[%swap3A_415], %get3A_414 {strides = array<i32>} : memref<128xi32, #tpu.memory_space<vmem>>, vector<16xi32>,
          %get3A_417 = arith.index_cast %add3A_408 : i32 to index
          %get3A_418 = tpu.vector_load %arg9[%get3A_417] {strides = array<i32>} : memref<4128xi32, #tpu.memory_space<vmem>>, vector<16xi32>,
          %swap3A_419 = arith.constant 0 : index
          %swap3A_420 = tpu.vector_load %arg14[%swap3A_419] {strides = array<i32>} : memref<128xi32, #tpu.memory_space<vmem>>, vector<16xi32>,
          tpu.vector_store %arg14[%swap3A_419], %get3A_418 {strides = array<i32>} : memref<128xi32, #tpu.memory_space<vmem>>, vector<16xi32>,
          %add3A_421 = arith.constant 16 : i32
          %add3A_422 = arith.addi %mul3A_406, %add3A_421 : i32
          %get3A_423 = arith.index_cast %add3A_422 : i32 to index
          %get3A_424 = tpu.vector_load %arg10[%get3A_423] {strides = array<i32>} : memref<4128xi32, #tpu.memory_space<vmem>>, vector<16xi32>,
          %swap3A_425 = arith.constant 16 : index
          %swap3A_426 = tpu.vector_load %arg12[%swap3A_425] {strides = array<i32>} : memref<128xi32, #tpu.memory_space<vmem>>, vector<16xi32>,
          tpu.vector_store %arg12[%swap3A_425], %get3A_424 {strides = array<i32>} : memref<128xi32, #tpu.memory_space<vmem>>, vector<16xi32>,
          %get3A_427 = arith.index_cast %add3A_422 : i32 to index
          %get3A_428 = tpu.vector_load %arg11[%get3A_427] {strides = array<i32>} : memref<4128xi32, #tpu.memory_space<vmem>>, vector<16xi32>,
          %swap3A_429 = arith.constant 16 : index
          %swap3A_430 = tpu.vector_load %arg13[%swap3A_429] {strides = array<i32>} : memref<128xi32, #tpu.memory_space<vmem>>, vector<16xi32>,
          tpu.vector_store %arg13[%swap3A_429], %get3A_428 {strides = array<i32>} : memref<128xi32, #tpu.memory_space<vmem>>, vector<16xi32>,
          %get3A_431 = arith.index_cast %add3A_422 : i32 to index
          %get3A_432 = tpu.vector_load %arg9[%get3A_431] {strides = array<i32>} : memref<4128xi32, #tpu.memory_space<vmem>>, vector<16xi32>,
          %swap3A_433 = arith.constant 16 : index
          %swap3A_434 = tpu.vector_load %arg14[%swap3A_433] {strides = array<i32>} : memref<128xi32, #tpu.memory_space<vmem>>, vector<16xi32>,
          tpu.vector_store %arg14[%swap3A_433], %get3A_432 {strides = array<i32>} : memref<128xi32, #tpu.memory_space<vmem>>, vector<16xi32>,
          %add3A_435 = arith.constant 32 : i32
          %add3A_436 = arith.addi %mul3A_406, %add3A_435 : i32
          %get3A_437 = arith.index_cast %add3A_436 : i32 to index
          %get3A_438 = tpu.vector_load %arg10[%get3A_437] {strides = array<i32>} : memref<4128xi32, #tpu.memory_space<vmem>>, vector<16xi32>,
          %swap3A_439 = arith.constant 32 : index
          %swap3A_440 = tpu.vector_load %arg12[%swap3A_439] {strides = array<i32>} : memref<128xi32, #tpu.memory_space<vmem>>, vector<16xi32>,
          tpu.vector_store %arg12[%swap3A_439], %get3A_438 {strides = array<i32>} : memref<128xi32, #tpu.memory_space<vmem>>, vector<16xi32>,
          %get3A_441 = arith.index_cast %add3A_436 : i32 to index
          %get3A_442 = tpu.vector_load %arg11[%get3A_441] {strides = array<i32>} : memref<4128xi32, #tpu.memory_space<vmem>>, vector<16xi32>,
          %swap3A_443 = arith.constant 32 : index
          %swap3A_444 = tpu.vector_load %arg13[%swap3A_443] {strides = array<i32>} : memref<128xi32, #tpu.memory_space<vmem>>, vector<16xi32>,
          tpu.vector_store %arg13[%swap3A_443], %get3A_442 {strides = array<i32>} : memref<128xi32, #tpu.memory_space<vmem>>, vector<16xi32>,
          %get3A_445 = arith.index_cast %add3A_436 : i32 to index
          %get3A_446 = tpu.vector_load %arg9[%get3A_445] {strides = array<i32>} : memref<4128xi32, #tpu.memory_space<vmem>>, vector<16xi32>,
          %swap3A_447 = arith.constant 32 : index
          %swap3A_448 = tpu.vector_load %arg14[%swap3A_447] {strides = array<i32>} : memref<128xi32, #tpu.memory_space<vmem>>, vector<16xi32>,
          tpu.vector_store %arg14[%swap3A_447], %get3A_446 {strides = array<i32>} : memref<128xi32, #tpu.memory_space<vmem>>, vector<16xi32>,
          %add3A_449 = arith.constant 48 : i32
          %add3A_450 = arith.addi %mul3A_406, %add3A_449 : i32
          %get3A_451 = arith.index_cast %add3A_450 : i32 to index
          %get3A_452 = tpu.vector_load %arg10[%get3A_451] {strides = array<i32>} : memref<4128xi32, #tpu.memory_space<vmem>>, vector<16xi32>,
          %swap3A_453 = arith.constant 48 : index
          %swap3A_454 = tpu.vector_load %arg12[%swap3A_453] {strides = array<i32>} : memref<128xi32, #tpu.memory_space<vmem>>, vector<16xi32>,
          tpu.vector_store %arg12[%swap3A_453], %get3A_452 {strides = array<i32>} : memref<128xi32, #tpu.memory_space<vmem>>, vector<16xi32>,
          %get3A_455 = arith.index_cast %add3A_450 : i32 to index
          %get3A_456 = tpu.vector_load %arg11[%get3A_455] {strides = array<i32>} : memref<4128xi32, #tpu.memory_space<vmem>>, vector<16xi32>,
          %swap3A_457 = arith.constant 48 : index
          %swap3A_458 = tpu.vector_load %arg13[%swap3A_457] {strides = array<i32>} : memref<128xi32, #tpu.memory_space<vmem>>, vector<16xi32>,
          tpu.vector_store %arg13[%swap3A_457], %get3A_456 {strides = array<i32>} : memref<128xi32, #tpu.memory_space<vmem>>, vector<16xi32>,
          %get3A_459 = arith.index_cast %add3A_450 : i32 to index
          %get3A_460 = tpu.vector_load %arg9[%get3A_459] {strides = array<i32>} : memref<4128xi32, #tpu.memory_space<vmem>>, vector<16xi32>,
          %swap3A_461 = arith.constant 48 : index
          %swap3A_462 = tpu.vector_load %arg14[%swap3A_461] {strides = array<i32>} : memref<128xi32, #tpu.memory_space<vmem>>, vector<16xi32>,
          tpu.vector_store %arg14[%swap3A_461], %get3A_460 {strides = array<i32>} : memref<128xi32, #tpu.memory_space<vmem>>, vector<16xi32>,
          %add3A_463 = arith.constant 64 : i32
          %add3A_464 = arith.addi %mul3A_406, %add3A_463 : i32
          %get3A_465 = arith.index_cast %add3A_464 : i32 to index
          %get3A_466 = tpu.vector_load %arg10[%get3A_465] {strides = array<i32>} : memref<4128xi32, #tpu.memory_space<vmem>>, vector<16xi32>,
          %swap3A_467 = arith.constant 64 : index
          %swap3A_468 = tpu.vector_load %arg12[%swap3A_467] {strides = array<i32>} : memref<128xi32, #tpu.memory_space<vmem>>, vector<16xi32>,
          tpu.vector_store %arg12[%swap3A_467], %get3A_466 {strides = array<i32>} : memref<128xi32, #tpu.memory_space<vmem>>, vector<16xi32>,
          %get3A_469 = arith.index_cast %add3A_464 : i32 to index
          %get3A_470 = tpu.vector_load %arg11[%get3A_469] {strides = array<i32>} : memref<4128xi32, #tpu.memory_space<vmem>>, vector<16xi32>,
          %swap3A_471 = arith.constant 64 : index
          %swap3A_472 = tpu.vector_load %arg13[%swap3A_471] {strides = array<i32>} : memref<128xi32, #tpu.memory_space<vmem>>, vector<16xi32>,
          tpu.vector_store %arg13[%swap3A_471], %get3A_470 {strides = array<i32>} : memref<128xi32, #tpu.memory_space<vmem>>, vector<16xi32>,
          %get3A_473 = arith.index_cast %add3A_464 : i32 to index
          %get3A_474 = tpu.vector_load %arg9[%get3A_473] {strides = array<i32>} : memref<4128xi32, #tpu.memory_space<vmem>>, vector<16xi32>,
          %swap3A_475 = arith.constant 64 : index
          %swap3A_476 = tpu.vector_load %arg14[%swap3A_475] {strides = array<i32>} : memref<128xi32, #tpu.memory_space<vmem>>, vector<16xi32>,
          tpu.vector_store %arg14[%swap3A_475], %get3A_474 {strides = array<i32>} : memref<128xi32, #tpu.memory_space<vmem>>, vector<16xi32>,
          %add3A_477 = arith.constant 80 : i32
          %add3A_478 = arith.addi %mul3A_406, %add3A_477 : i32
          %get3A_479 = arith.index_cast %add3A_478 : i32 to index
          %get3A_480 = tpu.vector_load %arg10[%get3A_479] {strides = array<i32>} : memref<4128xi32, #tpu.memory_space<vmem>>, vector<16xi32>,
          %swap3A_481 = arith.constant 80 : index
          %swap3A_482 = tpu.vector_load %arg12[%swap3A_481] {strides = array<i32>} : memref<128xi32, #tpu.memory_space<vmem>>, vector<16xi32>,
          tpu.vector_store %arg12[%swap3A_481], %get3A_480 {strides = array<i32>} : memref<128xi32, #tpu.memory_space<vmem>>, vector<16xi32>,
          %get3A_483 = arith.index_cast %add3A_478 : i32 to index
          %get3A_484 = tpu.vector_load %arg11[%get3A_483] {strides = array<i32>} : memref<4128xi32, #tpu.memory_space<vmem>>, vector<16xi32>,
          %swap3A_485 = arith.constant 80 : index
          %swap3A_486 = tpu.vector_load %arg13[%swap3A_485] {strides = array<i32>} : memref<128xi32, #tpu.memory_space<vmem>>, vector<16xi32>,
          tpu.vector_store %arg13[%swap3A_485], %get3A_484 {strides = array<i32>} : memref<128xi32, #tpu.memory_space<vmem>>, vector<16xi32>,
          %get3A_487 = arith.index_cast %add3A_478 : i32 to index
          %get3A_488 = tpu.vector_load %arg9[%get3A_487] {strides = array<i32>} : memref<4128xi32, #tpu.memory_space<vmem>>, vector<16xi32>,
          %swap3A_489 = arith.constant 80 : index
          %swap3A_490 = tpu.vector_load %arg14[%swap3A_489] {strides = array<i32>} : memref<128xi32, #tpu.memory_space<vmem>>, vector<16xi32>,
          tpu.vector_store %arg14[%swap3A_489], %get3A_488 {strides = array<i32>} : memref<128xi32, #tpu.memory_space<vmem>>, vector<16xi32>,
          %add3A_491 = arith.constant 96 : i32
          %add3A_492 = arith.addi %mul3A_406, %add3A_491 : i32
          %get3A_493 = arith.index_cast %add3A_492 : i32 to index
          %get3A_494 = tpu.vector_load %arg10[%get3A_493] {strides = array<i32>} : memref<4128xi32, #tpu.memory_space<vmem>>, vector<16xi32>,
          %swap3A_495 = arith.constant 96 : index
          %swap3A_496 = tpu.vector_load %arg12[%swap3A_495] {strides = array<i32>} : memref<128xi32, #tpu.memory_space<vmem>>, vector<16xi32>,
          tpu.vector_store %arg12[%swap3A_495], %get3A_494 {strides = array<i32>} : memref<128xi32, #tpu.memory_space<vmem>>, vector<16xi32>,
          %get3A_497 = arith.index_cast %add3A_492 : i32 to index
          %get3A_498 = tpu.vector_load %arg11[%get3A_497] {strides = array<i32>} : memref<4128xi32, #tpu.memory_space<vmem>>, vector<16xi32>,
          %swap3A_499 = arith.constant 96 : index
          %swap3A_500 = tpu.vector_load %arg13[%swap3A_499] {strides = array<i32>} : memref<128xi32, #tpu.memory_space<vmem>>, vector<16xi32>,
          tpu.vector_store %arg13[%swap3A_499], %get3A_498 {strides = array<i32>} : memref<128xi32, #tpu.memory_space<vmem>>, vector<16xi32>,
          %get3A_501 = arith.index_cast %add3A_492 : i32 to index
          %get3A_502 = tpu.vector_load %arg9[%get3A_501] {strides = array<i32>} : memref<4128xi32, #tpu.memory_space<vmem>>, vector<16xi32>,
          %swap3A_503 = arith.constant 96 : index
          %swap3A_504 = tpu.vector_load %arg14[%swap3A_503] {strides = array<i32>} : memref<128xi32, #tpu.memory_space<vmem>>, vector<16xi32>,
          tpu.vector_store %arg14[%swap3A_503], %get3A_502 {strides = array<i32>} : memref<128xi32, #tpu.memory_space<vmem>>, vector<16xi32>,
          %add3A_505 = arith.constant 112 : i32
          %add3A_506 = arith.addi %mul3A_406, %add3A_505 : i32
          %get3A_507 = arith.index_cast %add3A_506 : i32 to index
          %get3A_508 = tpu.vector_load %arg10[%get3A_507] {strides = array<i32>} : memref<4128xi32, #tpu.memory_space<vmem>>, vector<16xi32>,
          %swap3A_509 = arith.constant 112 : index
          %swap3A_510 = tpu.vector_load %arg12[%swap3A_509] {strides = array<i32>} : memref<128xi32, #tpu.memory_space<vmem>>, vector<16xi32>,
          tpu.vector_store %arg12[%swap3A_509], %get3A_508 {strides = array<i32>} : memref<128xi32, #tpu.memory_space<vmem>>, vector<16xi32>,
          %get3A_511 = arith.index_cast %add3A_506 : i32 to index
          %get3A_512 = tpu.vector_load %arg11[%get3A_511] {strides = array<i32>} : memref<4128xi32, #tpu.memory_space<vmem>>, vector<16xi32>,
          %swap3A_513 = arith.constant 112 : index
          %swap3A_514 = tpu.vector_load %arg13[%swap3A_513] {strides = array<i32>} : memref<128xi32, #tpu.memory_space<vmem>>, vector<16xi32>,
          tpu.vector_store %arg13[%swap3A_513], %get3A_512 {strides = array<i32>} : memref<128xi32, #tpu.memory_space<vmem>>, vector<16xi32>,
          %get3A_515 = arith.index_cast %add3A_506 : i32 to index
          %get3A_516 = tpu.vector_load %arg9[%get3A_515] {strides = array<i32>} : memref<4128xi32, #tpu.memory_space<vmem>>, vector<16xi32>,
          %swap3A_517 = arith.constant 112 : index
          %swap3A_518 = tpu.vector_load %arg14[%swap3A_517] {strides = array<i32>} : memref<128xi32, #tpu.memory_space<vmem>>, vector<16xi32>,
          tpu.vector_store %arg14[%swap3A_517], %get3A_516 {strides = array<i32>} : memref<128xi32, #tpu.memory_space<vmem>>, vector<16xi32>,
          %dma_start3A_519 = arith.constant 0 : i32
          %dma_start3A_520 = arith.constant 0 : i32
          %dma_start3A_521 = tpu.memref_slice %arg4[%dma_start3A_519, %dma_start3A_520] : memref<10000x128xf32, #tpu.memory_space<hbm>> -> memref<10000x128xf32, #tpu.memory_space<hbm>>
          tpu.enqueue_indirect_dma source(%dma_start3A_521 : memref<10000x128xf32, #tpu.memory_space<hbm>>) target(%arg15 : memref<128x128xf32, #tpu.memory_space<vmem>>) offsets(%arg12 : memref<128xi32, #tpu.memory_space<vmem>>) semaphore(%arg19 : memref<!tpu.dma_semaphore, #tpu.memory_space<semaphore_mem>>)
          %dma_start3A_522 = arith.constant 0 : i32
          %dma_start3A_523 = arith.constant 0 : i32
          %dma_start3A_524 = tpu.memref_slice %arg5[%dma_start3A_522, %dma_start3A_523] : memref<320000x128xf32, #tpu.memory_space<hbm>> -> memref<320000x128xf32, #tpu.memory_space<hbm>>
          tpu.enqueue_indirect_dma source(%dma_start3A_524 : memref<320000x128xf32, #tpu.memory_space<hbm>>) target(%arg16 : memref<128x128xf32, #tpu.memory_space<vmem>>) offsets(%arg14 : memref<128xi32, #tpu.memory_space<vmem>>) semaphore(%arg19 : memref<!tpu.dma_semaphore, #tpu.memory_space<semaphore_mem>>)
          %dma_wait3A_525 = arith.constant 0 : i32
          %dma_wait3A_526 = arith.constant 0 : i32
          %dma_wait3A_527 = tpu.memref_slice %arg4[%dma_wait3A_525, %dma_wait3A_526] : memref<10000x128xf32, #tpu.memory_space<hbm>> -> memref<128x128xf32, #tpu.memory_space<hbm>>
          %dma_wait3A_528 = arith.constant 0 : i32
          %dma_wait3A_529 = arith.constant 0 : i32
          %dma_wait3A_530 = tpu.memref_slice %arg4[%dma_wait3A_528, %dma_wait3A_529] : memref<10000x128xf32, #tpu.memory_space<hbm>> -> memref<128x128xf32, #tpu.memory_space<hbm>>
          tpu.wait_dma2 semaphore(%arg19 : memref<!tpu.dma_semaphore, #tpu.memory_space<semaphore_mem>>) src(%dma_wait3A_530 : memref<128x128xf32, #tpu.memory_space<hbm>>) dst(%arg15 : memref<128x128xf32, #tpu.memory_space<vmem>>)
          %dma_wait3A_531 = arith.constant 0 : i32
          %dma_wait3A_532 = arith.constant 0 : i32
          %dma_wait3A_533 = tpu.memref_slice %arg4[%dma_wait3A_531, %dma_wait3A_532] : memref<10000x128xf32, #tpu.memory_space<hbm>> -> memref<128x128xf32, #tpu.memory_space<hbm>>
          %dma_wait3A_534 = arith.constant 0 : i32
          %dma_wait3A_535 = arith.constant 0 : i32
          %dma_wait3A_536 = tpu.memref_slice %arg4[%dma_wait3A_534, %dma_wait3A_535] : memref<10000x128xf32, #tpu.memory_space<hbm>> -> memref<128x128xf32, #tpu.memory_space<hbm>>
          tpu.wait_dma2 semaphore(%arg19 : memref<!tpu.dma_semaphore, #tpu.memory_space<semaphore_mem>>) src(%dma_wait3A_536 : memref<128x128xf32, #tpu.memory_space<hbm>>) dst(%arg16 : memref<128x128xf32, #tpu.memory_space<vmem>>)
          %sub3A_537 = arith.subi %scan3A_208, %mul3A_406 : i32
          %min3A_538 = arith.constant 128 : i32
          %min3A_539 = arith.minsi %sub3A_537, %min3A_538 : i32
          %while3A_540 = arith.constant 0 : i32
          %while3A_541 = arith.constant 0 : i32
          %while3A_542 = arith.subi %min3A_539, %while3A_541 : i32
          %while3A_543 = arith.addi %while3A_541, %while3A_542 : i32
          %while3A_544 = arith.constant 1 : i32
          %while3A_545 = arith.divsi %while3A_542, %while3A_544 : i32
          %while3A_546 = arith.muli %while3A_545, %while3A_544 : i32
          %while3A_547 = arith.addi %while3A_541, %while3A_546 : i32
          %while3A_548 = arith.constant 1 : i32
          scf.for %while3A_550 = %while3A_541 to %while3A_547 step %while3A_548  : i32 {
            %jit3A_551 = arith.constant 16 : i32
            %div3A_552 = arith.divsi %while3A_550, %jit3A_551 : i32
            %sign3A_553 = arith.constant 0 : i32
            %sign3A_554 = arith.cmpi sgt, %while3A_550, %sign3A_553 : i32
            %sign3A_555 = arith.extui %sign3A_554 : i1 to i32
            %sign3A_556 = arith.constant 0 : i32
            %sign3A_557 = arith.cmpi slt, %while3A_550, %sign3A_556 : i32
            %sign3A_558 = arith.extui %sign3A_557 : i1 to i32
            %sign3A_559 = arith.subi %sign3A_555, %sign3A_558 : i32
            %sign3A_560 = arith.constant 0 : i32
            %sign3A_561 = arith.cmpi sgt, %jit3A_551, %sign3A_560 : i32
            %sign3A_562 = arith.extui %sign3A_561 : i1 to i32
            %sign3A_563 = arith.constant 0 : i32
            %sign3A_564 = arith.cmpi slt, %jit3A_551, %sign3A_563 : i32
            %sign3A_565 = arith.extui %sign3A_564 : i1 to i32
            %sign3A_566 = arith.subi %sign3A_562, %sign3A_565 : i32
            %ne3A_567 = arith.cmpi ne, %sign3A_559, %sign3A_566 : i32
            %rem3A_568 = arith.remsi %while3A_550, %jit3A_551 : i32
            %ne3A_569 = arith.constant 0 : i32
            %ne3A_570 = arith.cmpi ne, %rem3A_568, %ne3A_569 : i32
            %and3A_571 = arith.andi %ne3A_567, %ne3A_570 : i1
            %sub3A_572 = arith.constant 1 : i32
            %sub3A_573 = arith.subi %div3A_552, %sub3A_572 : i32
            %select_n3A_574 = arith.select %and3A_571, %sub3A_573, %div3A_552 : i32
            %mul3A_575 = arith.constant 16 : i32
            %mul3A_576 = arith.muli %select_n3A_574, %mul3A_575 : i32
            %get3A_577 = arith.index_cast %mul3A_576 : i32 to index
            %get3A_578 = tpu.vector_load %arg13[%get3A_577] {strides = array<i32>} : memref<128xi32, #tpu.memory_space<vmem>>, vector<16xi32>,
            %sub3A_579 = arith.subi %while3A_550, %mul3A_576 : i32
            %eq3A_580 = vector.broadcast %sub3A_579 : i32 to vector<16xi32>
            %eq3A_581 = arith.cmpi eq, %iota3A, %eq3A_580 : vector<16xi32>
            %jit3A_582 = arith.constant 0 : i32
            %broadcast_in_dim3A_583 = vector.broadcast %jit3A_582 : i32 to vector<16xi32>
            %select_n3A_584 = arith.select %eq3A_581, %get3A_578, %broadcast_in_dim3A_583 : vector<16xi1>, vector<16xi32>
            %reduce_sum3A = arith.constant true
            %reduce_sum3A_585 = vector.broadcast %reduce_sum3A : i1 to vector<16xi1>
            %reduce_sum3A_586 = tpu.scan <sum>, %select_n3A_584 masked %reduce_sum3A_585 : vector<16xi32>, vector<16xi1> -> vector<16xi32>
            %reduce_sum3A_587 = vector.extract %reduce_sum3A_586[15] : i32 from vector<16xi32>
            %sub3A_588 = arith.subi %reduce_sum3A_587, %mul3A_2 : i32
            %get3A_589 = arith.index_cast %while3A_550 : i32 to index
            %get3A_590 = arith.constant 0 : index
            %get3A_591 = tpu.vector_load %arg15[%get3A_589, %get3A_590] {strides = array<i32>} : memref<128x128xf32, #tpu.memory_space<vmem>>, vector<16xf32>,
            %get3A_592 = arith.index_cast %while3A_550 : i32 to index
            %get3A_593 = arith.constant 0 : index
            %get3A_594 = tpu.vector_load %arg16[%get3A_592, %get3A_593] {strides = array<i32>} : memref<128x128xf32, #tpu.memory_space<vmem>>, vector<16xf32>,
            %add3A_595 = arith.addf %get3A_591, %get3A_594 : vector<16xf32>
            %get3A_596 = arith.index_cast %sub3A_588 : i32 to index
            %get3A_597 = arith.constant 0 : index
            %get3A_598 = tpu.vector_load %arg17[%get3A_596, %get3A_597] {strides = array<i32>} : memref<328x128xf32, #tpu.memory_space<vmem>>, vector<16xf32>,
            %max3A = arith.maximumf %get3A_598, %add3A_595 : vector<16xf32>
            %swap3A_599 = arith.index_cast %sub3A_588 : i32 to index
            %swap3A_600 = arith.constant 0 : index
            %swap3A_601 = tpu.vector_load %arg17[%swap3A_599, %swap3A_600] {strides = array<i32>} : memref<328x128xf32, #tpu.memory_space<vmem>>, vector<16xf32>,
            tpu.vector_store %arg17[%swap3A_599, %swap3A_600], %max3A {strides = array<i32>} : memref<328x128xf32, #tpu.memory_space<vmem>>, vector<16xf32>,
            %get3A_602 = arith.index_cast %while3A_550 : i32 to index
            %get3A_603 = arith.constant 16 : index
            %get3A_604 = tpu.vector_load %arg15[%get3A_602, %get3A_603] {strides = array<i32>} : memref<128x128xf32, #tpu.memory_space<vmem>>, vector<16xf32>,
            %get3A_605 = arith.index_cast %while3A_550 : i32 to index
            %get3A_606 = arith.constant 16 : index
            %get3A_607 = tpu.vector_load %arg16[%get3A_605, %get3A_606] {strides = array<i32>} : memref<128x128xf32, #tpu.memory_space<vmem>>, vector<16xf32>,
            %add3A_608 = arith.addf %get3A_604, %get3A_607 : vector<16xf32>
            %get3A_609 = arith.index_cast %sub3A_588 : i32 to index
            %get3A_610 = arith.constant 16 : index
            %get3A_611 = tpu.vector_load %arg17[%get3A_609, %get3A_610] {strides = array<i32>} : memref<328x128xf32, #tpu.memory_space<vmem>>, vector<16xf32>,
            %max3A_612 = arith.maximumf %get3A_611, %add3A_608 : vector<16xf32>
            %swap3A_613 = arith.index_cast %sub3A_588 : i32 to index
            %swap3A_614 = arith.constant 16 : index
            %swap3A_615 = tpu.vector_load %arg17[%swap3A_613, %swap3A_614] {strides = array<i32>} : memref<328x128xf32, #tpu.memory_space<vmem>>, vector<16xf32>,
            tpu.vector_store %arg17[%swap3A_613, %swap3A_614], %max3A_612 {strides = array<i32>} : memref<328x128xf32, #tpu.memory_space<vmem>>, vector<16xf32>,
            %get3A_616 = arith.index_cast %while3A_550 : i32 to index
            %get3A_617 = arith.constant 32 : index
            %get3A_618 = tpu.vector_load %arg15[%get3A_616, %get3A_617] {strides = array<i32>} : memref<128x128xf32, #tpu.memory_space<vmem>>, vector<16xf32>,
            %get3A_619 = arith.index_cast %while3A_550 : i32 to index
            %get3A_620 = arith.constant 32 : index
            %get3A_621 = tpu.vector_load %arg16[%get3A_619, %get3A_620] {strides = array<i32>} : memref<128x128xf32, #tpu.memory_space<vmem>>, vector<16xf32>,
            %add3A_622 = arith.addf %get3A_618, %get3A_621 : vector<16xf32>
            %get3A_623 = arith.index_cast %sub3A_588 : i32 to index
            %get3A_624 = arith.constant 32 : index
            %get3A_625 = tpu.vector_load %arg17[%get3A_623, %get3A_624] {strides = array<i32>} : memref<328x128xf32, #tpu.memory_space<vmem>>, vector<16xf32>,
            %max3A_626 = arith.maximumf %get3A_625, %add3A_622 : vector<16xf32>
            %swap3A_627 = arith.index_cast %sub3A_588 : i32 to index
            %swap3A_628 = arith.constant 32 : index
            %swap3A_629 = tpu.vector_load %arg17[%swap3A_627, %swap3A_628] {strides = array<i32>} : memref<328x128xf32, #tpu.memory_space<vmem>>, vector<16xf32>,
            tpu.vector_store %arg17[%swap3A_627, %swap3A_628], %max3A_626 {strides = array<i32>} : memref<328x128xf32, #tpu.memory_space<vmem>>, vector<16xf32>,
            %get3A_630 = arith.index_cast %while3A_550 : i32 to index
            %get3A_631 = arith.constant 48 : index
            %get3A_632 = tpu.vector_load %arg15[%get3A_630, %get3A_631] {strides = array<i32>} : memref<128x128xf32, #tpu.memory_space<vmem>>, vector<16xf32>,
            %get3A_633 = arith.index_cast %while3A_550 : i32 to index
            %get3A_634 = arith.constant 48 : index
            %get3A_635 = tpu.vector_load %arg16[%get3A_633, %get3A_634] {strides = array<i32>} : memref<128x128xf32, #tpu.memory_space<vmem>>, vector<16xf32>,
            %add3A_636 = arith.addf %get3A_632, %get3A_635 : vector<16xf32>
            %get3A_637 = arith.index_cast %sub3A_588 : i32 to index
            %get3A_638 = arith.constant 48 : index
            %get3A_639 = tpu.vector_load %arg17[%get3A_637, %get3A_638] {strides = array<i32>} : memref<328x128xf32, #tpu.memory_space<vmem>>, vector<16xf32>,
            %max3A_640 = arith.maximumf %get3A_639, %add3A_636 : vector<16xf32>
            %swap3A_641 = arith.index_cast %sub3A_588 : i32 to index
            %swap3A_642 = arith.constant 48 : index
            %swap3A_643 = tpu.vector_load %arg17[%swap3A_641, %swap3A_642] {strides = array<i32>} : memref<328x128xf32, #tpu.memory_space<vmem>>, vector<16xf32>,
            tpu.vector_store %arg17[%swap3A_641, %swap3A_642], %max3A_640 {strides = array<i32>} : memref<328x128xf32, #tpu.memory_space<vmem>>, vector<16xf32>,
            %get3A_644 = arith.index_cast %while3A_550 : i32 to index
            %get3A_645 = arith.constant 64 : index
            %get3A_646 = tpu.vector_load %arg15[%get3A_644, %get3A_645] {strides = array<i32>} : memref<128x128xf32, #tpu.memory_space<vmem>>, vector<16xf32>,
            %get3A_647 = arith.index_cast %while3A_550 : i32 to index
            %get3A_648 = arith.constant 64 : index
            %get3A_649 = tpu.vector_load %arg16[%get3A_647, %get3A_648] {strides = array<i32>} : memref<128x128xf32, #tpu.memory_space<vmem>>, vector<16xf32>,
            %add3A_650 = arith.addf %get3A_646, %get3A_649 : vector<16xf32>
            %get3A_651 = arith.index_cast %sub3A_588 : i32 to index
            %get3A_652 = arith.constant 64 : index
            %get3A_653 = tpu.vector_load %arg17[%get3A_651, %get3A_652] {strides = array<i32>} : memref<328x128xf32, #tpu.memory_space<vmem>>, vector<16xf32>,
            %max3A_654 = arith.maximumf %get3A_653, %add3A_650 : vector<16xf32>
            %swap3A_655 = arith.index_cast %sub3A_588 : i32 to index
            %swap3A_656 = arith.constant 64 : index
            %swap3A_657 = tpu.vector_load %arg17[%swap3A_655, %swap3A_656] {strides = array<i32>} : memref<328x128xf32, #tpu.memory_space<vmem>>, vector<16xf32>,
            tpu.vector_store %arg17[%swap3A_655, %swap3A_656], %max3A_654 {strides = array<i32>} : memref<328x128xf32, #tpu.memory_space<vmem>>, vector<16xf32>,
            %get3A_658 = arith.index_cast %while3A_550 : i32 to index
            %get3A_659 = arith.constant 80 : index
            %get3A_660 = tpu.vector_load %arg15[%get3A_658, %get3A_659] {strides = array<i32>} : memref<128x128xf32, #tpu.memory_space<vmem>>, vector<16xf32>,
            %get3A_661 = arith.index_cast %while3A_550 : i32 to index
            %get3A_662 = arith.constant 80 : index
            %get3A_663 = tpu.vector_load %arg16[%get3A_661, %get3A_662] {strides = array<i32>} : memref<128x128xf32, #tpu.memory_space<vmem>>, vector<16xf32>,
            %add3A_664 = arith.addf %get3A_660, %get3A_663 : vector<16xf32>
            %get3A_665 = arith.index_cast %sub3A_588 : i32 to index
            %get3A_666 = arith.constant 80 : index
            %get3A_667 = tpu.vector_load %arg17[%get3A_665, %get3A_666] {strides = array<i32>} : memref<328x128xf32, #tpu.memory_space<vmem>>, vector<16xf32>,
            %max3A_668 = arith.maximumf %get3A_667, %add3A_664 : vector<16xf32>
            %swap3A_669 = arith.index_cast %sub3A_588 : i32 to index
            %swap3A_670 = arith.constant 80 : index
            %swap3A_671 = tpu.vector_load %arg17[%swap3A_669, %swap3A_670] {strides = array<i32>} : memref<328x128xf32, #tpu.memory_space<vmem>>, vector<16xf32>,
            tpu.vector_store %arg17[%swap3A_669, %swap3A_670], %max3A_668 {strides = array<i32>} : memref<328x128xf32, #tpu.memory_space<vmem>>, vector<16xf32>,
            %get3A_672 = arith.index_cast %while3A_550 : i32 to index
            %get3A_673 = arith.constant 96 : index
            %get3A_674 = tpu.vector_load %arg15[%get3A_672, %get3A_673] {strides = array<i32>} : memref<128x128xf32, #tpu.memory_space<vmem>>, vector<16xf32>,
            %get3A_675 = arith.index_cast %while3A_550 : i32 to index
            %get3A_676 = arith.constant 96 : index
            %get3A_677 = tpu.vector_load %arg16[%get3A_675, %get3A_676] {strides = array<i32>} : memref<128x128xf32, #tpu.memory_space<vmem>>, vector<16xf32>,
            %add3A_678 = arith.addf %get3A_674, %get3A_677 : vector<16xf32>
            %get3A_679 = arith.index_cast %sub3A_588 : i32 to index
            %get3A_680 = arith.constant 96 : index
            %get3A_681 = tpu.vector_load %arg17[%get3A_679, %get3A_680] {strides = array<i32>} : memref<328x128xf32, #tpu.memory_space<vmem>>, vector<16xf32>,
            %max3A_682 = arith.maximumf %get3A_681, %add3A_678 : vector<16xf32>
            %swap3A_683 = arith.index_cast %sub3A_588 : i32 to index
            %swap3A_684 = arith.constant 96 : index
            %swap3A_685 = tpu.vector_load %arg17[%swap3A_683, %swap3A_684] {strides = array<i32>} : memref<328x128xf32, #tpu.memory_space<vmem>>, vector<16xf32>,
            tpu.vector_store %arg17[%swap3A_683, %swap3A_684], %max3A_682 {strides = array<i32>} : memref<328x128xf32, #tpu.memory_space<vmem>>, vector<16xf32>,
            %get3A_686 = arith.index_cast %while3A_550 : i32 to index
            %get3A_687 = arith.constant 112 : index
            %get3A_688 = tpu.vector_load %arg15[%get3A_686, %get3A_687] {strides = array<i32>} : memref<128x128xf32, #tpu.memory_space<vmem>>, vector<16xf32>,
            %get3A_689 = arith.index_cast %while3A_550 : i32 to index
            %get3A_690 = arith.constant 112 : index
            %get3A_691 = tpu.vector_load %arg16[%get3A_689, %get3A_690] {strides = array<i32>} : memref<128x128xf32, #tpu.memory_space<vmem>>, vector<16xf32>,
            %add3A_692 = arith.addf %get3A_688, %get3A_691 : vector<16xf32>
            %get3A_693 = arith.index_cast %sub3A_588 : i32 to index
            %get3A_694 = arith.constant 112 : index
            %get3A_695 = tpu.vector_load %arg17[%get3A_693, %get3A_694] {strides = array<i32>} : memref<328x128xf32, #tpu.memory_space<vmem>>, vector<16xf32>,
            %max3A_696 = arith.maximumf %get3A_695, %add3A_692 : vector<16xf32>
            %swap3A_697 = arith.index_cast %sub3A_588 : i32 to index
            %swap3A_698 = arith.constant 112 : index
            %swap3A_699 = tpu.vector_load %arg17[%swap3A_697, %swap3A_698] {strides = array<i32>} : memref<328x128xf32, #tpu.memory_space<vmem>>, vector<16xf32>,
            tpu.vector_store %arg17[%swap3A_697, %swap3A_698], %max3A_696 {strides = array<i32>} : memref<328x128xf32, #tpu.memory_space<vmem>>, vector<16xf32>,
          }
          %while3A_549 = arith.constant 1 : i32
          scf.for %while3A_550 = %while3A_547 to %while3A_543 step %while3A_549  : i32 {
            %jit3A_551 = arith.constant 16 : i32
            %div3A_552 = arith.divsi %while3A_550, %jit3A_551 : i32
            %sign3A_553 = arith.constant 0 : i32
            %sign3A_554 = arith.cmpi sgt, %while3A_550, %sign3A_553 : i32
            %sign3A_555 = arith.extui %sign3A_554 : i1 to i32
            %sign3A_556 = arith.constant 0 : i32
            %sign3A_557 = arith.cmpi slt, %while3A_550, %sign3A_556 : i32
            %sign3A_558 = arith.extui %sign3A_557 : i1 to i32
            %sign3A_559 = arith.subi %sign3A_555, %sign3A_558 : i32
            %sign3A_560 = arith.constant 0 : i32
            %sign3A_561 = arith.cmpi sgt, %jit3A_551, %sign3A_560 : i32
            %sign3A_562 = arith.extui %sign3A_561 : i1 to i32
            %sign3A_563 = arith.constant 0 : i32
            %sign3A_564 = arith.cmpi slt, %jit3A_551, %sign3A_563 : i32
            %sign3A_565 = arith.extui %sign3A_564 : i1 to i32
            %sign3A_566 = arith.subi %sign3A_562, %sign3A_565 : i32
            %ne3A_567 = arith.cmpi ne, %sign3A_559, %sign3A_566 : i32
            %rem3A_568 = arith.remsi %while3A_550, %jit3A_551 : i32
            %ne3A_569 = arith.constant 0 : i32
            %ne3A_570 = arith.cmpi ne, %rem3A_568, %ne3A_569 : i32
            %and3A_571 = arith.andi %ne3A_567, %ne3A_570 : i1
            %sub3A_572 = arith.constant 1 : i32
            %sub3A_573 = arith.subi %div3A_552, %sub3A_572 : i32
            %select_n3A_574 = arith.select %and3A_571, %sub3A_573, %div3A_552 : i32
            %mul3A_575 = arith.constant 16 : i32
            %mul3A_576 = arith.muli %select_n3A_574, %mul3A_575 : i32
            %get3A_577 = arith.index_cast %mul3A_576 : i32 to index
            %get3A_578 = tpu.vector_load %arg13[%get3A_577] {strides = array<i32>} : memref<128xi32, #tpu.memory_space<vmem>>, vector<16xi32>,
            %sub3A_579 = arith.subi %while3A_550, %mul3A_576 : i32
            %eq3A_580 = vector.broadcast %sub3A_579 : i32 to vector<16xi32>
            %eq3A_581 = arith.cmpi eq, %iota3A, %eq3A_580 : vector<16xi32>
            %jit3A_582 = arith.constant 0 : i32
            %broadcast_in_dim3A_583 = vector.broadcast %jit3A_582 : i32 to vector<16xi32>
            %select_n3A_584 = arith.select %eq3A_581, %get3A_578, %broadcast_in_dim3A_583 : vector<16xi1>, vector<16xi32>
            %reduce_sum3A = arith.constant true
            %reduce_sum3A_585 = vector.broadcast %reduce_sum3A : i1 to vector<16xi1>
            %reduce_sum3A_586 = tpu.scan <sum>, %select_n3A_584 masked %reduce_sum3A_585 : vector<16xi32>, vector<16xi1> -> vector<16xi32>
            %reduce_sum3A_587 = vector.extract %reduce_sum3A_586[15] : i32 from vector<16xi32>
            %sub3A_588 = arith.subi %reduce_sum3A_587, %mul3A_2 : i32
            %get3A_589 = arith.index_cast %while3A_550 : i32 to index
            %get3A_590 = arith.constant 0 : index
            %get3A_591 = tpu.vector_load %arg15[%get3A_589, %get3A_590] {strides = array<i32>} : memref<128x128xf32, #tpu.memory_space<vmem>>, vector<16xf32>,
            %get3A_592 = arith.index_cast %while3A_550 : i32 to index
            %get3A_593 = arith.constant 0 : index
            %get3A_594 = tpu.vector_load %arg16[%get3A_592, %get3A_593] {strides = array<i32>} : memref<128x128xf32, #tpu.memory_space<vmem>>, vector<16xf32>,
            %add3A_595 = arith.addf %get3A_591, %get3A_594 : vector<16xf32>
            %get3A_596 = arith.index_cast %sub3A_588 : i32 to index
            %get3A_597 = arith.constant 0 : index
            %get3A_598 = tpu.vector_load %arg17[%get3A_596, %get3A_597] {strides = array<i32>} : memref<328x128xf32, #tpu.memory_space<vmem>>, vector<16xf32>,
            %max3A = arith.maximumf %get3A_598, %add3A_595 : vector<16xf32>
            %swap3A_599 = arith.index_cast %sub3A_588 : i32 to index
            %swap3A_600 = arith.constant 0 : index
            %swap3A_601 = tpu.vector_load %arg17[%swap3A_599, %swap3A_600] {strides = array<i32>} : memref<328x128xf32, #tpu.memory_space<vmem>>, vector<16xf32>,
            tpu.vector_store %arg17[%swap3A_599, %swap3A_600], %max3A {strides = array<i32>} : memref<328x128xf32, #tpu.memory_space<vmem>>, vector<16xf32>,
            %get3A_602 = arith.index_cast %while3A_550 : i32 to index
            %get3A_603 = arith.constant 16 : index
            %get3A_604 = tpu.vector_load %arg15[%get3A_602, %get3A_603] {strides = array<i32>} : memref<128x128xf32, #tpu.memory_space<vmem>>, vector<16xf32>,
            %get3A_605 = arith.index_cast %while3A_550 : i32 to index
            %get3A_606 = arith.constant 16 : index
            %get3A_607 = tpu.vector_load %arg16[%get3A_605, %get3A_606] {strides = array<i32>} : memref<128x128xf32, #tpu.memory_space<vmem>>, vector<16xf32>,
            %add3A_608 = arith.addf %get3A_604, %get3A_607 : vector<16xf32>
            %get3A_609 = arith.index_cast %sub3A_588 : i32 to index
            %get3A_610 = arith.constant 16 : index
            %get3A_611 = tpu.vector_load %arg17[%get3A_609, %get3A_610] {strides = array<i32>} : memref<328x128xf32, #tpu.memory_space<vmem>>, vector<16xf32>,
            %max3A_612 = arith.maximumf %get3A_611, %add3A_608 : vector<16xf32>
            %swap3A_613 = arith.index_cast %sub3A_588 : i32 to index
            %swap3A_614 = arith.constant 16 : index
            %swap3A_615 = tpu.vector_load %arg17[%swap3A_613, %swap3A_614] {strides = array<i32>} : memref<328x128xf32, #tpu.memory_space<vmem>>, vector<16xf32>,
            tpu.vector_store %arg17[%swap3A_613, %swap3A_614], %max3A_612 {strides = array<i32>} : memref<328x128xf32, #tpu.memory_space<vmem>>, vector<16xf32>,
            %get3A_616 = arith.index_cast %while3A_550 : i32 to index
            %get3A_617 = arith.constant 32 : index
            %get3A_618 = tpu.vector_load %arg15[%get3A_616, %get3A_617] {strides = array<i32>} : memref<128x128xf32, #tpu.memory_space<vmem>>, vector<16xf32>,
            %get3A_619 = arith.index_cast %while3A_550 : i32 to index
            %get3A_620 = arith.constant 32 : index
            %get3A_621 = tpu.vector_load %arg16[%get3A_619, %get3A_620] {strides = array<i32>} : memref<128x128xf32, #tpu.memory_space<vmem>>, vector<16xf32>,
            %add3A_622 = arith.addf %get3A_618, %get3A_621 : vector<16xf32>
            %get3A_623 = arith.index_cast %sub3A_588 : i32 to index
            %get3A_624 = arith.constant 32 : index
            %get3A_625 = tpu.vector_load %arg17[%get3A_623, %get3A_624] {strides = array<i32>} : memref<328x128xf32, #tpu.memory_space<vmem>>, vector<16xf32>,
            %max3A_626 = arith.maximumf %get3A_625, %add3A_622 : vector<16xf32>
            %swap3A_627 = arith.index_cast %sub3A_588 : i32 to index
            %swap3A_628 = arith.constant 32 : index
            %swap3A_629 = tpu.vector_load %arg17[%swap3A_627, %swap3A_628] {strides = array<i32>} : memref<328x128xf32, #tpu.memory_space<vmem>>, vector<16xf32>,
            tpu.vector_store %arg17[%swap3A_627, %swap3A_628], %max3A_626 {strides = array<i32>} : memref<328x128xf32, #tpu.memory_space<vmem>>, vector<16xf32>,
            %get3A_630 = arith.index_cast %while3A_550 : i32 to index
            %get3A_631 = arith.constant 48 : index
            %get3A_632 = tpu.vector_load %arg15[%get3A_630, %get3A_631] {strides = array<i32>} : memref<128x128xf32, #tpu.memory_space<vmem>>, vector<16xf32>,
            %get3A_633 = arith.index_cast %while3A_550 : i32 to index
            %get3A_634 = arith.constant 48 : index
            %get3A_635 = tpu.vector_load %arg16[%get3A_633, %get3A_634] {strides = array<i32>} : memref<128x128xf32, #tpu.memory_space<vmem>>, vector<16xf32>,
            %add3A_636 = arith.addf %get3A_632, %get3A_635 : vector<16xf32>
            %get3A_637 = arith.index_cast %sub3A_588 : i32 to index
            %get3A_638 = arith.constant 48 : index
            %get3A_639 = tpu.vector_load %arg17[%get3A_637, %get3A_638] {strides = array<i32>} : memref<328x128xf32, #tpu.memory_space<vmem>>, vector<16xf32>,
            %max3A_640 = arith.maximumf %get3A_639, %add3A_636 : vector<16xf32>
            %swap3A_641 = arith.index_cast %sub3A_588 : i32 to index
            %swap3A_642 = arith.constant 48 : index
            %swap3A_643 = tpu.vector_load %arg17[%swap3A_641, %swap3A_642] {strides = array<i32>} : memref<328x128xf32, #tpu.memory_space<vmem>>, vector<16xf32>,
            tpu.vector_store %arg17[%swap3A_641, %swap3A_642], %max3A_640 {strides = array<i32>} : memref<328x128xf32, #tpu.memory_space<vmem>>, vector<16xf32>,
            %get3A_644 = arith.index_cast %while3A_550 : i32 to index
            %get3A_645 = arith.constant 64 : index
            %get3A_646 = tpu.vector_load %arg15[%get3A_644, %get3A_645] {strides = array<i32>} : memref<128x128xf32, #tpu.memory_space<vmem>>, vector<16xf32>,
            %get3A_647 = arith.index_cast %while3A_550 : i32 to index
            %get3A_648 = arith.constant 64 : index
            %get3A_649 = tpu.vector_load %arg16[%get3A_647, %get3A_648] {strides = array<i32>} : memref<128x128xf32, #tpu.memory_space<vmem>>, vector<16xf32>,
            %add3A_650 = arith.addf %get3A_646, %get3A_649 : vector<16xf32>
            %get3A_651 = arith.index_cast %sub3A_588 : i32 to index
            %get3A_652 = arith.constant 64 : index
            %get3A_653 = tpu.vector_load %arg17[%get3A_651, %get3A_652] {strides = array<i32>} : memref<328x128xf32, #tpu.memory_space<vmem>>, vector<16xf32>,
            %max3A_654 = arith.maximumf %get3A_653, %add3A_650 : vector<16xf32>
            %swap3A_655 = arith.index_cast %sub3A_588 : i32 to index
            %swap3A_656 = arith.constant 64 : index
            %swap3A_657 = tpu.vector_load %arg17[%swap3A_655, %swap3A_656] {strides = array<i32>} : memref<328x128xf32, #tpu.memory_space<vmem>>, vector<16xf32>,
            tpu.vector_store %arg17[%swap3A_655, %swap3A_656], %max3A_654 {strides = array<i32>} : memref<328x128xf32, #tpu.memory_space<vmem>>, vector<16xf32>,
            %get3A_658 = arith.index_cast %while3A_550 : i32 to index
            %get3A_659 = arith.constant 80 : index
            %get3A_660 = tpu.vector_load %arg15[%get3A_658, %get3A_659] {strides = array<i32>} : memref<128x128xf32, #tpu.memory_space<vmem>>, vector<16xf32>,
            %get3A_661 = arith.index_cast %while3A_550 : i32 to index
            %get3A_662 = arith.constant 80 : index
            %get3A_663 = tpu.vector_load %arg16[%get3A_661, %get3A_662] {strides = array<i32>} : memref<128x128xf32, #tpu.memory_space<vmem>>, vector<16xf32>,
            %add3A_664 = arith.addf %get3A_660, %get3A_663 : vector<16xf32>
            %get3A_665 = arith.index_cast %sub3A_588 : i32 to index
            %get3A_666 = arith.constant 80 : index
            %get3A_667 = tpu.vector_load %arg17[%get3A_665, %get3A_666] {strides = array<i32>} : memref<328x128xf32, #tpu.memory_space<vmem>>, vector<16xf32>,
            %max3A_668 = arith.maximumf %get3A_667, %add3A_664 : vector<16xf32>
            %swap3A_669 = arith.index_cast %sub3A_588 : i32 to index
            %swap3A_670 = arith.constant 80 : index
            %swap3A_671 = tpu.vector_load %arg17[%swap3A_669, %swap3A_670] {strides = array<i32>} : memref<328x128xf32, #tpu.memory_space<vmem>>, vector<16xf32>,
            tpu.vector_store %arg17[%swap3A_669, %swap3A_670], %max3A_668 {strides = array<i32>} : memref<328x128xf32, #tpu.memory_space<vmem>>, vector<16xf32>,
            %get3A_672 = arith.index_cast %while3A_550 : i32 to index
            %get3A_673 = arith.constant 96 : index
            %get3A_674 = tpu.vector_load %arg15[%get3A_672, %get3A_673] {strides = array<i32>} : memref<128x128xf32, #tpu.memory_space<vmem>>, vector<16xf32>,
            %get3A_675 = arith.index_cast %while3A_550 : i32 to index
            %get3A_676 = arith.constant 96 : index
            %get3A_677 = tpu.vector_load %arg16[%get3A_675, %get3A_676] {strides = array<i32>} : memref<128x128xf32, #tpu.memory_space<vmem>>, vector<16xf32>,
            %add3A_678 = arith.addf %get3A_674, %get3A_677 : vector<16xf32>
            %get3A_679 = arith.index_cast %sub3A_588 : i32 to index
            %get3A_680 = arith.constant 96 : index
            %get3A_681 = tpu.vector_load %arg17[%get3A_679, %get3A_680] {strides = array<i32>} : memref<328x128xf32, #tpu.memory_space<vmem>>, vector<16xf32>,
            %max3A_682 = arith.maximumf %get3A_681, %add3A_678 : vector<16xf32>
            %swap3A_683 = arith.index_cast %sub3A_588 : i32 to index
            %swap3A_684 = arith.constant 96 : index
            %swap3A_685 = tpu.vector_load %arg17[%swap3A_683, %swap3A_684] {strides = array<i32>} : memref<328x128xf32, #tpu.memory_space<vmem>>, vector<16xf32>,
            tpu.vector_store %arg17[%swap3A_683, %swap3A_684], %max3A_682 {strides = array<i32>} : memref<328x128xf32, #tpu.memory_space<vmem>>, vector<16xf32>,
            %get3A_686 = arith.index_cast %while3A_550 : i32 to index
            %get3A_687 = arith.constant 112 : index
            %get3A_688 = tpu.vector_load %arg15[%get3A_686, %get3A_687] {strides = array<i32>} : memref<128x128xf32, #tpu.memory_space<vmem>>, vector<16xf32>,
            %get3A_689 = arith.index_cast %while3A_550 : i32 to index
            %get3A_690 = arith.constant 112 : index
            %get3A_691 = tpu.vector_load %arg16[%get3A_689, %get3A_690] {strides = array<i32>} : memref<128x128xf32, #tpu.memory_space<vmem>>, vector<16xf32>,
            %add3A_692 = arith.addf %get3A_688, %get3A_691 : vector<16xf32>
            %get3A_693 = arith.index_cast %sub3A_588 : i32 to index
            %get3A_694 = arith.constant 112 : index
            %get3A_695 = tpu.vector_load %arg17[%get3A_693, %get3A_694] {strides = array<i32>} : memref<328x128xf32, #tpu.memory_space<vmem>>, vector<16xf32>,
            %max3A_696 = arith.maximumf %get3A_695, %add3A_692 : vector<16xf32>
            %swap3A_697 = arith.index_cast %sub3A_588 : i32 to index
            %swap3A_698 = arith.constant 112 : index
            %swap3A_699 = tpu.vector_load %arg17[%swap3A_697, %swap3A_698] {strides = array<i32>} : memref<328x128xf32, #tpu.memory_space<vmem>>, vector<16xf32>,
            tpu.vector_store %arg17[%swap3A_697, %swap3A_698], %max3A_696 {strides = array<i32>} : memref<328x128xf32, #tpu.memory_space<vmem>>, vector<16xf32>,
          }
        }
        %while3A_401 = arith.constant 1 : i32
        scf.for %while3A_402 = %while3A_399 to %while3A_395 step %while3A_401  : i32 {
          %add3A_403 = arith.constant 1 : i32
          %add3A_404 = arith.addi %while3A_402, %add3A_403 : i32
          %mul3A_405 = arith.constant 128 : i32
          %mul3A_406 = arith.muli %add3A_404, %mul3A_405 : i32
          %add3A_407 = arith.constant 0 : i32
          %add3A_408 = arith.addi %mul3A_406, %add3A_407 : i32
          %get3A_409 = arith.index_cast %add3A_408 : i32 to index
          %get3A_410 = tpu.vector_load %arg10[%get3A_409] {strides = array<i32>} : memref<4128xi32, #tpu.memory_space<vmem>>, vector<16xi32>,
          %swap3A_411 = arith.constant 0 : index
          %swap3A_412 = tpu.vector_load %arg12[%swap3A_411] {strides = array<i32>} : memref<128xi32, #tpu.memory_space<vmem>>, vector<16xi32>,
          tpu.vector_store %arg12[%swap3A_411], %get3A_410 {strides = array<i32>} : memref<128xi32, #tpu.memory_space<vmem>>, vector<16xi32>,
          %get3A_413 = arith.index_cast %add3A_408 : i32 to index
          %get3A_414 = tpu.vector_load %arg11[%get3A_413] {strides = array<i32>} : memref<4128xi32, #tpu.memory_space<vmem>>, vector<16xi32>,
          %swap3A_415 = arith.constant 0 : index
          %swap3A_416 = tpu.vector_load %arg13[%swap3A_415] {strides = array<i32>} : memref<128xi32, #tpu.memory_space<vmem>>, vector<16xi32>,
          tpu.vector_store %arg13[%swap3A_415], %get3A_414 {strides = array<i32>} : memref<128xi32, #tpu.memory_space<vmem>>, vector<16xi32>,
          %get3A_417 = arith.index_cast %add3A_408 : i32 to index
          %get3A_418 = tpu.vector_load %arg9[%get3A_417] {strides = array<i32>} : memref<4128xi32, #tpu.memory_space<vmem>>, vector<16xi32>,
          %swap3A_419 = arith.constant 0 : index
          %swap3A_420 = tpu.vector_load %arg14[%swap3A_419] {strides = array<i32>} : memref<128xi32, #tpu.memory_space<vmem>>, vector<16xi32>,
          tpu.vector_store %arg14[%swap3A_419], %get3A_418 {strides = array<i32>} : memref<128xi32, #tpu.memory_space<vmem>>, vector<16xi32>,
          %add3A_421 = arith.constant 16 : i32
          %add3A_422 = arith.addi %mul3A_406, %add3A_421 : i32
          %get3A_423 = arith.index_cast %add3A_422 : i32 to index
          %get3A_424 = tpu.vector_load %arg10[%get3A_423] {strides = array<i32>} : memref<4128xi32, #tpu.memory_space<vmem>>, vector<16xi32>,
          %swap3A_425 = arith.constant 16 : index
          %swap3A_426 = tpu.vector_load %arg12[%swap3A_425] {strides = array<i32>} : memref<128xi32, #tpu.memory_space<vmem>>, vector<16xi32>,
          tpu.vector_store %arg12[%swap3A_425], %get3A_424 {strides = array<i32>} : memref<128xi32, #tpu.memory_space<vmem>>, vector<16xi32>,
          %get3A_427 = arith.index_cast %add3A_422 : i32 to index
          %get3A_428 = tpu.vector_load %arg11[%get3A_427] {strides = array<i32>} : memref<4128xi32, #tpu.memory_space<vmem>>, vector<16xi32>,
          %swap3A_429 = arith.constant 16 : index
          %swap3A_430 = tpu.vector_load %arg13[%swap3A_429] {strides = array<i32>} : memref<128xi32, #tpu.memory_space<vmem>>, vector<16xi32>,
          tpu.vector_store %arg13[%swap3A_429], %get3A_428 {strides = array<i32>} : memref<128xi32, #tpu.memory_space<vmem>>, vector<16xi32>,
          %get3A_431 = arith.index_cast %add3A_422 : i32 to index
          %get3A_432 = tpu.vector_load %arg9[%get3A_431] {strides = array<i32>} : memref<4128xi32, #tpu.memory_space<vmem>>, vector<16xi32>,
          %swap3A_433 = arith.constant 16 : index
          %swap3A_434 = tpu.vector_load %arg14[%swap3A_433] {strides = array<i32>} : memref<128xi32, #tpu.memory_space<vmem>>, vector<16xi32>,
          tpu.vector_store %arg14[%swap3A_433], %get3A_432 {strides = array<i32>} : memref<128xi32, #tpu.memory_space<vmem>>, vector<16xi32>,
          %add3A_435 = arith.constant 32 : i32
          %add3A_436 = arith.addi %mul3A_406, %add3A_435 : i32
          %get3A_437 = arith.index_cast %add3A_436 : i32 to index
          %get3A_438 = tpu.vector_load %arg10[%get3A_437] {strides = array<i32>} : memref<4128xi32, #tpu.memory_space<vmem>>, vector<16xi32>,
          %swap3A_439 = arith.constant 32 : index
          %swap3A_440 = tpu.vector_load %arg12[%swap3A_439] {strides = array<i32>} : memref<128xi32, #tpu.memory_space<vmem>>, vector<16xi32>,
          tpu.vector_store %arg12[%swap3A_439], %get3A_438 {strides = array<i32>} : memref<128xi32, #tpu.memory_space<vmem>>, vector<16xi32>,
          %get3A_441 = arith.index_cast %add3A_436 : i32 to index
          %get3A_442 = tpu.vector_load %arg11[%get3A_441] {strides = array<i32>} : memref<4128xi32, #tpu.memory_space<vmem>>, vector<16xi32>,
          %swap3A_443 = arith.constant 32 : index
          %swap3A_444 = tpu.vector_load %arg13[%swap3A_443] {strides = array<i32>} : memref<128xi32, #tpu.memory_space<vmem>>, vector<16xi32>,
          tpu.vector_store %arg13[%swap3A_443], %get3A_442 {strides = array<i32>} : memref<128xi32, #tpu.memory_space<vmem>>, vector<16xi32>,
          %get3A_445 = arith.index_cast %add3A_436 : i32 to index
          %get3A_446 = tpu.vector_load %arg9[%get3A_445] {strides = array<i32>} : memref<4128xi32, #tpu.memory_space<vmem>>, vector<16xi32>,
          %swap3A_447 = arith.constant 32 : index
          %swap3A_448 = tpu.vector_load %arg14[%swap3A_447] {strides = array<i32>} : memref<128xi32, #tpu.memory_space<vmem>>, vector<16xi32>,
          tpu.vector_store %arg14[%swap3A_447], %get3A_446 {strides = array<i32>} : memref<128xi32, #tpu.memory_space<vmem>>, vector<16xi32>,
          %add3A_449 = arith.constant 48 : i32
          %add3A_450 = arith.addi %mul3A_406, %add3A_449 : i32
          %get3A_451 = arith.index_cast %add3A_450 : i32 to index
          %get3A_452 = tpu.vector_load %arg10[%get3A_451] {strides = array<i32>} : memref<4128xi32, #tpu.memory_space<vmem>>, vector<16xi32>,
          %swap3A_453 = arith.constant 48 : index
          %swap3A_454 = tpu.vector_load %arg12[%swap3A_453] {strides = array<i32>} : memref<128xi32, #tpu.memory_space<vmem>>, vector<16xi32>,
          tpu.vector_store %arg12[%swap3A_453], %get3A_452 {strides = array<i32>} : memref<128xi32, #tpu.memory_space<vmem>>, vector<16xi32>,
          %get3A_455 = arith.index_cast %add3A_450 : i32 to index
          %get3A_456 = tpu.vector_load %arg11[%get3A_455] {strides = array<i32>} : memref<4128xi32, #tpu.memory_space<vmem>>, vector<16xi32>,
          %swap3A_457 = arith.constant 48 : index
          %swap3A_458 = tpu.vector_load %arg13[%swap3A_457] {strides = array<i32>} : memref<128xi32, #tpu.memory_space<vmem>>, vector<16xi32>,
          tpu.vector_store %arg13[%swap3A_457], %get3A_456 {strides = array<i32>} : memref<128xi32, #tpu.memory_space<vmem>>, vector<16xi32>,
          %get3A_459 = arith.index_cast %add3A_450 : i32 to index
          %get3A_460 = tpu.vector_load %arg9[%get3A_459] {strides = array<i32>} : memref<4128xi32, #tpu.memory_space<vmem>>, vector<16xi32>,
          %swap3A_461 = arith.constant 48 : index
          %swap3A_462 = tpu.vector_load %arg14[%swap3A_461] {strides = array<i32>} : memref<128xi32, #tpu.memory_space<vmem>>, vector<16xi32>,
          tpu.vector_store %arg14[%swap3A_461], %get3A_460 {strides = array<i32>} : memref<128xi32, #tpu.memory_space<vmem>>, vector<16xi32>,
          %add3A_463 = arith.constant 64 : i32
          %add3A_464 = arith.addi %mul3A_406, %add3A_463 : i32
          %get3A_465 = arith.index_cast %add3A_464 : i32 to index
          %get3A_466 = tpu.vector_load %arg10[%get3A_465] {strides = array<i32>} : memref<4128xi32, #tpu.memory_space<vmem>>, vector<16xi32>,
          %swap3A_467 = arith.constant 64 : index
          %swap3A_468 = tpu.vector_load %arg12[%swap3A_467] {strides = array<i32>} : memref<128xi32, #tpu.memory_space<vmem>>, vector<16xi32>,
          tpu.vector_store %arg12[%swap3A_467], %get3A_466 {strides = array<i32>} : memref<128xi32, #tpu.memory_space<vmem>>, vector<16xi32>,
          %get3A_469 = arith.index_cast %add3A_464 : i32 to index
          %get3A_470 = tpu.vector_load %arg11[%get3A_469] {strides = array<i32>} : memref<4128xi32, #tpu.memory_space<vmem>>, vector<16xi32>,
          %swap3A_471 = arith.constant 64 : index
          %swap3A_472 = tpu.vector_load %arg13[%swap3A_471] {strides = array<i32>} : memref<128xi32, #tpu.memory_space<vmem>>, vector<16xi32>,
          tpu.vector_store %arg13[%swap3A_471], %get3A_470 {strides = array<i32>} : memref<128xi32, #tpu.memory_space<vmem>>, vector<16xi32>,
          %get3A_473 = arith.index_cast %add3A_464 : i32 to index
          %get3A_474 = tpu.vector_load %arg9[%get3A_473] {strides = array<i32>} : memref<4128xi32, #tpu.memory_space<vmem>>, vector<16xi32>,
          %swap3A_475 = arith.constant 64 : index
          %swap3A_476 = tpu.vector_load %arg14[%swap3A_475] {strides = array<i32>} : memref<128xi32, #tpu.memory_space<vmem>>, vector<16xi32>,
          tpu.vector_store %arg14[%swap3A_475], %get3A_474 {strides = array<i32>} : memref<128xi32, #tpu.memory_space<vmem>>, vector<16xi32>,
          %add3A_477 = arith.constant 80 : i32
          %add3A_478 = arith.addi %mul3A_406, %add3A_477 : i32
          %get3A_479 = arith.index_cast %add3A_478 : i32 to index
          %get3A_480 = tpu.vector_load %arg10[%get3A_479] {strides = array<i32>} : memref<4128xi32, #tpu.memory_space<vmem>>, vector<16xi32>,
          %swap3A_481 = arith.constant 80 : index
          %swap3A_482 = tpu.vector_load %arg12[%swap3A_481] {strides = array<i32>} : memref<128xi32, #tpu.memory_space<vmem>>, vector<16xi32>,
          tpu.vector_store %arg12[%swap3A_481], %get3A_480 {strides = array<i32>} : memref<128xi32, #tpu.memory_space<vmem>>, vector<16xi32>,
          %get3A_483 = arith.index_cast %add3A_478 : i32 to index
          %get3A_484 = tpu.vector_load %arg11[%get3A_483] {strides = array<i32>} : memref<4128xi32, #tpu.memory_space<vmem>>, vector<16xi32>,
          %swap3A_485 = arith.constant 80 : index
          %swap3A_486 = tpu.vector_load %arg13[%swap3A_485] {strides = array<i32>} : memref<128xi32, #tpu.memory_space<vmem>>, vector<16xi32>,
          tpu.vector_store %arg13[%swap3A_485], %get3A_484 {strides = array<i32>} : memref<128xi32, #tpu.memory_space<vmem>>, vector<16xi32>,
          %get3A_487 = arith.index_cast %add3A_478 : i32 to index
          %get3A_488 = tpu.vector_load %arg9[%get3A_487] {strides = array<i32>} : memref<4128xi32, #tpu.memory_space<vmem>>, vector<16xi32>,
          %swap3A_489 = arith.constant 80 : index
          %swap3A_490 = tpu.vector_load %arg14[%swap3A_489] {strides = array<i32>} : memref<128xi32, #tpu.memory_space<vmem>>, vector<16xi32>,
          tpu.vector_store %arg14[%swap3A_489], %get3A_488 {strides = array<i32>} : memref<128xi32, #tpu.memory_space<vmem>>, vector<16xi32>,
          %add3A_491 = arith.constant 96 : i32
          %add3A_492 = arith.addi %mul3A_406, %add3A_491 : i32
          %get3A_493 = arith.index_cast %add3A_492 : i32 to index
          %get3A_494 = tpu.vector_load %arg10[%get3A_493] {strides = array<i32>} : memref<4128xi32, #tpu.memory_space<vmem>>, vector<16xi32>,
          %swap3A_495 = arith.constant 96 : index
          %swap3A_496 = tpu.vector_load %arg12[%swap3A_495] {strides = array<i32>} : memref<128xi32, #tpu.memory_space<vmem>>, vector<16xi32>,
          tpu.vector_store %arg12[%swap3A_495], %get3A_494 {strides = array<i32>} : memref<128xi32, #tpu.memory_space<vmem>>, vector<16xi32>,
          %get3A_497 = arith.index_cast %add3A_492 : i32 to index
          %get3A_498 = tpu.vector_load %arg11[%get3A_497] {strides = array<i32>} : memref<4128xi32, #tpu.memory_space<vmem>>, vector<16xi32>,
          %swap3A_499 = arith.constant 96 : index
          %swap3A_500 = tpu.vector_load %arg13[%swap3A_499] {strides = array<i32>} : memref<128xi32, #tpu.memory_space<vmem>>, vector<16xi32>,
          tpu.vector_store %arg13[%swap3A_499], %get3A_498 {strides = array<i32>} : memref<128xi32, #tpu.memory_space<vmem>>, vector<16xi32>,
          %get3A_501 = arith.index_cast %add3A_492 : i32 to index
          %get3A_502 = tpu.vector_load %arg9[%get3A_501] {strides = array<i32>} : memref<4128xi32, #tpu.memory_space<vmem>>, vector<16xi32>,
          %swap3A_503 = arith.constant 96 : index
          %swap3A_504 = tpu.vector_load %arg14[%swap3A_503] {strides = array<i32>} : memref<128xi32, #tpu.memory_space<vmem>>, vector<16xi32>,
          tpu.vector_store %arg14[%swap3A_503], %get3A_502 {strides = array<i32>} : memref<128xi32, #tpu.memory_space<vmem>>, vector<16xi32>,
          %add3A_505 = arith.constant 112 : i32
          %add3A_506 = arith.addi %mul3A_406, %add3A_505 : i32
          %get3A_507 = arith.index_cast %add3A_506 : i32 to index
          %get3A_508 = tpu.vector_load %arg10[%get3A_507] {strides = array<i32>} : memref<4128xi32, #tpu.memory_space<vmem>>, vector<16xi32>,
          %swap3A_509 = arith.constant 112 : index
          %swap3A_510 = tpu.vector_load %arg12[%swap3A_509] {strides = array<i32>} : memref<128xi32, #tpu.memory_space<vmem>>, vector<16xi32>,
          tpu.vector_store %arg12[%swap3A_509], %get3A_508 {strides = array<i32>} : memref<128xi32, #tpu.memory_space<vmem>>, vector<16xi32>,
          %get3A_511 = arith.index_cast %add3A_506 : i32 to index
          %get3A_512 = tpu.vector_load %arg11[%get3A_511] {strides = array<i32>} : memref<4128xi32, #tpu.memory_space<vmem>>, vector<16xi32>,
          %swap3A_513 = arith.constant 112 : index
          %swap3A_514 = tpu.vector_load %arg13[%swap3A_513] {strides = array<i32>} : memref<128xi32, #tpu.memory_space<vmem>>, vector<16xi32>,
          tpu.vector_store %arg13[%swap3A_513], %get3A_512 {strides = array<i32>} : memref<128xi32, #tpu.memory_space<vmem>>, vector<16xi32>,
          %get3A_515 = arith.index_cast %add3A_506 : i32 to index
          %get3A_516 = tpu.vector_load %arg9[%get3A_515] {strides = array<i32>} : memref<4128xi32, #tpu.memory_space<vmem>>, vector<16xi32>,
          %swap3A_517 = arith.constant 112 : index
          %swap3A_518 = tpu.vector_load %arg14[%swap3A_517] {strides = array<i32>} : memref<128xi32, #tpu.memory_space<vmem>>, vector<16xi32>,
          tpu.vector_store %arg14[%swap3A_517], %get3A_516 {strides = array<i32>} : memref<128xi32, #tpu.memory_space<vmem>>, vector<16xi32>,
          %dma_start3A_519 = arith.constant 0 : i32
          %dma_start3A_520 = arith.constant 0 : i32
          %dma_start3A_521 = tpu.memref_slice %arg4[%dma_start3A_519, %dma_start3A_520] : memref<10000x128xf32, #tpu.memory_space<hbm>> -> memref<10000x128xf32, #tpu.memory_space<hbm>>
          tpu.enqueue_indirect_dma source(%dma_start3A_521 : memref<10000x128xf32, #tpu.memory_space<hbm>>) target(%arg15 : memref<128x128xf32, #tpu.memory_space<vmem>>) offsets(%arg12 : memref<128xi32, #tpu.memory_space<vmem>>) semaphore(%arg19 : memref<!tpu.dma_semaphore, #tpu.memory_space<semaphore_mem>>)
          %dma_start3A_522 = arith.constant 0 : i32
          %dma_start3A_523 = arith.constant 0 : i32
          %dma_start3A_524 = tpu.memref_slice %arg5[%dma_start3A_522, %dma_start3A_523] : memref<320000x128xf32, #tpu.memory_space<hbm>> -> memref<320000x128xf32, #tpu.memory_space<hbm>>
          tpu.enqueue_indirect_dma source(%dma_start3A_524 : memref<320000x128xf32, #tpu.memory_space<hbm>>) target(%arg16 : memref<128x128xf32, #tpu.memory_space<vmem>>) offsets(%arg14 : memref<128xi32, #tpu.memory_space<vmem>>) semaphore(%arg19 : memref<!tpu.dma_semaphore, #tpu.memory_space<semaphore_mem>>)
          %dma_wait3A_525 = arith.constant 0 : i32
          %dma_wait3A_526 = arith.constant 0 : i32
          %dma_wait3A_527 = tpu.memref_slice %arg4[%dma_wait3A_525, %dma_wait3A_526] : memref<10000x128xf32, #tpu.memory_space<hbm>> -> memref<128x128xf32, #tpu.memory_space<hbm>>
          %dma_wait3A_528 = arith.constant 0 : i32
          %dma_wait3A_529 = arith.constant 0 : i32
          %dma_wait3A_530 = tpu.memref_slice %arg4[%dma_wait3A_528, %dma_wait3A_529] : memref<10000x128xf32, #tpu.memory_space<hbm>> -> memref<128x128xf32, #tpu.memory_space<hbm>>
          tpu.wait_dma2 semaphore(%arg19 : memref<!tpu.dma_semaphore, #tpu.memory_space<semaphore_mem>>) src(%dma_wait3A_530 : memref<128x128xf32, #tpu.memory_space<hbm>>) dst(%arg15 : memref<128x128xf32, #tpu.memory_space<vmem>>)
          %dma_wait3A_531 = arith.constant 0 : i32
          %dma_wait3A_532 = arith.constant 0 : i32
          %dma_wait3A_533 = tpu.memref_slice %arg4[%dma_wait3A_531, %dma_wait3A_532] : memref<10000x128xf32, #tpu.memory_space<hbm>> -> memref<128x128xf32, #tpu.memory_space<hbm>>
          %dma_wait3A_534 = arith.constant 0 : i32
          %dma_wait3A_535 = arith.constant 0 : i32
          %dma_wait3A_536 = tpu.memref_slice %arg4[%dma_wait3A_534, %dma_wait3A_535] : memref<10000x128xf32, #tpu.memory_space<hbm>> -> memref<128x128xf32, #tpu.memory_space<hbm>>
          tpu.wait_dma2 semaphore(%arg19 : memref<!tpu.dma_semaphore, #tpu.memory_space<semaphore_mem>>) src(%dma_wait3A_536 : memref<128x128xf32, #tpu.memory_space<hbm>>) dst(%arg16 : memref<128x128xf32, #tpu.memory_space<vmem>>)
          %sub3A_537 = arith.subi %scan3A_208, %mul3A_406 : i32
          %min3A_538 = arith.constant 128 : i32
          %min3A_539 = arith.minsi %sub3A_537, %min3A_538 : i32
          %while3A_540 = arith.constant 0 : i32
          %while3A_541 = arith.constant 0 : i32
          %while3A_542 = arith.subi %min3A_539, %while3A_541 : i32
          %while3A_543 = arith.addi %while3A_541, %while3A_542 : i32
          %while3A_544 = arith.constant 1 : i32
          %while3A_545 = arith.divsi %while3A_542, %while3A_544 : i32
          %while3A_546 = arith.muli %while3A_545, %while3A_544 : i32
          %while3A_547 = arith.addi %while3A_541, %while3A_546 : i32
          %while3A_548 = arith.constant 1 : i32
          scf.for %while3A_550 = %while3A_541 to %while3A_547 step %while3A_548  : i32 {
            %jit3A_551 = arith.constant 16 : i32
            %div3A_552 = arith.divsi %while3A_550, %jit3A_551 : i32
            %sign3A_553 = arith.constant 0 : i32
            %sign3A_554 = arith.cmpi sgt, %while3A_550, %sign3A_553 : i32
            %sign3A_555 = arith.extui %sign3A_554 : i1 to i32
            %sign3A_556 = arith.constant 0 : i32
            %sign3A_557 = arith.cmpi slt, %while3A_550, %sign3A_556 : i32
            %sign3A_558 = arith.extui %sign3A_557 : i1 to i32
            %sign3A_559 = arith.subi %sign3A_555, %sign3A_558 : i32
            %sign3A_560 = arith.constant 0 : i32
            %sign3A_561 = arith.cmpi sgt, %jit3A_551, %sign3A_560 : i32
            %sign3A_562 = arith.extui %sign3A_561 : i1 to i32
            %sign3A_563 = arith.constant 0 : i32
            %sign3A_564 = arith.cmpi slt, %jit3A_551, %sign3A_563 : i32
            %sign3A_565 = arith.extui %sign3A_564 : i1 to i32
            %sign3A_566 = arith.subi %sign3A_562, %sign3A_565 : i32
            %ne3A_567 = arith.cmpi ne, %sign3A_559, %sign3A_566 : i32
            %rem3A_568 = arith.remsi %while3A_550, %jit3A_551 : i32
            %ne3A_569 = arith.constant 0 : i32
            %ne3A_570 = arith.cmpi ne, %rem3A_568, %ne3A_569 : i32
            %and3A_571 = arith.andi %ne3A_567, %ne3A_570 : i1
            %sub3A_572 = arith.constant 1 : i32
            %sub3A_573 = arith.subi %div3A_552, %sub3A_572 : i32
            %select_n3A_574 = arith.select %and3A_571, %sub3A_573, %div3A_552 : i32
            %mul3A_575 = arith.constant 16 : i32
            %mul3A_576 = arith.muli %select_n3A_574, %mul3A_575 : i32
            %get3A_577 = arith.index_cast %mul3A_576 : i32 to index
            %get3A_578 = tpu.vector_load %arg13[%get3A_577] {strides = array<i32>} : memref<128xi32, #tpu.memory_space<vmem>>, vector<16xi32>,
            %sub3A_579 = arith.subi %while3A_550, %mul3A_576 : i32
            %eq3A_580 = vector.broadcast %sub3A_579 : i32 to vector<16xi32>
            %eq3A_581 = arith.cmpi eq, %iota3A, %eq3A_580 : vector<16xi32>
            %jit3A_582 = arith.constant 0 : i32
            %broadcast_in_dim3A_583 = vector.broadcast %jit3A_582 : i32 to vector<16xi32>
            %select_n3A_584 = arith.select %eq3A_581, %get3A_578, %broadcast_in_dim3A_583 : vector<16xi1>, vector<16xi32>
            %reduce_sum3A = arith.constant true
            %reduce_sum3A_585 = vector.broadcast %reduce_sum3A : i1 to vector<16xi1>
            %reduce_sum3A_586 = tpu.scan <sum>, %select_n3A_584 masked %reduce_sum3A_585 : vector<16xi32>, vector<16xi1> -> vector<16xi32>
            %reduce_sum3A_587 = vector.extract %reduce_sum3A_586[15] : i32 from vector<16xi32>
            %sub3A_588 = arith.subi %reduce_sum3A_587, %mul3A_2 : i32
            %get3A_589 = arith.index_cast %while3A_550 : i32 to index
            %get3A_590 = arith.constant 0 : index
            %get3A_591 = tpu.vector_load %arg15[%get3A_589, %get3A_590] {strides = array<i32>} : memref<128x128xf32, #tpu.memory_space<vmem>>, vector<16xf32>,
            %get3A_592 = arith.index_cast %while3A_550 : i32 to index
            %get3A_593 = arith.constant 0 : index
            %get3A_594 = tpu.vector_load %arg16[%get3A_592, %get3A_593] {strides = array<i32>} : memref<128x128xf32, #tpu.memory_space<vmem>>, vector<16xf32>,
            %add3A_595 = arith.addf %get3A_591, %get3A_594 : vector<16xf32>
            %get3A_596 = arith.index_cast %sub3A_588 : i32 to index
            %get3A_597 = arith.constant 0 : index
            %get3A_598 = tpu.vector_load %arg17[%get3A_596, %get3A_597] {strides = array<i32>} : memref<328x128xf32, #tpu.memory_space<vmem>>, vector<16xf32>,
            %max3A = arith.maximumf %get3A_598, %add3A_595 : vector<16xf32>
            %swap3A_599 = arith.index_cast %sub3A_588 : i32 to index
            %swap3A_600 = arith.constant 0 : index
            %swap3A_601 = tpu.vector_load %arg17[%swap3A_599, %swap3A_600] {strides = array<i32>} : memref<328x128xf32, #tpu.memory_space<vmem>>, vector<16xf32>,
            tpu.vector_store %arg17[%swap3A_599, %swap3A_600], %max3A {strides = array<i32>} : memref<328x128xf32, #tpu.memory_space<vmem>>, vector<16xf32>,
            %get3A_602 = arith.index_cast %while3A_550 : i32 to index
            %get3A_603 = arith.constant 16 : index
            %get3A_604 = tpu.vector_load %arg15[%get3A_602, %get3A_603] {strides = array<i32>} : memref<128x128xf32, #tpu.memory_space<vmem>>, vector<16xf32>,
            %get3A_605 = arith.index_cast %while3A_550 : i32 to index
            %get3A_606 = arith.constant 16 : index
            %get3A_607 = tpu.vector_load %arg16[%get3A_605, %get3A_606] {strides = array<i32>} : memref<128x128xf32, #tpu.memory_space<vmem>>, vector<16xf32>,
            %add3A_608 = arith.addf %get3A_604, %get3A_607 : vector<16xf32>
            %get3A_609 = arith.index_cast %sub3A_588 : i32 to index
            %get3A_610 = arith.constant 16 : index
            %get3A_611 = tpu.vector_load %arg17[%get3A_609, %get3A_610] {strides = array<i32>} : memref<328x128xf32, #tpu.memory_space<vmem>>, vector<16xf32>,
            %max3A_612 = arith.maximumf %get3A_611, %add3A_608 : vector<16xf32>
            %swap3A_613 = arith.index_cast %sub3A_588 : i32 to index
            %swap3A_614 = arith.constant 16 : index
            %swap3A_615 = tpu.vector_load %arg17[%swap3A_613, %swap3A_614] {strides = array<i32>} : memref<328x128xf32, #tpu.memory_space<vmem>>, vector<16xf32>,
            tpu.vector_store %arg17[%swap3A_613, %swap3A_614], %max3A_612 {strides = array<i32>} : memref<328x128xf32, #tpu.memory_space<vmem>>, vector<16xf32>,
            %get3A_616 = arith.index_cast %while3A_550 : i32 to index
            %get3A_617 = arith.constant 32 : index
            %get3A_618 = tpu.vector_load %arg15[%get3A_616, %get3A_617] {strides = array<i32>} : memref<128x128xf32, #tpu.memory_space<vmem>>, vector<16xf32>,
            %get3A_619 = arith.index_cast %while3A_550 : i32 to index
            %get3A_620 = arith.constant 32 : index
            %get3A_621 = tpu.vector_load %arg16[%get3A_619, %get3A_620] {strides = array<i32>} : memref<128x128xf32, #tpu.memory_space<vmem>>, vector<16xf32>,
            %add3A_622 = arith.addf %get3A_618, %get3A_621 : vector<16xf32>
            %get3A_623 = arith.index_cast %sub3A_588 : i32 to index
            %get3A_624 = arith.constant 32 : index
            %get3A_625 = tpu.vector_load %arg17[%get3A_623, %get3A_624] {strides = array<i32>} : memref<328x128xf32, #tpu.memory_space<vmem>>, vector<16xf32>,
            %max3A_626 = arith.maximumf %get3A_625, %add3A_622 : vector<16xf32>
            %swap3A_627 = arith.index_cast %sub3A_588 : i32 to index
            %swap3A_628 = arith.constant 32 : index
            %swap3A_629 = tpu.vector_load %arg17[%swap3A_627, %swap3A_628] {strides = array<i32>} : memref<328x128xf32, #tpu.memory_space<vmem>>, vector<16xf32>,
            tpu.vector_store %arg17[%swap3A_627, %swap3A_628], %max3A_626 {strides = array<i32>} : memref<328x128xf32, #tpu.memory_space<vmem>>, vector<16xf32>,
            %get3A_630 = arith.index_cast %while3A_550 : i32 to index
            %get3A_631 = arith.constant 48 : index
            %get3A_632 = tpu.vector_load %arg15[%get3A_630, %get3A_631] {strides = array<i32>} : memref<128x128xf32, #tpu.memory_space<vmem>>, vector<16xf32>,
            %get3A_633 = arith.index_cast %while3A_550 : i32 to index
            %get3A_634 = arith.constant 48 : index
            %get3A_635 = tpu.vector_load %arg16[%get3A_633, %get3A_634] {strides = array<i32>} : memref<128x128xf32, #tpu.memory_space<vmem>>, vector<16xf32>,
            %add3A_636 = arith.addf %get3A_632, %get3A_635 : vector<16xf32>
            %get3A_637 = arith.index_cast %sub3A_588 : i32 to index
            %get3A_638 = arith.constant 48 : index
            %get3A_639 = tpu.vector_load %arg17[%get3A_637, %get3A_638] {strides = array<i32>} : memref<328x128xf32, #tpu.memory_space<vmem>>, vector<16xf32>,
            %max3A_640 = arith.maximumf %get3A_639, %add3A_636 : vector<16xf32>
            %swap3A_641 = arith.index_cast %sub3A_588 : i32 to index
            %swap3A_642 = arith.constant 48 : index
            %swap3A_643 = tpu.vector_load %arg17[%swap3A_641, %swap3A_642] {strides = array<i32>} : memref<328x128xf32, #tpu.memory_space<vmem>>, vector<16xf32>,
            tpu.vector_store %arg17[%swap3A_641, %swap3A_642], %max3A_640 {strides = array<i32>} : memref<328x128xf32, #tpu.memory_space<vmem>>, vector<16xf32>,
            %get3A_644 = arith.index_cast %while3A_550 : i32 to index
            %get3A_645 = arith.constant 64 : index
            %get3A_646 = tpu.vector_load %arg15[%get3A_644, %get3A_645] {strides = array<i32>} : memref<128x128xf32, #tpu.memory_space<vmem>>, vector<16xf32>,
            %get3A_647 = arith.index_cast %while3A_550 : i32 to index
            %get3A_648 = arith.constant 64 : index
            %get3A_649 = tpu.vector_load %arg16[%get3A_647, %get3A_648] {strides = array<i32>} : memref<128x128xf32, #tpu.memory_space<vmem>>, vector<16xf32>,
            %add3A_650 = arith.addf %get3A_646, %get3A_649 : vector<16xf32>
            %get3A_651 = arith.index_cast %sub3A_588 : i32 to index
            %get3A_652 = arith.constant 64 : index
            %get3A_653 = tpu.vector_load %arg17[%get3A_651, %get3A_652] {strides = array<i32>} : memref<328x128xf32, #tpu.memory_space<vmem>>, vector<16xf32>,
            %max3A_654 = arith.maximumf %get3A_653, %add3A_650 : vector<16xf32>
            %swap3A_655 = arith.index_cast %sub3A_588 : i32 to index
            %swap3A_656 = arith.constant 64 : index
            %swap3A_657 = tpu.vector_load %arg17[%swap3A_655, %swap3A_656] {strides = array<i32>} : memref<328x128xf32, #tpu.memory_space<vmem>>, vector<16xf32>,
            tpu.vector_store %arg17[%swap3A_655, %swap3A_656], %max3A_654 {strides = array<i32>} : memref<328x128xf32, #tpu.memory_space<vmem>>, vector<16xf32>,
            %get3A_658 = arith.index_cast %while3A_550 : i32 to index
            %get3A_659 = arith.constant 80 : index
            %get3A_660 = tpu.vector_load %arg15[%get3A_658, %get3A_659] {strides = array<i32>} : memref<128x128xf32, #tpu.memory_space<vmem>>, vector<16xf32>,
            %get3A_661 = arith.index_cast %while3A_550 : i32 to index
            %get3A_662 = arith.constant 80 : index
            %get3A_663 = tpu.vector_load %arg16[%get3A_661, %get3A_662] {strides = array<i32>} : memref<128x128xf32, #tpu.memory_space<vmem>>, vector<16xf32>,
            %add3A_664 = arith.addf %get3A_660, %get3A_663 : vector<16xf32>
            %get3A_665 = arith.index_cast %sub3A_588 : i32 to index
            %get3A_666 = arith.constant 80 : index
            %get3A_667 = tpu.vector_load %arg17[%get3A_665, %get3A_666] {strides = array<i32>} : memref<328x128xf32, #tpu.memory_space<vmem>>, vector<16xf32>,
            %max3A_668 = arith.maximumf %get3A_667, %add3A_664 : vector<16xf32>
            %swap3A_669 = arith.index_cast %sub3A_588 : i32 to index
            %swap3A_670 = arith.constant 80 : index
            %swap3A_671 = tpu.vector_load %arg17[%swap3A_669, %swap3A_670] {strides = array<i32>} : memref<328x128xf32, #tpu.memory_space<vmem>>, vector<16xf32>,
            tpu.vector_store %arg17[%swap3A_669, %swap3A_670], %max3A_668 {strides = array<i32>} : memref<328x128xf32, #tpu.memory_space<vmem>>, vector<16xf32>,
            %get3A_672 = arith.index_cast %while3A_550 : i32 to index
            %get3A_673 = arith.constant 96 : index
            %get3A_674 = tpu.vector_load %arg15[%get3A_672, %get3A_673] {strides = array<i32>} : memref<128x128xf32, #tpu.memory_space<vmem>>, vector<16xf32>,
            %get3A_675 = arith.index_cast %while3A_550 : i32 to index
            %get3A_676 = arith.constant 96 : index
            %get3A_677 = tpu.vector_load %arg16[%get3A_675, %get3A_676] {strides = array<i32>} : memref<128x128xf32, #tpu.memory_space<vmem>>, vector<16xf32>,
            %add3A_678 = arith.addf %get3A_674, %get3A_677 : vector<16xf32>
            %get3A_679 = arith.index_cast %sub3A_588 : i32 to index
            %get3A_680 = arith.constant 96 : index
            %get3A_681 = tpu.vector_load %arg17[%get3A_679, %get3A_680] {strides = array<i32>} : memref<328x128xf32, #tpu.memory_space<vmem>>, vector<16xf32>,
            %max3A_682 = arith.maximumf %get3A_681, %add3A_678 : vector<16xf32>
            %swap3A_683 = arith.index_cast %sub3A_588 : i32 to index
            %swap3A_684 = arith.constant 96 : index
            %swap3A_685 = tpu.vector_load %arg17[%swap3A_683, %swap3A_684] {strides = array<i32>} : memref<328x128xf32, #tpu.memory_space<vmem>>, vector<16xf32>,
            tpu.vector_store %arg17[%swap3A_683, %swap3A_684], %max3A_682 {strides = array<i32>} : memref<328x128xf32, #tpu.memory_space<vmem>>, vector<16xf32>,
            %get3A_686 = arith.index_cast %while3A_550 : i32 to index
            %get3A_687 = arith.constant 112 : index
            %get3A_688 = tpu.vector_load %arg15[%get3A_686, %get3A_687] {strides = array<i32>} : memref<128x128xf32, #tpu.memory_space<vmem>>, vector<16xf32>,
            %get3A_689 = arith.index_cast %while3A_550 : i32 to index
            %get3A_690 = arith.constant 112 : index
            %get3A_691 = tpu.vector_load %arg16[%get3A_689, %get3A_690] {strides = array<i32>} : memref<128x128xf32, #tpu.memory_space<vmem>>, vector<16xf32>,
            %add3A_692 = arith.addf %get3A_688, %get3A_691 : vector<16xf32>
            %get3A_693 = arith.index_cast %sub3A_588 : i32 to index
            %get3A_694 = arith.constant 112 : index
            %get3A_695 = tpu.vector_load %arg17[%get3A_693, %get3A_694] {strides = array<i32>} : memref<328x128xf32, #tpu.memory_space<vmem>>, vector<16xf32>,
            %max3A_696 = arith.maximumf %get3A_695, %add3A_692 : vector<16xf32>
            %swap3A_697 = arith.index_cast %sub3A_588 : i32 to index
            %swap3A_698 = arith.constant 112 : index
            %swap3A_699 = tpu.vector_load %arg17[%swap3A_697, %swap3A_698] {strides = array<i32>} : memref<328x128xf32, #tpu.memory_space<vmem>>, vector<16xf32>,
            tpu.vector_store %arg17[%swap3A_697, %swap3A_698], %max3A_696 {strides = array<i32>} : memref<328x128xf32, #tpu.memory_space<vmem>>, vector<16xf32>,
          }
          %while3A_549 = arith.constant 1 : i32
          scf.for %while3A_550 = %while3A_547 to %while3A_543 step %while3A_549  : i32 {
            %jit3A_551 = arith.constant 16 : i32
            %div3A_552 = arith.divsi %while3A_550, %jit3A_551 : i32
            %sign3A_553 = arith.constant 0 : i32
            %sign3A_554 = arith.cmpi sgt, %while3A_550, %sign3A_553 : i32
            %sign3A_555 = arith.extui %sign3A_554 : i1 to i32
            %sign3A_556 = arith.constant 0 : i32
            %sign3A_557 = arith.cmpi slt, %while3A_550, %sign3A_556 : i32
            %sign3A_558 = arith.extui %sign3A_557 : i1 to i32
            %sign3A_559 = arith.subi %sign3A_555, %sign3A_558 : i32
            %sign3A_560 = arith.constant 0 : i32
            %sign3A_561 = arith.cmpi sgt, %jit3A_551, %sign3A_560 : i32
            %sign3A_562 = arith.extui %sign3A_561 : i1 to i32
            %sign3A_563 = arith.constant 0 : i32
            %sign3A_564 = arith.cmpi slt, %jit3A_551, %sign3A_563 : i32
            %sign3A_565 = arith.extui %sign3A_564 : i1 to i32
            %sign3A_566 = arith.subi %sign3A_562, %sign3A_565 : i32
            %ne3A_567 = arith.cmpi ne, %sign3A_559, %sign3A_566 : i32
            %rem3A_568 = arith.remsi %while3A_550, %jit3A_551 : i32
            %ne3A_569 = arith.constant 0 : i32
            %ne3A_570 = arith.cmpi ne, %rem3A_568, %ne3A_569 : i32
            %and3A_571 = arith.andi %ne3A_567, %ne3A_570 : i1
            %sub3A_572 = arith.constant 1 : i32
            %sub3A_573 = arith.subi %div3A_552, %sub3A_572 : i32
            %select_n3A_574 = arith.select %and3A_571, %sub3A_573, %div3A_552 : i32
            %mul3A_575 = arith.constant 16 : i32
            %mul3A_576 = arith.muli %select_n3A_574, %mul3A_575 : i32
            %get3A_577 = arith.index_cast %mul3A_576 : i32 to index
            %get3A_578 = tpu.vector_load %arg13[%get3A_577] {strides = array<i32>} : memref<128xi32, #tpu.memory_space<vmem>>, vector<16xi32>,
            %sub3A_579 = arith.subi %while3A_550, %mul3A_576 : i32
            %eq3A_580 = vector.broadcast %sub3A_579 : i32 to vector<16xi32>
            %eq3A_581 = arith.cmpi eq, %iota3A, %eq3A_580 : vector<16xi32>
            %jit3A_582 = arith.constant 0 : i32
            %broadcast_in_dim3A_583 = vector.broadcast %jit3A_582 : i32 to vector<16xi32>
            %select_n3A_584 = arith.select %eq3A_581, %get3A_578, %broadcast_in_dim3A_583 : vector<16xi1>, vector<16xi32>
            %reduce_sum3A = arith.constant true
            %reduce_sum3A_585 = vector.broadcast %reduce_sum3A : i1 to vector<16xi1>
            %reduce_sum3A_586 = tpu.scan <sum>, %select_n3A_584 masked %reduce_sum3A_585 : vector<16xi32>, vector<16xi1> -> vector<16xi32>
            %reduce_sum3A_587 = vector.extract %reduce_sum3A_586[15] : i32 from vector<16xi32>
            %sub3A_588 = arith.subi %reduce_sum3A_587, %mul3A_2 : i32
            %get3A_589 = arith.index_cast %while3A_550 : i32 to index
            %get3A_590 = arith.constant 0 : index
            %get3A_591 = tpu.vector_load %arg15[%get3A_589, %get3A_590] {strides = array<i32>} : memref<128x128xf32, #tpu.memory_space<vmem>>, vector<16xf32>,
            %get3A_592 = arith.index_cast %while3A_550 : i32 to index
            %get3A_593 = arith.constant 0 : index
            %get3A_594 = tpu.vector_load %arg16[%get3A_592, %get3A_593] {strides = array<i32>} : memref<128x128xf32, #tpu.memory_space<vmem>>, vector<16xf32>,
            %add3A_595 = arith.addf %get3A_591, %get3A_594 : vector<16xf32>
            %get3A_596 = arith.index_cast %sub3A_588 : i32 to index
            %get3A_597 = arith.constant 0 : index
            %get3A_598 = tpu.vector_load %arg17[%get3A_596, %get3A_597] {strides = array<i32>} : memref<328x128xf32, #tpu.memory_space<vmem>>, vector<16xf32>,
            %max3A = arith.maximumf %get3A_598, %add3A_595 : vector<16xf32>
            %swap3A_599 = arith.index_cast %sub3A_588 : i32 to index
            %swap3A_600 = arith.constant 0 : index
            %swap3A_601 = tpu.vector_load %arg17[%swap3A_599, %swap3A_600] {strides = array<i32>} : memref<328x128xf32, #tpu.memory_space<vmem>>, vector<16xf32>,
            tpu.vector_store %arg17[%swap3A_599, %swap3A_600], %max3A {strides = array<i32>} : memref<328x128xf32, #tpu.memory_space<vmem>>, vector<16xf32>,
            %get3A_602 = arith.index_cast %while3A_550 : i32 to index
            %get3A_603 = arith.constant 16 : index
            %get3A_604 = tpu.vector_load %arg15[%get3A_602, %get3A_603] {strides = array<i32>} : memref<128x128xf32, #tpu.memory_space<vmem>>, vector<16xf32>,
            %get3A_605 = arith.index_cast %while3A_550 : i32 to index
            %get3A_606 = arith.constant 16 : index
            %get3A_607 = tpu.vector_load %arg16[%get3A_605, %get3A_606] {strides = array<i32>} : memref<128x128xf32, #tpu.memory_space<vmem>>, vector<16xf32>,
            %add3A_608 = arith.addf %get3A_604, %get3A_607 : vector<16xf32>
            %get3A_609 = arith.index_cast %sub3A_588 : i32 to index
            %get3A_610 = arith.constant 16 : index
            %get3A_611 = tpu.vector_load %arg17[%get3A_609, %get3A_610] {strides = array<i32>} : memref<328x128xf32, #tpu.memory_space<vmem>>, vector<16xf32>,
            %max3A_612 = arith.maximumf %get3A_611, %add3A_608 : vector<16xf32>
            %swap3A_613 = arith.index_cast %sub3A_588 : i32 to index
            %swap3A_614 = arith.constant 16 : index
            %swap3A_615 = tpu.vector_load %arg17[%swap3A_613, %swap3A_614] {strides = array<i32>} : memref<328x128xf32, #tpu.memory_space<vmem>>, vector<16xf32>,
            tpu.vector_store %arg17[%swap3A_613, %swap3A_614], %max3A_612 {strides = array<i32>} : memref<328x128xf32, #tpu.memory_space<vmem>>, vector<16xf32>,
            %get3A_616 = arith.index_cast %while3A_550 : i32 to index
            %get3A_617 = arith.constant 32 : index
            %get3A_618 = tpu.vector_load %arg15[%get3A_616, %get3A_617] {strides = array<i32>} : memref<128x128xf32, #tpu.memory_space<vmem>>, vector<16xf32>,
            %get3A_619 = arith.index_cast %while3A_550 : i32 to index
            %get3A_620 = arith.constant 32 : index
            %get3A_621 = tpu.vector_load %arg16[%get3A_619, %get3A_620] {strides = array<i32>} : memref<128x128xf32, #tpu.memory_space<vmem>>, vector<16xf32>,
            %add3A_622 = arith.addf %get3A_618, %get3A_621 : vector<16xf32>
            %get3A_623 = arith.index_cast %sub3A_588 : i32 to index
            %get3A_624 = arith.constant 32 : index
            %get3A_625 = tpu.vector_load %arg17[%get3A_623, %get3A_624] {strides = array<i32>} : memref<328x128xf32, #tpu.memory_space<vmem>>, vector<16xf32>,
            %max3A_626 = arith.maximumf %get3A_625, %add3A_622 : vector<16xf32>
            %swap3A_627 = arith.index_cast %sub3A_588 : i32 to index
            %swap3A_628 = arith.constant 32 : index
            %swap3A_629 = tpu.vector_load %arg17[%swap3A_627, %swap3A_628] {strides = array<i32>} : memref<328x128xf32, #tpu.memory_space<vmem>>, vector<16xf32>,
            tpu.vector_store %arg17[%swap3A_627, %swap3A_628], %max3A_626 {strides = array<i32>} : memref<328x128xf32, #tpu.memory_space<vmem>>, vector<16xf32>,
            %get3A_630 = arith.index_cast %while3A_550 : i32 to index
            %get3A_631 = arith.constant 48 : index
            %get3A_632 = tpu.vector_load %arg15[%get3A_630, %get3A_631] {strides = array<i32>} : memref<128x128xf32, #tpu.memory_space<vmem>>, vector<16xf32>,
            %get3A_633 = arith.index_cast %while3A_550 : i32 to index
            %get3A_634 = arith.constant 48 : index
            %get3A_635 = tpu.vector_load %arg16[%get3A_633, %get3A_634] {strides = array<i32>} : memref<128x128xf32, #tpu.memory_space<vmem>>, vector<16xf32>,
            %add3A_636 = arith.addf %get3A_632, %get3A_635 : vector<16xf32>
            %get3A_637 = arith.index_cast %sub3A_588 : i32 to index
            %get3A_638 = arith.constant 48 : index
            %get3A_639 = tpu.vector_load %arg17[%get3A_637, %get3A_638] {strides = array<i32>} : memref<328x128xf32, #tpu.memory_space<vmem>>, vector<16xf32>,
            %max3A_640 = arith.maximumf %get3A_639, %add3A_636 : vector<16xf32>
            %swap3A_641 = arith.index_cast %sub3A_588 : i32 to index
            %swap3A_642 = arith.constant 48 : index
            %swap3A_643 = tpu.vector_load %arg17[%swap3A_641, %swap3A_642] {strides = array<i32>} : memref<328x128xf32, #tpu.memory_space<vmem>>, vector<16xf32>,
            tpu.vector_store %arg17[%swap3A_641, %swap3A_642], %max3A_640 {strides = array<i32>} : memref<328x128xf32, #tpu.memory_space<vmem>>, vector<16xf32>,
            %get3A_644 = arith.index_cast %while3A_550 : i32 to index
            %get3A_645 = arith.constant 64 : index
            %get3A_646 = tpu.vector_load %arg15[%get3A_644, %get3A_645] {strides = array<i32>} : memref<128x128xf32, #tpu.memory_space<vmem>>, vector<16xf32>,
            %get3A_647 = arith.index_cast %while3A_550 : i32 to index
            %get3A_648 = arith.constant 64 : index
            %get3A_649 = tpu.vector_load %arg16[%get3A_647, %get3A_648] {strides = array<i32>} : memref<128x128xf32, #tpu.memory_space<vmem>>, vector<16xf32>,
            %add3A_650 = arith.addf %get3A_646, %get3A_649 : vector<16xf32>
            %get3A_651 = arith.index_cast %sub3A_588 : i32 to index
            %get3A_652 = arith.constant 64 : index
            %get3A_653 = tpu.vector_load %arg17[%get3A_651, %get3A_652] {strides = array<i32>} : memref<328x128xf32, #tpu.memory_space<vmem>>, vector<16xf32>,
            %max3A_654 = arith.maximumf %get3A_653, %add3A_650 : vector<16xf32>
            %swap3A_655 = arith.index_cast %sub3A_588 : i32 to index
            %swap3A_656 = arith.constant 64 : index
            %swap3A_657 = tpu.vector_load %arg17[%swap3A_655, %swap3A_656] {strides = array<i32>} : memref<328x128xf32, #tpu.memory_space<vmem>>, vector<16xf32>,
            tpu.vector_store %arg17[%swap3A_655, %swap3A_656], %max3A_654 {strides = array<i32>} : memref<328x128xf32, #tpu.memory_space<vmem>>, vector<16xf32>,
            %get3A_658 = arith.index_cast %while3A_550 : i32 to index
            %get3A_659 = arith.constant 80 : index
            %get3A_660 = tpu.vector_load %arg15[%get3A_658, %get3A_659] {strides = array<i32>} : memref<128x128xf32, #tpu.memory_space<vmem>>, vector<16xf32>,
            %get3A_661 = arith.index_cast %while3A_550 : i32 to index
            %get3A_662 = arith.constant 80 : index
            %get3A_663 = tpu.vector_load %arg16[%get3A_661, %get3A_662] {strides = array<i32>} : memref<128x128xf32, #tpu.memory_space<vmem>>, vector<16xf32>,
            %add3A_664 = arith.addf %get3A_660, %get3A_663 : vector<16xf32>
            %get3A_665 = arith.index_cast %sub3A_588 : i32 to index
            %get3A_666 = arith.constant 80 : index
            %get3A_667 = tpu.vector_load %arg17[%get3A_665, %get3A_666] {strides = array<i32>} : memref<328x128xf32, #tpu.memory_space<vmem>>, vector<16xf32>,
            %max3A_668 = arith.maximumf %get3A_667, %add3A_664 : vector<16xf32>
            %swap3A_669 = arith.index_cast %sub3A_588 : i32 to index
            %swap3A_670 = arith.constant 80 : index
            %swap3A_671 = tpu.vector_load %arg17[%swap3A_669, %swap3A_670] {strides = array<i32>} : memref<328x128xf32, #tpu.memory_space<vmem>>, vector<16xf32>,
            tpu.vector_store %arg17[%swap3A_669, %swap3A_670], %max3A_668 {strides = array<i32>} : memref<328x128xf32, #tpu.memory_space<vmem>>, vector<16xf32>,
            %get3A_672 = arith.index_cast %while3A_550 : i32 to index
            %get3A_673 = arith.constant 96 : index
            %get3A_674 = tpu.vector_load %arg15[%get3A_672, %get3A_673] {strides = array<i32>} : memref<128x128xf32, #tpu.memory_space<vmem>>, vector<16xf32>,
            %get3A_675 = arith.index_cast %while3A_550 : i32 to index
            %get3A_676 = arith.constant 96 : index
            %get3A_677 = tpu.vector_load %arg16[%get3A_675, %get3A_676] {strides = array<i32>} : memref<128x128xf32, #tpu.memory_space<vmem>>, vector<16xf32>,
            %add3A_678 = arith.addf %get3A_674, %get3A_677 : vector<16xf32>
            %get3A_679 = arith.index_cast %sub3A_588 : i32 to index
            %get3A_680 = arith.constant 96 : index
            %get3A_681 = tpu.vector_load %arg17[%get3A_679, %get3A_680] {strides = array<i32>} : memref<328x128xf32, #tpu.memory_space<vmem>>, vector<16xf32>,
            %max3A_682 = arith.maximumf %get3A_681, %add3A_678 : vector<16xf32>
            %swap3A_683 = arith.index_cast %sub3A_588 : i32 to index
            %swap3A_684 = arith.constant 96 : index
            %swap3A_685 = tpu.vector_load %arg17[%swap3A_683, %swap3A_684] {strides = array<i32>} : memref<328x128xf32, #tpu.memory_space<vmem>>, vector<16xf32>,
            tpu.vector_store %arg17[%swap3A_683, %swap3A_684], %max3A_682 {strides = array<i32>} : memref<328x128xf32, #tpu.memory_space<vmem>>, vector<16xf32>,
            %get3A_686 = arith.index_cast %while3A_550 : i32 to index
            %get3A_687 = arith.constant 112 : index
            %get3A_688 = tpu.vector_load %arg15[%get3A_686, %get3A_687] {strides = array<i32>} : memref<128x128xf32, #tpu.memory_space<vmem>>, vector<16xf32>,
            %get3A_689 = arith.index_cast %while3A_550 : i32 to index
            %get3A_690 = arith.constant 112 : index
            %get3A_691 = tpu.vector_load %arg16[%get3A_689, %get3A_690] {strides = array<i32>} : memref<128x128xf32, #tpu.memory_space<vmem>>, vector<16xf32>,
            %add3A_692 = arith.addf %get3A_688, %get3A_691 : vector<16xf32>
            %get3A_693 = arith.index_cast %sub3A_588 : i32 to index
            %get3A_694 = arith.constant 112 : index
            %get3A_695 = tpu.vector_load %arg17[%get3A_693, %get3A_694] {strides = array<i32>} : memref<328x128xf32, #tpu.memory_space<vmem>>, vector<16xf32>,
            %max3A_696 = arith.maximumf %get3A_695, %add3A_692 : vector<16xf32>
            %swap3A_697 = arith.index_cast %sub3A_588 : i32 to index
            %swap3A_698 = arith.constant 112 : index
            %swap3A_699 = tpu.vector_load %arg17[%swap3A_697, %swap3A_698] {strides = array<i32>} : memref<328x128xf32, #tpu.memory_space<vmem>>, vector<16xf32>,
            tpu.vector_store %arg17[%swap3A_697, %swap3A_698], %max3A_696 {strides = array<i32>} : memref<328x128xf32, #tpu.memory_space<vmem>>, vector<16xf32>,
          }
        }
      } else {
      }
      %dma_wait3A_213 = arith.constant 0 : i32
      %dma_wait3A_214 = tpu.memref_slice %arg3[%dma_wait3A_213] : memref<320000xi32, #tpu.memory_space<hbm>> -> memref<4000xi32, #tpu.memory_space<hbm>>
      %dma_wait3A_215 = arith.constant 0 : i32
      %dma_wait3A_216 = tpu.memref_slice %arg3[%dma_wait3A_215] : memref<320000xi32, #tpu.memory_space<hbm>> -> memref<4000xi32, #tpu.memory_space<hbm>>
      tpu.wait_dma2 semaphore(%arg18 : memref<!tpu.dma_semaphore, #tpu.memory_space<semaphore_mem>>) src(%dma_wait3A_216 : memref<4000xi32, #tpu.memory_space<hbm>>) dst(%arg7 : memref<4000xi32, #tpu.memory_space<vmem>>)
      %dma_wait3A_217 = arith.constant 0 : i32
      %dma_wait3A_218 = tpu.memref_slice %arg2[%dma_wait3A_217] : memref<320000xi32, #tpu.memory_space<hbm>> -> memref<4000xi32, #tpu.memory_space<hbm>>
      %dma_wait3A_219 = arith.constant 0 : i32
      %dma_wait3A_220 = tpu.memref_slice %arg2[%dma_wait3A_219] : memref<320000xi32, #tpu.memory_space<hbm>> -> memref<4000xi32, #tpu.memory_space<hbm>>
      tpu.wait_dma2 semaphore(%arg18 : memref<!tpu.dma_semaphore, #tpu.memory_space<semaphore_mem>>) src(%dma_wait3A_220 : memref<4000xi32, #tpu.memory_space<hbm>>) dst(%arg8 : memref<4000xi32, #tpu.memory_space<vmem>>)
      %mul3A_221 = arith.constant 4000 : i32
      %mul3A_222 = arith.muli %scan3A_207, %mul3A_221 : i32
      %scan3A_223 = arith.constant 0 : i32
      %scan3A_224 = arith.constant 0 : i32
      %scan3A_225 = arith.constant 250 : i32
      %scan3A_226 = arith.addi %scan3A_224, %scan3A_225 : i32
      %scan3A_227 = arith.constant 1 : i32
      %scan3A_228 = scf.for %scan3A_346 = %scan3A_224 to %scan3A_226 step %scan3A_227 iter_args(%scan3A_347 = %scan3A_223) -> (i32)  : i32 {
        %mul3A_348 = arith.constant 16 : i32
        %mul3A_349 = arith.muli %scan3A_346, %mul3A_348 : i32
        %get3A_350 = arith.index_cast %mul3A_349 : i32 to index
        %get3A_351 = tpu.vector_load %arg7[%get3A_350] {strides = array<i32>} : memref<4000xi32, #tpu.memory_space<vmem>>, vector<16xi32>,
        %get3A_352 = arith.index_cast %mul3A_349 : i32 to index
        %get3A_353 = tpu.vector_load %arg8[%get3A_352] {strides = array<i32>} : memref<4000xi32, #tpu.memory_space<vmem>>, vector<16xi32>,
        %ge3A = vector.broadcast %mul3A_2 : i32 to vector<16xi32>
        %ge3A_354 = arith.cmpi sge, %get3A_351, %ge3A : vector<16xi32>
        %lt3A_355 = vector.broadcast %select_n3A : i32 to vector<16xi32>
        %lt3A_356 = arith.cmpi slt, %get3A_351, %lt3A_355 : vector<16xi32>
        %and3A_357 = arith.andi %ge3A_354, %lt3A_356 : vector<16xi1>
        %mul3A_358 = arith.constant 16 : i32
        %mul3A_359 = arith.muli %scan3A_346, %mul3A_358 : i32
        %add3A_360 = arith.addi %mul3A_222, %mul3A_359 : i32
        %add3A_361 = vector.broadcast %add3A_360 : i32 to vector<16xi32>
        %add3A_362 = arith.addi %add3A_361, %iota3A : vector<16xi32>
        %convert_element_type3A_363 = arith.extui %and3A_357 : vector<16xi1> to vector<16xi32>
        %broadcast_in_dim3A_364 = arith.constant true
        %broadcast_in_dim3A_365 = vector.broadcast %broadcast_in_dim3A_364 : i1 to vector<16xi1>
        %masked_cumsum3A = tpu.scan <sum>, %convert_element_type3A_363 masked %broadcast_in_dim3A_365 : vector<16xi32>, vector<16xi1> -> vector<16xi32>
        %add3A_366 = vector.broadcast %scan3A_347 : i32 to vector<16xi32>
        %add3A_367 = arith.addi %add3A_366, %masked_cumsum3A : vector<16xi32>
        %sub3A_368 = arith.constant 1 : i32
        %sub3A_369 = vector.broadcast %sub3A_368 : i32 to vector<16xi32>
        %sub3A_370 = arith.subi %add3A_367, %sub3A_369 : vector<16xi32>
        tpu.vector_store_idx %arg9[%sub3A_370], %add3A_362 masked %and3A_357 : memref<4128xi32, #tpu.memory_space<vmem>>[vector<16xi32>], vector<16xi32>, vector<16xi1>
        tpu.vector_store_idx %arg10[%sub3A_370], %get3A_353 masked %and3A_357 : memref<4128xi32, #tpu.memory_space<vmem>>[vector<16xi32>], vector<16xi32>, vector<16xi1>
        tpu.vector_store_idx %arg11[%sub3A_370], %get3A_351 masked %and3A_357 : memref<4128xi32, #tpu.memory_space<vmem>>[vector<16xi32>], vector<16xi32>, vector<16xi1>
        %slice3A = vector.extract_strided_slice %masked_cumsum3A {offsets = [15], sizes = [1], strides = [1]} : vector<16xi32> to vector<1xi32>
        %squeeze3A = vector.extract %slice3A[0] : i32 from vector<1xi32>
        %add3A_371 = arith.addi %scan3A_347, %squeeze3A : i32
        scf.yield %add3A_371 : i32
      }
      %scan3A_229 = arith.constant 250 : i32
      %not3A = arith.constant true
      %not3A_230 = arith.xori %gt3A_209, %not3A : i1
      %convert_element_type3A_231 = arith.extui %not3A_230 : i1 to i32
      %cond3A_232 = arith.constant 0 : i32
      %cond3A_233 = arith.cmpi ne, %convert_element_type3A_231, %cond3A_232 : i32
      scf.if %cond3A_233 {
        %dma_wait3A_346 = arith.constant 0 : i32
        %dma_wait3A_347 = arith.constant 0 : i32
        %dma_wait3A_348 = tpu.memref_slice %arg4[%dma_wait3A_346, %dma_wait3A_347] : memref<10000x128xf32, #tpu.memory_space<hbm>> -> memref<128x128xf32, #tpu.memory_space<hbm>>
        %dma_wait3A_349 = arith.constant 0 : i32
        %dma_wait3A_350 = arith.constant 0 : i32
        %dma_wait3A_351 = tpu.memref_slice %arg4[%dma_wait3A_349, %dma_wait3A_350] : memref<10000x128xf32, #tpu.memory_space<hbm>> -> memref<128x128xf32, #tpu.memory_space<hbm>>
        tpu.wait_dma2 semaphore(%arg19 : memref<!tpu.dma_semaphore, #tpu.memory_space<semaphore_mem>>) src(%dma_wait3A_351 : memref<128x128xf32, #tpu.memory_space<hbm>>) dst(%arg15 : memref<128x128xf32, #tpu.memory_space<vmem>>)
        %dma_wait3A_352 = arith.constant 0 : i32
        %dma_wait3A_353 = arith.constant 0 : i32
        %dma_wait3A_354 = tpu.memref_slice %arg4[%dma_wait3A_352, %dma_wait3A_353] : memref<10000x128xf32, #tpu.memory_space<hbm>> -> memref<128x128xf32, #tpu.memory_space<hbm>>
        %dma_wait3A_355 = arith.constant 0 : i32
        %dma_wait3A_356 = arith.constant 0 : i32
        %dma_wait3A_357 = tpu.memref_slice %arg4[%dma_wait3A_355, %dma_wait3A_356] : memref<10000x128xf32, #tpu.memory_space<hbm>> -> memref<128x128xf32, #tpu.memory_space<hbm>>
        tpu.wait_dma2 semaphore(%arg19 : memref<!tpu.dma_semaphore, #tpu.memory_space<semaphore_mem>>) src(%dma_wait3A_357 : memref<128x128xf32, #tpu.memory_space<hbm>>) dst(%arg16 : memref<128x128xf32, #tpu.memory_space<vmem>>)
        %min3A_358 = arith.constant 128 : i32
        %min3A_359 = arith.minsi %scan3A_208, %min3A_358 : i32
        %while3A_360 = arith.constant 0 : i32
        %while3A_361 = arith.constant 0 : i32
        %while3A_362 = arith.subi %min3A_359, %while3A_361 : i32
        %while3A_363 = arith.addi %while3A_361, %while3A_362 : i32
        %while3A_364 = arith.constant 1 : i32
        %while3A_365 = arith.divsi %while3A_362, %while3A_364 : i32
        %while3A_366 = arith.muli %while3A_365, %while3A_364 : i32
        %while3A_367 = arith.addi %while3A_361, %while3A_366 : i32
        %while3A_368 = arith.constant 1 : i32
        scf.for %while3A_370 = %while3A_361 to %while3A_367 step %while3A_368  : i32 {
          %jit3A_371 = arith.constant 16 : i32
          %div3A_372 = arith.divsi %while3A_370, %jit3A_371 : i32
          %sign3A_373 = arith.constant 0 : i32
          %sign3A_374 = arith.cmpi sgt, %while3A_370, %sign3A_373 : i32
          %sign3A_375 = arith.extui %sign3A_374 : i1 to i32
          %sign3A_376 = arith.constant 0 : i32
          %sign3A_377 = arith.cmpi slt, %while3A_370, %sign3A_376 : i32
          %sign3A_378 = arith.extui %sign3A_377 : i1 to i32
          %sign3A_379 = arith.subi %sign3A_375, %sign3A_378 : i32
          %sign3A_380 = arith.constant 0 : i32
          %sign3A_381 = arith.cmpi sgt, %jit3A_371, %sign3A_380 : i32
          %sign3A_382 = arith.extui %sign3A_381 : i1 to i32
          %sign3A_383 = arith.constant 0 : i32
          %sign3A_384 = arith.cmpi slt, %jit3A_371, %sign3A_383 : i32
          %sign3A_385 = arith.extui %sign3A_384 : i1 to i32
          %sign3A_386 = arith.subi %sign3A_382, %sign3A_385 : i32
          %ne3A_387 = arith.cmpi ne, %sign3A_379, %sign3A_386 : i32
          %rem3A_388 = arith.remsi %while3A_370, %jit3A_371 : i32
          %ne3A_389 = arith.constant 0 : i32
          %ne3A_390 = arith.cmpi ne, %rem3A_388, %ne3A_389 : i32
          %and3A_391 = arith.andi %ne3A_387, %ne3A_390 : i1
          %sub3A_392 = arith.constant 1 : i32
          %sub3A_393 = arith.subi %div3A_372, %sub3A_392 : i32
          %select_n3A_394 = arith.select %and3A_391, %sub3A_393, %div3A_372 : i32
          %mul3A_395 = arith.constant 16 : i32
          %mul3A_396 = arith.muli %select_n3A_394, %mul3A_395 : i32
          %get3A_397 = arith.index_cast %mul3A_396 : i32 to index
          %get3A_398 = tpu.vector_load %arg13[%get3A_397] {strides = array<i32>} : memref<128xi32, #tpu.memory_space<vmem>>, vector<16xi32>,
          %sub3A_399 = arith.subi %while3A_370, %mul3A_396 : i32
          %eq3A_400 = vector.broadcast %sub3A_399 : i32 to vector<16xi32>
          %eq3A_401 = arith.cmpi eq, %iota3A, %eq3A_400 : vector<16xi32>
          %jit3A_402 = arith.constant 0 : i32
          %broadcast_in_dim3A_403 = vector.broadcast %jit3A_402 : i32 to vector<16xi32>
          %select_n3A_404 = arith.select %eq3A_401, %get3A_398, %broadcast_in_dim3A_403 : vector<16xi1>, vector<16xi32>
          %reduce_sum3A = arith.constant true
          %reduce_sum3A_405 = vector.broadcast %reduce_sum3A : i1 to vector<16xi1>
          %reduce_sum3A_406 = tpu.scan <sum>, %select_n3A_404 masked %reduce_sum3A_405 : vector<16xi32>, vector<16xi1> -> vector<16xi32>
          %reduce_sum3A_407 = vector.extract %reduce_sum3A_406[15] : i32 from vector<16xi32>
          %sub3A_408 = arith.subi %reduce_sum3A_407, %mul3A_2 : i32
          %get3A_409 = arith.index_cast %while3A_370 : i32 to index
          %get3A_410 = arith.constant 0 : index
          %get3A_411 = tpu.vector_load %arg15[%get3A_409, %get3A_410] {strides = array<i32>} : memref<128x128xf32, #tpu.memory_space<vmem>>, vector<16xf32>,
          %get3A_412 = arith.index_cast %while3A_370 : i32 to index
          %get3A_413 = arith.constant 0 : index
          %get3A_414 = tpu.vector_load %arg16[%get3A_412, %get3A_413] {strides = array<i32>} : memref<128x128xf32, #tpu.memory_space<vmem>>, vector<16xf32>,
          %add3A_415 = arith.addf %get3A_411, %get3A_414 : vector<16xf32>
          %get3A_416 = arith.index_cast %sub3A_408 : i32 to index
          %get3A_417 = arith.constant 0 : index
          %get3A_418 = tpu.vector_load %arg17[%get3A_416, %get3A_417] {strides = array<i32>} : memref<328x128xf32, #tpu.memory_space<vmem>>, vector<16xf32>,
          %max3A = arith.maximumf %get3A_418, %add3A_415 : vector<16xf32>
          %swap3A_419 = arith.index_cast %sub3A_408 : i32 to index
          %swap3A_420 = arith.constant 0 : index
          %swap3A_421 = tpu.vector_load %arg17[%swap3A_419, %swap3A_420] {strides = array<i32>} : memref<328x128xf32, #tpu.memory_space<vmem>>, vector<16xf32>,
          tpu.vector_store %arg17[%swap3A_419, %swap3A_420], %max3A {strides = array<i32>} : memref<328x128xf32, #tpu.memory_space<vmem>>, vector<16xf32>,
          %get3A_422 = arith.index_cast %while3A_370 : i32 to index
          %get3A_423 = arith.constant 16 : index
          %get3A_424 = tpu.vector_load %arg15[%get3A_422, %get3A_423] {strides = array<i32>} : memref<128x128xf32, #tpu.memory_space<vmem>>, vector<16xf32>,
          %get3A_425 = arith.index_cast %while3A_370 : i32 to index
          %get3A_426 = arith.constant 16 : index
          %get3A_427 = tpu.vector_load %arg16[%get3A_425, %get3A_426] {strides = array<i32>} : memref<128x128xf32, #tpu.memory_space<vmem>>, vector<16xf32>,
          %add3A_428 = arith.addf %get3A_424, %get3A_427 : vector<16xf32>
          %get3A_429 = arith.index_cast %sub3A_408 : i32 to index
          %get3A_430 = arith.constant 16 : index
          %get3A_431 = tpu.vector_load %arg17[%get3A_429, %get3A_430] {strides = array<i32>} : memref<328x128xf32, #tpu.memory_space<vmem>>, vector<16xf32>,
          %max3A_432 = arith.maximumf %get3A_431, %add3A_428 : vector<16xf32>
          %swap3A_433 = arith.index_cast %sub3A_408 : i32 to index
          %swap3A_434 = arith.constant 16 : index
          %swap3A_435 = tpu.vector_load %arg17[%swap3A_433, %swap3A_434] {strides = array<i32>} : memref<328x128xf32, #tpu.memory_space<vmem>>, vector<16xf32>,
          tpu.vector_store %arg17[%swap3A_433, %swap3A_434], %max3A_432 {strides = array<i32>} : memref<328x128xf32, #tpu.memory_space<vmem>>, vector<16xf32>,
          %get3A_436 = arith.index_cast %while3A_370 : i32 to index
          %get3A_437 = arith.constant 32 : index
          %get3A_438 = tpu.vector_load %arg15[%get3A_436, %get3A_437] {strides = array<i32>} : memref<128x128xf32, #tpu.memory_space<vmem>>, vector<16xf32>,
          %get3A_439 = arith.index_cast %while3A_370 : i32 to index
          %get3A_440 = arith.constant 32 : index
          %get3A_441 = tpu.vector_load %arg16[%get3A_439, %get3A_440] {strides = array<i32>} : memref<128x128xf32, #tpu.memory_space<vmem>>, vector<16xf32>,
          %add3A_442 = arith.addf %get3A_438, %get3A_441 : vector<16xf32>
          %get3A_443 = arith.index_cast %sub3A_408 : i32 to index
          %get3A_444 = arith.constant 32 : index
          %get3A_445 = tpu.vector_load %arg17[%get3A_443, %get3A_444] {strides = array<i32>} : memref<328x128xf32, #tpu.memory_space<vmem>>, vector<16xf32>,
          %max3A_446 = arith.maximumf %get3A_445, %add3A_442 : vector<16xf32>
          %swap3A_447 = arith.index_cast %sub3A_408 : i32 to index
          %swap3A_448 = arith.constant 32 : index
          %swap3A_449 = tpu.vector_load %arg17[%swap3A_447, %swap3A_448] {strides = array<i32>} : memref<328x128xf32, #tpu.memory_space<vmem>>, vector<16xf32>,
          tpu.vector_store %arg17[%swap3A_447, %swap3A_448], %max3A_446 {strides = array<i32>} : memref<328x128xf32, #tpu.memory_space<vmem>>, vector<16xf32>,
          %get3A_450 = arith.index_cast %while3A_370 : i32 to index
          %get3A_451 = arith.constant 48 : index
          %get3A_452 = tpu.vector_load %arg15[%get3A_450, %get3A_451] {strides = array<i32>} : memref<128x128xf32, #tpu.memory_space<vmem>>, vector<16xf32>,
          %get3A_453 = arith.index_cast %while3A_370 : i32 to index
          %get3A_454 = arith.constant 48 : index
          %get3A_455 = tpu.vector_load %arg16[%get3A_453, %get3A_454] {strides = array<i32>} : memref<128x128xf32, #tpu.memory_space<vmem>>, vector<16xf32>,
          %add3A_456 = arith.addf %get3A_452, %get3A_455 : vector<16xf32>
          %get3A_457 = arith.index_cast %sub3A_408 : i32 to index
          %get3A_458 = arith.constant 48 : index
          %get3A_459 = tpu.vector_load %arg17[%get3A_457, %get3A_458] {strides = array<i32>} : memref<328x128xf32, #tpu.memory_space<vmem>>, vector<16xf32>,
          %max3A_460 = arith.maximumf %get3A_459, %add3A_456 : vector<16xf32>
          %swap3A_461 = arith.index_cast %sub3A_408 : i32 to index
          %swap3A_462 = arith.constant 48 : index
          %swap3A_463 = tpu.vector_load %arg17[%swap3A_461, %swap3A_462] {strides = array<i32>} : memref<328x128xf32, #tpu.memory_space<vmem>>, vector<16xf32>,
          tpu.vector_store %arg17[%swap3A_461, %swap3A_462], %max3A_460 {strides = array<i32>} : memref<328x128xf32, #tpu.memory_space<vmem>>, vector<16xf32>,
          %get3A_464 = arith.index_cast %while3A_370 : i32 to index
          %get3A_465 = arith.constant 64 : index
          %get3A_466 = tpu.vector_load %arg15[%get3A_464, %get3A_465] {strides = array<i32>} : memref<128x128xf32, #tpu.memory_space<vmem>>, vector<16xf32>,
          %get3A_467 = arith.index_cast %while3A_370 : i32 to index
          %get3A_468 = arith.constant 64 : index
          %get3A_469 = tpu.vector_load %arg16[%get3A_467, %get3A_468] {strides = array<i32>} : memref<128x128xf32, #tpu.memory_space<vmem>>, vector<16xf32>,
          %add3A_470 = arith.addf %get3A_466, %get3A_469 : vector<16xf32>
          %get3A_471 = arith.index_cast %sub3A_408 : i32 to index
          %get3A_472 = arith.constant 64 : index
          %get3A_473 = tpu.vector_load %arg17[%get3A_471, %get3A_472] {strides = array<i32>} : memref<328x128xf32, #tpu.memory_space<vmem>>, vector<16xf32>,
          %max3A_474 = arith.maximumf %get3A_473, %add3A_470 : vector<16xf32>
          %swap3A_475 = arith.index_cast %sub3A_408 : i32 to index
          %swap3A_476 = arith.constant 64 : index
          %swap3A_477 = tpu.vector_load %arg17[%swap3A_475, %swap3A_476] {strides = array<i32>} : memref<328x128xf32, #tpu.memory_space<vmem>>, vector<16xf32>,
          tpu.vector_store %arg17[%swap3A_475, %swap3A_476], %max3A_474 {strides = array<i32>} : memref<328x128xf32, #tpu.memory_space<vmem>>, vector<16xf32>,
          %get3A_478 = arith.index_cast %while3A_370 : i32 to index
          %get3A_479 = arith.constant 80 : index
          %get3A_480 = tpu.vector_load %arg15[%get3A_478, %get3A_479] {strides = array<i32>} : memref<128x128xf32, #tpu.memory_space<vmem>>, vector<16xf32>,
          %get3A_481 = arith.index_cast %while3A_370 : i32 to index
          %get3A_482 = arith.constant 80 : index
          %get3A_483 = tpu.vector_load %arg16[%get3A_481, %get3A_482] {strides = array<i32>} : memref<128x128xf32, #tpu.memory_space<vmem>>, vector<16xf32>,
          %add3A_484 = arith.addf %get3A_480, %get3A_483 : vector<16xf32>
          %get3A_485 = arith.index_cast %sub3A_408 : i32 to index
          %get3A_486 = arith.constant 80 : index
          %get3A_487 = tpu.vector_load %arg17[%get3A_485, %get3A_486] {strides = array<i32>} : memref<328x128xf32, #tpu.memory_space<vmem>>, vector<16xf32>,
          %max3A_488 = arith.maximumf %get3A_487, %add3A_484 : vector<16xf32>
          %swap3A_489 = arith.index_cast %sub3A_408 : i32 to index
          %swap3A_490 = arith.constant 80 : index
          %swap3A_491 = tpu.vector_load %arg17[%swap3A_489, %swap3A_490] {strides = array<i32>} : memref<328x128xf32, #tpu.memory_space<vmem>>, vector<16xf32>,
          tpu.vector_store %arg17[%swap3A_489, %swap3A_490], %max3A_488 {strides = array<i32>} : memref<328x128xf32, #tpu.memory_space<vmem>>, vector<16xf32>,
          %get3A_492 = arith.index_cast %while3A_370 : i32 to index
          %get3A_493 = arith.constant 96 : index
          %get3A_494 = tpu.vector_load %arg15[%get3A_492, %get3A_493] {strides = array<i32>} : memref<128x128xf32, #tpu.memory_space<vmem>>, vector<16xf32>,
          %get3A_495 = arith.index_cast %while3A_370 : i32 to index
          %get3A_496 = arith.constant 96 : index
          %get3A_497 = tpu.vector_load %arg16[%get3A_495, %get3A_496] {strides = array<i32>} : memref<128x128xf32, #tpu.memory_space<vmem>>, vector<16xf32>,
          %add3A_498 = arith.addf %get3A_494, %get3A_497 : vector<16xf32>
          %get3A_499 = arith.index_cast %sub3A_408 : i32 to index
          %get3A_500 = arith.constant 96 : index
          %get3A_501 = tpu.vector_load %arg17[%get3A_499, %get3A_500] {strides = array<i32>} : memref<328x128xf32, #tpu.memory_space<vmem>>, vector<16xf32>,
          %max3A_502 = arith.maximumf %get3A_501, %add3A_498 : vector<16xf32>
          %swap3A_503 = arith.index_cast %sub3A_408 : i32 to index
          %swap3A_504 = arith.constant 96 : index
          %swap3A_505 = tpu.vector_load %arg17[%swap3A_503, %swap3A_504] {strides = array<i32>} : memref<328x128xf32, #tpu.memory_space<vmem>>, vector<16xf32>,
          tpu.vector_store %arg17[%swap3A_503, %swap3A_504], %max3A_502 {strides = array<i32>} : memref<328x128xf32, #tpu.memory_space<vmem>>, vector<16xf32>,
          %get3A_506 = arith.index_cast %while3A_370 : i32 to index
          %get3A_507 = arith.constant 112 : index
          %get3A_508 = tpu.vector_load %arg15[%get3A_506, %get3A_507] {strides = array<i32>} : memref<128x128xf32, #tpu.memory_space<vmem>>, vector<16xf32>,
          %get3A_509 = arith.index_cast %while3A_370 : i32 to index
          %get3A_510 = arith.constant 112 : index
          %get3A_511 = tpu.vector_load %arg16[%get3A_509, %get3A_510] {strides = array<i32>} : memref<128x128xf32, #tpu.memory_space<vmem>>, vector<16xf32>,
          %add3A_512 = arith.addf %get3A_508, %get3A_511 : vector<16xf32>
          %get3A_513 = arith.index_cast %sub3A_408 : i32 to index
          %get3A_514 = arith.constant 112 : index
          %get3A_515 = tpu.vector_load %arg17[%get3A_513, %get3A_514] {strides = array<i32>} : memref<328x128xf32, #tpu.memory_space<vmem>>, vector<16xf32>,
          %max3A_516 = arith.maximumf %get3A_515, %add3A_512 : vector<16xf32>
          %swap3A_517 = arith.index_cast %sub3A_408 : i32 to index
          %swap3A_518 = arith.constant 112 : index
          %swap3A_519 = tpu.vector_load %arg17[%swap3A_517, %swap3A_518] {strides = array<i32>} : memref<328x128xf32, #tpu.memory_space<vmem>>, vector<16xf32>,
          tpu.vector_store %arg17[%swap3A_517, %swap3A_518], %max3A_516 {strides = array<i32>} : memref<328x128xf32, #tpu.memory_space<vmem>>, vector<16xf32>,
        }
        %while3A_369 = arith.constant 1 : i32
        scf.for %while3A_370 = %while3A_367 to %while3A_363 step %while3A_369  : i32 {
          %jit3A_371 = arith.constant 16 : i32
          %div3A_372 = arith.divsi %while3A_370, %jit3A_371 : i32
          %sign3A_373 = arith.constant 0 : i32
          %sign3A_374 = arith.cmpi sgt, %while3A_370, %sign3A_373 : i32
          %sign3A_375 = arith.extui %sign3A_374 : i1 to i32
          %sign3A_376 = arith.constant 0 : i32
          %sign3A_377 = arith.cmpi slt, %while3A_370, %sign3A_376 : i32
          %sign3A_378 = arith.extui %sign3A_377 : i1 to i32
          %sign3A_379 = arith.subi %sign3A_375, %sign3A_378 : i32
          %sign3A_380 = arith.constant 0 : i32
          %sign3A_381 = arith.cmpi sgt, %jit3A_371, %sign3A_380 : i32
          %sign3A_382 = arith.extui %sign3A_381 : i1 to i32
          %sign3A_383 = arith.constant 0 : i32
          %sign3A_384 = arith.cmpi slt, %jit3A_371, %sign3A_383 : i32
          %sign3A_385 = arith.extui %sign3A_384 : i1 to i32
          %sign3A_386 = arith.subi %sign3A_382, %sign3A_385 : i32
          %ne3A_387 = arith.cmpi ne, %sign3A_379, %sign3A_386 : i32
          %rem3A_388 = arith.remsi %while3A_370, %jit3A_371 : i32
          %ne3A_389 = arith.constant 0 : i32
          %ne3A_390 = arith.cmpi ne, %rem3A_388, %ne3A_389 : i32
          %and3A_391 = arith.andi %ne3A_387, %ne3A_390 : i1
          %sub3A_392 = arith.constant 1 : i32
          %sub3A_393 = arith.subi %div3A_372, %sub3A_392 : i32
          %select_n3A_394 = arith.select %and3A_391, %sub3A_393, %div3A_372 : i32
          %mul3A_395 = arith.constant 16 : i32
          %mul3A_396 = arith.muli %select_n3A_394, %mul3A_395 : i32
          %get3A_397 = arith.index_cast %mul3A_396 : i32 to index
          %get3A_398 = tpu.vector_load %arg13[%get3A_397] {strides = array<i32>} : memref<128xi32, #tpu.memory_space<vmem>>, vector<16xi32>,
          %sub3A_399 = arith.subi %while3A_370, %mul3A_396 : i32
          %eq3A_400 = vector.broadcast %sub3A_399 : i32 to vector<16xi32>
          %eq3A_401 = arith.cmpi eq, %iota3A, %eq3A_400 : vector<16xi32>
          %jit3A_402 = arith.constant 0 : i32
          %broadcast_in_dim3A_403 = vector.broadcast %jit3A_402 : i32 to vector<16xi32>
          %select_n3A_404 = arith.select %eq3A_401, %get3A_398, %broadcast_in_dim3A_403 : vector<16xi1>, vector<16xi32>
          %reduce_sum3A = arith.constant true
          %reduce_sum3A_405 = vector.broadcast %reduce_sum3A : i1 to vector<16xi1>
          %reduce_sum3A_406 = tpu.scan <sum>, %select_n3A_404 masked %reduce_sum3A_405 : vector<16xi32>, vector<16xi1> -> vector<16xi32>
          %reduce_sum3A_407 = vector.extract %reduce_sum3A_406[15] : i32 from vector<16xi32>
          %sub3A_408 = arith.subi %reduce_sum3A_407, %mul3A_2 : i32
          %get3A_409 = arith.index_cast %while3A_370 : i32 to index
          %get3A_410 = arith.constant 0 : index
          %get3A_411 = tpu.vector_load %arg15[%get3A_409, %get3A_410] {strides = array<i32>} : memref<128x128xf32, #tpu.memory_space<vmem>>, vector<16xf32>,
          %get3A_412 = arith.index_cast %while3A_370 : i32 to index
          %get3A_413 = arith.constant 0 : index
          %get3A_414 = tpu.vector_load %arg16[%get3A_412, %get3A_413] {strides = array<i32>} : memref<128x128xf32, #tpu.memory_space<vmem>>, vector<16xf32>,
          %add3A_415 = arith.addf %get3A_411, %get3A_414 : vector<16xf32>
          %get3A_416 = arith.index_cast %sub3A_408 : i32 to index
          %get3A_417 = arith.constant 0 : index
          %get3A_418 = tpu.vector_load %arg17[%get3A_416, %get3A_417] {strides = array<i32>} : memref<328x128xf32, #tpu.memory_space<vmem>>, vector<16xf32>,
          %max3A = arith.maximumf %get3A_418, %add3A_415 : vector<16xf32>
          %swap3A_419 = arith.index_cast %sub3A_408 : i32 to index
          %swap3A_420 = arith.constant 0 : index
          %swap3A_421 = tpu.vector_load %arg17[%swap3A_419, %swap3A_420] {strides = array<i32>} : memref<328x128xf32, #tpu.memory_space<vmem>>, vector<16xf32>,
          tpu.vector_store %arg17[%swap3A_419, %swap3A_420], %max3A {strides = array<i32>} : memref<328x128xf32, #tpu.memory_space<vmem>>, vector<16xf32>,
          %get3A_422 = arith.index_cast %while3A_370 : i32 to index
          %get3A_423 = arith.constant 16 : index
          %get3A_424 = tpu.vector_load %arg15[%get3A_422, %get3A_423] {strides = array<i32>} : memref<128x128xf32, #tpu.memory_space<vmem>>, vector<16xf32>,
          %get3A_425 = arith.index_cast %while3A_370 : i32 to index
          %get3A_426 = arith.constant 16 : index
          %get3A_427 = tpu.vector_load %arg16[%get3A_425, %get3A_426] {strides = array<i32>} : memref<128x128xf32, #tpu.memory_space<vmem>>, vector<16xf32>,
          %add3A_428 = arith.addf %get3A_424, %get3A_427 : vector<16xf32>
          %get3A_429 = arith.index_cast %sub3A_408 : i32 to index
          %get3A_430 = arith.constant 16 : index
          %get3A_431 = tpu.vector_load %arg17[%get3A_429, %get3A_430] {strides = array<i32>} : memref<328x128xf32, #tpu.memory_space<vmem>>, vector<16xf32>,
          %max3A_432 = arith.maximumf %get3A_431, %add3A_428 : vector<16xf32>
          %swap3A_433 = arith.index_cast %sub3A_408 : i32 to index
          %swap3A_434 = arith.constant 16 : index
          %swap3A_435 = tpu.vector_load %arg17[%swap3A_433, %swap3A_434] {strides = array<i32>} : memref<328x128xf32, #tpu.memory_space<vmem>>, vector<16xf32>,
          tpu.vector_store %arg17[%swap3A_433, %swap3A_434], %max3A_432 {strides = array<i32>} : memref<328x128xf32, #tpu.memory_space<vmem>>, vector<16xf32>,
          %get3A_436 = arith.index_cast %while3A_370 : i32 to index
          %get3A_437 = arith.constant 32 : index
          %get3A_438 = tpu.vector_load %arg15[%get3A_436, %get3A_437] {strides = array<i32>} : memref<128x128xf32, #tpu.memory_space<vmem>>, vector<16xf32>,
          %get3A_439 = arith.index_cast %while3A_370 : i32 to index
          %get3A_440 = arith.constant 32 : index
          %get3A_441 = tpu.vector_load %arg16[%get3A_439, %get3A_440] {strides = array<i32>} : memref<128x128xf32, #tpu.memory_space<vmem>>, vector<16xf32>,
          %add3A_442 = arith.addf %get3A_438, %get3A_441 : vector<16xf32>
          %get3A_443 = arith.index_cast %sub3A_408 : i32 to index
          %get3A_444 = arith.constant 32 : index
          %get3A_445 = tpu.vector_load %arg17[%get3A_443, %get3A_444] {strides = array<i32>} : memref<328x128xf32, #tpu.memory_space<vmem>>, vector<16xf32>,
          %max3A_446 = arith.maximumf %get3A_445, %add3A_442 : vector<16xf32>
          %swap3A_447 = arith.index_cast %sub3A_408 : i32 to index
          %swap3A_448 = arith.constant 32 : index
          %swap3A_449 = tpu.vector_load %arg17[%swap3A_447, %swap3A_448] {strides = array<i32>} : memref<328x128xf32, #tpu.memory_space<vmem>>, vector<16xf32>,
          tpu.vector_store %arg17[%swap3A_447, %swap3A_448], %max3A_446 {strides = array<i32>} : memref<328x128xf32, #tpu.memory_space<vmem>>, vector<16xf32>,
          %get3A_450 = arith.index_cast %while3A_370 : i32 to index
          %get3A_451 = arith.constant 48 : index
          %get3A_452 = tpu.vector_load %arg15[%get3A_450, %get3A_451] {strides = array<i32>} : memref<128x128xf32, #tpu.memory_space<vmem>>, vector<16xf32>,
          %get3A_453 = arith.index_cast %while3A_370 : i32 to index
          %get3A_454 = arith.constant 48 : index
          %get3A_455 = tpu.vector_load %arg16[%get3A_453, %get3A_454] {strides = array<i32>} : memref<128x128xf32, #tpu.memory_space<vmem>>, vector<16xf32>,
          %add3A_456 = arith.addf %get3A_452, %get3A_455 : vector<16xf32>
          %get3A_457 = arith.index_cast %sub3A_408 : i32 to index
          %get3A_458 = arith.constant 48 : index
          %get3A_459 = tpu.vector_load %arg17[%get3A_457, %get3A_458] {strides = array<i32>} : memref<328x128xf32, #tpu.memory_space<vmem>>, vector<16xf32>,
          %max3A_460 = arith.maximumf %get3A_459, %add3A_456 : vector<16xf32>
          %swap3A_461 = arith.index_cast %sub3A_408 : i32 to index
          %swap3A_462 = arith.constant 48 : index
          %swap3A_463 = tpu.vector_load %arg17[%swap3A_461, %swap3A_462] {strides = array<i32>} : memref<328x128xf32, #tpu.memory_space<vmem>>, vector<16xf32>,
          tpu.vector_store %arg17[%swap3A_461, %swap3A_462], %max3A_460 {strides = array<i32>} : memref<328x128xf32, #tpu.memory_space<vmem>>, vector<16xf32>,
          %get3A_464 = arith.index_cast %while3A_370 : i32 to index
          %get3A_465 = arith.constant 64 : index
          %get3A_466 = tpu.vector_load %arg15[%get3A_464, %get3A_465] {strides = array<i32>} : memref<128x128xf32, #tpu.memory_space<vmem>>, vector<16xf32>,
          %get3A_467 = arith.index_cast %while3A_370 : i32 to index
          %get3A_468 = arith.constant 64 : index
          %get3A_469 = tpu.vector_load %arg16[%get3A_467, %get3A_468] {strides = array<i32>} : memref<128x128xf32, #tpu.memory_space<vmem>>, vector<16xf32>,
          %add3A_470 = arith.addf %get3A_466, %get3A_469 : vector<16xf32>
          %get3A_471 = arith.index_cast %sub3A_408 : i32 to index
          %get3A_472 = arith.constant 64 : index
          %get3A_473 = tpu.vector_load %arg17[%get3A_471, %get3A_472] {strides = array<i32>} : memref<328x128xf32, #tpu.memory_space<vmem>>, vector<16xf32>,
          %max3A_474 = arith.maximumf %get3A_473, %add3A_470 : vector<16xf32>
          %swap3A_475 = arith.index_cast %sub3A_408 : i32 to index
          %swap3A_476 = arith.constant 64 : index
          %swap3A_477 = tpu.vector_load %arg17[%swap3A_475, %swap3A_476] {strides = array<i32>} : memref<328x128xf32, #tpu.memory_space<vmem>>, vector<16xf32>,
          tpu.vector_store %arg17[%swap3A_475, %swap3A_476], %max3A_474 {strides = array<i32>} : memref<328x128xf32, #tpu.memory_space<vmem>>, vector<16xf32>,
          %get3A_478 = arith.index_cast %while3A_370 : i32 to index
          %get3A_479 = arith.constant 80 : index
          %get3A_480 = tpu.vector_load %arg15[%get3A_478, %get3A_479] {strides = array<i32>} : memref<128x128xf32, #tpu.memory_space<vmem>>, vector<16xf32>,
          %get3A_481 = arith.index_cast %while3A_370 : i32 to index
          %get3A_482 = arith.constant 80 : index
          %get3A_483 = tpu.vector_load %arg16[%get3A_481, %get3A_482] {strides = array<i32>} : memref<128x128xf32, #tpu.memory_space<vmem>>, vector<16xf32>,
          %add3A_484 = arith.addf %get3A_480, %get3A_483 : vector<16xf32>
          %get3A_485 = arith.index_cast %sub3A_408 : i32 to index
          %get3A_486 = arith.constant 80 : index
          %get3A_487 = tpu.vector_load %arg17[%get3A_485, %get3A_486] {strides = array<i32>} : memref<328x128xf32, #tpu.memory_space<vmem>>, vector<16xf32>,
          %max3A_488 = arith.maximumf %get3A_487, %add3A_484 : vector<16xf32>
          %swap3A_489 = arith.index_cast %sub3A_408 : i32 to index
          %swap3A_490 = arith.constant 80 : index
          %swap3A_491 = tpu.vector_load %arg17[%swap3A_489, %swap3A_490] {strides = array<i32>} : memref<328x128xf32, #tpu.memory_space<vmem>>, vector<16xf32>,
          tpu.vector_store %arg17[%swap3A_489, %swap3A_490], %max3A_488 {strides = array<i32>} : memref<328x128xf32, #tpu.memory_space<vmem>>, vector<16xf32>,
          %get3A_492 = arith.index_cast %while3A_370 : i32 to index
          %get3A_493 = arith.constant 96 : index
          %get3A_494 = tpu.vector_load %arg15[%get3A_492, %get3A_493] {strides = array<i32>} : memref<128x128xf32, #tpu.memory_space<vmem>>, vector<16xf32>,
          %get3A_495 = arith.index_cast %while3A_370 : i32 to index
          %get3A_496 = arith.constant 96 : index
          %get3A_497 = tpu.vector_load %arg16[%get3A_495, %get3A_496] {strides = array<i32>} : memref<128x128xf32, #tpu.memory_space<vmem>>, vector<16xf32>,
          %add3A_498 = arith.addf %get3A_494, %get3A_497 : vector<16xf32>
          %get3A_499 = arith.index_cast %sub3A_408 : i32 to index
          %get3A_500 = arith.constant 96 : index
          %get3A_501 = tpu.vector_load %arg17[%get3A_499, %get3A_500] {strides = array<i32>} : memref<328x128xf32, #tpu.memory_space<vmem>>, vector<16xf32>,
          %max3A_502 = arith.maximumf %get3A_501, %add3A_498 : vector<16xf32>
          %swap3A_503 = arith.index_cast %sub3A_408 : i32 to index
          %swap3A_504 = arith.constant 96 : index
          %swap3A_505 = tpu.vector_load %arg17[%swap3A_503, %swap3A_504] {strides = array<i32>} : memref<328x128xf32, #tpu.memory_space<vmem>>, vector<16xf32>,
          tpu.vector_store %arg17[%swap3A_503, %swap3A_504], %max3A_502 {strides = array<i32>} : memref<328x128xf32, #tpu.memory_space<vmem>>, vector<16xf32>,
          %get3A_506 = arith.index_cast %while3A_370 : i32 to index
          %get3A_507 = arith.constant 112 : index
          %get3A_508 = tpu.vector_load %arg15[%get3A_506, %get3A_507] {strides = array<i32>} : memref<128x128xf32, #tpu.memory_space<vmem>>, vector<16xf32>,
          %get3A_509 = arith.index_cast %while3A_370 : i32 to index
          %get3A_510 = arith.constant 112 : index
          %get3A_511 = tpu.vector_load %arg16[%get3A_509, %get3A_510] {strides = array<i32>} : memref<128x128xf32, #tpu.memory_space<vmem>>, vector<16xf32>,
          %add3A_512 = arith.addf %get3A_508, %get3A_511 : vector<16xf32>
          %get3A_513 = arith.index_cast %sub3A_408 : i32 to index
          %get3A_514 = arith.constant 112 : index
          %get3A_515 = tpu.vector_load %arg17[%get3A_513, %get3A_514] {strides = array<i32>} : memref<328x128xf32, #tpu.memory_space<vmem>>, vector<16xf32>,
          %max3A_516 = arith.maximumf %get3A_515, %add3A_512 : vector<16xf32>
          %swap3A_517 = arith.index_cast %sub3A_408 : i32 to index
          %swap3A_518 = arith.constant 112 : index
          %swap3A_519 = tpu.vector_load %arg17[%swap3A_517, %swap3A_518] {strides = array<i32>} : memref<328x128xf32, #tpu.memory_space<vmem>>, vector<16xf32>,
          tpu.vector_store %arg17[%swap3A_517, %swap3A_518], %max3A_516 {strides = array<i32>} : memref<328x128xf32, #tpu.memory_space<vmem>>, vector<16xf32>,
        }
      } else {
      }
      %get3A_234 = arith.constant 0 : index
      %get3A_235 = tpu.vector_load %arg10[%get3A_234] {strides = array<i32>} : memref<4128xi32, #tpu.memory_space<vmem>>, vector<16xi32>,
      %swap3A_236 = arith.constant 0 : index
      %swap3A_237 = tpu.vector_load %arg12[%swap3A_236] {strides = array<i32>} : memref<128xi32, #tpu.memory_space<vmem>>, vector<16xi32>,
      tpu.vector_store %arg12[%swap3A_236], %get3A_235 {strides = array<i32>} : memref<128xi32, #tpu.memory_space<vmem>>, vector<16xi32>,
      %get3A_238 = arith.constant 0 : index
      %get3A_239 = tpu.vector_load %arg11[%get3A_238] {strides = array<i32>} : memref<4128xi32, #tpu.memory_space<vmem>>, vector<16xi32>,
      %swap3A_240 = arith.constant 0 : index
      %swap3A_241 = tpu.vector_load %arg13[%swap3A_240] {strides = array<i32>} : memref<128xi32, #tpu.memory_space<vmem>>, vector<16xi32>,
      tpu.vector_store %arg13[%swap3A_240], %get3A_239 {strides = array<i32>} : memref<128xi32, #tpu.memory_space<vmem>>, vector<16xi32>,
      %get3A_242 = arith.constant 0 : index
      %get3A_243 = tpu.vector_load %arg9[%get3A_242] {strides = array<i32>} : memref<4128xi32, #tpu.memory_space<vmem>>, vector<16xi32>,
      %swap3A_244 = arith.constant 0 : index
      %swap3A_245 = tpu.vector_load %arg14[%swap3A_244] {strides = array<i32>} : memref<128xi32, #tpu.memory_space<vmem>>, vector<16xi32>,
      tpu.vector_store %arg14[%swap3A_244], %get3A_243 {strides = array<i32>} : memref<128xi32, #tpu.memory_space<vmem>>, vector<16xi32>,
      %get3A_246 = arith.constant 16 : index
      %get3A_247 = tpu.vector_load %arg10[%get3A_246] {strides = array<i32>} : memref<4128xi32, #tpu.memory_space<vmem>>, vector<16xi32>,
      %swap3A_248 = arith.constant 16 : index
      %swap3A_249 = tpu.vector_load %arg12[%swap3A_248] {strides = array<i32>} : memref<128xi32, #tpu.memory_space<vmem>>, vector<16xi32>,
      tpu.vector_store %arg12[%swap3A_248], %get3A_247 {strides = array<i32>} : memref<128xi32, #tpu.memory_space<vmem>>, vector<16xi32>,
      %get3A_250 = arith.constant 16 : index
      %get3A_251 = tpu.vector_load %arg11[%get3A_250] {strides = array<i32>} : memref<4128xi32, #tpu.memory_space<vmem>>, vector<16xi32>,
      %swap3A_252 = arith.constant 16 : index
      %swap3A_253 = tpu.vector_load %arg13[%swap3A_252] {strides = array<i32>} : memref<128xi32, #tpu.memory_space<vmem>>, vector<16xi32>,
      tpu.vector_store %arg13[%swap3A_252], %get3A_251 {strides = array<i32>} : memref<128xi32, #tpu.memory_space<vmem>>, vector<16xi32>,
      %get3A_254 = arith.constant 16 : index
      %get3A_255 = tpu.vector_load %arg9[%get3A_254] {strides = array<i32>} : memref<4128xi32, #tpu.memory_space<vmem>>, vector<16xi32>,
      %swap3A_256 = arith.constant 16 : index
      %swap3A_257 = tpu.vector_load %arg14[%swap3A_256] {strides = array<i32>} : memref<128xi32, #tpu.memory_space<vmem>>, vector<16xi32>,
      tpu.vector_store %arg14[%swap3A_256], %get3A_255 {strides = array<i32>} : memref<128xi32, #tpu.memory_space<vmem>>, vector<16xi32>,
      %get3A_258 = arith.constant 32 : index
      %get3A_259 = tpu.vector_load %arg10[%get3A_258] {strides = array<i32>} : memref<4128xi32, #tpu.memory_space<vmem>>, vector<16xi32>,
      %swap3A_260 = arith.constant 32 : index
      %swap3A_261 = tpu.vector_load %arg12[%swap3A_260] {strides = array<i32>} : memref<128xi32, #tpu.memory_space<vmem>>, vector<16xi32>,
      tpu.vector_store %arg12[%swap3A_260], %get3A_259 {strides = array<i32>} : memref<128xi32, #tpu.memory_space<vmem>>, vector<16xi32>,
      %get3A_262 = arith.constant 32 : index
      %get3A_263 = tpu.vector_load %arg11[%get3A_262] {strides = array<i32>} : memref<4128xi32, #tpu.memory_space<vmem>>, vector<16xi32>,
      %swap3A_264 = arith.constant 32 : index
      %swap3A_265 = tpu.vector_load %arg13[%swap3A_264] {strides = array<i32>} : memref<128xi32, #tpu.memory_space<vmem>>, vector<16xi32>,
      tpu.vector_store %arg13[%swap3A_264], %get3A_263 {strides = array<i32>} : memref<128xi32, #tpu.memory_space<vmem>>, vector<16xi32>,
      %get3A_266 = arith.constant 32 : index
      %get3A_267 = tpu.vector_load %arg9[%get3A_266] {strides = array<i32>} : memref<4128xi32, #tpu.memory_space<vmem>>, vector<16xi32>,
      %swap3A_268 = arith.constant 32 : index
      %swap3A_269 = tpu.vector_load %arg14[%swap3A_268] {strides = array<i32>} : memref<128xi32, #tpu.memory_space<vmem>>, vector<16xi32>,
      tpu.vector_store %arg14[%swap3A_268], %get3A_267 {strides = array<i32>} : memref<128xi32, #tpu.memory_space<vmem>>, vector<16xi32>,
      %get3A_270 = arith.constant 48 : index
      %get3A_271 = tpu.vector_load %arg10[%get3A_270] {strides = array<i32>} : memref<4128xi32, #tpu.memory_space<vmem>>, vector<16xi32>,
      %swap3A_272 = arith.constant 48 : index
      %swap3A_273 = tpu.vector_load %arg12[%swap3A_272] {strides = array<i32>} : memref<128xi32, #tpu.memory_space<vmem>>, vector<16xi32>,
      tpu.vector_store %arg12[%swap3A_272], %get3A_271 {strides = array<i32>} : memref<128xi32, #tpu.memory_space<vmem>>, vector<16xi32>,
      %get3A_274 = arith.constant 48 : index
      %get3A_275 = tpu.vector_load %arg11[%get3A_274] {strides = array<i32>} : memref<4128xi32, #tpu.memory_space<vmem>>, vector<16xi32>,
      %swap3A_276 = arith.constant 48 : index
      %swap3A_277 = tpu.vector_load %arg13[%swap3A_276] {strides = array<i32>} : memref<128xi32, #tpu.memory_space<vmem>>, vector<16xi32>,
      tpu.vector_store %arg13[%swap3A_276], %get3A_275 {strides = array<i32>} : memref<128xi32, #tpu.memory_space<vmem>>, vector<16xi32>,
      %get3A_278 = arith.constant 48 : index
      %get3A_279 = tpu.vector_load %arg9[%get3A_278] {strides = array<i32>} : memref<4128xi32, #tpu.memory_space<vmem>>, vector<16xi32>,
      %swap3A_280 = arith.constant 48 : index
      %swap3A_281 = tpu.vector_load %arg14[%swap3A_280] {strides = array<i32>} : memref<128xi32, #tpu.memory_space<vmem>>, vector<16xi32>,
      tpu.vector_store %arg14[%swap3A_280], %get3A_279 {strides = array<i32>} : memref<128xi32, #tpu.memory_space<vmem>>, vector<16xi32>,
      %get3A_282 = arith.constant 64 : index
      %get3A_283 = tpu.vector_load %arg10[%get3A_282] {strides = array<i32>} : memref<4128xi32, #tpu.memory_space<vmem>>, vector<16xi32>,
      %swap3A_284 = arith.constant 64 : index
      %swap3A_285 = tpu.vector_load %arg12[%swap3A_284] {strides = array<i32>} : memref<128xi32, #tpu.memory_space<vmem>>, vector<16xi32>,
      tpu.vector_store %arg12[%swap3A_284], %get3A_283 {strides = array<i32>} : memref<128xi32, #tpu.memory_space<vmem>>, vector<16xi32>,
      %get3A_286 = arith.constant 64 : index
      %get3A_287 = tpu.vector_load %arg11[%get3A_286] {strides = array<i32>} : memref<4128xi32, #tpu.memory_space<vmem>>, vector<16xi32>,
      %swap3A_288 = arith.constant 64 : index
      %swap3A_289 = tpu.vector_load %arg13[%swap3A_288] {strides = array<i32>} : memref<128xi32, #tpu.memory_space<vmem>>, vector<16xi32>,
      tpu.vector_store %arg13[%swap3A_288], %get3A_287 {strides = array<i32>} : memref<128xi32, #tpu.memory_space<vmem>>, vector<16xi32>,
      %get3A_290 = arith.constant 64 : index
      %get3A_291 = tpu.vector_load %arg9[%get3A_290] {strides = array<i32>} : memref<4128xi32, #tpu.memory_space<vmem>>, vector<16xi32>,
      %swap3A_292 = arith.constant 64 : index
      %swap3A_293 = tpu.vector_load %arg14[%swap3A_292] {strides = array<i32>} : memref<128xi32, #tpu.memory_space<vmem>>, vector<16xi32>,
      tpu.vector_store %arg14[%swap3A_292], %get3A_291 {strides = array<i32>} : memref<128xi32, #tpu.memory_space<vmem>>, vector<16xi32>,
      %get3A_294 = arith.constant 80 : index
      %get3A_295 = tpu.vector_load %arg10[%get3A_294] {strides = array<i32>} : memref<4128xi32, #tpu.memory_space<vmem>>, vector<16xi32>,
      %swap3A_296 = arith.constant 80 : index
      %swap3A_297 = tpu.vector_load %arg12[%swap3A_296] {strides = array<i32>} : memref<128xi32, #tpu.memory_space<vmem>>, vector<16xi32>,
      tpu.vector_store %arg12[%swap3A_296], %get3A_295 {strides = array<i32>} : memref<128xi32, #tpu.memory_space<vmem>>, vector<16xi32>,
      %get3A_298 = arith.constant 80 : index
      %get3A_299 = tpu.vector_load %arg11[%get3A_298] {strides = array<i32>} : memref<4128xi32, #tpu.memory_space<vmem>>, vector<16xi32>,
      %swap3A_300 = arith.constant 80 : index
      %swap3A_301 = tpu.vector_load %arg13[%swap3A_300] {strides = array<i32>} : memref<128xi32, #tpu.memory_space<vmem>>, vector<16xi32>,
      tpu.vector_store %arg13[%swap3A_300], %get3A_299 {strides = array<i32>} : memref<128xi32, #tpu.memory_space<vmem>>, vector<16xi32>,
      %get3A_302 = arith.constant 80 : index
      %get3A_303 = tpu.vector_load %arg9[%get3A_302] {strides = array<i32>} : memref<4128xi32, #tpu.memory_space<vmem>>, vector<16xi32>,
      %swap3A_304 = arith.constant 80 : index
      %swap3A_305 = tpu.vector_load %arg14[%swap3A_304] {strides = array<i32>} : memref<128xi32, #tpu.memory_space<vmem>>, vector<16xi32>,
      tpu.vector_store %arg14[%swap3A_304], %get3A_303 {strides = array<i32>} : memref<128xi32, #tpu.memory_space<vmem>>, vector<16xi32>,
      %get3A_306 = arith.constant 96 : index
      %get3A_307 = tpu.vector_load %arg10[%get3A_306] {strides = array<i32>} : memref<4128xi32, #tpu.memory_space<vmem>>, vector<16xi32>,
      %swap3A_308 = arith.constant 96 : index
      %swap3A_309 = tpu.vector_load %arg12[%swap3A_308] {strides = array<i32>} : memref<128xi32, #tpu.memory_space<vmem>>, vector<16xi32>,
      tpu.vector_store %arg12[%swap3A_308], %get3A_307 {strides = array<i32>} : memref<128xi32, #tpu.memory_space<vmem>>, vector<16xi32>,
      %get3A_310 = arith.constant 96 : index
      %get3A_311 = tpu.vector_load %arg11[%get3A_310] {strides = array<i32>} : memref<4128xi32, #tpu.memory_space<vmem>>, vector<16xi32>,
      %swap3A_312 = arith.constant 96 : index
      %swap3A_313 = tpu.vector_load %arg13[%swap3A_312] {strides = array<i32>} : memref<128xi32, #tpu.memory_space<vmem>>, vector<16xi32>,
      tpu.vector_store %arg13[%swap3A_312], %get3A_311 {strides = array<i32>} : memref<128xi32, #tpu.memory_space<vmem>>, vector<16xi32>,
      %get3A_314 = arith.constant 96 : index
      %get3A_315 = tpu.vector_load %arg9[%get3A_314] {strides = array<i32>} : memref<4128xi32, #tpu.memory_space<vmem>>, vector<16xi32>,
      %swap3A_316 = arith.constant 96 : index
      %swap3A_317 = tpu.vector_load %arg14[%swap3A_316] {strides = array<i32>} : memref<128xi32, #tpu.memory_space<vmem>>, vector<16xi32>,
      tpu.vector_store %arg14[%swap3A_316], %get3A_315 {strides = array<i32>} : memref<128xi32, #tpu.memory_space<vmem>>, vector<16xi32>,
      %get3A_318 = arith.constant 112 : index
      %get3A_319 = tpu.vector_load %arg10[%get3A_318] {strides = array<i32>} : memref<4128xi32, #tpu.memory_space<vmem>>, vector<16xi32>,
      %swap3A_320 = arith.constant 112 : index
      %swap3A_321 = tpu.vector_load %arg12[%swap3A_320] {strides = array<i32>} : memref<128xi32, #tpu.memory_space<vmem>>, vector<16xi32>,
      tpu.vector_store %arg12[%swap3A_320], %get3A_319 {strides = array<i32>} : memref<128xi32, #tpu.memory_space<vmem>>, vector<16xi32>,
      %get3A_322 = arith.constant 112 : index
      %get3A_323 = tpu.vector_load %arg11[%get3A_322] {strides = array<i32>} : memref<4128xi32, #tpu.memory_space<vmem>>, vector<16xi32>,
      %swap3A_324 = arith.constant 112 : index
      %swap3A_325 = tpu.vector_load %arg13[%swap3A_324] {strides = array<i32>} : memref<128xi32, #tpu.memory_space<vmem>>, vector<16xi32>,
      tpu.vector_store %arg13[%swap3A_324], %get3A_323 {strides = array<i32>} : memref<128xi32, #tpu.memory_space<vmem>>, vector<16xi32>,
      %get3A_326 = arith.constant 112 : index
      %get3A_327 = tpu.vector_load %arg9[%get3A_326] {strides = array<i32>} : memref<4128xi32, #tpu.memory_space<vmem>>, vector<16xi32>,
      %swap3A_328 = arith.constant 112 : index
      %swap3A_329 = tpu.vector_load %arg14[%swap3A_328] {strides = array<i32>} : memref<128xi32, #tpu.memory_space<vmem>>, vector<16xi32>,
      tpu.vector_store %arg14[%swap3A_328], %get3A_327 {strides = array<i32>} : memref<128xi32, #tpu.memory_space<vmem>>, vector<16xi32>,
      %dma_start3A_330 = arith.constant 0 : i32
      %dma_start3A_331 = arith.constant 0 : i32
      %dma_start3A_332 = tpu.memref_slice %arg4[%dma_start3A_330, %dma_start3A_331] : memref<10000x128xf32, #tpu.memory_space<hbm>> -> memref<10000x128xf32, #tpu.memory_space<hbm>>
      tpu.enqueue_indirect_dma source(%dma_start3A_332 : memref<10000x128xf32, #tpu.memory_space<hbm>>) target(%arg15 : memref<128x128xf32, #tpu.memory_space<vmem>>) offsets(%arg12 : memref<128xi32, #tpu.memory_space<vmem>>) semaphore(%arg19 : memref<!tpu.dma_semaphore, #tpu.memory_space<semaphore_mem>>)
      %dma_start3A_333 = arith.constant 0 : i32
      %dma_start3A_334 = arith.constant 0 : i32
      %dma_start3A_335 = tpu.memref_slice %arg5[%dma_start3A_333, %dma_start3A_334] : memref<320000x128xf32, #tpu.memory_space<hbm>> -> memref<320000x128xf32, #tpu.memory_space<hbm>>
      tpu.enqueue_indirect_dma source(%dma_start3A_335 : memref<320000x128xf32, #tpu.memory_space<hbm>>) target(%arg16 : memref<128x128xf32, #tpu.memory_space<vmem>>) offsets(%arg14 : memref<128xi32, #tpu.memory_space<vmem>>) semaphore(%arg19 : memref<!tpu.dma_semaphore, #tpu.memory_space<semaphore_mem>>)
      %add3A_336 = arith.constant 1 : i32
      %add3A_337 = arith.addi %scan3A_207, %add3A_336 : i32
      %mul3A_338 = arith.constant 4000 : i32
      %mul3A_339 = arith.muli %add3A_337, %mul3A_338 : i32
      %min3A_340 = arith.constant 316000 : i32
      %min3A_341 = arith.minsi %mul3A_339, %min3A_340 : i32
      %dma_start3A_342 = tpu.memref_slice %arg3[%min3A_341] : memref<320000xi32, #tpu.memory_space<hbm>> -> memref<4000xi32, #tpu.memory_space<hbm>>
      %dma_start3A_343 = tpu.memref_slice %arg3[%min3A_341] : memref<320000xi32, #tpu.memory_space<hbm>> -> memref<4000xi32, #tpu.memory_space<hbm>>
      tpu.enqueue_dma source(%dma_start3A_343 : memref<4000xi32, #tpu.memory_space<hbm>>) target(%arg7 : memref<4000xi32, #tpu.memory_space<vmem>>) target_semaphore(%arg18 : memref<!tpu.dma_semaphore, #tpu.memory_space<semaphore_mem>>)
      %dma_start3A_344 = tpu.memref_slice %arg2[%min3A_341] : memref<320000xi32, #tpu.memory_space<hbm>> -> memref<4000xi32, #tpu.memory_space<hbm>>
      %dma_start3A_345 = tpu.memref_slice %arg2[%min3A_341] : memref<320000xi32, #tpu.memory_space<hbm>> -> memref<4000xi32, #tpu.memory_space<hbm>>
      tpu.enqueue_dma source(%dma_start3A_345 : memref<4000xi32, #tpu.memory_space<hbm>>) target(%arg8 : memref<4000xi32, #tpu.memory_space<vmem>>) target_semaphore(%arg18 : memref<!tpu.dma_semaphore, #tpu.memory_space<semaphore_mem>>)
      scf.yield %scan3A_228 : i32
    }
    %scan3A_137 = arith.constant 79 : i32
    %dma_wait3A = arith.constant 0 : i32
    %dma_wait3A_138 = tpu.memref_slice %arg3[%dma_wait3A] : memref<320000xi32, #tpu.memory_space<hbm>> -> memref<4000xi32, #tpu.memory_space<hbm>>
    %dma_wait3A_139 = arith.constant 0 : i32
    %dma_wait3A_140 = tpu.memref_slice %arg3[%dma_wait3A_139] : memref<320000xi32, #tpu.memory_space<hbm>> -> memref<4000xi32, #tpu.memory_space<hbm>>
    tpu.wait_dma2 semaphore(%arg18 : memref<!tpu.dma_semaphore, #tpu.memory_space<semaphore_mem>>) src(%dma_wait3A_140 : memref<4000xi32, #tpu.memory_space<hbm>>) dst(%arg7 : memref<4000xi32, #tpu.memory_space<vmem>>)
    %dma_wait3A_141 = arith.constant 0 : i32
    %dma_wait3A_142 = tpu.memref_slice %arg2[%dma_wait3A_141] : memref<320000xi32, #tpu.memory_space<hbm>> -> memref<4000xi32, #tpu.memory_space<hbm>>
    %dma_wait3A_143 = arith.constant 0 : i32
    %dma_wait3A_144 = tpu.memref_slice %arg2[%dma_wait3A_143] : memref<320000xi32, #tpu.memory_space<hbm>> -> memref<4000xi32, #tpu.memory_space<hbm>>
    tpu.wait_dma2 semaphore(%arg18 : memref<!tpu.dma_semaphore, #tpu.memory_space<semaphore_mem>>) src(%dma_wait3A_144 : memref<4000xi32, #tpu.memory_space<hbm>>) dst(%arg8 : memref<4000xi32, #tpu.memory_space<vmem>>)
    %dma_wait3A_145 = arith.constant 0 : i32
    %dma_wait3A_146 = arith.constant 0 : i32
    %dma_wait3A_147 = tpu.memref_slice %arg4[%dma_wait3A_145, %dma_wait3A_146] : memref<10000x128xf32, #tpu.memory_space<hbm>> -> memref<128x128xf32, #tpu.memory_space<hbm>>
    %dma_wait3A_148 = arith.constant 0 : i32
    %dma_wait3A_149 = arith.constant 0 : i32
    %dma_wait3A_150 = tpu.memref_slice %arg4[%dma_wait3A_148, %dma_wait3A_149] : memref<10000x128xf32, #tpu.memory_space<hbm>> -> memref<128x128xf32, #tpu.memory_space<hbm>>
    tpu.wait_dma2 semaphore(%arg19 : memref<!tpu.dma_semaphore, #tpu.memory_space<semaphore_mem>>) src(%dma_wait3A_150 : memref<128x128xf32, #tpu.memory_space<hbm>>) dst(%arg15 : memref<128x128xf32, #tpu.memory_space<vmem>>)
    %dma_wait3A_151 = arith.constant 0 : i32
    %dma_wait3A_152 = arith.constant 0 : i32
    %dma_wait3A_153 = tpu.memref_slice %arg4[%dma_wait3A_151, %dma_wait3A_152] : memref<10000x128xf32, #tpu.memory_space<hbm>> -> memref<128x128xf32, #tpu.memory_space<hbm>>
    %dma_wait3A_154 = arith.constant 0 : i32
    %dma_wait3A_155 = arith.constant 0 : i32
    %dma_wait3A_156 = tpu.memref_slice %arg4[%dma_wait3A_154, %dma_wait3A_155] : memref<10000x128xf32, #tpu.memory_space<hbm>> -> memref<128x128xf32, #tpu.memory_space<hbm>>
    tpu.wait_dma2 semaphore(%arg19 : memref<!tpu.dma_semaphore, #tpu.memory_space<semaphore_mem>>) src(%dma_wait3A_156 : memref<128x128xf32, #tpu.memory_space<hbm>>) dst(%arg16 : memref<128x128xf32, #tpu.memory_space<vmem>>)
    %min3A_157 = arith.constant 128 : i32
    %min3A_158 = arith.minsi %scan3A_136, %min3A_157 : i32
    %while3A = arith.constant 0 : i32
    %while3A_159 = arith.constant 0 : i32
    %while3A_160 = arith.subi %min3A_158, %while3A_159 : i32
    %while3A_161 = arith.addi %while3A_159, %while3A_160 : i32
    %while3A_162 = arith.constant 1 : i32
    %while3A_163 = arith.divsi %while3A_160, %while3A_162 : i32
    %while3A_164 = arith.muli %while3A_163, %while3A_162 : i32
    %while3A_165 = arith.addi %while3A_159, %while3A_164 : i32
    %while3A_166 = arith.constant 1 : i32
    scf.for %while3A_207 = %while3A_159 to %while3A_165 step %while3A_166  : i32 {
      %jit3A_208 = arith.constant 16 : i32
      %div3A_209 = arith.divsi %while3A_207, %jit3A_208 : i32
      %sign3A_210 = arith.constant 0 : i32
      %sign3A_211 = arith.cmpi sgt, %while3A_207, %sign3A_210 : i32
      %sign3A_212 = arith.extui %sign3A_211 : i1 to i32
      %sign3A_213 = arith.constant 0 : i32
      %sign3A_214 = arith.cmpi slt, %while3A_207, %sign3A_213 : i32
      %sign3A_215 = arith.extui %sign3A_214 : i1 to i32
      %sign3A_216 = arith.subi %sign3A_212, %sign3A_215 : i32
      %sign3A_217 = arith.constant 0 : i32
      %sign3A_218 = arith.cmpi sgt, %jit3A_208, %sign3A_217 : i32
      %sign3A_219 = arith.extui %sign3A_218 : i1 to i32
      %sign3A_220 = arith.constant 0 : i32
      %sign3A_221 = arith.cmpi slt, %jit3A_208, %sign3A_220 : i32
      %sign3A_222 = arith.extui %sign3A_221 : i1 to i32
      %sign3A_223 = arith.subi %sign3A_219, %sign3A_222 : i32
      %ne3A_224 = arith.cmpi ne, %sign3A_216, %sign3A_223 : i32
      %rem3A_225 = arith.remsi %while3A_207, %jit3A_208 : i32
      %ne3A_226 = arith.constant 0 : i32
      %ne3A_227 = arith.cmpi ne, %rem3A_225, %ne3A_226 : i32
      %and3A_228 = arith.andi %ne3A_224, %ne3A_227 : i1
      %sub3A_229 = arith.constant 1 : i32
      %sub3A_230 = arith.subi %div3A_209, %sub3A_229 : i32
      %select_n3A_231 = arith.select %and3A_228, %sub3A_230, %div3A_209 : i32
      %mul3A_232 = arith.constant 16 : i32
      %mul3A_233 = arith.muli %select_n3A_231, %mul3A_232 : i32
      %get3A_234 = arith.index_cast %mul3A_233 : i32 to index
      %get3A_235 = tpu.vector_load %arg13[%get3A_234] {strides = array<i32>} : memref<128xi32, #tpu.memory_space<vmem>>, vector<16xi32>,
      %sub3A_236 = arith.subi %while3A_207, %mul3A_233 : i32
      %eq3A_237 = vector.broadcast %sub3A_236 : i32 to vector<16xi32>
      %eq3A_238 = arith.cmpi eq, %iota3A, %eq3A_237 : vector<16xi32>
      %jit3A_239 = arith.constant 0 : i32
      %broadcast_in_dim3A_240 = vector.broadcast %jit3A_239 : i32 to vector<16xi32>
      %select_n3A_241 = arith.select %eq3A_238, %get3A_235, %broadcast_in_dim3A_240 : vector<16xi1>, vector<16xi32>
      %reduce_sum3A = arith.constant true
      %reduce_sum3A_242 = vector.broadcast %reduce_sum3A : i1 to vector<16xi1>
      %reduce_sum3A_243 = tpu.scan <sum>, %select_n3A_241 masked %reduce_sum3A_242 : vector<16xi32>, vector<16xi1> -> vector<16xi32>
      %reduce_sum3A_244 = vector.extract %reduce_sum3A_243[15] : i32 from vector<16xi32>
      %sub3A_245 = arith.subi %reduce_sum3A_244, %mul3A_2 : i32
      %get3A_246 = arith.index_cast %while3A_207 : i32 to index
      %get3A_247 = arith.constant 0 : index
      %get3A_248 = tpu.vector_load %arg15[%get3A_246, %get3A_247] {strides = array<i32>} : memref<128x128xf32, #tpu.memory_space<vmem>>, vector<16xf32>,
      %get3A_249 = arith.index_cast %while3A_207 : i32 to index
      %get3A_250 = arith.constant 0 : index
      %get3A_251 = tpu.vector_load %arg16[%get3A_249, %get3A_250] {strides = array<i32>} : memref<128x128xf32, #tpu.memory_space<vmem>>, vector<16xf32>,
      %add3A_252 = arith.addf %get3A_248, %get3A_251 : vector<16xf32>
      %get3A_253 = arith.index_cast %sub3A_245 : i32 to index
      %get3A_254 = arith.constant 0 : index
      %get3A_255 = tpu.vector_load %arg17[%get3A_253, %get3A_254] {strides = array<i32>} : memref<328x128xf32, #tpu.memory_space<vmem>>, vector<16xf32>,
      %max3A = arith.maximumf %get3A_255, %add3A_252 : vector<16xf32>
      %swap3A_256 = arith.index_cast %sub3A_245 : i32 to index
      %swap3A_257 = arith.constant 0 : index
      %swap3A_258 = tpu.vector_load %arg17[%swap3A_256, %swap3A_257] {strides = array<i32>} : memref<328x128xf32, #tpu.memory_space<vmem>>, vector<16xf32>,
      tpu.vector_store %arg17[%swap3A_256, %swap3A_257], %max3A {strides = array<i32>} : memref<328x128xf32, #tpu.memory_space<vmem>>, vector<16xf32>,
      %get3A_259 = arith.index_cast %while3A_207 : i32 to index
      %get3A_260 = arith.constant 16 : index
      %get3A_261 = tpu.vector_load %arg15[%get3A_259, %get3A_260] {strides = array<i32>} : memref<128x128xf32, #tpu.memory_space<vmem>>, vector<16xf32>,
      %get3A_262 = arith.index_cast %while3A_207 : i32 to index
      %get3A_263 = arith.constant 16 : index
      %get3A_264 = tpu.vector_load %arg16[%get3A_262, %get3A_263] {strides = array<i32>} : memref<128x128xf32, #tpu.memory_space<vmem>>, vector<16xf32>,
      %add3A_265 = arith.addf %get3A_261, %get3A_264 : vector<16xf32>
      %get3A_266 = arith.index_cast %sub3A_245 : i32 to index
      %get3A_267 = arith.constant 16 : index
      %get3A_268 = tpu.vector_load %arg17[%get3A_266, %get3A_267] {strides = array<i32>} : memref<328x128xf32, #tpu.memory_space<vmem>>, vector<16xf32>,
      %max3A_269 = arith.maximumf %get3A_268, %add3A_265 : vector<16xf32>
      %swap3A_270 = arith.index_cast %sub3A_245 : i32 to index
      %swap3A_271 = arith.constant 16 : index
      %swap3A_272 = tpu.vector_load %arg17[%swap3A_270, %swap3A_271] {strides = array<i32>} : memref<328x128xf32, #tpu.memory_space<vmem>>, vector<16xf32>,
      tpu.vector_store %arg17[%swap3A_270, %swap3A_271], %max3A_269 {strides = array<i32>} : memref<328x128xf32, #tpu.memory_space<vmem>>, vector<16xf32>,
      %get3A_273 = arith.index_cast %while3A_207 : i32 to index
      %get3A_274 = arith.constant 32 : index
      %get3A_275 = tpu.vector_load %arg15[%get3A_273, %get3A_274] {strides = array<i32>} : memref<128x128xf32, #tpu.memory_space<vmem>>, vector<16xf32>,
      %get3A_276 = arith.index_cast %while3A_207 : i32 to index
      %get3A_277 = arith.constant 32 : index
      %get3A_278 = tpu.vector_load %arg16[%get3A_276, %get3A_277] {strides = array<i32>} : memref<128x128xf32, #tpu.memory_space<vmem>>, vector<16xf32>,
      %add3A_279 = arith.addf %get3A_275, %get3A_278 : vector<16xf32>
      %get3A_280 = arith.index_cast %sub3A_245 : i32 to index
      %get3A_281 = arith.constant 32 : index
      %get3A_282 = tpu.vector_load %arg17[%get3A_280, %get3A_281] {strides = array<i32>} : memref<328x128xf32, #tpu.memory_space<vmem>>, vector<16xf32>,
      %max3A_283 = arith.maximumf %get3A_282, %add3A_279 : vector<16xf32>
      %swap3A_284 = arith.index_cast %sub3A_245 : i32 to index
      %swap3A_285 = arith.constant 32 : index
      %swap3A_286 = tpu.vector_load %arg17[%swap3A_284, %swap3A_285] {strides = array<i32>} : memref<328x128xf32, #tpu.memory_space<vmem>>, vector<16xf32>,
      tpu.vector_store %arg17[%swap3A_284, %swap3A_285], %max3A_283 {strides = array<i32>} : memref<328x128xf32, #tpu.memory_space<vmem>>, vector<16xf32>,
      %get3A_287 = arith.index_cast %while3A_207 : i32 to index
      %get3A_288 = arith.constant 48 : index
      %get3A_289 = tpu.vector_load %arg15[%get3A_287, %get3A_288] {strides = array<i32>} : memref<128x128xf32, #tpu.memory_space<vmem>>, vector<16xf32>,
      %get3A_290 = arith.index_cast %while3A_207 : i32 to index
      %get3A_291 = arith.constant 48 : index
      %get3A_292 = tpu.vector_load %arg16[%get3A_290, %get3A_291] {strides = array<i32>} : memref<128x128xf32, #tpu.memory_space<vmem>>, vector<16xf32>,
      %add3A_293 = arith.addf %get3A_289, %get3A_292 : vector<16xf32>
      %get3A_294 = arith.index_cast %sub3A_245 : i32 to index
      %get3A_295 = arith.constant 48 : index
      %get3A_296 = tpu.vector_load %arg17[%get3A_294, %get3A_295] {strides = array<i32>} : memref<328x128xf32, #tpu.memory_space<vmem>>, vector<16xf32>,
      %max3A_297 = arith.maximumf %get3A_296, %add3A_293 : vector<16xf32>
      %swap3A_298 = arith.index_cast %sub3A_245 : i32 to index
      %swap3A_299 = arith.constant 48 : index
      %swap3A_300 = tpu.vector_load %arg17[%swap3A_298, %swap3A_299] {strides = array<i32>} : memref<328x128xf32, #tpu.memory_space<vmem>>, vector<16xf32>,
      tpu.vector_store %arg17[%swap3A_298, %swap3A_299], %max3A_297 {strides = array<i32>} : memref<328x128xf32, #tpu.memory_space<vmem>>, vector<16xf32>,
      %get3A_301 = arith.index_cast %while3A_207 : i32 to index
      %get3A_302 = arith.constant 64 : index
      %get3A_303 = tpu.vector_load %arg15[%get3A_301, %get3A_302] {strides = array<i32>} : memref<128x128xf32, #tpu.memory_space<vmem>>, vector<16xf32>,
      %get3A_304 = arith.index_cast %while3A_207 : i32 to index
      %get3A_305 = arith.constant 64 : index
      %get3A_306 = tpu.vector_load %arg16[%get3A_304, %get3A_305] {strides = array<i32>} : memref<128x128xf32, #tpu.memory_space<vmem>>, vector<16xf32>,
      %add3A_307 = arith.addf %get3A_303, %get3A_306 : vector<16xf32>
      %get3A_308 = arith.index_cast %sub3A_245 : i32 to index
      %get3A_309 = arith.constant 64 : index
      %get3A_310 = tpu.vector_load %arg17[%get3A_308, %get3A_309] {strides = array<i32>} : memref<328x128xf32, #tpu.memory_space<vmem>>, vector<16xf32>,
      %max3A_311 = arith.maximumf %get3A_310, %add3A_307 : vector<16xf32>
      %swap3A_312 = arith.index_cast %sub3A_245 : i32 to index
      %swap3A_313 = arith.constant 64 : index
      %swap3A_314 = tpu.vector_load %arg17[%swap3A_312, %swap3A_313] {strides = array<i32>} : memref<328x128xf32, #tpu.memory_space<vmem>>, vector<16xf32>,
      tpu.vector_store %arg17[%swap3A_312, %swap3A_313], %max3A_311 {strides = array<i32>} : memref<328x128xf32, #tpu.memory_space<vmem>>, vector<16xf32>,
      %get3A_315 = arith.index_cast %while3A_207 : i32 to index
      %get3A_316 = arith.constant 80 : index
      %get3A_317 = tpu.vector_load %arg15[%get3A_315, %get3A_316] {strides = array<i32>} : memref<128x128xf32, #tpu.memory_space<vmem>>, vector<16xf32>,
      %get3A_318 = arith.index_cast %while3A_207 : i32 to index
      %get3A_319 = arith.constant 80 : index
      %get3A_320 = tpu.vector_load %arg16[%get3A_318, %get3A_319] {strides = array<i32>} : memref<128x128xf32, #tpu.memory_space<vmem>>, vector<16xf32>,
      %add3A_321 = arith.addf %get3A_317, %get3A_320 : vector<16xf32>
      %get3A_322 = arith.index_cast %sub3A_245 : i32 to index
      %get3A_323 = arith.constant 80 : index
      %get3A_324 = tpu.vector_load %arg17[%get3A_322, %get3A_323] {strides = array<i32>} : memref<328x128xf32, #tpu.memory_space<vmem>>, vector<16xf32>,
      %max3A_325 = arith.maximumf %get3A_324, %add3A_321 : vector<16xf32>
      %swap3A_326 = arith.index_cast %sub3A_245 : i32 to index
      %swap3A_327 = arith.constant 80 : index
      %swap3A_328 = tpu.vector_load %arg17[%swap3A_326, %swap3A_327] {strides = array<i32>} : memref<328x128xf32, #tpu.memory_space<vmem>>, vector<16xf32>,
      tpu.vector_store %arg17[%swap3A_326, %swap3A_327], %max3A_325 {strides = array<i32>} : memref<328x128xf32, #tpu.memory_space<vmem>>, vector<16xf32>,
      %get3A_329 = arith.index_cast %while3A_207 : i32 to index
      %get3A_330 = arith.constant 96 : index
      %get3A_331 = tpu.vector_load %arg15[%get3A_329, %get3A_330] {strides = array<i32>} : memref<128x128xf32, #tpu.memory_space<vmem>>, vector<16xf32>,
      %get3A_332 = arith.index_cast %while3A_207 : i32 to index
      %get3A_333 = arith.constant 96 : index
      %get3A_334 = tpu.vector_load %arg16[%get3A_332, %get3A_333] {strides = array<i32>} : memref<128x128xf32, #tpu.memory_space<vmem>>, vector<16xf32>,
      %add3A_335 = arith.addf %get3A_331, %get3A_334 : vector<16xf32>
      %get3A_336 = arith.index_cast %sub3A_245 : i32 to index
      %get3A_337 = arith.constant 96 : index
      %get3A_338 = tpu.vector_load %arg17[%get3A_336, %get3A_337] {strides = array<i32>} : memref<328x128xf32, #tpu.memory_space<vmem>>, vector<16xf32>,
      %max3A_339 = arith.maximumf %get3A_338, %add3A_335 : vector<16xf32>
      %swap3A_340 = arith.index_cast %sub3A_245 : i32 to index
      %swap3A_341 = arith.constant 96 : index
      %swap3A_342 = tpu.vector_load %arg17[%swap3A_340, %swap3A_341] {strides = array<i32>} : memref<328x128xf32, #tpu.memory_space<vmem>>, vector<16xf32>,
      tpu.vector_store %arg17[%swap3A_340, %swap3A_341], %max3A_339 {strides = array<i32>} : memref<328x128xf32, #tpu.memory_space<vmem>>, vector<16xf32>,
      %get3A_343 = arith.index_cast %while3A_207 : i32 to index
      %get3A_344 = arith.constant 112 : index
      %get3A_345 = tpu.vector_load %arg15[%get3A_343, %get3A_344] {strides = array<i32>} : memref<128x128xf32, #tpu.memory_space<vmem>>, vector<16xf32>,
      %get3A_346 = arith.index_cast %while3A_207 : i32 to index
      %get3A_347 = arith.constant 112 : index
      %get3A_348 = tpu.vector_load %arg16[%get3A_346, %get3A_347] {strides = array<i32>} : memref<128x128xf32, #tpu.memory_space<vmem>>, vector<16xf32>,
      %add3A_349 = arith.addf %get3A_345, %get3A_348 : vector<16xf32>
      %get3A_350 = arith.index_cast %sub3A_245 : i32 to index
      %get3A_351 = arith.constant 112 : index
      %get3A_352 = tpu.vector_load %arg17[%get3A_350, %get3A_351] {strides = array<i32>} : memref<328x128xf32, #tpu.memory_space<vmem>>, vector<16xf32>,
      %max3A_353 = arith.maximumf %get3A_352, %add3A_349 : vector<16xf32>
      %swap3A_354 = arith.index_cast %sub3A_245 : i32 to index
      %swap3A_355 = arith.constant 112 : index
      %swap3A_356 = tpu.vector_load %arg17[%swap3A_354, %swap3A_355] {strides = array<i32>} : memref<328x128xf32, #tpu.memory_space<vmem>>, vector<16xf32>,
      tpu.vector_store %arg17[%swap3A_354, %swap3A_355], %max3A_353 {strides = array<i32>} : memref<328x128xf32, #tpu.memory_space<vmem>>, vector<16xf32>,
    }
    %while3A_167 = arith.constant 1 : i32
    scf.for %while3A_207 = %while3A_165 to %while3A_161 step %while3A_167  : i32 {
      %jit3A_208 = arith.constant 16 : i32
      %div3A_209 = arith.divsi %while3A_207, %jit3A_208 : i32
      %sign3A_210 = arith.constant 0 : i32
      %sign3A_211 = arith.cmpi sgt, %while3A_207, %sign3A_210 : i32
      %sign3A_212 = arith.extui %sign3A_211 : i1 to i32
      %sign3A_213 = arith.constant 0 : i32
      %sign3A_214 = arith.cmpi slt, %while3A_207, %sign3A_213 : i32
      %sign3A_215 = arith.extui %sign3A_214 : i1 to i32
      %sign3A_216 = arith.subi %sign3A_212, %sign3A_215 : i32
      %sign3A_217 = arith.constant 0 : i32
      %sign3A_218 = arith.cmpi sgt, %jit3A_208, %sign3A_217 : i32
      %sign3A_219 = arith.extui %sign3A_218 : i1 to i32
      %sign3A_220 = arith.constant 0 : i32
      %sign3A_221 = arith.cmpi slt, %jit3A_208, %sign3A_220 : i32
      %sign3A_222 = arith.extui %sign3A_221 : i1 to i32
      %sign3A_223 = arith.subi %sign3A_219, %sign3A_222 : i32
      %ne3A_224 = arith.cmpi ne, %sign3A_216, %sign3A_223 : i32
      %rem3A_225 = arith.remsi %while3A_207, %jit3A_208 : i32
      %ne3A_226 = arith.constant 0 : i32
      %ne3A_227 = arith.cmpi ne, %rem3A_225, %ne3A_226 : i32
      %and3A_228 = arith.andi %ne3A_224, %ne3A_227 : i1
      %sub3A_229 = arith.constant 1 : i32
      %sub3A_230 = arith.subi %div3A_209, %sub3A_229 : i32
      %select_n3A_231 = arith.select %and3A_228, %sub3A_230, %div3A_209 : i32
      %mul3A_232 = arith.constant 16 : i32
      %mul3A_233 = arith.muli %select_n3A_231, %mul3A_232 : i32
      %get3A_234 = arith.index_cast %mul3A_233 : i32 to index
      %get3A_235 = tpu.vector_load %arg13[%get3A_234] {strides = array<i32>} : memref<128xi32, #tpu.memory_space<vmem>>, vector<16xi32>,
      %sub3A_236 = arith.subi %while3A_207, %mul3A_233 : i32
      %eq3A_237 = vector.broadcast %sub3A_236 : i32 to vector<16xi32>
      %eq3A_238 = arith.cmpi eq, %iota3A, %eq3A_237 : vector<16xi32>
      %jit3A_239 = arith.constant 0 : i32
      %broadcast_in_dim3A_240 = vector.broadcast %jit3A_239 : i32 to vector<16xi32>
      %select_n3A_241 = arith.select %eq3A_238, %get3A_235, %broadcast_in_dim3A_240 : vector<16xi1>, vector<16xi32>
      %reduce_sum3A = arith.constant true
      %reduce_sum3A_242 = vector.broadcast %reduce_sum3A : i1 to vector<16xi1>
      %reduce_sum3A_243 = tpu.scan <sum>, %select_n3A_241 masked %reduce_sum3A_242 : vector<16xi32>, vector<16xi1> -> vector<16xi32>
      %reduce_sum3A_244 = vector.extract %reduce_sum3A_243[15] : i32 from vector<16xi32>
      %sub3A_245 = arith.subi %reduce_sum3A_244, %mul3A_2 : i32
      %get3A_246 = arith.index_cast %while3A_207 : i32 to index
      %get3A_247 = arith.constant 0 : index
      %get3A_248 = tpu.vector_load %arg15[%get3A_246, %get3A_247] {strides = array<i32>} : memref<128x128xf32, #tpu.memory_space<vmem>>, vector<16xf32>,
      %get3A_249 = arith.index_cast %while3A_207 : i32 to index
      %get3A_250 = arith.constant 0 : index
      %get3A_251 = tpu.vector_load %arg16[%get3A_249, %get3A_250] {strides = array<i32>} : memref<128x128xf32, #tpu.memory_space<vmem>>, vector<16xf32>,
      %add3A_252 = arith.addf %get3A_248, %get3A_251 : vector<16xf32>
      %get3A_253 = arith.index_cast %sub3A_245 : i32 to index
      %get3A_254 = arith.constant 0 : index
      %get3A_255 = tpu.vector_load %arg17[%get3A_253, %get3A_254] {strides = array<i32>} : memref<328x128xf32, #tpu.memory_space<vmem>>, vector<16xf32>,
      %max3A = arith.maximumf %get3A_255, %add3A_252 : vector<16xf32>
      %swap3A_256 = arith.index_cast %sub3A_245 : i32 to index
      %swap3A_257 = arith.constant 0 : index
      %swap3A_258 = tpu.vector_load %arg17[%swap3A_256, %swap3A_257] {strides = array<i32>} : memref<328x128xf32, #tpu.memory_space<vmem>>, vector<16xf32>,
      tpu.vector_store %arg17[%swap3A_256, %swap3A_257], %max3A {strides = array<i32>} : memref<328x128xf32, #tpu.memory_space<vmem>>, vector<16xf32>,
      %get3A_259 = arith.index_cast %while3A_207 : i32 to index
      %get3A_260 = arith.constant 16 : index
      %get3A_261 = tpu.vector_load %arg15[%get3A_259, %get3A_260] {strides = array<i32>} : memref<128x128xf32, #tpu.memory_space<vmem>>, vector<16xf32>,
      %get3A_262 = arith.index_cast %while3A_207 : i32 to index
      %get3A_263 = arith.constant 16 : index
      %get3A_264 = tpu.vector_load %arg16[%get3A_262, %get3A_263] {strides = array<i32>} : memref<128x128xf32, #tpu.memory_space<vmem>>, vector<16xf32>,
      %add3A_265 = arith.addf %get3A_261, %get3A_264 : vector<16xf32>
      %get3A_266 = arith.index_cast %sub3A_245 : i32 to index
      %get3A_267 = arith.constant 16 : index
      %get3A_268 = tpu.vector_load %arg17[%get3A_266, %get3A_267] {strides = array<i32>} : memref<328x128xf32, #tpu.memory_space<vmem>>, vector<16xf32>,
      %max3A_269 = arith.maximumf %get3A_268, %add3A_265 : vector<16xf32>
      %swap3A_270 = arith.index_cast %sub3A_245 : i32 to index
      %swap3A_271 = arith.constant 16 : index
      %swap3A_272 = tpu.vector_load %arg17[%swap3A_270, %swap3A_271] {strides = array<i32>} : memref<328x128xf32, #tpu.memory_space<vmem>>, vector<16xf32>,
      tpu.vector_store %arg17[%swap3A_270, %swap3A_271], %max3A_269 {strides = array<i32>} : memref<328x128xf32, #tpu.memory_space<vmem>>, vector<16xf32>,
      %get3A_273 = arith.index_cast %while3A_207 : i32 to index
      %get3A_274 = arith.constant 32 : index
      %get3A_275 = tpu.vector_load %arg15[%get3A_273, %get3A_274] {strides = array<i32>} : memref<128x128xf32, #tpu.memory_space<vmem>>, vector<16xf32>,
      %get3A_276 = arith.index_cast %while3A_207 : i32 to index
      %get3A_277 = arith.constant 32 : index
      %get3A_278 = tpu.vector_load %arg16[%get3A_276, %get3A_277] {strides = array<i32>} : memref<128x128xf32, #tpu.memory_space<vmem>>, vector<16xf32>,
      %add3A_279 = arith.addf %get3A_275, %get3A_278 : vector<16xf32>
      %get3A_280 = arith.index_cast %sub3A_245 : i32 to index
      %get3A_281 = arith.constant 32 : index
      %get3A_282 = tpu.vector_load %arg17[%get3A_280, %get3A_281] {strides = array<i32>} : memref<328x128xf32, #tpu.memory_space<vmem>>, vector<16xf32>,
      %max3A_283 = arith.maximumf %get3A_282, %add3A_279 : vector<16xf32>
      %swap3A_284 = arith.index_cast %sub3A_245 : i32 to index
      %swap3A_285 = arith.constant 32 : index
      %swap3A_286 = tpu.vector_load %arg17[%swap3A_284, %swap3A_285] {strides = array<i32>} : memref<328x128xf32, #tpu.memory_space<vmem>>, vector<16xf32>,
      tpu.vector_store %arg17[%swap3A_284, %swap3A_285], %max3A_283 {strides = array<i32>} : memref<328x128xf32, #tpu.memory_space<vmem>>, vector<16xf32>,
      %get3A_287 = arith.index_cast %while3A_207 : i32 to index
      %get3A_288 = arith.constant 48 : index
      %get3A_289 = tpu.vector_load %arg15[%get3A_287, %get3A_288] {strides = array<i32>} : memref<128x128xf32, #tpu.memory_space<vmem>>, vector<16xf32>,
      %get3A_290 = arith.index_cast %while3A_207 : i32 to index
      %get3A_291 = arith.constant 48 : index
      %get3A_292 = tpu.vector_load %arg16[%get3A_290, %get3A_291] {strides = array<i32>} : memref<128x128xf32, #tpu.memory_space<vmem>>, vector<16xf32>,
      %add3A_293 = arith.addf %get3A_289, %get3A_292 : vector<16xf32>
      %get3A_294 = arith.index_cast %sub3A_245 : i32 to index
      %get3A_295 = arith.constant 48 : index
      %get3A_296 = tpu.vector_load %arg17[%get3A_294, %get3A_295] {strides = array<i32>} : memref<328x128xf32, #tpu.memory_space<vmem>>, vector<16xf32>,
      %max3A_297 = arith.maximumf %get3A_296, %add3A_293 : vector<16xf32>
      %swap3A_298 = arith.index_cast %sub3A_245 : i32 to index
      %swap3A_299 = arith.constant 48 : index
      %swap3A_300 = tpu.vector_load %arg17[%swap3A_298, %swap3A_299] {strides = array<i32>} : memref<328x128xf32, #tpu.memory_space<vmem>>, vector<16xf32>,
      tpu.vector_store %arg17[%swap3A_298, %swap3A_299], %max3A_297 {strides = array<i32>} : memref<328x128xf32, #tpu.memory_space<vmem>>, vector<16xf32>,
      %get3A_301 = arith.index_cast %while3A_207 : i32 to index
      %get3A_302 = arith.constant 64 : index
      %get3A_303 = tpu.vector_load %arg15[%get3A_301, %get3A_302] {strides = array<i32>} : memref<128x128xf32, #tpu.memory_space<vmem>>, vector<16xf32>,
      %get3A_304 = arith.index_cast %while3A_207 : i32 to index
      %get3A_305 = arith.constant 64 : index
      %get3A_306 = tpu.vector_load %arg16[%get3A_304, %get3A_305] {strides = array<i32>} : memref<128x128xf32, #tpu.memory_space<vmem>>, vector<16xf32>,
      %add3A_307 = arith.addf %get3A_303, %get3A_306 : vector<16xf32>
      %get3A_308 = arith.index_cast %sub3A_245 : i32 to index
      %get3A_309 = arith.constant 64 : index
      %get3A_310 = tpu.vector_load %arg17[%get3A_308, %get3A_309] {strides = array<i32>} : memref<328x128xf32, #tpu.memory_space<vmem>>, vector<16xf32>,
      %max3A_311 = arith.maximumf %get3A_310, %add3A_307 : vector<16xf32>
      %swap3A_312 = arith.index_cast %sub3A_245 : i32 to index
      %swap3A_313 = arith.constant 64 : index
      %swap3A_314 = tpu.vector_load %arg17[%swap3A_312, %swap3A_313] {strides = array<i32>} : memref<328x128xf32, #tpu.memory_space<vmem>>, vector<16xf32>,
      tpu.vector_store %arg17[%swap3A_312, %swap3A_313], %max3A_311 {strides = array<i32>} : memref<328x128xf32, #tpu.memory_space<vmem>>, vector<16xf32>,
      %get3A_315 = arith.index_cast %while3A_207 : i32 to index
      %get3A_316 = arith.constant 80 : index
      %get3A_317 = tpu.vector_load %arg15[%get3A_315, %get3A_316] {strides = array<i32>} : memref<128x128xf32, #tpu.memory_space<vmem>>, vector<16xf32>,
      %get3A_318 = arith.index_cast %while3A_207 : i32 to index
      %get3A_319 = arith.constant 80 : index
      %get3A_320 = tpu.vector_load %arg16[%get3A_318, %get3A_319] {strides = array<i32>} : memref<128x128xf32, #tpu.memory_space<vmem>>, vector<16xf32>,
      %add3A_321 = arith.addf %get3A_317, %get3A_320 : vector<16xf32>
      %get3A_322 = arith.index_cast %sub3A_245 : i32 to index
      %get3A_323 = arith.constant 80 : index
      %get3A_324 = tpu.vector_load %arg17[%get3A_322, %get3A_323] {strides = array<i32>} : memref<328x128xf32, #tpu.memory_space<vmem>>, vector<16xf32>,
      %max3A_325 = arith.maximumf %get3A_324, %add3A_321 : vector<16xf32>
      %swap3A_326 = arith.index_cast %sub3A_245 : i32 to index
      %swap3A_327 = arith.constant 80 : index
      %swap3A_328 = tpu.vector_load %arg17[%swap3A_326, %swap3A_327] {strides = array<i32>} : memref<328x128xf32, #tpu.memory_space<vmem>>, vector<16xf32>,
      tpu.vector_store %arg17[%swap3A_326, %swap3A_327], %max3A_325 {strides = array<i32>} : memref<328x128xf32, #tpu.memory_space<vmem>>, vector<16xf32>,
      %get3A_329 = arith.index_cast %while3A_207 : i32 to index
      %get3A_330 = arith.constant 96 : index
      %get3A_331 = tpu.vector_load %arg15[%get3A_329, %get3A_330] {strides = array<i32>} : memref<128x128xf32, #tpu.memory_space<vmem>>, vector<16xf32>,
      %get3A_332 = arith.index_cast %while3A_207 : i32 to index
      %get3A_333 = arith.constant 96 : index
      %get3A_334 = tpu.vector_load %arg16[%get3A_332, %get3A_333] {strides = array<i32>} : memref<128x128xf32, #tpu.memory_space<vmem>>, vector<16xf32>,
      %add3A_335 = arith.addf %get3A_331, %get3A_334 : vector<16xf32>
      %get3A_336 = arith.index_cast %sub3A_245 : i32 to index
      %get3A_337 = arith.constant 96 : index
      %get3A_338 = tpu.vector_load %arg17[%get3A_336, %get3A_337] {strides = array<i32>} : memref<328x128xf32, #tpu.memory_space<vmem>>, vector<16xf32>,
      %max3A_339 = arith.maximumf %get3A_338, %add3A_335 : vector<16xf32>
      %swap3A_340 = arith.index_cast %sub3A_245 : i32 to index
      %swap3A_341 = arith.constant 96 : index
      %swap3A_342 = tpu.vector_load %arg17[%swap3A_340, %swap3A_341] {strides = array<i32>} : memref<328x128xf32, #tpu.memory_space<vmem>>, vector<16xf32>,
      tpu.vector_store %arg17[%swap3A_340, %swap3A_341], %max3A_339 {strides = array<i32>} : memref<328x128xf32, #tpu.memory_space<vmem>>, vector<16xf32>,
      %get3A_343 = arith.index_cast %while3A_207 : i32 to index
      %get3A_344 = arith.constant 112 : index
      %get3A_345 = tpu.vector_load %arg15[%get3A_343, %get3A_344] {strides = array<i32>} : memref<128x128xf32, #tpu.memory_space<vmem>>, vector<16xf32>,
      %get3A_346 = arith.index_cast %while3A_207 : i32 to index
      %get3A_347 = arith.constant 112 : index
      %get3A_348 = tpu.vector_load %arg16[%get3A_346, %get3A_347] {strides = array<i32>} : memref<128x128xf32, #tpu.memory_space<vmem>>, vector<16xf32>,
      %add3A_349 = arith.addf %get3A_345, %get3A_348 : vector<16xf32>
      %get3A_350 = arith.index_cast %sub3A_245 : i32 to index
      %get3A_351 = arith.constant 112 : index
      %get3A_352 = tpu.vector_load %arg17[%get3A_350, %get3A_351] {strides = array<i32>} : memref<328x128xf32, #tpu.memory_space<vmem>>, vector<16xf32>,
      %max3A_353 = arith.maximumf %get3A_352, %add3A_349 : vector<16xf32>
      %swap3A_354 = arith.index_cast %sub3A_245 : i32 to index
      %swap3A_355 = arith.constant 112 : index
      %swap3A_356 = tpu.vector_load %arg17[%swap3A_354, %swap3A_355] {strides = array<i32>} : memref<328x128xf32, #tpu.memory_space<vmem>>, vector<16xf32>,
      tpu.vector_store %arg17[%swap3A_354, %swap3A_355], %max3A_353 {strides = array<i32>} : memref<328x128xf32, #tpu.memory_space<vmem>>, vector<16xf32>,
    }
    %add3A_168 = arith.constant 127 : i32
    %add3A_169 = arith.addi %scan3A_136, %add3A_168 : i32
    %jit3A_170 = arith.constant 128 : i32
    %div3A = arith.divsi %add3A_169, %jit3A_170 : i32
    %sign3A = arith.constant 0 : i32
    %sign3A_171 = arith.cmpi sgt, %add3A_169, %sign3A : i32
    %sign3A_172 = arith.extui %sign3A_171 : i1 to i32
    %sign3A_173 = arith.constant 0 : i32
    %sign3A_174 = arith.cmpi slt, %add3A_169, %sign3A_173 : i32
    %sign3A_175 = arith.extui %sign3A_174 : i1 to i32
    %sign3A_176 = arith.subi %sign3A_172, %sign3A_175 : i32
    %sign3A_177 = arith.constant 0 : i32
    %sign3A_178 = arith.cmpi sgt, %jit3A_170, %sign3A_177 : i32
    %sign3A_179 = arith.extui %sign3A_178 : i1 to i32
    %sign3A_180 = arith.constant 0 : i32
    %sign3A_181 = arith.cmpi slt, %jit3A_170, %sign3A_180 : i32
    %sign3A_182 = arith.extui %sign3A_181 : i1 to i32
    %sign3A_183 = arith.subi %sign3A_179, %sign3A_182 : i32
    %ne3A = arith.cmpi ne, %sign3A_176, %sign3A_183 : i32
    %rem3A = arith.remsi %add3A_169, %jit3A_170 : i32
    %ne3A_184 = arith.constant 0 : i32
    %ne3A_185 = arith.cmpi ne, %rem3A, %ne3A_184 : i32
    %and3A = arith.andi %ne3A, %ne3A_185 : i1
    %sub3A = arith.constant 1 : i32
    %sub3A_186 = arith.subi %div3A, %sub3A : i32
    %select_n3A_187 = arith.select %and3A, %sub3A_186, %div3A : i32
    %sub3A_188 = arith.constant 1 : i32
    %sub3A_189 = arith.subi %select_n3A_187, %sub3A_188 : i32
    %while3A_190 = arith.constant 0 : i32
    %while3A_191 = arith.constant 0 : i32
    %while3A_192 = arith.subi %sub3A_189, %while3A_191 : i32
    %while3A_193 = arith.addi %while3A_191, %while3A_192 : i32
    %while3A_194 = arith.constant 1 : i32
    %while3A_195 = arith.divsi %while3A_192, %while3A_194 : i32
    %while3A_196 = arith.muli %while3A_195, %while3A_194 : i32
    %while3A_197 = arith.addi %while3A_191, %while3A_196 : i32
    %while3A_198 = arith.constant 1 : i32
    scf.for %while3A_207 = %while3A_191 to %while3A_197 step %while3A_198  : i32 {
      %add3A_208 = arith.constant 1 : i32
      %add3A_209 = arith.addi %while3A_207, %add3A_208 : i32
      %mul3A_210 = arith.constant 128 : i32
      %mul3A_211 = arith.muli %add3A_209, %mul3A_210 : i32
      %add3A_212 = arith.constant 0 : i32
      %add3A_213 = arith.addi %mul3A_211, %add3A_212 : i32
      %get3A_214 = arith.index_cast %add3A_213 : i32 to index
      %get3A_215 = tpu.vector_load %arg10[%get3A_214] {strides = array<i32>} : memref<4128xi32, #tpu.memory_space<vmem>>, vector<16xi32>,
      %swap3A_216 = arith.constant 0 : index
      %swap3A_217 = tpu.vector_load %arg12[%swap3A_216] {strides = array<i32>} : memref<128xi32, #tpu.memory_space<vmem>>, vector<16xi32>,
      tpu.vector_store %arg12[%swap3A_216], %get3A_215 {strides = array<i32>} : memref<128xi32, #tpu.memory_space<vmem>>, vector<16xi32>,
      %get3A_218 = arith.index_cast %add3A_213 : i32 to index
      %get3A_219 = tpu.vector_load %arg11[%get3A_218] {strides = array<i32>} : memref<4128xi32, #tpu.memory_space<vmem>>, vector<16xi32>,
      %swap3A_220 = arith.constant 0 : index
      %swap3A_221 = tpu.vector_load %arg13[%swap3A_220] {strides = array<i32>} : memref<128xi32, #tpu.memory_space<vmem>>, vector<16xi32>,
      tpu.vector_store %arg13[%swap3A_220], %get3A_219 {strides = array<i32>} : memref<128xi32, #tpu.memory_space<vmem>>, vector<16xi32>,
      %get3A_222 = arith.index_cast %add3A_213 : i32 to index
      %get3A_223 = tpu.vector_load %arg9[%get3A_222] {strides = array<i32>} : memref<4128xi32, #tpu.memory_space<vmem>>, vector<16xi32>,
      %swap3A_224 = arith.constant 0 : index
      %swap3A_225 = tpu.vector_load %arg14[%swap3A_224] {strides = array<i32>} : memref<128xi32, #tpu.memory_space<vmem>>, vector<16xi32>,
      tpu.vector_store %arg14[%swap3A_224], %get3A_223 {strides = array<i32>} : memref<128xi32, #tpu.memory_space<vmem>>, vector<16xi32>,
      %add3A_226 = arith.constant 16 : i32
      %add3A_227 = arith.addi %mul3A_211, %add3A_226 : i32
      %get3A_228 = arith.index_cast %add3A_227 : i32 to index
      %get3A_229 = tpu.vector_load %arg10[%get3A_228] {strides = array<i32>} : memref<4128xi32, #tpu.memory_space<vmem>>, vector<16xi32>,
      %swap3A_230 = arith.constant 16 : index
      %swap3A_231 = tpu.vector_load %arg12[%swap3A_230] {strides = array<i32>} : memref<128xi32, #tpu.memory_space<vmem>>, vector<16xi32>,
      tpu.vector_store %arg12[%swap3A_230], %get3A_229 {strides = array<i32>} : memref<128xi32, #tpu.memory_space<vmem>>, vector<16xi32>,
      %get3A_232 = arith.index_cast %add3A_227 : i32 to index
      %get3A_233 = tpu.vector_load %arg11[%get3A_232] {strides = array<i32>} : memref<4128xi32, #tpu.memory_space<vmem>>, vector<16xi32>,
      %swap3A_234 = arith.constant 16 : index
      %swap3A_235 = tpu.vector_load %arg13[%swap3A_234] {strides = array<i32>} : memref<128xi32, #tpu.memory_space<vmem>>, vector<16xi32>,
      tpu.vector_store %arg13[%swap3A_234], %get3A_233 {strides = array<i32>} : memref<128xi32, #tpu.memory_space<vmem>>, vector<16xi32>,
      %get3A_236 = arith.index_cast %add3A_227 : i32 to index
      %get3A_237 = tpu.vector_load %arg9[%get3A_236] {strides = array<i32>} : memref<4128xi32, #tpu.memory_space<vmem>>, vector<16xi32>,
      %swap3A_238 = arith.constant 16 : index
      %swap3A_239 = tpu.vector_load %arg14[%swap3A_238] {strides = array<i32>} : memref<128xi32, #tpu.memory_space<vmem>>, vector<16xi32>,
      tpu.vector_store %arg14[%swap3A_238], %get3A_237 {strides = array<i32>} : memref<128xi32, #tpu.memory_space<vmem>>, vector<16xi32>,
      %add3A_240 = arith.constant 32 : i32
      %add3A_241 = arith.addi %mul3A_211, %add3A_240 : i32
      %get3A_242 = arith.index_cast %add3A_241 : i32 to index
      %get3A_243 = tpu.vector_load %arg10[%get3A_242] {strides = array<i32>} : memref<4128xi32, #tpu.memory_space<vmem>>, vector<16xi32>,
      %swap3A_244 = arith.constant 32 : index
      %swap3A_245 = tpu.vector_load %arg12[%swap3A_244] {strides = array<i32>} : memref<128xi32, #tpu.memory_space<vmem>>, vector<16xi32>,
      tpu.vector_store %arg12[%swap3A_244], %get3A_243 {strides = array<i32>} : memref<128xi32, #tpu.memory_space<vmem>>, vector<16xi32>,
      %get3A_246 = arith.index_cast %add3A_241 : i32 to index
      %get3A_247 = tpu.vector_load %arg11[%get3A_246] {strides = array<i32>} : memref<4128xi32, #tpu.memory_space<vmem>>, vector<16xi32>,
      %swap3A_248 = arith.constant 32 : index
      %swap3A_249 = tpu.vector_load %arg13[%swap3A_248] {strides = array<i32>} : memref<128xi32, #tpu.memory_space<vmem>>, vector<16xi32>,
      tpu.vector_store %arg13[%swap3A_248], %get3A_247 {strides = array<i32>} : memref<128xi32, #tpu.memory_space<vmem>>, vector<16xi32>,
      %get3A_250 = arith.index_cast %add3A_241 : i32 to index
      %get3A_251 = tpu.vector_load %arg9[%get3A_250] {strides = array<i32>} : memref<4128xi32, #tpu.memory_space<vmem>>, vector<16xi32>,
      %swap3A_252 = arith.constant 32 : index
      %swap3A_253 = tpu.vector_load %arg14[%swap3A_252] {strides = array<i32>} : memref<128xi32, #tpu.memory_space<vmem>>, vector<16xi32>,
      tpu.vector_store %arg14[%swap3A_252], %get3A_251 {strides = array<i32>} : memref<128xi32, #tpu.memory_space<vmem>>, vector<16xi32>,
      %add3A_254 = arith.constant 48 : i32
      %add3A_255 = arith.addi %mul3A_211, %add3A_254 : i32
      %get3A_256 = arith.index_cast %add3A_255 : i32 to index
      %get3A_257 = tpu.vector_load %arg10[%get3A_256] {strides = array<i32>} : memref<4128xi32, #tpu.memory_space<vmem>>, vector<16xi32>,
      %swap3A_258 = arith.constant 48 : index
      %swap3A_259 = tpu.vector_load %arg12[%swap3A_258] {strides = array<i32>} : memref<128xi32, #tpu.memory_space<vmem>>, vector<16xi32>,
      tpu.vector_store %arg12[%swap3A_258], %get3A_257 {strides = array<i32>} : memref<128xi32, #tpu.memory_space<vmem>>, vector<16xi32>,
      %get3A_260 = arith.index_cast %add3A_255 : i32 to index
      %get3A_261 = tpu.vector_load %arg11[%get3A_260] {strides = array<i32>} : memref<4128xi32, #tpu.memory_space<vmem>>, vector<16xi32>,
      %swap3A_262 = arith.constant 48 : index
      %swap3A_263 = tpu.vector_load %arg13[%swap3A_262] {strides = array<i32>} : memref<128xi32, #tpu.memory_space<vmem>>, vector<16xi32>,
      tpu.vector_store %arg13[%swap3A_262], %get3A_261 {strides = array<i32>} : memref<128xi32, #tpu.memory_space<vmem>>, vector<16xi32>,
      %get3A_264 = arith.index_cast %add3A_255 : i32 to index
      %get3A_265 = tpu.vector_load %arg9[%get3A_264] {strides = array<i32>} : memref<4128xi32, #tpu.memory_space<vmem>>, vector<16xi32>,
      %swap3A_266 = arith.constant 48 : index
      %swap3A_267 = tpu.vector_load %arg14[%swap3A_266] {strides = array<i32>} : memref<128xi32, #tpu.memory_space<vmem>>, vector<16xi32>,
      tpu.vector_store %arg14[%swap3A_266], %get3A_265 {strides = array<i32>} : memref<128xi32, #tpu.memory_space<vmem>>, vector<16xi32>,
      %add3A_268 = arith.constant 64 : i32
      %add3A_269 = arith.addi %mul3A_211, %add3A_268 : i32
      %get3A_270 = arith.index_cast %add3A_269 : i32 to index
      %get3A_271 = tpu.vector_load %arg10[%get3A_270] {strides = array<i32>} : memref<4128xi32, #tpu.memory_space<vmem>>, vector<16xi32>,
      %swap3A_272 = arith.constant 64 : index
      %swap3A_273 = tpu.vector_load %arg12[%swap3A_272] {strides = array<i32>} : memref<128xi32, #tpu.memory_space<vmem>>, vector<16xi32>,
      tpu.vector_store %arg12[%swap3A_272], %get3A_271 {strides = array<i32>} : memref<128xi32, #tpu.memory_space<vmem>>, vector<16xi32>,
      %get3A_274 = arith.index_cast %add3A_269 : i32 to index
      %get3A_275 = tpu.vector_load %arg11[%get3A_274] {strides = array<i32>} : memref<4128xi32, #tpu.memory_space<vmem>>, vector<16xi32>,
      %swap3A_276 = arith.constant 64 : index
      %swap3A_277 = tpu.vector_load %arg13[%swap3A_276] {strides = array<i32>} : memref<128xi32, #tpu.memory_space<vmem>>, vector<16xi32>,
      tpu.vector_store %arg13[%swap3A_276], %get3A_275 {strides = array<i32>} : memref<128xi32, #tpu.memory_space<vmem>>, vector<16xi32>,
      %get3A_278 = arith.index_cast %add3A_269 : i32 to index
      %get3A_279 = tpu.vector_load %arg9[%get3A_278] {strides = array<i32>} : memref<4128xi32, #tpu.memory_space<vmem>>, vector<16xi32>,
      %swap3A_280 = arith.constant 64 : index
      %swap3A_281 = tpu.vector_load %arg14[%swap3A_280] {strides = array<i32>} : memref<128xi32, #tpu.memory_space<vmem>>, vector<16xi32>,
      tpu.vector_store %arg14[%swap3A_280], %get3A_279 {strides = array<i32>} : memref<128xi32, #tpu.memory_space<vmem>>, vector<16xi32>,
      %add3A_282 = arith.constant 80 : i32
      %add3A_283 = arith.addi %mul3A_211, %add3A_282 : i32
      %get3A_284 = arith.index_cast %add3A_283 : i32 to index
      %get3A_285 = tpu.vector_load %arg10[%get3A_284] {strides = array<i32>} : memref<4128xi32, #tpu.memory_space<vmem>>, vector<16xi32>,
      %swap3A_286 = arith.constant 80 : index
      %swap3A_287 = tpu.vector_load %arg12[%swap3A_286] {strides = array<i32>} : memref<128xi32, #tpu.memory_space<vmem>>, vector<16xi32>,
      tpu.vector_store %arg12[%swap3A_286], %get3A_285 {strides = array<i32>} : memref<128xi32, #tpu.memory_space<vmem>>, vector<16xi32>,
      %get3A_288 = arith.index_cast %add3A_283 : i32 to index
      %get3A_289 = tpu.vector_load %arg11[%get3A_288] {strides = array<i32>} : memref<4128xi32, #tpu.memory_space<vmem>>, vector<16xi32>,
      %swap3A_290 = arith.constant 80 : index
      %swap3A_291 = tpu.vector_load %arg13[%swap3A_290] {strides = array<i32>} : memref<128xi32, #tpu.memory_space<vmem>>, vector<16xi32>,
      tpu.vector_store %arg13[%swap3A_290], %get3A_289 {strides = array<i32>} : memref<128xi32, #tpu.memory_space<vmem>>, vector<16xi32>,
      %get3A_292 = arith.index_cast %add3A_283 : i32 to index
      %get3A_293 = tpu.vector_load %arg9[%get3A_292] {strides = array<i32>} : memref<4128xi32, #tpu.memory_space<vmem>>, vector<16xi32>,
      %swap3A_294 = arith.constant 80 : index
      %swap3A_295 = tpu.vector_load %arg14[%swap3A_294] {strides = array<i32>} : memref<128xi32, #tpu.memory_space<vmem>>, vector<16xi32>,
      tpu.vector_store %arg14[%swap3A_294], %get3A_293 {strides = array<i32>} : memref<128xi32, #tpu.memory_space<vmem>>, vector<16xi32>,
      %add3A_296 = arith.constant 96 : i32
      %add3A_297 = arith.addi %mul3A_211, %add3A_296 : i32
      %get3A_298 = arith.index_cast %add3A_297 : i32 to index
      %get3A_299 = tpu.vector_load %arg10[%get3A_298] {strides = array<i32>} : memref<4128xi32, #tpu.memory_space<vmem>>, vector<16xi32>,
      %swap3A_300 = arith.constant 96 : index
      %swap3A_301 = tpu.vector_load %arg12[%swap3A_300] {strides = array<i32>} : memref<128xi32, #tpu.memory_space<vmem>>, vector<16xi32>,
      tpu.vector_store %arg12[%swap3A_300], %get3A_299 {strides = array<i32>} : memref<128xi32, #tpu.memory_space<vmem>>, vector<16xi32>,
      %get3A_302 = arith.index_cast %add3A_297 : i32 to index
      %get3A_303 = tpu.vector_load %arg11[%get3A_302] {strides = array<i32>} : memref<4128xi32, #tpu.memory_space<vmem>>, vector<16xi32>,
      %swap3A_304 = arith.constant 96 : index
      %swap3A_305 = tpu.vector_load %arg13[%swap3A_304] {strides = array<i32>} : memref<128xi32, #tpu.memory_space<vmem>>, vector<16xi32>,
      tpu.vector_store %arg13[%swap3A_304], %get3A_303 {strides = array<i32>} : memref<128xi32, #tpu.memory_space<vmem>>, vector<16xi32>,
      %get3A_306 = arith.index_cast %add3A_297 : i32 to index
      %get3A_307 = tpu.vector_load %arg9[%get3A_306] {strides = array<i32>} : memref<4128xi32, #tpu.memory_space<vmem>>, vector<16xi32>,
      %swap3A_308 = arith.constant 96 : index
      %swap3A_309 = tpu.vector_load %arg14[%swap3A_308] {strides = array<i32>} : memref<128xi32, #tpu.memory_space<vmem>>, vector<16xi32>,
      tpu.vector_store %arg14[%swap3A_308], %get3A_307 {strides = array<i32>} : memref<128xi32, #tpu.memory_space<vmem>>, vector<16xi32>,
      %add3A_310 = arith.constant 112 : i32
      %add3A_311 = arith.addi %mul3A_211, %add3A_310 : i32
      %get3A_312 = arith.index_cast %add3A_311 : i32 to index
      %get3A_313 = tpu.vector_load %arg10[%get3A_312] {strides = array<i32>} : memref<4128xi32, #tpu.memory_space<vmem>>, vector<16xi32>,
      %swap3A_314 = arith.constant 112 : index
      %swap3A_315 = tpu.vector_load %arg12[%swap3A_314] {strides = array<i32>} : memref<128xi32, #tpu.memory_space<vmem>>, vector<16xi32>,
      tpu.vector_store %arg12[%swap3A_314], %get3A_313 {strides = array<i32>} : memref<128xi32, #tpu.memory_space<vmem>>, vector<16xi32>,
      %get3A_316 = arith.index_cast %add3A_311 : i32 to index
      %get3A_317 = tpu.vector_load %arg11[%get3A_316] {strides = array<i32>} : memref<4128xi32, #tpu.memory_space<vmem>>, vector<16xi32>,
      %swap3A_318 = arith.constant 112 : index
      %swap3A_319 = tpu.vector_load %arg13[%swap3A_318] {strides = array<i32>} : memref<128xi32, #tpu.memory_space<vmem>>, vector<16xi32>,
      tpu.vector_store %arg13[%swap3A_318], %get3A_317 {strides = array<i32>} : memref<128xi32, #tpu.memory_space<vmem>>, vector<16xi32>,
      %get3A_320 = arith.index_cast %add3A_311 : i32 to index
      %get3A_321 = tpu.vector_load %arg9[%get3A_320] {strides = array<i32>} : memref<4128xi32, #tpu.memory_space<vmem>>, vector<16xi32>,
      %swap3A_322 = arith.constant 112 : index
      %swap3A_323 = tpu.vector_load %arg14[%swap3A_322] {strides = array<i32>} : memref<128xi32, #tpu.memory_space<vmem>>, vector<16xi32>,
      tpu.vector_store %arg14[%swap3A_322], %get3A_321 {strides = array<i32>} : memref<128xi32, #tpu.memory_space<vmem>>, vector<16xi32>,
      %dma_start3A_324 = arith.constant 0 : i32
      %dma_start3A_325 = arith.constant 0 : i32
      %dma_start3A_326 = tpu.memref_slice %arg4[%dma_start3A_324, %dma_start3A_325] : memref<10000x128xf32, #tpu.memory_space<hbm>> -> memref<10000x128xf32, #tpu.memory_space<hbm>>
      tpu.enqueue_indirect_dma source(%dma_start3A_326 : memref<10000x128xf32, #tpu.memory_space<hbm>>) target(%arg15 : memref<128x128xf32, #tpu.memory_space<vmem>>) offsets(%arg12 : memref<128xi32, #tpu.memory_space<vmem>>) semaphore(%arg19 : memref<!tpu.dma_semaphore, #tpu.memory_space<semaphore_mem>>)
      %dma_start3A_327 = arith.constant 0 : i32
      %dma_start3A_328 = arith.constant 0 : i32
      %dma_start3A_329 = tpu.memref_slice %arg5[%dma_start3A_327, %dma_start3A_328] : memref<320000x128xf32, #tpu.memory_space<hbm>> -> memref<320000x128xf32, #tpu.memory_space<hbm>>
      tpu.enqueue_indirect_dma source(%dma_start3A_329 : memref<320000x128xf32, #tpu.memory_space<hbm>>) target(%arg16 : memref<128x128xf32, #tpu.memory_space<vmem>>) offsets(%arg14 : memref<128xi32, #tpu.memory_space<vmem>>) semaphore(%arg19 : memref<!tpu.dma_semaphore, #tpu.memory_space<semaphore_mem>>)
      %dma_wait3A_330 = arith.constant 0 : i32
      %dma_wait3A_331 = arith.constant 0 : i32
      %dma_wait3A_332 = tpu.memref_slice %arg4[%dma_wait3A_330, %dma_wait3A_331] : memref<10000x128xf32, #tpu.memory_space<hbm>> -> memref<128x128xf32, #tpu.memory_space<hbm>>
      %dma_wait3A_333 = arith.constant 0 : i32
      %dma_wait3A_334 = arith.constant 0 : i32
      %dma_wait3A_335 = tpu.memref_slice %arg4[%dma_wait3A_333, %dma_wait3A_334] : memref<10000x128xf32, #tpu.memory_space<hbm>> -> memref<128x128xf32, #tpu.memory_space<hbm>>
      tpu.wait_dma2 semaphore(%arg19 : memref<!tpu.dma_semaphore, #tpu.memory_space<semaphore_mem>>) src(%dma_wait3A_335 : memref<128x128xf32, #tpu.memory_space<hbm>>) dst(%arg15 : memref<128x128xf32, #tpu.memory_space<vmem>>)
      %dma_wait3A_336 = arith.constant 0 : i32
      %dma_wait3A_337 = arith.constant 0 : i32
      %dma_wait3A_338 = tpu.memref_slice %arg4[%dma_wait3A_336, %dma_wait3A_337] : memref<10000x128xf32, #tpu.memory_space<hbm>> -> memref<128x128xf32, #tpu.memory_space<hbm>>
      %dma_wait3A_339 = arith.constant 0 : i32
      %dma_wait3A_340 = arith.constant 0 : i32
      %dma_wait3A_341 = tpu.memref_slice %arg4[%dma_wait3A_339, %dma_wait3A_340] : memref<10000x128xf32, #tpu.memory_space<hbm>> -> memref<128x128xf32, #tpu.memory_space<hbm>>
      tpu.wait_dma2 semaphore(%arg19 : memref<!tpu.dma_semaphore, #tpu.memory_space<semaphore_mem>>) src(%dma_wait3A_341 : memref<128x128xf32, #tpu.memory_space<hbm>>) dst(%arg16 : memref<128x128xf32, #tpu.memory_space<vmem>>)
      %sub3A_342 = arith.subi %scan3A_136, %mul3A_211 : i32
      %min3A_343 = arith.constant 128 : i32
      %min3A_344 = arith.minsi %sub3A_342, %min3A_343 : i32
      %while3A_345 = arith.constant 0 : i32
      %while3A_346 = arith.constant 0 : i32
      %while3A_347 = arith.subi %min3A_344, %while3A_346 : i32
      %while3A_348 = arith.addi %while3A_346, %while3A_347 : i32
      %while3A_349 = arith.constant 1 : i32
      %while3A_350 = arith.divsi %while3A_347, %while3A_349 : i32
      %while3A_351 = arith.muli %while3A_350, %while3A_349 : i32
      %while3A_352 = arith.addi %while3A_346, %while3A_351 : i32
      %while3A_353 = arith.constant 1 : i32
      scf.for %while3A_355 = %while3A_346 to %while3A_352 step %while3A_353  : i32 {
        %jit3A_356 = arith.constant 16 : i32
        %div3A_357 = arith.divsi %while3A_355, %jit3A_356 : i32
        %sign3A_358 = arith.constant 0 : i32
        %sign3A_359 = arith.cmpi sgt, %while3A_355, %sign3A_358 : i32
        %sign3A_360 = arith.extui %sign3A_359 : i1 to i32
        %sign3A_361 = arith.constant 0 : i32
        %sign3A_362 = arith.cmpi slt, %while3A_355, %sign3A_361 : i32
        %sign3A_363 = arith.extui %sign3A_362 : i1 to i32
        %sign3A_364 = arith.subi %sign3A_360, %sign3A_363 : i32
        %sign3A_365 = arith.constant 0 : i32
        %sign3A_366 = arith.cmpi sgt, %jit3A_356, %sign3A_365 : i32
        %sign3A_367 = arith.extui %sign3A_366 : i1 to i32
        %sign3A_368 = arith.constant 0 : i32
        %sign3A_369 = arith.cmpi slt, %jit3A_356, %sign3A_368 : i32
        %sign3A_370 = arith.extui %sign3A_369 : i1 to i32
        %sign3A_371 = arith.subi %sign3A_367, %sign3A_370 : i32
        %ne3A_372 = arith.cmpi ne, %sign3A_364, %sign3A_371 : i32
        %rem3A_373 = arith.remsi %while3A_355, %jit3A_356 : i32
        %ne3A_374 = arith.constant 0 : i32
        %ne3A_375 = arith.cmpi ne, %rem3A_373, %ne3A_374 : i32
        %and3A_376 = arith.andi %ne3A_372, %ne3A_375 : i1
        %sub3A_377 = arith.constant 1 : i32
        %sub3A_378 = arith.subi %div3A_357, %sub3A_377 : i32
        %select_n3A_379 = arith.select %and3A_376, %sub3A_378, %div3A_357 : i32
        %mul3A_380 = arith.constant 16 : i32
        %mul3A_381 = arith.muli %select_n3A_379, %mul3A_380 : i32
        %get3A_382 = arith.index_cast %mul3A_381 : i32 to index
        %get3A_383 = tpu.vector_load %arg13[%get3A_382] {strides = array<i32>} : memref<128xi32, #tpu.memory_space<vmem>>, vector<16xi32>,
        %sub3A_384 = arith.subi %while3A_355, %mul3A_381 : i32
        %eq3A_385 = vector.broadcast %sub3A_384 : i32 to vector<16xi32>
        %eq3A_386 = arith.cmpi eq, %iota3A, %eq3A_385 : vector<16xi32>
        %jit3A_387 = arith.constant 0 : i32
        %broadcast_in_dim3A_388 = vector.broadcast %jit3A_387 : i32 to vector<16xi32>
        %select_n3A_389 = arith.select %eq3A_386, %get3A_383, %broadcast_in_dim3A_388 : vector<16xi1>, vector<16xi32>
        %reduce_sum3A = arith.constant true
        %reduce_sum3A_390 = vector.broadcast %reduce_sum3A : i1 to vector<16xi1>
        %reduce_sum3A_391 = tpu.scan <sum>, %select_n3A_389 masked %reduce_sum3A_390 : vector<16xi32>, vector<16xi1> -> vector<16xi32>
        %reduce_sum3A_392 = vector.extract %reduce_sum3A_391[15] : i32 from vector<16xi32>
        %sub3A_393 = arith.subi %reduce_sum3A_392, %mul3A_2 : i32
        %get3A_394 = arith.index_cast %while3A_355 : i32 to index
        %get3A_395 = arith.constant 0 : index
        %get3A_396 = tpu.vector_load %arg15[%get3A_394, %get3A_395] {strides = array<i32>} : memref<128x128xf32, #tpu.memory_space<vmem>>, vector<16xf32>,
        %get3A_397 = arith.index_cast %while3A_355 : i32 to index
        %get3A_398 = arith.constant 0 : index
        %get3A_399 = tpu.vector_load %arg16[%get3A_397, %get3A_398] {strides = array<i32>} : memref<128x128xf32, #tpu.memory_space<vmem>>, vector<16xf32>,
        %add3A_400 = arith.addf %get3A_396, %get3A_399 : vector<16xf32>
        %get3A_401 = arith.index_cast %sub3A_393 : i32 to index
        %get3A_402 = arith.constant 0 : index
        %get3A_403 = tpu.vector_load %arg17[%get3A_401, %get3A_402] {strides = array<i32>} : memref<328x128xf32, #tpu.memory_space<vmem>>, vector<16xf32>,
        %max3A = arith.maximumf %get3A_403, %add3A_400 : vector<16xf32>
        %swap3A_404 = arith.index_cast %sub3A_393 : i32 to index
        %swap3A_405 = arith.constant 0 : index
        %swap3A_406 = tpu.vector_load %arg17[%swap3A_404, %swap3A_405] {strides = array<i32>} : memref<328x128xf32, #tpu.memory_space<vmem>>, vector<16xf32>,
        tpu.vector_store %arg17[%swap3A_404, %swap3A_405], %max3A {strides = array<i32>} : memref<328x128xf32, #tpu.memory_space<vmem>>, vector<16xf32>,
        %get3A_407 = arith.index_cast %while3A_355 : i32 to index
        %get3A_408 = arith.constant 16 : index
        %get3A_409 = tpu.vector_load %arg15[%get3A_407, %get3A_408] {strides = array<i32>} : memref<128x128xf32, #tpu.memory_space<vmem>>, vector<16xf32>,
        %get3A_410 = arith.index_cast %while3A_355 : i32 to index
        %get3A_411 = arith.constant 16 : index
        %get3A_412 = tpu.vector_load %arg16[%get3A_410, %get3A_411] {strides = array<i32>} : memref<128x128xf32, #tpu.memory_space<vmem>>, vector<16xf32>,
        %add3A_413 = arith.addf %get3A_409, %get3A_412 : vector<16xf32>
        %get3A_414 = arith.index_cast %sub3A_393 : i32 to index
        %get3A_415 = arith.constant 16 : index
        %get3A_416 = tpu.vector_load %arg17[%get3A_414, %get3A_415] {strides = array<i32>} : memref<328x128xf32, #tpu.memory_space<vmem>>, vector<16xf32>,
        %max3A_417 = arith.maximumf %get3A_416, %add3A_413 : vector<16xf32>
        %swap3A_418 = arith.index_cast %sub3A_393 : i32 to index
        %swap3A_419 = arith.constant 16 : index
        %swap3A_420 = tpu.vector_load %arg17[%swap3A_418, %swap3A_419] {strides = array<i32>} : memref<328x128xf32, #tpu.memory_space<vmem>>, vector<16xf32>,
        tpu.vector_store %arg17[%swap3A_418, %swap3A_419], %max3A_417 {strides = array<i32>} : memref<328x128xf32, #tpu.memory_space<vmem>>, vector<16xf32>,
        %get3A_421 = arith.index_cast %while3A_355 : i32 to index
        %get3A_422 = arith.constant 32 : index
        %get3A_423 = tpu.vector_load %arg15[%get3A_421, %get3A_422] {strides = array<i32>} : memref<128x128xf32, #tpu.memory_space<vmem>>, vector<16xf32>,
        %get3A_424 = arith.index_cast %while3A_355 : i32 to index
        %get3A_425 = arith.constant 32 : index
        %get3A_426 = tpu.vector_load %arg16[%get3A_424, %get3A_425] {strides = array<i32>} : memref<128x128xf32, #tpu.memory_space<vmem>>, vector<16xf32>,
        %add3A_427 = arith.addf %get3A_423, %get3A_426 : vector<16xf32>
        %get3A_428 = arith.index_cast %sub3A_393 : i32 to index
        %get3A_429 = arith.constant 32 : index
        %get3A_430 = tpu.vector_load %arg17[%get3A_428, %get3A_429] {strides = array<i32>} : memref<328x128xf32, #tpu.memory_space<vmem>>, vector<16xf32>,
        %max3A_431 = arith.maximumf %get3A_430, %add3A_427 : vector<16xf32>
        %swap3A_432 = arith.index_cast %sub3A_393 : i32 to index
        %swap3A_433 = arith.constant 32 : index
        %swap3A_434 = tpu.vector_load %arg17[%swap3A_432, %swap3A_433] {strides = array<i32>} : memref<328x128xf32, #tpu.memory_space<vmem>>, vector<16xf32>,
        tpu.vector_store %arg17[%swap3A_432, %swap3A_433], %max3A_431 {strides = array<i32>} : memref<328x128xf32, #tpu.memory_space<vmem>>, vector<16xf32>,
        %get3A_435 = arith.index_cast %while3A_355 : i32 to index
        %get3A_436 = arith.constant 48 : index
        %get3A_437 = tpu.vector_load %arg15[%get3A_435, %get3A_436] {strides = array<i32>} : memref<128x128xf32, #tpu.memory_space<vmem>>, vector<16xf32>,
        %get3A_438 = arith.index_cast %while3A_355 : i32 to index
        %get3A_439 = arith.constant 48 : index
        %get3A_440 = tpu.vector_load %arg16[%get3A_438, %get3A_439] {strides = array<i32>} : memref<128x128xf32, #tpu.memory_space<vmem>>, vector<16xf32>,
        %add3A_441 = arith.addf %get3A_437, %get3A_440 : vector<16xf32>
        %get3A_442 = arith.index_cast %sub3A_393 : i32 to index
        %get3A_443 = arith.constant 48 : index
        %get3A_444 = tpu.vector_load %arg17[%get3A_442, %get3A_443] {strides = array<i32>} : memref<328x128xf32, #tpu.memory_space<vmem>>, vector<16xf32>,
        %max3A_445 = arith.maximumf %get3A_444, %add3A_441 : vector<16xf32>
        %swap3A_446 = arith.index_cast %sub3A_393 : i32 to index
        %swap3A_447 = arith.constant 48 : index
        %swap3A_448 = tpu.vector_load %arg17[%swap3A_446, %swap3A_447] {strides = array<i32>} : memref<328x128xf32, #tpu.memory_space<vmem>>, vector<16xf32>,
        tpu.vector_store %arg17[%swap3A_446, %swap3A_447], %max3A_445 {strides = array<i32>} : memref<328x128xf32, #tpu.memory_space<vmem>>, vector<16xf32>,
        %get3A_449 = arith.index_cast %while3A_355 : i32 to index
        %get3A_450 = arith.constant 64 : index
        %get3A_451 = tpu.vector_load %arg15[%get3A_449, %get3A_450] {strides = array<i32>} : memref<128x128xf32, #tpu.memory_space<vmem>>, vector<16xf32>,
        %get3A_452 = arith.index_cast %while3A_355 : i32 to index
        %get3A_453 = arith.constant 64 : index
        %get3A_454 = tpu.vector_load %arg16[%get3A_452, %get3A_453] {strides = array<i32>} : memref<128x128xf32, #tpu.memory_space<vmem>>, vector<16xf32>,
        %add3A_455 = arith.addf %get3A_451, %get3A_454 : vector<16xf32>
        %get3A_456 = arith.index_cast %sub3A_393 : i32 to index
        %get3A_457 = arith.constant 64 : index
        %get3A_458 = tpu.vector_load %arg17[%get3A_456, %get3A_457] {strides = array<i32>} : memref<328x128xf32, #tpu.memory_space<vmem>>, vector<16xf32>,
        %max3A_459 = arith.maximumf %get3A_458, %add3A_455 : vector<16xf32>
        %swap3A_460 = arith.index_cast %sub3A_393 : i32 to index
        %swap3A_461 = arith.constant 64 : index
        %swap3A_462 = tpu.vector_load %arg17[%swap3A_460, %swap3A_461] {strides = array<i32>} : memref<328x128xf32, #tpu.memory_space<vmem>>, vector<16xf32>,
        tpu.vector_store %arg17[%swap3A_460, %swap3A_461], %max3A_459 {strides = array<i32>} : memref<328x128xf32, #tpu.memory_space<vmem>>, vector<16xf32>,
        %get3A_463 = arith.index_cast %while3A_355 : i32 to index
        %get3A_464 = arith.constant 80 : index
        %get3A_465 = tpu.vector_load %arg15[%get3A_463, %get3A_464] {strides = array<i32>} : memref<128x128xf32, #tpu.memory_space<vmem>>, vector<16xf32>,
        %get3A_466 = arith.index_cast %while3A_355 : i32 to index
        %get3A_467 = arith.constant 80 : index
        %get3A_468 = tpu.vector_load %arg16[%get3A_466, %get3A_467] {strides = array<i32>} : memref<128x128xf32, #tpu.memory_space<vmem>>, vector<16xf32>,
        %add3A_469 = arith.addf %get3A_465, %get3A_468 : vector<16xf32>
        %get3A_470 = arith.index_cast %sub3A_393 : i32 to index
        %get3A_471 = arith.constant 80 : index
        %get3A_472 = tpu.vector_load %arg17[%get3A_470, %get3A_471] {strides = array<i32>} : memref<328x128xf32, #tpu.memory_space<vmem>>, vector<16xf32>,
        %max3A_473 = arith.maximumf %get3A_472, %add3A_469 : vector<16xf32>
        %swap3A_474 = arith.index_cast %sub3A_393 : i32 to index
        %swap3A_475 = arith.constant 80 : index
        %swap3A_476 = tpu.vector_load %arg17[%swap3A_474, %swap3A_475] {strides = array<i32>} : memref<328x128xf32, #tpu.memory_space<vmem>>, vector<16xf32>,
        tpu.vector_store %arg17[%swap3A_474, %swap3A_475], %max3A_473 {strides = array<i32>} : memref<328x128xf32, #tpu.memory_space<vmem>>, vector<16xf32>,
        %get3A_477 = arith.index_cast %while3A_355 : i32 to index
        %get3A_478 = arith.constant 96 : index
        %get3A_479 = tpu.vector_load %arg15[%get3A_477, %get3A_478] {strides = array<i32>} : memref<128x128xf32, #tpu.memory_space<vmem>>, vector<16xf32>,
        %get3A_480 = arith.index_cast %while3A_355 : i32 to index
        %get3A_481 = arith.constant 96 : index
        %get3A_482 = tpu.vector_load %arg16[%get3A_480, %get3A_481] {strides = array<i32>} : memref<128x128xf32, #tpu.memory_space<vmem>>, vector<16xf32>,
        %add3A_483 = arith.addf %get3A_479, %get3A_482 : vector<16xf32>
        %get3A_484 = arith.index_cast %sub3A_393 : i32 to index
        %get3A_485 = arith.constant 96 : index
        %get3A_486 = tpu.vector_load %arg17[%get3A_484, %get3A_485] {strides = array<i32>} : memref<328x128xf32, #tpu.memory_space<vmem>>, vector<16xf32>,
        %max3A_487 = arith.maximumf %get3A_486, %add3A_483 : vector<16xf32>
        %swap3A_488 = arith.index_cast %sub3A_393 : i32 to index
        %swap3A_489 = arith.constant 96 : index
        %swap3A_490 = tpu.vector_load %arg17[%swap3A_488, %swap3A_489] {strides = array<i32>} : memref<328x128xf32, #tpu.memory_space<vmem>>, vector<16xf32>,
        tpu.vector_store %arg17[%swap3A_488, %swap3A_489], %max3A_487 {strides = array<i32>} : memref<328x128xf32, #tpu.memory_space<vmem>>, vector<16xf32>,
        %get3A_491 = arith.index_cast %while3A_355 : i32 to index
        %get3A_492 = arith.constant 112 : index
        %get3A_493 = tpu.vector_load %arg15[%get3A_491, %get3A_492] {strides = array<i32>} : memref<128x128xf32, #tpu.memory_space<vmem>>, vector<16xf32>,
        %get3A_494 = arith.index_cast %while3A_355 : i32 to index
        %get3A_495 = arith.constant 112 : index
        %get3A_496 = tpu.vector_load %arg16[%get3A_494, %get3A_495] {strides = array<i32>} : memref<128x128xf32, #tpu.memory_space<vmem>>, vector<16xf32>,
        %add3A_497 = arith.addf %get3A_493, %get3A_496 : vector<16xf32>
        %get3A_498 = arith.index_cast %sub3A_393 : i32 to index
        %get3A_499 = arith.constant 112 : index
        %get3A_500 = tpu.vector_load %arg17[%get3A_498, %get3A_499] {strides = array<i32>} : memref<328x128xf32, #tpu.memory_space<vmem>>, vector<16xf32>,
        %max3A_501 = arith.maximumf %get3A_500, %add3A_497 : vector<16xf32>
        %swap3A_502 = arith.index_cast %sub3A_393 : i32 to index
        %swap3A_503 = arith.constant 112 : index
        %swap3A_504 = tpu.vector_load %arg17[%swap3A_502, %swap3A_503] {strides = array<i32>} : memref<328x128xf32, #tpu.memory_space<vmem>>, vector<16xf32>,
        tpu.vector_store %arg17[%swap3A_502, %swap3A_503], %max3A_501 {strides = array<i32>} : memref<328x128xf32, #tpu.memory_space<vmem>>, vector<16xf32>,
      }
      %while3A_354 = arith.constant 1 : i32
      scf.for %while3A_355 = %while3A_352 to %while3A_348 step %while3A_354  : i32 {
        %jit3A_356 = arith.constant 16 : i32
        %div3A_357 = arith.divsi %while3A_355, %jit3A_356 : i32
        %sign3A_358 = arith.constant 0 : i32
        %sign3A_359 = arith.cmpi sgt, %while3A_355, %sign3A_358 : i32
        %sign3A_360 = arith.extui %sign3A_359 : i1 to i32
        %sign3A_361 = arith.constant 0 : i32
        %sign3A_362 = arith.cmpi slt, %while3A_355, %sign3A_361 : i32
        %sign3A_363 = arith.extui %sign3A_362 : i1 to i32
        %sign3A_364 = arith.subi %sign3A_360, %sign3A_363 : i32
        %sign3A_365 = arith.constant 0 : i32
        %sign3A_366 = arith.cmpi sgt, %jit3A_356, %sign3A_365 : i32
        %sign3A_367 = arith.extui %sign3A_366 : i1 to i32
        %sign3A_368 = arith.constant 0 : i32
        %sign3A_369 = arith.cmpi slt, %jit3A_356, %sign3A_368 : i32
        %sign3A_370 = arith.extui %sign3A_369 : i1 to i32
        %sign3A_371 = arith.subi %sign3A_367, %sign3A_370 : i32
        %ne3A_372 = arith.cmpi ne, %sign3A_364, %sign3A_371 : i32
        %rem3A_373 = arith.remsi %while3A_355, %jit3A_356 : i32
        %ne3A_374 = arith.constant 0 : i32
        %ne3A_375 = arith.cmpi ne, %rem3A_373, %ne3A_374 : i32
        %and3A_376 = arith.andi %ne3A_372, %ne3A_375 : i1
        %sub3A_377 = arith.constant 1 : i32
        %sub3A_378 = arith.subi %div3A_357, %sub3A_377 : i32
        %select_n3A_379 = arith.select %and3A_376, %sub3A_378, %div3A_357 : i32
        %mul3A_380 = arith.constant 16 : i32
        %mul3A_381 = arith.muli %select_n3A_379, %mul3A_380 : i32
        %get3A_382 = arith.index_cast %mul3A_381 : i32 to index
        %get3A_383 = tpu.vector_load %arg13[%get3A_382] {strides = array<i32>} : memref<128xi32, #tpu.memory_space<vmem>>, vector<16xi32>,
        %sub3A_384 = arith.subi %while3A_355, %mul3A_381 : i32
        %eq3A_385 = vector.broadcast %sub3A_384 : i32 to vector<16xi32>
        %eq3A_386 = arith.cmpi eq, %iota3A, %eq3A_385 : vector<16xi32>
        %jit3A_387 = arith.constant 0 : i32
        %broadcast_in_dim3A_388 = vector.broadcast %jit3A_387 : i32 to vector<16xi32>
        %select_n3A_389 = arith.select %eq3A_386, %get3A_383, %broadcast_in_dim3A_388 : vector<16xi1>, vector<16xi32>
        %reduce_sum3A = arith.constant true
        %reduce_sum3A_390 = vector.broadcast %reduce_sum3A : i1 to vector<16xi1>
        %reduce_sum3A_391 = tpu.scan <sum>, %select_n3A_389 masked %reduce_sum3A_390 : vector<16xi32>, vector<16xi1> -> vector<16xi32>
        %reduce_sum3A_392 = vector.extract %reduce_sum3A_391[15] : i32 from vector<16xi32>
        %sub3A_393 = arith.subi %reduce_sum3A_392, %mul3A_2 : i32
        %get3A_394 = arith.index_cast %while3A_355 : i32 to index
        %get3A_395 = arith.constant 0 : index
        %get3A_396 = tpu.vector_load %arg15[%get3A_394, %get3A_395] {strides = array<i32>} : memref<128x128xf32, #tpu.memory_space<vmem>>, vector<16xf32>,
        %get3A_397 = arith.index_cast %while3A_355 : i32 to index
        %get3A_398 = arith.constant 0 : index
        %get3A_399 = tpu.vector_load %arg16[%get3A_397, %get3A_398] {strides = array<i32>} : memref<128x128xf32, #tpu.memory_space<vmem>>, vector<16xf32>,
        %add3A_400 = arith.addf %get3A_396, %get3A_399 : vector<16xf32>
        %get3A_401 = arith.index_cast %sub3A_393 : i32 to index
        %get3A_402 = arith.constant 0 : index
        %get3A_403 = tpu.vector_load %arg17[%get3A_401, %get3A_402] {strides = array<i32>} : memref<328x128xf32, #tpu.memory_space<vmem>>, vector<16xf32>,
        %max3A = arith.maximumf %get3A_403, %add3A_400 : vector<16xf32>
        %swap3A_404 = arith.index_cast %sub3A_393 : i32 to index
        %swap3A_405 = arith.constant 0 : index
        %swap3A_406 = tpu.vector_load %arg17[%swap3A_404, %swap3A_405] {strides = array<i32>} : memref<328x128xf32, #tpu.memory_space<vmem>>, vector<16xf32>,
        tpu.vector_store %arg17[%swap3A_404, %swap3A_405], %max3A {strides = array<i32>} : memref<328x128xf32, #tpu.memory_space<vmem>>, vector<16xf32>,
        %get3A_407 = arith.index_cast %while3A_355 : i32 to index
        %get3A_408 = arith.constant 16 : index
        %get3A_409 = tpu.vector_load %arg15[%get3A_407, %get3A_408] {strides = array<i32>} : memref<128x128xf32, #tpu.memory_space<vmem>>, vector<16xf32>,
        %get3A_410 = arith.index_cast %while3A_355 : i32 to index
        %get3A_411 = arith.constant 16 : index
        %get3A_412 = tpu.vector_load %arg16[%get3A_410, %get3A_411] {strides = array<i32>} : memref<128x128xf32, #tpu.memory_space<vmem>>, vector<16xf32>,
        %add3A_413 = arith.addf %get3A_409, %get3A_412 : vector<16xf32>
        %get3A_414 = arith.index_cast %sub3A_393 : i32 to index
        %get3A_415 = arith.constant 16 : index
        %get3A_416 = tpu.vector_load %arg17[%get3A_414, %get3A_415] {strides = array<i32>} : memref<328x128xf32, #tpu.memory_space<vmem>>, vector<16xf32>,
        %max3A_417 = arith.maximumf %get3A_416, %add3A_413 : vector<16xf32>
        %swap3A_418 = arith.index_cast %sub3A_393 : i32 to index
        %swap3A_419 = arith.constant 16 : index
        %swap3A_420 = tpu.vector_load %arg17[%swap3A_418, %swap3A_419] {strides = array<i32>} : memref<328x128xf32, #tpu.memory_space<vmem>>, vector<16xf32>,
        tpu.vector_store %arg17[%swap3A_418, %swap3A_419], %max3A_417 {strides = array<i32>} : memref<328x128xf32, #tpu.memory_space<vmem>>, vector<16xf32>,
        %get3A_421 = arith.index_cast %while3A_355 : i32 to index
        %get3A_422 = arith.constant 32 : index
        %get3A_423 = tpu.vector_load %arg15[%get3A_421, %get3A_422] {strides = array<i32>} : memref<128x128xf32, #tpu.memory_space<vmem>>, vector<16xf32>,
        %get3A_424 = arith.index_cast %while3A_355 : i32 to index
        %get3A_425 = arith.constant 32 : index
        %get3A_426 = tpu.vector_load %arg16[%get3A_424, %get3A_425] {strides = array<i32>} : memref<128x128xf32, #tpu.memory_space<vmem>>, vector<16xf32>,
        %add3A_427 = arith.addf %get3A_423, %get3A_426 : vector<16xf32>
        %get3A_428 = arith.index_cast %sub3A_393 : i32 to index
        %get3A_429 = arith.constant 32 : index
        %get3A_430 = tpu.vector_load %arg17[%get3A_428, %get3A_429] {strides = array<i32>} : memref<328x128xf32, #tpu.memory_space<vmem>>, vector<16xf32>,
        %max3A_431 = arith.maximumf %get3A_430, %add3A_427 : vector<16xf32>
        %swap3A_432 = arith.index_cast %sub3A_393 : i32 to index
        %swap3A_433 = arith.constant 32 : index
        %swap3A_434 = tpu.vector_load %arg17[%swap3A_432, %swap3A_433] {strides = array<i32>} : memref<328x128xf32, #tpu.memory_space<vmem>>, vector<16xf32>,
        tpu.vector_store %arg17[%swap3A_432, %swap3A_433], %max3A_431 {strides = array<i32>} : memref<328x128xf32, #tpu.memory_space<vmem>>, vector<16xf32>,
        %get3A_435 = arith.index_cast %while3A_355 : i32 to index
        %get3A_436 = arith.constant 48 : index
        %get3A_437 = tpu.vector_load %arg15[%get3A_435, %get3A_436] {strides = array<i32>} : memref<128x128xf32, #tpu.memory_space<vmem>>, vector<16xf32>,
        %get3A_438 = arith.index_cast %while3A_355 : i32 to index
        %get3A_439 = arith.constant 48 : index
        %get3A_440 = tpu.vector_load %arg16[%get3A_438, %get3A_439] {strides = array<i32>} : memref<128x128xf32, #tpu.memory_space<vmem>>, vector<16xf32>,
        %add3A_441 = arith.addf %get3A_437, %get3A_440 : vector<16xf32>
        %get3A_442 = arith.index_cast %sub3A_393 : i32 to index
        %get3A_443 = arith.constant 48 : index
        %get3A_444 = tpu.vector_load %arg17[%get3A_442, %get3A_443] {strides = array<i32>} : memref<328x128xf32, #tpu.memory_space<vmem>>, vector<16xf32>,
        %max3A_445 = arith.maximumf %get3A_444, %add3A_441 : vector<16xf32>
        %swap3A_446 = arith.index_cast %sub3A_393 : i32 to index
        %swap3A_447 = arith.constant 48 : index
        %swap3A_448 = tpu.vector_load %arg17[%swap3A_446, %swap3A_447] {strides = array<i32>} : memref<328x128xf32, #tpu.memory_space<vmem>>, vector<16xf32>,
        tpu.vector_store %arg17[%swap3A_446, %swap3A_447], %max3A_445 {strides = array<i32>} : memref<328x128xf32, #tpu.memory_space<vmem>>, vector<16xf32>,
        %get3A_449 = arith.index_cast %while3A_355 : i32 to index
        %get3A_450 = arith.constant 64 : index
        %get3A_451 = tpu.vector_load %arg15[%get3A_449, %get3A_450] {strides = array<i32>} : memref<128x128xf32, #tpu.memory_space<vmem>>, vector<16xf32>,
        %get3A_452 = arith.index_cast %while3A_355 : i32 to index
        %get3A_453 = arith.constant 64 : index
        %get3A_454 = tpu.vector_load %arg16[%get3A_452, %get3A_453] {strides = array<i32>} : memref<128x128xf32, #tpu.memory_space<vmem>>, vector<16xf32>,
        %add3A_455 = arith.addf %get3A_451, %get3A_454 : vector<16xf32>
        %get3A_456 = arith.index_cast %sub3A_393 : i32 to index
        %get3A_457 = arith.constant 64 : index
        %get3A_458 = tpu.vector_load %arg17[%get3A_456, %get3A_457] {strides = array<i32>} : memref<328x128xf32, #tpu.memory_space<vmem>>, vector<16xf32>,
        %max3A_459 = arith.maximumf %get3A_458, %add3A_455 : vector<16xf32>
        %swap3A_460 = arith.index_cast %sub3A_393 : i32 to index
        %swap3A_461 = arith.constant 64 : index
        %swap3A_462 = tpu.vector_load %arg17[%swap3A_460, %swap3A_461] {strides = array<i32>} : memref<328x128xf32, #tpu.memory_space<vmem>>, vector<16xf32>,
        tpu.vector_store %arg17[%swap3A_460, %swap3A_461], %max3A_459 {strides = array<i32>} : memref<328x128xf32, #tpu.memory_space<vmem>>, vector<16xf32>,
        %get3A_463 = arith.index_cast %while3A_355 : i32 to index
        %get3A_464 = arith.constant 80 : index
        %get3A_465 = tpu.vector_load %arg15[%get3A_463, %get3A_464] {strides = array<i32>} : memref<128x128xf32, #tpu.memory_space<vmem>>, vector<16xf32>,
        %get3A_466 = arith.index_cast %while3A_355 : i32 to index
        %get3A_467 = arith.constant 80 : index
        %get3A_468 = tpu.vector_load %arg16[%get3A_466, %get3A_467] {strides = array<i32>} : memref<128x128xf32, #tpu.memory_space<vmem>>, vector<16xf32>,
        %add3A_469 = arith.addf %get3A_465, %get3A_468 : vector<16xf32>
        %get3A_470 = arith.index_cast %sub3A_393 : i32 to index
        %get3A_471 = arith.constant 80 : index
        %get3A_472 = tpu.vector_load %arg17[%get3A_470, %get3A_471] {strides = array<i32>} : memref<328x128xf32, #tpu.memory_space<vmem>>, vector<16xf32>,
        %max3A_473 = arith.maximumf %get3A_472, %add3A_469 : vector<16xf32>
        %swap3A_474 = arith.index_cast %sub3A_393 : i32 to index
        %swap3A_475 = arith.constant 80 : index
        %swap3A_476 = tpu.vector_load %arg17[%swap3A_474, %swap3A_475] {strides = array<i32>} : memref<328x128xf32, #tpu.memory_space<vmem>>, vector<16xf32>,
        tpu.vector_store %arg17[%swap3A_474, %swap3A_475], %max3A_473 {strides = array<i32>} : memref<328x128xf32, #tpu.memory_space<vmem>>, vector<16xf32>,
        %get3A_477 = arith.index_cast %while3A_355 : i32 to index
        %get3A_478 = arith.constant 96 : index
        %get3A_479 = tpu.vector_load %arg15[%get3A_477, %get3A_478] {strides = array<i32>} : memref<128x128xf32, #tpu.memory_space<vmem>>, vector<16xf32>,
        %get3A_480 = arith.index_cast %while3A_355 : i32 to index
        %get3A_481 = arith.constant 96 : index
        %get3A_482 = tpu.vector_load %arg16[%get3A_480, %get3A_481] {strides = array<i32>} : memref<128x128xf32, #tpu.memory_space<vmem>>, vector<16xf32>,
        %add3A_483 = arith.addf %get3A_479, %get3A_482 : vector<16xf32>
        %get3A_484 = arith.index_cast %sub3A_393 : i32 to index
        %get3A_485 = arith.constant 96 : index
        %get3A_486 = tpu.vector_load %arg17[%get3A_484, %get3A_485] {strides = array<i32>} : memref<328x128xf32, #tpu.memory_space<vmem>>, vector<16xf32>,
        %max3A_487 = arith.maximumf %get3A_486, %add3A_483 : vector<16xf32>
        %swap3A_488 = arith.index_cast %sub3A_393 : i32 to index
        %swap3A_489 = arith.constant 96 : index
        %swap3A_490 = tpu.vector_load %arg17[%swap3A_488, %swap3A_489] {strides = array<i32>} : memref<328x128xf32, #tpu.memory_space<vmem>>, vector<16xf32>,
        tpu.vector_store %arg17[%swap3A_488, %swap3A_489], %max3A_487 {strides = array<i32>} : memref<328x128xf32, #tpu.memory_space<vmem>>, vector<16xf32>,
        %get3A_491 = arith.index_cast %while3A_355 : i32 to index
        %get3A_492 = arith.constant 112 : index
        %get3A_493 = tpu.vector_load %arg15[%get3A_491, %get3A_492] {strides = array<i32>} : memref<128x128xf32, #tpu.memory_space<vmem>>, vector<16xf32>,
        %get3A_494 = arith.index_cast %while3A_355 : i32 to index
        %get3A_495 = arith.constant 112 : index
        %get3A_496 = tpu.vector_load %arg16[%get3A_494, %get3A_495] {strides = array<i32>} : memref<128x128xf32, #tpu.memory_space<vmem>>, vector<16xf32>,
        %add3A_497 = arith.addf %get3A_493, %get3A_496 : vector<16xf32>
        %get3A_498 = arith.index_cast %sub3A_393 : i32 to index
        %get3A_499 = arith.constant 112 : index
        %get3A_500 = tpu.vector_load %arg17[%get3A_498, %get3A_499] {strides = array<i32>} : memref<328x128xf32, #tpu.memory_space<vmem>>, vector<16xf32>,
        %max3A_501 = arith.maximumf %get3A_500, %add3A_497 : vector<16xf32>
        %swap3A_502 = arith.index_cast %sub3A_393 : i32 to index
        %swap3A_503 = arith.constant 112 : index
        %swap3A_504 = tpu.vector_load %arg17[%swap3A_502, %swap3A_503] {strides = array<i32>} : memref<328x128xf32, #tpu.memory_space<vmem>>, vector<16xf32>,
        tpu.vector_store %arg17[%swap3A_502, %swap3A_503], %max3A_501 {strides = array<i32>} : memref<328x128xf32, #tpu.memory_space<vmem>>, vector<16xf32>,
      }
    }
    %while3A_199 = arith.constant 1 : i32
    scf.for %while3A_207 = %while3A_197 to %while3A_193 step %while3A_199  : i32 {
      %add3A_208 = arith.constant 1 : i32
      %add3A_209 = arith.addi %while3A_207, %add3A_208 : i32
      %mul3A_210 = arith.constant 128 : i32
      %mul3A_211 = arith.muli %add3A_209, %mul3A_210 : i32
      %add3A_212 = arith.constant 0 : i32
      %add3A_213 = arith.addi %mul3A_211, %add3A_212 : i32
      %get3A_214 = arith.index_cast %add3A_213 : i32 to index
      %get3A_215 = tpu.vector_load %arg10[%get3A_214] {strides = array<i32>} : memref<4128xi32, #tpu.memory_space<vmem>>, vector<16xi32>,
      %swap3A_216 = arith.constant 0 : index
      %swap3A_217 = tpu.vector_load %arg12[%swap3A_216] {strides = array<i32>} : memref<128xi32, #tpu.memory_space<vmem>>, vector<16xi32>,
      tpu.vector_store %arg12[%swap3A_216], %get3A_215 {strides = array<i32>} : memref<128xi32, #tpu.memory_space<vmem>>, vector<16xi32>,
      %get3A_218 = arith.index_cast %add3A_213 : i32 to index
      %get3A_219 = tpu.vector_load %arg11[%get3A_218] {strides = array<i32>} : memref<4128xi32, #tpu.memory_space<vmem>>, vector<16xi32>,
      %swap3A_220 = arith.constant 0 : index
      %swap3A_221 = tpu.vector_load %arg13[%swap3A_220] {strides = array<i32>} : memref<128xi32, #tpu.memory_space<vmem>>, vector<16xi32>,
      tpu.vector_store %arg13[%swap3A_220], %get3A_219 {strides = array<i32>} : memref<128xi32, #tpu.memory_space<vmem>>, vector<16xi32>,
      %get3A_222 = arith.index_cast %add3A_213 : i32 to index
      %get3A_223 = tpu.vector_load %arg9[%get3A_222] {strides = array<i32>} : memref<4128xi32, #tpu.memory_space<vmem>>, vector<16xi32>,
      %swap3A_224 = arith.constant 0 : index
      %swap3A_225 = tpu.vector_load %arg14[%swap3A_224] {strides = array<i32>} : memref<128xi32, #tpu.memory_space<vmem>>, vector<16xi32>,
      tpu.vector_store %arg14[%swap3A_224], %get3A_223 {strides = array<i32>} : memref<128xi32, #tpu.memory_space<vmem>>, vector<16xi32>,
      %add3A_226 = arith.constant 16 : i32
      %add3A_227 = arith.addi %mul3A_211, %add3A_226 : i32
      %get3A_228 = arith.index_cast %add3A_227 : i32 to index
      %get3A_229 = tpu.vector_load %arg10[%get3A_228] {strides = array<i32>} : memref<4128xi32, #tpu.memory_space<vmem>>, vector<16xi32>,
      %swap3A_230 = arith.constant 16 : index
      %swap3A_231 = tpu.vector_load %arg12[%swap3A_230] {strides = array<i32>} : memref<128xi32, #tpu.memory_space<vmem>>, vector<16xi32>,
      tpu.vector_store %arg12[%swap3A_230], %get3A_229 {strides = array<i32>} : memref<128xi32, #tpu.memory_space<vmem>>, vector<16xi32>,
      %get3A_232 = arith.index_cast %add3A_227 : i32 to index
      %get3A_233 = tpu.vector_load %arg11[%get3A_232] {strides = array<i32>} : memref<4128xi32, #tpu.memory_space<vmem>>, vector<16xi32>,
      %swap3A_234 = arith.constant 16 : index
      %swap3A_235 = tpu.vector_load %arg13[%swap3A_234] {strides = array<i32>} : memref<128xi32, #tpu.memory_space<vmem>>, vector<16xi32>,
      tpu.vector_store %arg13[%swap3A_234], %get3A_233 {strides = array<i32>} : memref<128xi32, #tpu.memory_space<vmem>>, vector<16xi32>,
      %get3A_236 = arith.index_cast %add3A_227 : i32 to index
      %get3A_237 = tpu.vector_load %arg9[%get3A_236] {strides = array<i32>} : memref<4128xi32, #tpu.memory_space<vmem>>, vector<16xi32>,
      %swap3A_238 = arith.constant 16 : index
      %swap3A_239 = tpu.vector_load %arg14[%swap3A_238] {strides = array<i32>} : memref<128xi32, #tpu.memory_space<vmem>>, vector<16xi32>,
      tpu.vector_store %arg14[%swap3A_238], %get3A_237 {strides = array<i32>} : memref<128xi32, #tpu.memory_space<vmem>>, vector<16xi32>,
      %add3A_240 = arith.constant 32 : i32
      %add3A_241 = arith.addi %mul3A_211, %add3A_240 : i32
      %get3A_242 = arith.index_cast %add3A_241 : i32 to index
      %get3A_243 = tpu.vector_load %arg10[%get3A_242] {strides = array<i32>} : memref<4128xi32, #tpu.memory_space<vmem>>, vector<16xi32>,
      %swap3A_244 = arith.constant 32 : index
      %swap3A_245 = tpu.vector_load %arg12[%swap3A_244] {strides = array<i32>} : memref<128xi32, #tpu.memory_space<vmem>>, vector<16xi32>,
      tpu.vector_store %arg12[%swap3A_244], %get3A_243 {strides = array<i32>} : memref<128xi32, #tpu.memory_space<vmem>>, vector<16xi32>,
      %get3A_246 = arith.index_cast %add3A_241 : i32 to index
      %get3A_247 = tpu.vector_load %arg11[%get3A_246] {strides = array<i32>} : memref<4128xi32, #tpu.memory_space<vmem>>, vector<16xi32>,
      %swap3A_248 = arith.constant 32 : index
      %swap3A_249 = tpu.vector_load %arg13[%swap3A_248] {strides = array<i32>} : memref<128xi32, #tpu.memory_space<vmem>>, vector<16xi32>,
      tpu.vector_store %arg13[%swap3A_248], %get3A_247 {strides = array<i32>} : memref<128xi32, #tpu.memory_space<vmem>>, vector<16xi32>,
      %get3A_250 = arith.index_cast %add3A_241 : i32 to index
      %get3A_251 = tpu.vector_load %arg9[%get3A_250] {strides = array<i32>} : memref<4128xi32, #tpu.memory_space<vmem>>, vector<16xi32>,
      %swap3A_252 = arith.constant 32 : index
      %swap3A_253 = tpu.vector_load %arg14[%swap3A_252] {strides = array<i32>} : memref<128xi32, #tpu.memory_space<vmem>>, vector<16xi32>,
      tpu.vector_store %arg14[%swap3A_252], %get3A_251 {strides = array<i32>} : memref<128xi32, #tpu.memory_space<vmem>>, vector<16xi32>,
      %add3A_254 = arith.constant 48 : i32
      %add3A_255 = arith.addi %mul3A_211, %add3A_254 : i32
      %get3A_256 = arith.index_cast %add3A_255 : i32 to index
      %get3A_257 = tpu.vector_load %arg10[%get3A_256] {strides = array<i32>} : memref<4128xi32, #tpu.memory_space<vmem>>, vector<16xi32>,
      %swap3A_258 = arith.constant 48 : index
      %swap3A_259 = tpu.vector_load %arg12[%swap3A_258] {strides = array<i32>} : memref<128xi32, #tpu.memory_space<vmem>>, vector<16xi32>,
      tpu.vector_store %arg12[%swap3A_258], %get3A_257 {strides = array<i32>} : memref<128xi32, #tpu.memory_space<vmem>>, vector<16xi32>,
      %get3A_260 = arith.index_cast %add3A_255 : i32 to index
      %get3A_261 = tpu.vector_load %arg11[%get3A_260] {strides = array<i32>} : memref<4128xi32, #tpu.memory_space<vmem>>, vector<16xi32>,
      %swap3A_262 = arith.constant 48 : index
      %swap3A_263 = tpu.vector_load %arg13[%swap3A_262] {strides = array<i32>} : memref<128xi32, #tpu.memory_space<vmem>>, vector<16xi32>,
      tpu.vector_store %arg13[%swap3A_262], %get3A_261 {strides = array<i32>} : memref<128xi32, #tpu.memory_space<vmem>>, vector<16xi32>,
      %get3A_264 = arith.index_cast %add3A_255 : i32 to index
      %get3A_265 = tpu.vector_load %arg9[%get3A_264] {strides = array<i32>} : memref<4128xi32, #tpu.memory_space<vmem>>, vector<16xi32>,
      %swap3A_266 = arith.constant 48 : index
      %swap3A_267 = tpu.vector_load %arg14[%swap3A_266] {strides = array<i32>} : memref<128xi32, #tpu.memory_space<vmem>>, vector<16xi32>,
      tpu.vector_store %arg14[%swap3A_266], %get3A_265 {strides = array<i32>} : memref<128xi32, #tpu.memory_space<vmem>>, vector<16xi32>,
      %add3A_268 = arith.constant 64 : i32
      %add3A_269 = arith.addi %mul3A_211, %add3A_268 : i32
      %get3A_270 = arith.index_cast %add3A_269 : i32 to index
      %get3A_271 = tpu.vector_load %arg10[%get3A_270] {strides = array<i32>} : memref<4128xi32, #tpu.memory_space<vmem>>, vector<16xi32>,
      %swap3A_272 = arith.constant 64 : index
      %swap3A_273 = tpu.vector_load %arg12[%swap3A_272] {strides = array<i32>} : memref<128xi32, #tpu.memory_space<vmem>>, vector<16xi32>,
      tpu.vector_store %arg12[%swap3A_272], %get3A_271 {strides = array<i32>} : memref<128xi32, #tpu.memory_space<vmem>>, vector<16xi32>,
      %get3A_274 = arith.index_cast %add3A_269 : i32 to index
      %get3A_275 = tpu.vector_load %arg11[%get3A_274] {strides = array<i32>} : memref<4128xi32, #tpu.memory_space<vmem>>, vector<16xi32>,
      %swap3A_276 = arith.constant 64 : index
      %swap3A_277 = tpu.vector_load %arg13[%swap3A_276] {strides = array<i32>} : memref<128xi32, #tpu.memory_space<vmem>>, vector<16xi32>,
      tpu.vector_store %arg13[%swap3A_276], %get3A_275 {strides = array<i32>} : memref<128xi32, #tpu.memory_space<vmem>>, vector<16xi32>,
      %get3A_278 = arith.index_cast %add3A_269 : i32 to index
      %get3A_279 = tpu.vector_load %arg9[%get3A_278] {strides = array<i32>} : memref<4128xi32, #tpu.memory_space<vmem>>, vector<16xi32>,
      %swap3A_280 = arith.constant 64 : index
      %swap3A_281 = tpu.vector_load %arg14[%swap3A_280] {strides = array<i32>} : memref<128xi32, #tpu.memory_space<vmem>>, vector<16xi32>,
      tpu.vector_store %arg14[%swap3A_280], %get3A_279 {strides = array<i32>} : memref<128xi32, #tpu.memory_space<vmem>>, vector<16xi32>,
      %add3A_282 = arith.constant 80 : i32
      %add3A_283 = arith.addi %mul3A_211, %add3A_282 : i32
      %get3A_284 = arith.index_cast %add3A_283 : i32 to index
      %get3A_285 = tpu.vector_load %arg10[%get3A_284] {strides = array<i32>} : memref<4128xi32, #tpu.memory_space<vmem>>, vector<16xi32>,
      %swap3A_286 = arith.constant 80 : index
      %swap3A_287 = tpu.vector_load %arg12[%swap3A_286] {strides = array<i32>} : memref<128xi32, #tpu.memory_space<vmem>>, vector<16xi32>,
      tpu.vector_store %arg12[%swap3A_286], %get3A_285 {strides = array<i32>} : memref<128xi32, #tpu.memory_space<vmem>>, vector<16xi32>,
      %get3A_288 = arith.index_cast %add3A_283 : i32 to index
      %get3A_289 = tpu.vector_load %arg11[%get3A_288] {strides = array<i32>} : memref<4128xi32, #tpu.memory_space<vmem>>, vector<16xi32>,
      %swap3A_290 = arith.constant 80 : index
      %swap3A_291 = tpu.vector_load %arg13[%swap3A_290] {strides = array<i32>} : memref<128xi32, #tpu.memory_space<vmem>>, vector<16xi32>,
      tpu.vector_store %arg13[%swap3A_290], %get3A_289 {strides = array<i32>} : memref<128xi32, #tpu.memory_space<vmem>>, vector<16xi32>,
      %get3A_292 = arith.index_cast %add3A_283 : i32 to index
      %get3A_293 = tpu.vector_load %arg9[%get3A_292] {strides = array<i32>} : memref<4128xi32, #tpu.memory_space<vmem>>, vector<16xi32>,
      %swap3A_294 = arith.constant 80 : index
      %swap3A_295 = tpu.vector_load %arg14[%swap3A_294] {strides = array<i32>} : memref<128xi32, #tpu.memory_space<vmem>>, vector<16xi32>,
      tpu.vector_store %arg14[%swap3A_294], %get3A_293 {strides = array<i32>} : memref<128xi32, #tpu.memory_space<vmem>>, vector<16xi32>,
      %add3A_296 = arith.constant 96 : i32
      %add3A_297 = arith.addi %mul3A_211, %add3A_296 : i32
      %get3A_298 = arith.index_cast %add3A_297 : i32 to index
      %get3A_299 = tpu.vector_load %arg10[%get3A_298] {strides = array<i32>} : memref<4128xi32, #tpu.memory_space<vmem>>, vector<16xi32>,
      %swap3A_300 = arith.constant 96 : index
      %swap3A_301 = tpu.vector_load %arg12[%swap3A_300] {strides = array<i32>} : memref<128xi32, #tpu.memory_space<vmem>>, vector<16xi32>,
      tpu.vector_store %arg12[%swap3A_300], %get3A_299 {strides = array<i32>} : memref<128xi32, #tpu.memory_space<vmem>>, vector<16xi32>,
      %get3A_302 = arith.index_cast %add3A_297 : i32 to index
      %get3A_303 = tpu.vector_load %arg11[%get3A_302] {strides = array<i32>} : memref<4128xi32, #tpu.memory_space<vmem>>, vector<16xi32>,
      %swap3A_304 = arith.constant 96 : index
      %swap3A_305 = tpu.vector_load %arg13[%swap3A_304] {strides = array<i32>} : memref<128xi32, #tpu.memory_space<vmem>>, vector<16xi32>,
      tpu.vector_store %arg13[%swap3A_304], %get3A_303 {strides = array<i32>} : memref<128xi32, #tpu.memory_space<vmem>>, vector<16xi32>,
      %get3A_306 = arith.index_cast %add3A_297 : i32 to index
      %get3A_307 = tpu.vector_load %arg9[%get3A_306] {strides = array<i32>} : memref<4128xi32, #tpu.memory_space<vmem>>, vector<16xi32>,
      %swap3A_308 = arith.constant 96 : index
      %swap3A_309 = tpu.vector_load %arg14[%swap3A_308] {strides = array<i32>} : memref<128xi32, #tpu.memory_space<vmem>>, vector<16xi32>,
      tpu.vector_store %arg14[%swap3A_308], %get3A_307 {strides = array<i32>} : memref<128xi32, #tpu.memory_space<vmem>>, vector<16xi32>,
      %add3A_310 = arith.constant 112 : i32
      %add3A_311 = arith.addi %mul3A_211, %add3A_310 : i32
      %get3A_312 = arith.index_cast %add3A_311 : i32 to index
      %get3A_313 = tpu.vector_load %arg10[%get3A_312] {strides = array<i32>} : memref<4128xi32, #tpu.memory_space<vmem>>, vector<16xi32>,
      %swap3A_314 = arith.constant 112 : index
      %swap3A_315 = tpu.vector_load %arg12[%swap3A_314] {strides = array<i32>} : memref<128xi32, #tpu.memory_space<vmem>>, vector<16xi32>,
      tpu.vector_store %arg12[%swap3A_314], %get3A_313 {strides = array<i32>} : memref<128xi32, #tpu.memory_space<vmem>>, vector<16xi32>,
      %get3A_316 = arith.index_cast %add3A_311 : i32 to index
      %get3A_317 = tpu.vector_load %arg11[%get3A_316] {strides = array<i32>} : memref<4128xi32, #tpu.memory_space<vmem>>, vector<16xi32>,
      %swap3A_318 = arith.constant 112 : index
      %swap3A_319 = tpu.vector_load %arg13[%swap3A_318] {strides = array<i32>} : memref<128xi32, #tpu.memory_space<vmem>>, vector<16xi32>,
      tpu.vector_store %arg13[%swap3A_318], %get3A_317 {strides = array<i32>} : memref<128xi32, #tpu.memory_space<vmem>>, vector<16xi32>,
      %get3A_320 = arith.index_cast %add3A_311 : i32 to index
      %get3A_321 = tpu.vector_load %arg9[%get3A_320] {strides = array<i32>} : memref<4128xi32, #tpu.memory_space<vmem>>, vector<16xi32>,
      %swap3A_322 = arith.constant 112 : index
      %swap3A_323 = tpu.vector_load %arg14[%swap3A_322] {strides = array<i32>} : memref<128xi32, #tpu.memory_space<vmem>>, vector<16xi32>,
      tpu.vector_store %arg14[%swap3A_322], %get3A_321 {strides = array<i32>} : memref<128xi32, #tpu.memory_space<vmem>>, vector<16xi32>,
      %dma_start3A_324 = arith.constant 0 : i32
      %dma_start3A_325 = arith.constant 0 : i32
      %dma_start3A_326 = tpu.memref_slice %arg4[%dma_start3A_324, %dma_start3A_325] : memref<10000x128xf32, #tpu.memory_space<hbm>> -> memref<10000x128xf32, #tpu.memory_space<hbm>>
      tpu.enqueue_indirect_dma source(%dma_start3A_326 : memref<10000x128xf32, #tpu.memory_space<hbm>>) target(%arg15 : memref<128x128xf32, #tpu.memory_space<vmem>>) offsets(%arg12 : memref<128xi32, #tpu.memory_space<vmem>>) semaphore(%arg19 : memref<!tpu.dma_semaphore, #tpu.memory_space<semaphore_mem>>)
      %dma_start3A_327 = arith.constant 0 : i32
      %dma_start3A_328 = arith.constant 0 : i32
      %dma_start3A_329 = tpu.memref_slice %arg5[%dma_start3A_327, %dma_start3A_328] : memref<320000x128xf32, #tpu.memory_space<hbm>> -> memref<320000x128xf32, #tpu.memory_space<hbm>>
      tpu.enqueue_indirect_dma source(%dma_start3A_329 : memref<320000x128xf32, #tpu.memory_space<hbm>>) target(%arg16 : memref<128x128xf32, #tpu.memory_space<vmem>>) offsets(%arg14 : memref<128xi32, #tpu.memory_space<vmem>>) semaphore(%arg19 : memref<!tpu.dma_semaphore, #tpu.memory_space<semaphore_mem>>)
      %dma_wait3A_330 = arith.constant 0 : i32
      %dma_wait3A_331 = arith.constant 0 : i32
      %dma_wait3A_332 = tpu.memref_slice %arg4[%dma_wait3A_330, %dma_wait3A_331] : memref<10000x128xf32, #tpu.memory_space<hbm>> -> memref<128x128xf32, #tpu.memory_space<hbm>>
      %dma_wait3A_333 = arith.constant 0 : i32
      %dma_wait3A_334 = arith.constant 0 : i32
      %dma_wait3A_335 = tpu.memref_slice %arg4[%dma_wait3A_333, %dma_wait3A_334] : memref<10000x128xf32, #tpu.memory_space<hbm>> -> memref<128x128xf32, #tpu.memory_space<hbm>>
      tpu.wait_dma2 semaphore(%arg19 : memref<!tpu.dma_semaphore, #tpu.memory_space<semaphore_mem>>) src(%dma_wait3A_335 : memref<128x128xf32, #tpu.memory_space<hbm>>) dst(%arg15 : memref<128x128xf32, #tpu.memory_space<vmem>>)
      %dma_wait3A_336 = arith.constant 0 : i32
      %dma_wait3A_337 = arith.constant 0 : i32
      %dma_wait3A_338 = tpu.memref_slice %arg4[%dma_wait3A_336, %dma_wait3A_337] : memref<10000x128xf32, #tpu.memory_space<hbm>> -> memref<128x128xf32, #tpu.memory_space<hbm>>
      %dma_wait3A_339 = arith.constant 0 : i32
      %dma_wait3A_340 = arith.constant 0 : i32
      %dma_wait3A_341 = tpu.memref_slice %arg4[%dma_wait3A_339, %dma_wait3A_340] : memref<10000x128xf32, #tpu.memory_space<hbm>> -> memref<128x128xf32, #tpu.memory_space<hbm>>
      tpu.wait_dma2 semaphore(%arg19 : memref<!tpu.dma_semaphore, #tpu.memory_space<semaphore_mem>>) src(%dma_wait3A_341 : memref<128x128xf32, #tpu.memory_space<hbm>>) dst(%arg16 : memref<128x128xf32, #tpu.memory_space<vmem>>)
      %sub3A_342 = arith.subi %scan3A_136, %mul3A_211 : i32
      %min3A_343 = arith.constant 128 : i32
      %min3A_344 = arith.minsi %sub3A_342, %min3A_343 : i32
      %while3A_345 = arith.constant 0 : i32
      %while3A_346 = arith.constant 0 : i32
      %while3A_347 = arith.subi %min3A_344, %while3A_346 : i32
      %while3A_348 = arith.addi %while3A_346, %while3A_347 : i32
      %while3A_349 = arith.constant 1 : i32
      %while3A_350 = arith.divsi %while3A_347, %while3A_349 : i32
      %while3A_351 = arith.muli %while3A_350, %while3A_349 : i32
      %while3A_352 = arith.addi %while3A_346, %while3A_351 : i32
      %while3A_353 = arith.constant 1 : i32
      scf.for %while3A_355 = %while3A_346 to %while3A_352 step %while3A_353  : i32 {
        %jit3A_356 = arith.constant 16 : i32
        %div3A_357 = arith.divsi %while3A_355, %jit3A_356 : i32
        %sign3A_358 = arith.constant 0 : i32
        %sign3A_359 = arith.cmpi sgt, %while3A_355, %sign3A_358 : i32
        %sign3A_360 = arith.extui %sign3A_359 : i1 to i32
        %sign3A_361 = arith.constant 0 : i32
        %sign3A_362 = arith.cmpi slt, %while3A_355, %sign3A_361 : i32
        %sign3A_363 = arith.extui %sign3A_362 : i1 to i32
        %sign3A_364 = arith.subi %sign3A_360, %sign3A_363 : i32
        %sign3A_365 = arith.constant 0 : i32
        %sign3A_366 = arith.cmpi sgt, %jit3A_356, %sign3A_365 : i32
        %sign3A_367 = arith.extui %sign3A_366 : i1 to i32
        %sign3A_368 = arith.constant 0 : i32
        %sign3A_369 = arith.cmpi slt, %jit3A_356, %sign3A_368 : i32
        %sign3A_370 = arith.extui %sign3A_369 : i1 to i32
        %sign3A_371 = arith.subi %sign3A_367, %sign3A_370 : i32
        %ne3A_372 = arith.cmpi ne, %sign3A_364, %sign3A_371 : i32
        %rem3A_373 = arith.remsi %while3A_355, %jit3A_356 : i32
        %ne3A_374 = arith.constant 0 : i32
        %ne3A_375 = arith.cmpi ne, %rem3A_373, %ne3A_374 : i32
        %and3A_376 = arith.andi %ne3A_372, %ne3A_375 : i1
        %sub3A_377 = arith.constant 1 : i32
        %sub3A_378 = arith.subi %div3A_357, %sub3A_377 : i32
        %select_n3A_379 = arith.select %and3A_376, %sub3A_378, %div3A_357 : i32
        %mul3A_380 = arith.constant 16 : i32
        %mul3A_381 = arith.muli %select_n3A_379, %mul3A_380 : i32
        %get3A_382 = arith.index_cast %mul3A_381 : i32 to index
        %get3A_383 = tpu.vector_load %arg13[%get3A_382] {strides = array<i32>} : memref<128xi32, #tpu.memory_space<vmem>>, vector<16xi32>,
        %sub3A_384 = arith.subi %while3A_355, %mul3A_381 : i32
        %eq3A_385 = vector.broadcast %sub3A_384 : i32 to vector<16xi32>
        %eq3A_386 = arith.cmpi eq, %iota3A, %eq3A_385 : vector<16xi32>
        %jit3A_387 = arith.constant 0 : i32
        %broadcast_in_dim3A_388 = vector.broadcast %jit3A_387 : i32 to vector<16xi32>
        %select_n3A_389 = arith.select %eq3A_386, %get3A_383, %broadcast_in_dim3A_388 : vector<16xi1>, vector<16xi32>
        %reduce_sum3A = arith.constant true
        %reduce_sum3A_390 = vector.broadcast %reduce_sum3A : i1 to vector<16xi1>
        %reduce_sum3A_391 = tpu.scan <sum>, %select_n3A_389 masked %reduce_sum3A_390 : vector<16xi32>, vector<16xi1> -> vector<16xi32>
        %reduce_sum3A_392 = vector.extract %reduce_sum3A_391[15] : i32 from vector<16xi32>
        %sub3A_393 = arith.subi %reduce_sum3A_392, %mul3A_2 : i32
        %get3A_394 = arith.index_cast %while3A_355 : i32 to index
        %get3A_395 = arith.constant 0 : index
        %get3A_396 = tpu.vector_load %arg15[%get3A_394, %get3A_395] {strides = array<i32>} : memref<128x128xf32, #tpu.memory_space<vmem>>, vector<16xf32>,
        %get3A_397 = arith.index_cast %while3A_355 : i32 to index
        %get3A_398 = arith.constant 0 : index
        %get3A_399 = tpu.vector_load %arg16[%get3A_397, %get3A_398] {strides = array<i32>} : memref<128x128xf32, #tpu.memory_space<vmem>>, vector<16xf32>,
        %add3A_400 = arith.addf %get3A_396, %get3A_399 : vector<16xf32>
        %get3A_401 = arith.index_cast %sub3A_393 : i32 to index
        %get3A_402 = arith.constant 0 : index
        %get3A_403 = tpu.vector_load %arg17[%get3A_401, %get3A_402] {strides = array<i32>} : memref<328x128xf32, #tpu.memory_space<vmem>>, vector<16xf32>,
        %max3A = arith.maximumf %get3A_403, %add3A_400 : vector<16xf32>
        %swap3A_404 = arith.index_cast %sub3A_393 : i32 to index
        %swap3A_405 = arith.constant 0 : index
        %swap3A_406 = tpu.vector_load %arg17[%swap3A_404, %swap3A_405] {strides = array<i32>} : memref<328x128xf32, #tpu.memory_space<vmem>>, vector<16xf32>,
        tpu.vector_store %arg17[%swap3A_404, %swap3A_405], %max3A {strides = array<i32>} : memref<328x128xf32, #tpu.memory_space<vmem>>, vector<16xf32>,
        %get3A_407 = arith.index_cast %while3A_355 : i32 to index
        %get3A_408 = arith.constant 16 : index
        %get3A_409 = tpu.vector_load %arg15[%get3A_407, %get3A_408] {strides = array<i32>} : memref<128x128xf32, #tpu.memory_space<vmem>>, vector<16xf32>,
        %get3A_410 = arith.index_cast %while3A_355 : i32 to index
        %get3A_411 = arith.constant 16 : index
        %get3A_412 = tpu.vector_load %arg16[%get3A_410, %get3A_411] {strides = array<i32>} : memref<128x128xf32, #tpu.memory_space<vmem>>, vector<16xf32>,
        %add3A_413 = arith.addf %get3A_409, %get3A_412 : vector<16xf32>
        %get3A_414 = arith.index_cast %sub3A_393 : i32 to index
        %get3A_415 = arith.constant 16 : index
        %get3A_416 = tpu.vector_load %arg17[%get3A_414, %get3A_415] {strides = array<i32>} : memref<328x128xf32, #tpu.memory_space<vmem>>, vector<16xf32>,
        %max3A_417 = arith.maximumf %get3A_416, %add3A_413 : vector<16xf32>
        %swap3A_418 = arith.index_cast %sub3A_393 : i32 to index
        %swap3A_419 = arith.constant 16 : index
        %swap3A_420 = tpu.vector_load %arg17[%swap3A_418, %swap3A_419] {strides = array<i32>} : memref<328x128xf32, #tpu.memory_space<vmem>>, vector<16xf32>,
        tpu.vector_store %arg17[%swap3A_418, %swap3A_419], %max3A_417 {strides = array<i32>} : memref<328x128xf32, #tpu.memory_space<vmem>>, vector<16xf32>,
        %get3A_421 = arith.index_cast %while3A_355 : i32 to index
        %get3A_422 = arith.constant 32 : index
        %get3A_423 = tpu.vector_load %arg15[%get3A_421, %get3A_422] {strides = array<i32>} : memref<128x128xf32, #tpu.memory_space<vmem>>, vector<16xf32>,
        %get3A_424 = arith.index_cast %while3A_355 : i32 to index
        %get3A_425 = arith.constant 32 : index
        %get3A_426 = tpu.vector_load %arg16[%get3A_424, %get3A_425] {strides = array<i32>} : memref<128x128xf32, #tpu.memory_space<vmem>>, vector<16xf32>,
        %add3A_427 = arith.addf %get3A_423, %get3A_426 : vector<16xf32>
        %get3A_428 = arith.index_cast %sub3A_393 : i32 to index
        %get3A_429 = arith.constant 32 : index
        %get3A_430 = tpu.vector_load %arg17[%get3A_428, %get3A_429] {strides = array<i32>} : memref<328x128xf32, #tpu.memory_space<vmem>>, vector<16xf32>,
        %max3A_431 = arith.maximumf %get3A_430, %add3A_427 : vector<16xf32>
        %swap3A_432 = arith.index_cast %sub3A_393 : i32 to index
        %swap3A_433 = arith.constant 32 : index
        %swap3A_434 = tpu.vector_load %arg17[%swap3A_432, %swap3A_433] {strides = array<i32>} : memref<328x128xf32, #tpu.memory_space<vmem>>, vector<16xf32>,
        tpu.vector_store %arg17[%swap3A_432, %swap3A_433], %max3A_431 {strides = array<i32>} : memref<328x128xf32, #tpu.memory_space<vmem>>, vector<16xf32>,
        %get3A_435 = arith.index_cast %while3A_355 : i32 to index
        %get3A_436 = arith.constant 48 : index
        %get3A_437 = tpu.vector_load %arg15[%get3A_435, %get3A_436] {strides = array<i32>} : memref<128x128xf32, #tpu.memory_space<vmem>>, vector<16xf32>,
        %get3A_438 = arith.index_cast %while3A_355 : i32 to index
        %get3A_439 = arith.constant 48 : index
        %get3A_440 = tpu.vector_load %arg16[%get3A_438, %get3A_439] {strides = array<i32>} : memref<128x128xf32, #tpu.memory_space<vmem>>, vector<16xf32>,
        %add3A_441 = arith.addf %get3A_437, %get3A_440 : vector<16xf32>
        %get3A_442 = arith.index_cast %sub3A_393 : i32 to index
        %get3A_443 = arith.constant 48 : index
        %get3A_444 = tpu.vector_load %arg17[%get3A_442, %get3A_443] {strides = array<i32>} : memref<328x128xf32, #tpu.memory_space<vmem>>, vector<16xf32>,
        %max3A_445 = arith.maximumf %get3A_444, %add3A_441 : vector<16xf32>
        %swap3A_446 = arith.index_cast %sub3A_393 : i32 to index
        %swap3A_447 = arith.constant 48 : index
        %swap3A_448 = tpu.vector_load %arg17[%swap3A_446, %swap3A_447] {strides = array<i32>} : memref<328x128xf32, #tpu.memory_space<vmem>>, vector<16xf32>,
        tpu.vector_store %arg17[%swap3A_446, %swap3A_447], %max3A_445 {strides = array<i32>} : memref<328x128xf32, #tpu.memory_space<vmem>>, vector<16xf32>,
        %get3A_449 = arith.index_cast %while3A_355 : i32 to index
        %get3A_450 = arith.constant 64 : index
        %get3A_451 = tpu.vector_load %arg15[%get3A_449, %get3A_450] {strides = array<i32>} : memref<128x128xf32, #tpu.memory_space<vmem>>, vector<16xf32>,
        %get3A_452 = arith.index_cast %while3A_355 : i32 to index
        %get3A_453 = arith.constant 64 : index
        %get3A_454 = tpu.vector_load %arg16[%get3A_452, %get3A_453] {strides = array<i32>} : memref<128x128xf32, #tpu.memory_space<vmem>>, vector<16xf32>,
        %add3A_455 = arith.addf %get3A_451, %get3A_454 : vector<16xf32>
        %get3A_456 = arith.index_cast %sub3A_393 : i32 to index
        %get3A_457 = arith.constant 64 : index
        %get3A_458 = tpu.vector_load %arg17[%get3A_456, %get3A_457] {strides = array<i32>} : memref<328x128xf32, #tpu.memory_space<vmem>>, vector<16xf32>,
        %max3A_459 = arith.maximumf %get3A_458, %add3A_455 : vector<16xf32>
        %swap3A_460 = arith.index_cast %sub3A_393 : i32 to index
        %swap3A_461 = arith.constant 64 : index
        %swap3A_462 = tpu.vector_load %arg17[%swap3A_460, %swap3A_461] {strides = array<i32>} : memref<328x128xf32, #tpu.memory_space<vmem>>, vector<16xf32>,
        tpu.vector_store %arg17[%swap3A_460, %swap3A_461], %max3A_459 {strides = array<i32>} : memref<328x128xf32, #tpu.memory_space<vmem>>, vector<16xf32>,
        %get3A_463 = arith.index_cast %while3A_355 : i32 to index
        %get3A_464 = arith.constant 80 : index
        %get3A_465 = tpu.vector_load %arg15[%get3A_463, %get3A_464] {strides = array<i32>} : memref<128x128xf32, #tpu.memory_space<vmem>>, vector<16xf32>,
        %get3A_466 = arith.index_cast %while3A_355 : i32 to index
        %get3A_467 = arith.constant 80 : index
        %get3A_468 = tpu.vector_load %arg16[%get3A_466, %get3A_467] {strides = array<i32>} : memref<128x128xf32, #tpu.memory_space<vmem>>, vector<16xf32>,
        %add3A_469 = arith.addf %get3A_465, %get3A_468 : vector<16xf32>
        %get3A_470 = arith.index_cast %sub3A_393 : i32 to index
        %get3A_471 = arith.constant 80 : index
        %get3A_472 = tpu.vector_load %arg17[%get3A_470, %get3A_471] {strides = array<i32>} : memref<328x128xf32, #tpu.memory_space<vmem>>, vector<16xf32>,
        %max3A_473 = arith.maximumf %get3A_472, %add3A_469 : vector<16xf32>
        %swap3A_474 = arith.index_cast %sub3A_393 : i32 to index
        %swap3A_475 = arith.constant 80 : index
        %swap3A_476 = tpu.vector_load %arg17[%swap3A_474, %swap3A_475] {strides = array<i32>} : memref<328x128xf32, #tpu.memory_space<vmem>>, vector<16xf32>,
        tpu.vector_store %arg17[%swap3A_474, %swap3A_475], %max3A_473 {strides = array<i32>} : memref<328x128xf32, #tpu.memory_space<vmem>>, vector<16xf32>,
        %get3A_477 = arith.index_cast %while3A_355 : i32 to index
        %get3A_478 = arith.constant 96 : index
        %get3A_479 = tpu.vector_load %arg15[%get3A_477, %get3A_478] {strides = array<i32>} : memref<128x128xf32, #tpu.memory_space<vmem>>, vector<16xf32>,
        %get3A_480 = arith.index_cast %while3A_355 : i32 to index
        %get3A_481 = arith.constant 96 : index
        %get3A_482 = tpu.vector_load %arg16[%get3A_480, %get3A_481] {strides = array<i32>} : memref<128x128xf32, #tpu.memory_space<vmem>>, vector<16xf32>,
        %add3A_483 = arith.addf %get3A_479, %get3A_482 : vector<16xf32>
        %get3A_484 = arith.index_cast %sub3A_393 : i32 to index
        %get3A_485 = arith.constant 96 : index
        %get3A_486 = tpu.vector_load %arg17[%get3A_484, %get3A_485] {strides = array<i32>} : memref<328x128xf32, #tpu.memory_space<vmem>>, vector<16xf32>,
        %max3A_487 = arith.maximumf %get3A_486, %add3A_483 : vector<16xf32>
        %swap3A_488 = arith.index_cast %sub3A_393 : i32 to index
        %swap3A_489 = arith.constant 96 : index
        %swap3A_490 = tpu.vector_load %arg17[%swap3A_488, %swap3A_489] {strides = array<i32>} : memref<328x128xf32, #tpu.memory_space<vmem>>, vector<16xf32>,
        tpu.vector_store %arg17[%swap3A_488, %swap3A_489], %max3A_487 {strides = array<i32>} : memref<328x128xf32, #tpu.memory_space<vmem>>, vector<16xf32>,
        %get3A_491 = arith.index_cast %while3A_355 : i32 to index
        %get3A_492 = arith.constant 112 : index
        %get3A_493 = tpu.vector_load %arg15[%get3A_491, %get3A_492] {strides = array<i32>} : memref<128x128xf32, #tpu.memory_space<vmem>>, vector<16xf32>,
        %get3A_494 = arith.index_cast %while3A_355 : i32 to index
        %get3A_495 = arith.constant 112 : index
        %get3A_496 = tpu.vector_load %arg16[%get3A_494, %get3A_495] {strides = array<i32>} : memref<128x128xf32, #tpu.memory_space<vmem>>, vector<16xf32>,
        %add3A_497 = arith.addf %get3A_493, %get3A_496 : vector<16xf32>
        %get3A_498 = arith.index_cast %sub3A_393 : i32 to index
        %get3A_499 = arith.constant 112 : index
        %get3A_500 = tpu.vector_load %arg17[%get3A_498, %get3A_499] {strides = array<i32>} : memref<328x128xf32, #tpu.memory_space<vmem>>, vector<16xf32>,
        %max3A_501 = arith.maximumf %get3A_500, %add3A_497 : vector<16xf32>
        %swap3A_502 = arith.index_cast %sub3A_393 : i32 to index
        %swap3A_503 = arith.constant 112 : index
        %swap3A_504 = tpu.vector_load %arg17[%swap3A_502, %swap3A_503] {strides = array<i32>} : memref<328x128xf32, #tpu.memory_space<vmem>>, vector<16xf32>,
        tpu.vector_store %arg17[%swap3A_502, %swap3A_503], %max3A_501 {strides = array<i32>} : memref<328x128xf32, #tpu.memory_space<vmem>>, vector<16xf32>,
      }
      %while3A_354 = arith.constant 1 : i32
      scf.for %while3A_355 = %while3A_352 to %while3A_348 step %while3A_354  : i32 {
        %jit3A_356 = arith.constant 16 : i32
        %div3A_357 = arith.divsi %while3A_355, %jit3A_356 : i32
        %sign3A_358 = arith.constant 0 : i32
        %sign3A_359 = arith.cmpi sgt, %while3A_355, %sign3A_358 : i32
        %sign3A_360 = arith.extui %sign3A_359 : i1 to i32
        %sign3A_361 = arith.constant 0 : i32
        %sign3A_362 = arith.cmpi slt, %while3A_355, %sign3A_361 : i32
        %sign3A_363 = arith.extui %sign3A_362 : i1 to i32
        %sign3A_364 = arith.subi %sign3A_360, %sign3A_363 : i32
        %sign3A_365 = arith.constant 0 : i32
        %sign3A_366 = arith.cmpi sgt, %jit3A_356, %sign3A_365 : i32
        %sign3A_367 = arith.extui %sign3A_366 : i1 to i32
        %sign3A_368 = arith.constant 0 : i32
        %sign3A_369 = arith.cmpi slt, %jit3A_356, %sign3A_368 : i32
        %sign3A_370 = arith.extui %sign3A_369 : i1 to i32
        %sign3A_371 = arith.subi %sign3A_367, %sign3A_370 : i32
        %ne3A_372 = arith.cmpi ne, %sign3A_364, %sign3A_371 : i32
        %rem3A_373 = arith.remsi %while3A_355, %jit3A_356 : i32
        %ne3A_374 = arith.constant 0 : i32
        %ne3A_375 = arith.cmpi ne, %rem3A_373, %ne3A_374 : i32
        %and3A_376 = arith.andi %ne3A_372, %ne3A_375 : i1
        %sub3A_377 = arith.constant 1 : i32
        %sub3A_378 = arith.subi %div3A_357, %sub3A_377 : i32
        %select_n3A_379 = arith.select %and3A_376, %sub3A_378, %div3A_357 : i32
        %mul3A_380 = arith.constant 16 : i32
        %mul3A_381 = arith.muli %select_n3A_379, %mul3A_380 : i32
        %get3A_382 = arith.index_cast %mul3A_381 : i32 to index
        %get3A_383 = tpu.vector_load %arg13[%get3A_382] {strides = array<i32>} : memref<128xi32, #tpu.memory_space<vmem>>, vector<16xi32>,
        %sub3A_384 = arith.subi %while3A_355, %mul3A_381 : i32
        %eq3A_385 = vector.broadcast %sub3A_384 : i32 to vector<16xi32>
        %eq3A_386 = arith.cmpi eq, %iota3A, %eq3A_385 : vector<16xi32>
        %jit3A_387 = arith.constant 0 : i32
        %broadcast_in_dim3A_388 = vector.broadcast %jit3A_387 : i32 to vector<16xi32>
        %select_n3A_389 = arith.select %eq3A_386, %get3A_383, %broadcast_in_dim3A_388 : vector<16xi1>, vector<16xi32>
        %reduce_sum3A = arith.constant true
        %reduce_sum3A_390 = vector.broadcast %reduce_sum3A : i1 to vector<16xi1>
        %reduce_sum3A_391 = tpu.scan <sum>, %select_n3A_389 masked %reduce_sum3A_390 : vector<16xi32>, vector<16xi1> -> vector<16xi32>
        %reduce_sum3A_392 = vector.extract %reduce_sum3A_391[15] : i32 from vector<16xi32>
        %sub3A_393 = arith.subi %reduce_sum3A_392, %mul3A_2 : i32
        %get3A_394 = arith.index_cast %while3A_355 : i32 to index
        %get3A_395 = arith.constant 0 : index
        %get3A_396 = tpu.vector_load %arg15[%get3A_394, %get3A_395] {strides = array<i32>} : memref<128x128xf32, #tpu.memory_space<vmem>>, vector<16xf32>,
        %get3A_397 = arith.index_cast %while3A_355 : i32 to index
        %get3A_398 = arith.constant 0 : index
        %get3A_399 = tpu.vector_load %arg16[%get3A_397, %get3A_398] {strides = array<i32>} : memref<128x128xf32, #tpu.memory_space<vmem>>, vector<16xf32>,
        %add3A_400 = arith.addf %get3A_396, %get3A_399 : vector<16xf32>
        %get3A_401 = arith.index_cast %sub3A_393 : i32 to index
        %get3A_402 = arith.constant 0 : index
        %get3A_403 = tpu.vector_load %arg17[%get3A_401, %get3A_402] {strides = array<i32>} : memref<328x128xf32, #tpu.memory_space<vmem>>, vector<16xf32>,
        %max3A = arith.maximumf %get3A_403, %add3A_400 : vector<16xf32>
        %swap3A_404 = arith.index_cast %sub3A_393 : i32 to index
        %swap3A_405 = arith.constant 0 : index
        %swap3A_406 = tpu.vector_load %arg17[%swap3A_404, %swap3A_405] {strides = array<i32>} : memref<328x128xf32, #tpu.memory_space<vmem>>, vector<16xf32>,
        tpu.vector_store %arg17[%swap3A_404, %swap3A_405], %max3A {strides = array<i32>} : memref<328x128xf32, #tpu.memory_space<vmem>>, vector<16xf32>,
        %get3A_407 = arith.index_cast %while3A_355 : i32 to index
        %get3A_408 = arith.constant 16 : index
        %get3A_409 = tpu.vector_load %arg15[%get3A_407, %get3A_408] {strides = array<i32>} : memref<128x128xf32, #tpu.memory_space<vmem>>, vector<16xf32>,
        %get3A_410 = arith.index_cast %while3A_355 : i32 to index
        %get3A_411 = arith.constant 16 : index
        %get3A_412 = tpu.vector_load %arg16[%get3A_410, %get3A_411] {strides = array<i32>} : memref<128x128xf32, #tpu.memory_space<vmem>>, vector<16xf32>,
        %add3A_413 = arith.addf %get3A_409, %get3A_412 : vector<16xf32>
        %get3A_414 = arith.index_cast %sub3A_393 : i32 to index
        %get3A_415 = arith.constant 16 : index
        %get3A_416 = tpu.vector_load %arg17[%get3A_414, %get3A_415] {strides = array<i32>} : memref<328x128xf32, #tpu.memory_space<vmem>>, vector<16xf32>,
        %max3A_417 = arith.maximumf %get3A_416, %add3A_413 : vector<16xf32>
        %swap3A_418 = arith.index_cast %sub3A_393 : i32 to index
        %swap3A_419 = arith.constant 16 : index
        %swap3A_420 = tpu.vector_load %arg17[%swap3A_418, %swap3A_419] {strides = array<i32>} : memref<328x128xf32, #tpu.memory_space<vmem>>, vector<16xf32>,
        tpu.vector_store %arg17[%swap3A_418, %swap3A_419], %max3A_417 {strides = array<i32>} : memref<328x128xf32, #tpu.memory_space<vmem>>, vector<16xf32>,
        %get3A_421 = arith.index_cast %while3A_355 : i32 to index
        %get3A_422 = arith.constant 32 : index
        %get3A_423 = tpu.vector_load %arg15[%get3A_421, %get3A_422] {strides = array<i32>} : memref<128x128xf32, #tpu.memory_space<vmem>>, vector<16xf32>,
        %get3A_424 = arith.index_cast %while3A_355 : i32 to index
        %get3A_425 = arith.constant 32 : index
        %get3A_426 = tpu.vector_load %arg16[%get3A_424, %get3A_425] {strides = array<i32>} : memref<128x128xf32, #tpu.memory_space<vmem>>, vector<16xf32>,
        %add3A_427 = arith.addf %get3A_423, %get3A_426 : vector<16xf32>
        %get3A_428 = arith.index_cast %sub3A_393 : i32 to index
        %get3A_429 = arith.constant 32 : index
        %get3A_430 = tpu.vector_load %arg17[%get3A_428, %get3A_429] {strides = array<i32>} : memref<328x128xf32, #tpu.memory_space<vmem>>, vector<16xf32>,
        %max3A_431 = arith.maximumf %get3A_430, %add3A_427 : vector<16xf32>
        %swap3A_432 = arith.index_cast %sub3A_393 : i32 to index
        %swap3A_433 = arith.constant 32 : index
        %swap3A_434 = tpu.vector_load %arg17[%swap3A_432, %swap3A_433] {strides = array<i32>} : memref<328x128xf32, #tpu.memory_space<vmem>>, vector<16xf32>,
        tpu.vector_store %arg17[%swap3A_432, %swap3A_433], %max3A_431 {strides = array<i32>} : memref<328x128xf32, #tpu.memory_space<vmem>>, vector<16xf32>,
        %get3A_435 = arith.index_cast %while3A_355 : i32 to index
        %get3A_436 = arith.constant 48 : index
        %get3A_437 = tpu.vector_load %arg15[%get3A_435, %get3A_436] {strides = array<i32>} : memref<128x128xf32, #tpu.memory_space<vmem>>, vector<16xf32>,
        %get3A_438 = arith.index_cast %while3A_355 : i32 to index
        %get3A_439 = arith.constant 48 : index
        %get3A_440 = tpu.vector_load %arg16[%get3A_438, %get3A_439] {strides = array<i32>} : memref<128x128xf32, #tpu.memory_space<vmem>>, vector<16xf32>,
        %add3A_441 = arith.addf %get3A_437, %get3A_440 : vector<16xf32>
        %get3A_442 = arith.index_cast %sub3A_393 : i32 to index
        %get3A_443 = arith.constant 48 : index
        %get3A_444 = tpu.vector_load %arg17[%get3A_442, %get3A_443] {strides = array<i32>} : memref<328x128xf32, #tpu.memory_space<vmem>>, vector<16xf32>,
        %max3A_445 = arith.maximumf %get3A_444, %add3A_441 : vector<16xf32>
        %swap3A_446 = arith.index_cast %sub3A_393 : i32 to index
        %swap3A_447 = arith.constant 48 : index
        %swap3A_448 = tpu.vector_load %arg17[%swap3A_446, %swap3A_447] {strides = array<i32>} : memref<328x128xf32, #tpu.memory_space<vmem>>, vector<16xf32>,
        tpu.vector_store %arg17[%swap3A_446, %swap3A_447], %max3A_445 {strides = array<i32>} : memref<328x128xf32, #tpu.memory_space<vmem>>, vector<16xf32>,
        %get3A_449 = arith.index_cast %while3A_355 : i32 to index
        %get3A_450 = arith.constant 64 : index
        %get3A_451 = tpu.vector_load %arg15[%get3A_449, %get3A_450] {strides = array<i32>} : memref<128x128xf32, #tpu.memory_space<vmem>>, vector<16xf32>,
        %get3A_452 = arith.index_cast %while3A_355 : i32 to index
        %get3A_453 = arith.constant 64 : index
        %get3A_454 = tpu.vector_load %arg16[%get3A_452, %get3A_453] {strides = array<i32>} : memref<128x128xf32, #tpu.memory_space<vmem>>, vector<16xf32>,
        %add3A_455 = arith.addf %get3A_451, %get3A_454 : vector<16xf32>
        %get3A_456 = arith.index_cast %sub3A_393 : i32 to index
        %get3A_457 = arith.constant 64 : index
        %get3A_458 = tpu.vector_load %arg17[%get3A_456, %get3A_457] {strides = array<i32>} : memref<328x128xf32, #tpu.memory_space<vmem>>, vector<16xf32>,
        %max3A_459 = arith.maximumf %get3A_458, %add3A_455 : vector<16xf32>
        %swap3A_460 = arith.index_cast %sub3A_393 : i32 to index
        %swap3A_461 = arith.constant 64 : index
        %swap3A_462 = tpu.vector_load %arg17[%swap3A_460, %swap3A_461] {strides = array<i32>} : memref<328x128xf32, #tpu.memory_space<vmem>>, vector<16xf32>,
        tpu.vector_store %arg17[%swap3A_460, %swap3A_461], %max3A_459 {strides = array<i32>} : memref<328x128xf32, #tpu.memory_space<vmem>>, vector<16xf32>,
        %get3A_463 = arith.index_cast %while3A_355 : i32 to index
        %get3A_464 = arith.constant 80 : index
        %get3A_465 = tpu.vector_load %arg15[%get3A_463, %get3A_464] {strides = array<i32>} : memref<128x128xf32, #tpu.memory_space<vmem>>, vector<16xf32>,
        %get3A_466 = arith.index_cast %while3A_355 : i32 to index
        %get3A_467 = arith.constant 80 : index
        %get3A_468 = tpu.vector_load %arg16[%get3A_466, %get3A_467] {strides = array<i32>} : memref<128x128xf32, #tpu.memory_space<vmem>>, vector<16xf32>,
        %add3A_469 = arith.addf %get3A_465, %get3A_468 : vector<16xf32>
        %get3A_470 = arith.index_cast %sub3A_393 : i32 to index
        %get3A_471 = arith.constant 80 : index
        %get3A_472 = tpu.vector_load %arg17[%get3A_470, %get3A_471] {strides = array<i32>} : memref<328x128xf32, #tpu.memory_space<vmem>>, vector<16xf32>,
        %max3A_473 = arith.maximumf %get3A_472, %add3A_469 : vector<16xf32>
        %swap3A_474 = arith.index_cast %sub3A_393 : i32 to index
        %swap3A_475 = arith.constant 80 : index
        %swap3A_476 = tpu.vector_load %arg17[%swap3A_474, %swap3A_475] {strides = array<i32>} : memref<328x128xf32, #tpu.memory_space<vmem>>, vector<16xf32>,
        tpu.vector_store %arg17[%swap3A_474, %swap3A_475], %max3A_473 {strides = array<i32>} : memref<328x128xf32, #tpu.memory_space<vmem>>, vector<16xf32>,
        %get3A_477 = arith.index_cast %while3A_355 : i32 to index
        %get3A_478 = arith.constant 96 : index
        %get3A_479 = tpu.vector_load %arg15[%get3A_477, %get3A_478] {strides = array<i32>} : memref<128x128xf32, #tpu.memory_space<vmem>>, vector<16xf32>,
        %get3A_480 = arith.index_cast %while3A_355 : i32 to index
        %get3A_481 = arith.constant 96 : index
        %get3A_482 = tpu.vector_load %arg16[%get3A_480, %get3A_481] {strides = array<i32>} : memref<128x128xf32, #tpu.memory_space<vmem>>, vector<16xf32>,
        %add3A_483 = arith.addf %get3A_479, %get3A_482 : vector<16xf32>
        %get3A_484 = arith.index_cast %sub3A_393 : i32 to index
        %get3A_485 = arith.constant 96 : index
        %get3A_486 = tpu.vector_load %arg17[%get3A_484, %get3A_485] {strides = array<i32>} : memref<328x128xf32, #tpu.memory_space<vmem>>, vector<16xf32>,
        %max3A_487 = arith.maximumf %get3A_486, %add3A_483 : vector<16xf32>
        %swap3A_488 = arith.index_cast %sub3A_393 : i32 to index
        %swap3A_489 = arith.constant 96 : index
        %swap3A_490 = tpu.vector_load %arg17[%swap3A_488, %swap3A_489] {strides = array<i32>} : memref<328x128xf32, #tpu.memory_space<vmem>>, vector<16xf32>,
        tpu.vector_store %arg17[%swap3A_488, %swap3A_489], %max3A_487 {strides = array<i32>} : memref<328x128xf32, #tpu.memory_space<vmem>>, vector<16xf32>,
        %get3A_491 = arith.index_cast %while3A_355 : i32 to index
        %get3A_492 = arith.constant 112 : index
        %get3A_493 = tpu.vector_load %arg15[%get3A_491, %get3A_492] {strides = array<i32>} : memref<128x128xf32, #tpu.memory_space<vmem>>, vector<16xf32>,
        %get3A_494 = arith.index_cast %while3A_355 : i32 to index
        %get3A_495 = arith.constant 112 : index
        %get3A_496 = tpu.vector_load %arg16[%get3A_494, %get3A_495] {strides = array<i32>} : memref<128x128xf32, #tpu.memory_space<vmem>>, vector<16xf32>,
        %add3A_497 = arith.addf %get3A_493, %get3A_496 : vector<16xf32>
        %get3A_498 = arith.index_cast %sub3A_393 : i32 to index
        %get3A_499 = arith.constant 112 : index
        %get3A_500 = tpu.vector_load %arg17[%get3A_498, %get3A_499] {strides = array<i32>} : memref<328x128xf32, #tpu.memory_space<vmem>>, vector<16xf32>,
        %max3A_501 = arith.maximumf %get3A_500, %add3A_497 : vector<16xf32>
        %swap3A_502 = arith.index_cast %sub3A_393 : i32 to index
        %swap3A_503 = arith.constant 112 : index
        %swap3A_504 = tpu.vector_load %arg17[%swap3A_502, %swap3A_503] {strides = array<i32>} : memref<328x128xf32, #tpu.memory_space<vmem>>, vector<16xf32>,
        tpu.vector_store %arg17[%swap3A_502, %swap3A_503], %max3A_501 {strides = array<i32>} : memref<328x128xf32, #tpu.memory_space<vmem>>, vector<16xf32>,
      }
    }
    %lt3A = arith.constant 31 : i32
    %lt3A_200 = arith.cmpi slt, %add3A, %lt3A : i32
    %convert_element_type3A = arith.extui %lt3A_200 : i1 to i32
    %cond3A = arith.constant 0 : i32
    %cond3A_201 = arith.cmpi ne, %convert_element_type3A, %cond3A : i32
    scf.if %cond3A_201 {
      "tpu.region"() ({
        %run_scoped3A = tpu.sem_alloc : memref<!tpu.dma_semaphore, #tpu.memory_space<semaphore_mem>>
        %dma_start3A_207 = arith.constant 0 : i32
        %dma_start3A_208 = arith.constant 0 : i32
        %dma_start3A_209 = tpu.memref_slice %arg17[%dma_start3A_207, %dma_start3A_208] : memref<328x128xf32, #tpu.memory_space<vmem>> -> memref<312x128xf32, #tpu.memory_space<vmem>>
        %dma_start3A_210 = arith.constant 0 : i32
        %dma_start3A_211 = tpu.memref_slice %arg6[%mul3A_2, %dma_start3A_210] : memref<10000x128xf32, #tpu.memory_space<hbm>> -> memref<312x128xf32, #tpu.memory_space<hbm>>
        %dma_start3A_212 = arith.constant 0 : i32
        %dma_start3A_213 = tpu.memref_slice %arg6[%mul3A_2, %dma_start3A_212] : memref<10000x128xf32, #tpu.memory_space<hbm>> -> memref<312x128xf32, #tpu.memory_space<hbm>>
        %dma_start3A_214 = arith.constant 0 : i32
        %dma_start3A_215 = arith.constant 0 : i32
        %dma_start3A_216 = tpu.memref_slice %arg17[%dma_start3A_214, %dma_start3A_215] : memref<328x128xf32, #tpu.memory_space<vmem>> -> memref<312x128xf32, #tpu.memory_space<vmem>>
        tpu.enqueue_dma source(%dma_start3A_216 : memref<312x128xf32, #tpu.memory_space<vmem>>) target(%dma_start3A_213 : memref<312x128xf32, #tpu.memory_space<hbm>>) target_semaphore(%run_scoped3A : memref<!tpu.dma_semaphore, #tpu.memory_space<semaphore_mem>>)
        %dma_wait3A_217 = arith.constant 0 : i32
        %dma_wait3A_218 = arith.constant 0 : i32
        %dma_wait3A_219 = tpu.memref_slice %arg17[%dma_wait3A_217, %dma_wait3A_218] : memref<328x128xf32, #tpu.memory_space<vmem>> -> memref<312x128xf32, #tpu.memory_space<vmem>>
        %dma_wait3A_220 = arith.constant 0 : i32
        %dma_wait3A_221 = tpu.memref_slice %arg6[%mul3A_2, %dma_wait3A_220] : memref<10000x128xf32, #tpu.memory_space<hbm>> -> memref<312x128xf32, #tpu.memory_space<hbm>>
        %dma_wait3A_222 = arith.constant 0 : i32
        %dma_wait3A_223 = tpu.memref_slice %arg6[%mul3A_2, %dma_wait3A_222] : memref<10000x128xf32, #tpu.memory_space<hbm>> -> memref<312x128xf32, #tpu.memory_space<hbm>>
        %dma_wait3A_224 = arith.constant 0 : i32
        %dma_wait3A_225 = arith.constant 0 : i32
        %dma_wait3A_226 = tpu.memref_slice %arg17[%dma_wait3A_224, %dma_wait3A_225] : memref<328x128xf32, #tpu.memory_space<vmem>> -> memref<312x128xf32, #tpu.memory_space<vmem>>
        tpu.wait_dma2 semaphore(%run_scoped3A : memref<!tpu.dma_semaphore, #tpu.memory_space<semaphore_mem>>) src(%dma_wait3A_226 : memref<312x128xf32, #tpu.memory_space<vmem>>) dst(%dma_wait3A_223 : memref<312x128xf32, #tpu.memory_space<hbm>>)
        tpu.yield
      }) : () -> ()
    } else {
    }
    %eq3A_202 = arith.constant 31 : i32
    %eq3A_203 = arith.cmpi eq, %add3A, %eq3A_202 : i32
    %convert_element_type3A_204 = arith.extui %eq3A_203 : i1 to i32
    %cond3A_205 = arith.constant 0 : i32
    %cond3A_206 = arith.cmpi ne, %convert_element_type3A_204, %cond3A_205 : i32
    scf.if %cond3A_206 {
      "tpu.region"() ({
        %run_scoped3A = tpu.sem_alloc : memref<!tpu.dma_semaphore, #tpu.memory_space<semaphore_mem>>
        %dma_start3A_207 = arith.constant 0 : i32
        %dma_start3A_208 = tpu.memref_slice %arg6[%mul3A_2, %dma_start3A_207] : memref<10000x128xf32, #tpu.memory_space<hbm>> -> memref<328x128xf32, #tpu.memory_space<hbm>>
        %dma_start3A_209 = arith.constant 0 : i32
        %dma_start3A_210 = tpu.memref_slice %arg6[%mul3A_2, %dma_start3A_209] : memref<10000x128xf32, #tpu.memory_space<hbm>> -> memref<328x128xf32, #tpu.memory_space<hbm>>
        tpu.enqueue_dma source(%arg17 : memref<328x128xf32, #tpu.memory_space<vmem>>) target(%dma_start3A_210 : memref<328x128xf32, #tpu.memory_space<hbm>>) target_semaphore(%run_scoped3A : memref<!tpu.dma_semaphore, #tpu.memory_space<semaphore_mem>>)
        %dma_wait3A_211 = arith.constant 0 : i32
        %dma_wait3A_212 = tpu.memref_slice %arg6[%mul3A_2, %dma_wait3A_211] : memref<10000x128xf32, #tpu.memory_space<hbm>> -> memref<328x128xf32, #tpu.memory_space<hbm>>
        %dma_wait3A_213 = arith.constant 0 : i32
        %dma_wait3A_214 = tpu.memref_slice %arg6[%mul3A_2, %dma_wait3A_213] : memref<10000x128xf32, #tpu.memory_space<hbm>> -> memref<328x128xf32, #tpu.memory_space<hbm>>
        tpu.wait_dma2 semaphore(%run_scoped3A : memref<!tpu.dma_semaphore, #tpu.memory_space<semaphore_mem>>) src(%arg17 : memref<328x128xf32, #tpu.memory_space<vmem>>) dst(%dma_wait3A_214 : memref<328x128xf32, #tpu.memory_space<hbm>>)
        tpu.yield
      }) : () -> ()
    } else {
    }
    return
  }
}

module attributes {stable_mosaic.version = 14 : i64} {
  func.func @_proj_nodes_kernel(%arg0: memref<10000x128xf32, #tpu.memory_space<vmem>>, %arg1: memref<128x256xf32, #tpu.memory_space<vmem>>, %arg2: memref<10000x256xf32, #tpu.memory_space<vmem>>) attributes {dimension_semantics = [], scalar_prefetch = 0 : i64, scratch_operands = 0 : i64, tpu.core_type = #tpu.core_type<tc>} {
    %get3A = arith.constant 0 : index
    %get3A_0 = arith.constant 0 : index
    %get3A_1 = vector.load %arg0[%get3A, %get3A_0] : memref<10000x128xf32, #tpu.memory_space<vmem>>, vector<10000x128xf32>
    %get3A_2 = arith.constant 0 : index
    %get3A_3 = arith.constant 0 : index
    %get3A_4 = vector.load %arg1[%get3A_2, %get3A_3] : memref<128x256xf32, #tpu.memory_space<vmem>>, vector<128x256xf32>
    %dot_general3A = arith.constant dense<0.000000e+00> : vector<10000x256xf32>
    %dot_general3A_5 = tpu.matmul %get3A_1, %get3A_4, %dot_general3A {dimension_numbers = #tpu.dot_dimension_numbers<[1], [0], [0], [1], [0, 0, 1, 1], [], []>, transpose_lhs_hint = false} : vector<10000x128xf32>, vector<128x256xf32>, vector<10000x256xf32> -> vector<10000x256xf32>
    %swap3A = arith.constant 0 : index
    %swap3A_6 = arith.constant 0 : index
    %swap3A_7 = vector.load %arg2[%swap3A, %swap3A_6] : memref<10000x256xf32, #tpu.memory_space<vmem>>, vector<10000x256xf32>
    tpu.vector_store %arg2[%swap3A, %swap3A_6], %dot_general3A_5 {strides = array<i32>} : memref<10000x256xf32, #tpu.memory_space<vmem>>, vector<10000x256xf32>,
    return
  }
}

module attributes {stable_mosaic.version = 14 : i64} {
  func.func @_proj_edges_kernel(%arg0: i32, %arg1: memref<8000x16xf32, #tpu.memory_space<vmem>>, %arg2: memref<16x128xf32, #tpu.memory_space<vmem>>, %arg3: memref<1x128xf32, #tpu.memory_space<vmem>>, %arg4: memref<8000x128xf32, #tpu.memory_space<vmem>>) attributes {dimension_semantics = [#tpu.dimension_semantics<arbitrary>], iteration_bounds = array<i64: 40>, scalar_prefetch = 0 : i64, scratch_operands = 0 : i64, tpu.core_type = #tpu.core_type<tc>, window_params = [{transform_indices = @transform_0, window_bounds = array<i64: 8000, 16>}, {pipeline_mode = #tpu.pipeline_mode<synchronous>, transform_indices = @transform_1, window_bounds = array<i64: 16, 128>}, {pipeline_mode = #tpu.pipeline_mode<synchronous>, transform_indices = @transform_2, window_bounds = array<i64: 1, 128>}, {transform_indices = @transform_3, window_bounds = array<i64: 8000, 128>}]} {
    %get3A = arith.constant 0 : index
    %get3A_0 = arith.constant 0 : index
    %get3A_1 = vector.load %arg1[%get3A, %get3A_0] : memref<8000x16xf32, #tpu.memory_space<vmem>>, vector<8000x16xf32>
    %get3A_2 = arith.constant 0 : index
    %get3A_3 = arith.constant 0 : index
    %get3A_4 = vector.load %arg2[%get3A_2, %get3A_3] : memref<16x128xf32, #tpu.memory_space<vmem>>, vector<16x128xf32>
    %dot_general3A = arith.constant dense<0.000000e+00> : vector<8000x128xf32>
    %dot_general3A_5 = tpu.matmul %get3A_1, %get3A_4, %dot_general3A {dimension_numbers = #tpu.dot_dimension_numbers<[1], [0], [0], [1], [0, 0, 1, 1], [], []>, transpose_lhs_hint = false} : vector<8000x16xf32>, vector<16x128xf32>, vector<8000x128xf32> -> vector<8000x128xf32>
    %get3A_6 = arith.constant 0 : index
    %get3A_7 = arith.constant 0 : index
    %get3A_8 = vector.load %arg3[%get3A_6, %get3A_7] : memref<1x128xf32, #tpu.memory_space<vmem>>, vector<1x128xf32>
    %add3A = vector.broadcast %get3A_8 : vector<1x128xf32> to vector<8000x128xf32>
    %add3A_9 = arith.addf %dot_general3A_5, %add3A : vector<8000x128xf32>
    %swap3A = arith.constant 0 : index
    %swap3A_10 = arith.constant 0 : index
    %swap3A_11 = vector.load %arg4[%swap3A, %swap3A_10] : memref<8000x128xf32, #tpu.memory_space<vmem>>, vector<8000x128xf32>
    tpu.vector_store %arg4[%swap3A, %swap3A_10], %add3A_9 {strides = array<i32>} : memref<8000x128xf32, #tpu.memory_space<vmem>>, vector<8000x128xf32>,
    return
  }
  func.func @transform_0(%arg0: i32) -> (i32, i32) {
    %c0_i32 = arith.constant 0 : i32
    %c0_i32_0 = arith.constant 0 : i32
    return %arg0, %c0_i32 : i32, i32
  }
  func.func @transform_1(%arg0: i32) -> (i32, i32) {
    %c0_i32 = arith.constant 0 : i32
    %c0_i32_0 = arith.constant 0 : i32
    %c0_i32_1 = arith.constant 0 : i32
    return %c0_i32, %c0_i32_0 : i32, i32
  }
  func.func @transform_2(%arg0: i32) -> (i32, i32) {
    %c0_i32 = arith.constant 0 : i32
    %c0_i32_0 = arith.constant 0 : i32
    %c0_i32_1 = arith.constant 0 : i32
    return %c0_i32, %c0_i32_0 : i32, i32
  }
  func.func @transform_3(%arg0: i32) -> (i32, i32) {
    %c0_i32 = arith.constant 0 : i32
    %c0_i32_0 = arith.constant 0 : i32
    return %arg0, %c0_i32 : i32, i32
  }
}

module attributes {stable_mosaic.version = 14 : i64} {
  func.func @_final_kernel(%arg0: memref<10000x128xf32, #tpu.memory_space<vmem>>, %arg1: memref<10000x128xf32, #tpu.memory_space<vmem>>, %arg2: memref<10000x128xf32, #tpu.memory_space<vmem>>, %arg3: memref<256x128xf32, #tpu.memory_space<vmem>>, %arg4: memref<1x128xf32, #tpu.memory_space<vmem>>, %arg5: memref<10000x128xf32, #tpu.memory_space<vmem>>) attributes {dimension_semantics = [], scalar_prefetch = 0 : i64, scratch_operands = 0 : i64, tpu.core_type = #tpu.core_type<tc>} {
    %get3A = arith.constant 0 : index
    %get3A_0 = arith.constant 0 : index
    %get3A_1 = vector.load %arg1[%get3A, %get3A_0] : memref<10000x128xf32, #tpu.memory_space<vmem>>, vector<10000x128xf32>
    %get3A_2 = arith.constant 0 : index
    %get3A_3 = arith.constant 0 : index
    %get3A_4 = vector.load %arg2[%get3A_2, %get3A_3] : memref<10000x128xf32, #tpu.memory_space<vmem>>, vector<10000x128xf32>
    %add3A = arith.addf %get3A_1, %get3A_4 : vector<10000x128xf32>
    %max3A = arith.constant 0.000000e+00 : f32
    %max3A_5 = vector.broadcast %max3A : f32 to vector<10000x128xf32>
    %max3A_6 = arith.maximumf %add3A, %max3A_5 : vector<10000x128xf32>
    %get3A_7 = arith.constant 0 : index
    %get3A_8 = arith.constant 0 : index
    %get3A_9 = vector.load %arg0[%get3A_7, %get3A_8] : memref<10000x128xf32, #tpu.memory_space<vmem>>, vector<10000x128xf32>
    %concatenate3A = tpu.concatenate %get3A_9, %max3A_6 in 1 : vector<10000x128xf32>, vector<10000x128xf32> -> vector<10000x256xf32>
    %get3A_10 = arith.constant 0 : index
    %get3A_11 = arith.constant 0 : index
    %get3A_12 = vector.load %arg3[%get3A_10, %get3A_11] : memref<256x128xf32, #tpu.memory_space<vmem>>, vector<256x128xf32>
    %dot_general3A = arith.constant dense<0.000000e+00> : vector<10000x128xf32>
    %dot_general3A_13 = tpu.matmul %concatenate3A, %get3A_12, %dot_general3A {dimension_numbers = #tpu.dot_dimension_numbers<[1], [0], [0], [1], [0, 0, 1, 1], [], []>, transpose_lhs_hint = false} : vector<10000x256xf32>, vector<256x128xf32>, vector<10000x128xf32> -> vector<10000x128xf32>
    %get3A_14 = arith.constant 0 : index
    %get3A_15 = arith.constant 0 : index
    %get3A_16 = vector.load %arg4[%get3A_14, %get3A_15] : memref<1x128xf32, #tpu.memory_space<vmem>>, vector<1x128xf32>
    %add3A_17 = vector.broadcast %get3A_16 : vector<1x128xf32> to vector<10000x128xf32>
    %add3A_18 = arith.addf %dot_general3A_13, %add3A_17 : vector<10000x128xf32>
    %swap3A = arith.constant 0 : index
    %swap3A_19 = arith.constant 0 : index
    %swap3A_20 = vector.load %arg5[%swap3A, %swap3A_19] : memref<10000x128xf32, #tpu.memory_space<vmem>>, vector<10000x128xf32>
    tpu.vector_store %arg5[%swap3A, %swap3A_19], %add3A_18 {strides = array<i32>} : memref<10000x128xf32, #tpu.memory_space<vmem>>, vector<10000x128xf32>,
    return
  }
}

</mosaic_0001>

<sc_bundles>
// kernel: kernel.6.cloned.1.call-start
scs
__scs_entry_jumppad:
0x0: {  	(pc) =	sbr.rel $0x88, $3  }
0x1: {  	(tag) =	ssettag $0x0;
	lr =	simm.s32 $0x1  }
0x2: {  	[smem:$0x3F9A] =	sst lr;
	_ =	strace $0xD0000000  }
0x3: {  	_ = 	snop  }
0x4: {  	_ = 	snop  }
0x5: {  	_ = 	snop  }
0x6: {  	_ = 	snop  }
0x7: {  	_ = 	snop  }
__scs_overlays_trampoline_lowered:
0x8: {  	[smem:$0x3FA9] =	sst s0  }
0x9: {  	[smem:$0x3FAA] =	sst s1  }
0xa: {  	[smem:$0x3FAB] =	sst s2  }
0xb: {  	[smem:$0x3FAC] =	sst s3  }
0xc: {  	[smem:$0x3FAD] =	sst s4  }
0xd: {  	[smem:$0x3FAE] =	sst s5  }
0xe: {  	[smem:$0x3FAF] =	sst s6  }
0xf: {  	[smem:$0x3FB0] =	sst s7  }
0x10: {  	[smem:$0x3FB1] =	sst s8  }
0x11: {  	[smem:$0x3FB2] =	sst s9;
	s0 =	simm.s32 @!p0 $0x0  }
0x12: {  	s1 =	sld [smem:$0x3F98];
	s0 =	simm.s32 @p0 $0x1  }
0x13: {  	[smem:$0x3FB3] =	sst s0;
	s0 =	simm.s32 @!p1 $0x0  }
0x14: {  	s2 =	sld [smem:$0x3F97];
	s0 =	simm.s32 @p1 $0x1  }
0x15: {  	[smem:$0x3FB4] =	sst s0;
	s0 =	simm.s32 @!p2 $0x0  }
0x16: {  	s3 =	sld [smem:$0x3FDB];
	s0 =	simm.s32 @p2 $0x1  }
0x17: {  	s4 =	simm.s32 $0x1BF5;
	[smem:$0x3FB6] =	sst s0  }
0x18: {  	s0 =	sld [smem:$0x3F99];
	_ =	swait.ge [sflag:s4], $0x0  }
0x19: {  	s7 =	sld [smem:$0x3F9A]  }
0x1a: {  	s8 =	sadd.s32 $0xFFFFE003, lr  }
0x1b: {  	s9 =	sadd.s32 $0xFFFFFEF7, lr;
	s5 =	simm.s32 $0xFFFFFFFF;
	p2 =	slt.u32 s8, $0xFFFFF086  }
0x1c: {  	p1 =	slt.u32 s9, $0xF7A;
	s5 =	simm.s32 @!p2 $0x0  }
0x1d: {  	s5 =	simm.s32 @p1 $0x1;
	p0 =	seq.s32 s7, s2  }
0x1e: {  	s7 =	smul.u32 @!p0 $0xF7A, s2;
	p2 =	seq.s32 @!p0 s5, $0x0  }
0x1f: {  	s9 =	smul.u32 $0xF7A, s1;
	s8 =	simm.s32 @!p0 $0x1BF5;
	p2 =	por !p2, p0  }
0x20: {  	[sflag:s8] =	ssyncset.s32 @!p0 $0xFFFFF086;
	s6 =	sadd.s32 @!p0 s3, s7;
	s7 =	simm.s32 @!p0 $0x108  }
0x21: {  	s3 =	sadd.s32 s3, s9;
	s6 =	sadd.s32 @!p0 $0x88, s6;
	s7 =	simm.s32 @p2 $0x1082  }
0x22: {  	[simem:s7], [sflag:s8] =	dma.local @!p0 [hbm:s6], $0xF7A  }
0x23: {  	s9 =	sor.u32 $0xD0000000, s2;
	s6 =	simm.s32 $0x108;
	_ =	swait.ge @!p0 [sflag:s8], $0x0  }
0x24: {  	s3 =	sadd.s32 $0x88, s3;
	s6 =	simm.s32 @!p1 $0x1082;
	[sflag:s4] =	ssyncset.s32 $0xFFFFF086  }
0x25: {  	[simem:s6], [sflag:s4] =	dma.local [hbm:s3], $0xF7A  }
0x26: {  	[smem:$0x3F9A] =	sst s1;
	(tag) =	ssettag s2;
	_ =	strace s9  }
0x27: {  	s1 =	sld [smem:$0x3FAA]  }
0x28: {  	s2 =	sld [smem:$0x3FAB]  }
0x29: {  	s4 =	sld [smem:$0x3FAD]  }
0x2a: {  	p0 =	seq.s32 s5, $0x0;
	s5 =	sld [smem:$0x3FAE]  }
0x2b: {  	s6 =	sld [smem:$0x3FAF]  }
0x2c: {  	s7 =	sld [smem:$0x3FB0]  }
0x2d: {  	s3 =	simm.s32 $0x108;
	s8 =	sld [smem:$0x3FB1]  }
0x2e: {  	s3 =	simm.s32 @!p0 $0x1082;
	s9 =	sld [smem:$0x3FB2]  }
0x2f: {  	lr =	sadd.s32 s0, s3;
	s0 =	sld [smem:$0x3FA9]  }
0x30: {  	s3 =	sld [smem:$0x3FAC]  }
0x31: {  	[smem:$0x3FB5] =	sst s10  }
0x32: {  	s10 =	sld [smem:$0x3FB3];
	_ =	sdelay $0x3  }
0x33: {  	p0 =	seq.s32 s10, $0x1;
	s10 =	sld [smem:$0x3FB5];
	_ =	sdelay $0x3  }
0x34: {  	[smem:$0x3FB5] =	sst s10  }
0x35: {  	s10 =	sld [smem:$0x3FB4];
	_ =	sdelay $0x3  }
0x36: {  	p1 =	seq.s32 s10, $0x1;
	s10 =	sld [smem:$0x3FB5];
	_ =	sdelay $0x3  }
0x37: {  	[smem:$0x3FB5] =	sst s10  }
0x38: {  	s10 =	sld [smem:$0x3FB6]  }
0x39: {  	_ = 	snop;
	(pc) =	sbr.ind lr, $3  }
0x3a: {  	_ = 	snop  }
0x3b: {  	_ = 	snop  }
0x3c: {  	p2 =	seq.s32 s10, $0x1;
	s10 =	sld [smem:$0x3FB5]  }
0x3d: {  	_ =	shalt  }
0x3e: {  	_ =	shalt  }
0x3f: {  	_ =	shalt  }
0x40: {  	_ =	shalt  }
0x41: {  	_ =	shalt  }
0x42: {  	_ =	shalt  }
0x43: {  	_ =	shalt  }
0x44: {  	_ =	shalt  }
0x45: {  	_ =	shalt  }
0x46: {  	_ =	shalt  }
0x47: {  	_ =	shalt  }
0x48: {  	_ =	shalt  }
0x49: {  	_ =	shalt  }
0x4a: {  	_ =	shalt  }
0x4b: {  	_ =	shalt  }
0x4c: {  	_ =	shalt  }
0x4d: {  	_ =	shalt  }
0x4e: {  	_ =	shalt  }
0x4f: {  	_ =	shalt  }
0x50: {  	_ =	shalt  }
0x51: {  	_ =	shalt  }
0x52: {  	_ =	shalt  }
0x53: {  	_ =	shalt  }
0x54: {  	_ =	shalt  }
0x55: {  	_ =	shalt  }
0x56: {  	_ =	shalt  }
0x57: {  	_ =	shalt  }
0x58: {  	_ =	shalt  }
0x59: {  	_ =	shalt  }
0x5a: {  	_ =	shalt  }
0x5b: {  	_ =	shalt  }
0x5c: {  	_ =	shalt  }
0x5d: {  	_ =	shalt  }
0x5e: {  	_ =	shalt  }
0x5f: {  	_ =	shalt  }
0x60: {  	_ =	shalt  }
0x61: {  	_ =	shalt  }
0x62: {  	_ =	shalt  }
0x63: {  	_ =	shalt  }
0x64: {  	_ =	shalt  }
0x65: {  	_ =	shalt  }
0x66: {  	_ =	shalt  }
0x67: {  	_ =	shalt  }
0x68: {  	_ =	shalt  }
0x69: {  	_ =	shalt  }
0x6a: {  	_ =	shalt  }
0x6b: {  	_ =	shalt  }
0x6c: {  	_ =	shalt  }
0x6d: {  	_ =	shalt  }
0x6e: {  	_ =	shalt  }
0x6f: {  	_ =	shalt  }
0x70: {  	_ =	shalt  }
0x71: {  	_ =	shalt  }
0x72: {  	_ =	shalt  }
0x73: {  	_ =	shalt  }
0x74: {  	_ =	shalt  }
0x75: {  	_ =	shalt  }
0x76: {  	_ =	shalt  }
0x77: {  	_ =	shalt  }
0x78: {  	_ =	shalt  }
0x79: {  	_ =	shalt  }
0x7a: {  	_ =	shalt  }
0x7b: {  	_ =	shalt  }
0x7c: {  	_ =	shalt  }
0x7d: {  	_ =	shalt  }
0x7e: {  	_ =	shalt  }
0x7f: {  	_ =	shalt  }
0x80: {  	_ =	shalt  }
0x81: {  	_ =	shalt  }
0x82: {  	_ =	shalt  }
0x83: {  	_ =	shalt  }
0x84: {  	_ =	shalt  }
0x85: {  	_ =	shalt  }
0x86: {  	_ =	shalt  }
0x87: {  	_ =	shalt  }
.Lfunc_end0:
.L_simem_size_0:
called_computation_lowered:
.L_overlay_start_0:
0x88: {  	s2 =	sld [smem:$0x3FD9]  }
0x89: {  	s3 =	sld [smem:$0x3FFE];
	_ =	sdelay $0x1  }
0x8a: {  	s1 =	srdreg.scid  }
0x8b: {  	s0 =	sand.u32 $0x1, s1  }
0x8c: {  	s16 =	sshll.u32 s0, $0xA;
	s2 =	sadd.s32 s3, s2  }
0x8d: {  	s2 =	sadd.s32 s2, s16  }
0x8e: {  	[smem:$0x3FC1] =	sst s2  }
0x8f: {  	_ = 	snop  }
0x90: {  	(tm) =	ssettm $0x1  }
0x91: {  	s17 =	sld [smem:$0x3FFB];
	_ =	sdelay $0x3  }
0x92: {  	_ =	strace s17  }
0x93: {  	s2 =	sld [smem:$0x3FFC];
	_ =	sdelay $0x3  }
0x94: {  	_ =	strace s2  }
0x95: {  	s2 =	sld [smem:$0x3FFD];
	_ =	sdelay $0x3  }
0x96: {  	_ =	strace s2  }
0x97: {  	_ =	strace $0x8FFFFFFF  }
0x98: {  	s18 =	sld [smem:$0x3FDB];
	_ =	sdelay $0x1  }
0x99: {  	s19 =	simm.s32 $_scs_section_size  }
0x9a: {  	s4 =	simm.s32 $_size__tile_overlayer_lowered;
	s5 =	simm.s32 $_tile_overlayer_lowered  }
0x9b: {  	s22 =	simm.s32 $0x1BFF;
	s21 =	sshll.u32 s5, $0x1;
	s2 =	sadd.s32 s19, s18  }
0x9c: {  	s6 =	simm.s32 $0x0;
	s20 =	sshll.u32 s4, $0x1;
	s4 =	sadd.s32 s21, s2  }
0x9d: {  	[timem:s6], [sflag:s22] =	dma.local [hbm:s4], s20  }
0x9e: {  	_ =	swait.ge [sflag:s22], s20  }
0x9f: {  	s3 =	ssub.s32 $0x0, s20;
	[sflag:s22] =	ssyncset.done $0x0  }
0xa0: {  	[sflag:s22] =	ssyncadd.s32 s3;
	_ =	sdelay $0x1  }
0xa1: {  	s23 =	simm.s32 $0x1B8B  }
0xa2: {  	_ =	swait.ge [sflag:s23], $0x1  }
0xa3: {  	[sflag:s23] =	ssyncset.done $0x0  }
0xa4: {  	s25 =	simm.s32 $0x1B8E;
	s24 =	sld [smem:$0x3FFE];
	[sflag:s23] =	ssyncadd.s32 $0xFFFFFFFF  }
0xa5: {  	s26 =	simm.s32 $execute0_lowered;
	[smem:$0x3FD2] =	sst s25  }
0xa6: {  	s4 =	sshll.u32 s26, $0x1;
	_ =	strace $0x80000046;
	[dreg:$0x1] =	wrdreg $0xFFFFFFFF  }
0xa7: {  	s28 =	simm.s32 $_size_execute0_lowered;
	s2 =	sadd.s32 s2, s4;
	[dreg:$0x0] =	wrdreg $0x0  }
0xa8: {  	s4 =	sshll.u32 s28, $0x1;
	[dreg:$0x2] =	wrdreg s2  }
0xa9: {  	[dreg:$0x3] =	wrdreg s4  }
0xaa: {  	[dreg:$0x4] =	wrdreg $0xC0  }
0xab: {  	_ =	task [dreg:s6], $0x5FFFF  }
0xac: {  	[dreg:$0x1] =	wrdreg $0xFFFFFFFF  }
0xad: {  	[dreg:$0x0] =	wrdreg $0x60  }
0xae: {  	[dreg:$0x2] =	wrdreg s24  }
0xaf: {  	[dreg:$0x3] =	wrdreg $0x9  }
0xb0: {  	_ =	task.clear_ibuf [dreg:s6], $0x4FFFF;
	_ =	strace $0x90000046  }
0xb1: {  	s29 =	simm.s32 $0x9;
	_ =	strace $0x80000048  }
0xb2: {  	_ =	swait.ge [sflag:s29], $0x1  }
0xb3: {  	[sflag:s29] =	ssyncadd.s32 $0xFFFFFFFF  }
0xb4: {  	_ =	strace $0x90000048  }
0xb5: {  	_ =	sfence  }
0xb6: {  	s30 =	sld [smem:$0x0];
	_ =	sdelay $0x2  }
0xb7: {  	s31 =	sshll.u32 s1, $0xD;
	s1 =	sshrl.u32 s1, $0x2  }
0xb8: {  	s3 =	sand.u32 $0x4000, s31;
	s1 =	sadd.s32 s1, s30  }
0xb9: {  	s0 =	sor.u32 s3, s0;
	s1 =	sshll.u32 s1, $0x11  }
0xba: {  	s0 =	sor.u32 s1, s0  }
0xbb: {  	s0 =	sadd.s32 $0x8F2B, s0  }
0xbc: {  	[sflag:s0] =	ssyncadd.remote.s32 $0x1  }
0xbd: {  	_ =	sfence.sel $0xFFFF  }
0xbe: {  	[dreg:$0x0] =	wrdreg $0xFFFFFFFF;
	(pc) =	sbr.abs _section_cstart, $3  }
0xbf: {  	[dreg:$0x1] =	wrdreg $0xFFFFFFFF  }
0xc0: {  	_ =	task.clear_ibuf [dreg:s6], $0x2FFFF;
	_ =	strace $0x9FFFFFFF  }
0xc1: {  	(tm) =	ssettm $0x7FFFFFFF  }
tec
execute0_lowered:
.L_overlay_start_1:
0x0: {  	(tag) =	ssettag $0x1  }
0x1: {  	s0 =	rddreg [dreg:$0x0];
	s2 =	simm.s32 $0x0;
	s1 =	srdreg.scid  }
0x2: {  	s3 =	stileid.u32;
	s14 =	simm.s32 $0x2000;
	s15 =	simm.s32 $0x3080  }
0x3: {  	s16 =	simm.s32 $0x4100;
	s17 =	simm.s32 $0x80;
	s18 =	simm.s32 $0x5180  }
0x4: {  	s19 =	simm.s32 $0x5300;
	s20 =	simm.s32 $0x5280;
	s21 =	simm.s32 $0x9300  }
0x5: {  	s22 =	simm.s32 $0x1000;
	s23 =	simm.s32 $0x2;
	[smem:$0x7FF] =	sst s2  }
0x6: {  	s1 =	sand.u32 $0x1, s1;
	s4 =	sshll.u32 s3, $0x1;
	s3 =	sadd.s32 $0xAC00, s0  }
0x7: {  	s5 =	sadd.s32 $0x14A00, s0;
	s7 =	sadd.s32 $0x51DC00, s0;
	s29 =	sadd.s32 $0xFF4, s0  }
0x8: {  	s30 =	sadd.s32 $0xADF4, s0;
	_ =	strace $0x80000047;
	s8 =	sor.u32 s1, s4  }
0x9: {  	s4 =	sadd.s32 $0xE00, s0;
	[dreg:$0x2] =	wrdreg s29;
	s6 =	smul.u32 $0x138, s8  }
0xa: {  	s1 =	ssub.s32 $0x2, s1;
	[dreg:$0x3] =	wrdreg s30;
	s9 =	smul.u32 $0x1380, s8  }
.Ltmp0:
0xb: {  	s10 =	sshrl.u32 s1, $0x1;
	p0 =	seq.s32 s8, $0x1F;
	(pc) =	sbr.rel .LBB2_1-.Ltmp0, $4  }
0xc: {  	s1 =	ssub.s32 s1, s10;
	s9 =	sadd.s32 s9, s0;
	s0 =	sadd.s32 $0x61880, s0  }
0xd: {  	s8 =	sadd.s32 $0x138, s6;
	s31 =	smax.u32 s1, $0x1;
	[dreg:$0x5] =	wrdreg s0  }
0xe: {  	v2 =	vimm.f32 $-3.000000010e+38;
	v3 =	vimm.s32 $0x0;
	s8 =	simm.s32 @p0 $0x2710;
	s9 =	sadd.s32 $0x3BC00, s9;
	[dreg:$0x6] =	wrdreg s31  }
0xf: {  	v4 =	vlaneseq.u32;
	s24 =	simm.s32 $0x1;
	v0 =	vmov s6;
	[dreg:$0x4] =	wrdreg s9;
	v1 =	vmov s8;
	s8 =	simm.s32 $0x0  }
.LBB2_36:
0x10: {  	s0 =	simm.s32 @p0 $0x0;
	s1 =	simm.s32 @p0 $0xD300;
	s8 =	rddreg [dreg:$0x5]  }
0x11: {  	[hbm4b:s8+s0] =	stream.linear.scatter @p0 [tilespmem:s1], [sflag:$0x3], $0xA400, $0x38;
	[tilespmem:$0x17700] =	vst v63  }
0x12: {  	s0 =	simm.s32 @p0 $0x3  }
0x13: {  	_ =	swait.ge @p0 [sflag:s0], $0xA400  }
0x14: {  	s1 =	simm.s32 @!p0 $0xD300;
	[sflag:s0] =	ssyncset.done @p0 $0x0  }
0x15: {  	s8 =	rddreg [dreg:$0x4];
	[sflag:s0] =	ssyncadd.s32 @p0 $0xFFFF5C00;
	s0 =	simm.s32 @!p0 $0x0  }
0x16: {  	[hbm4b:s8+s0] =	stream.linear.scatter @!p0 [tilespmem:s1], [sflag:$0x3], $0x9C00, $0x38;
	[tilespmem:$0x17700] =	vst v63  }
0x17: {  	s0 =	simm.s32 @!p0 $0x3  }
0x18: {  	_ =	swait.ge @!p0 [sflag:s0], $0x9C00  }
0x19: {  	s30 =	rddreg [dreg:$0x7]  }
0x1a: {  	s31 =	rddreg [dreg:$0x6];
	s8 =	sadd.s32 $0x1, s30  }
0x1b: {  	p1 =	sne.s32 s8, s31  }
.Ltmp1:
0x1c: {  	_ = 	snop;
	(pc) =	sbr.rel @!p1 .LBB2_37-.Ltmp1, $3  }
0x1d: {  	_ =	sdelay $0x1  }
0x1e: {  	[sflag:s0] =	ssyncset.done @!p0 $0x0  }
0x1f: {  	[sflag:s0] =	ssyncadd.s32 @!p0 $0xFFFF6400  }
.LBB2_1:
0x20: {  	[dreg:$0x7] =	wrdreg s8;
	s0 =	simm.s32 $0x0;
	s1 =	simm.s32 $0x0  }
.LBB2_2:
0x21: {  	p1 =	sne.s32 s1, $0x28FC0  }
.Ltmp2:
0x22: {  	_ = 	snop;
	(pc) =	sbr.rel @p1 .LBB2_2-.Ltmp2, $4  }
0x23: {  	s8 =	sand.u32 $0x3FE00, s1  }
0x24: {  	s9 =	sand.u32 $0x70, s0;
	s8 =	sshrl.u32 s8, $0x2  }
0x25: {  	s8 =	sor.u32 s9, s8  }
0x26: {  	s0 =	sadd.s32 $0x10, s0;
	s1 =	sadd.s32 $0x40, s1;
	[tilespmem:s8+$0xD300] =	vst v2  }
0x27: {  	s0 =	simm.s32 $0x40;
	s1 =	simm.s32 $0x0  }
.LBB2_4:
0x28: {  	p1 =	sne.s32 s0, $0x4040;
	[tilespmem:s1+$0x4100] =	vst v3;
	s8 =	smov.u32 s0;
	s0 =	sadd.s32 $0x40, s0  }
.Ltmp3:
0x29: {  	[tilespmem:s1+$0x2000] =	vst v3;
	(pc) =	sbr.rel @p1 .LBB2_4-.Ltmp3, $2  }
0x2a: {  	[tilespmem:s1+$0x3080] =	vst v3;
	_ =	sdelay $0x2  }
0x2b: {  	s1 =	sshra.s32 s8, $0x2  }
0x2c: {  	[tilespmem:s1+$0x4100] =	vst v3  }
0x2d: {  	[tilespmem:s1+$0x2000] =	vst v3  }
0x2e: {  	[tilespmem:s1+$0x3080] =	vst v3;
	s0 =	simm.s32 $0x0;
	s8 =	simm.s32 $0x3  }
0x2f: {  	[tilespmem:s0], [sflag:$0x3] =	stream.linear.gather [hbm4b:s4+s0], $0xFA0, $0x38;
	[tilespmem:$0x17700] =	vst v63  }
0x30: {  	_ =	swait.ge [sflag:s8], $0xFA0  }
0x31: {  	[sflag:s8] =	ssyncset.done $0x0  }
0x32: {  	s31 =	simm.s32 $0x1000;
	[sflag:s8] =	ssyncadd.s32 $0xFFFFF060  }
0x33: {  	[tilespmem:s31], [sflag:$0x3] =	stream.linear.gather [hbm4b:s3+s0], $0xFA0, $0x38;
	[tilespmem:$0x17700] =	vst v63  }
0x34: {  	_ =	swait.ge [sflag:s8], $0xFA0  }
0x35: {  	[sflag:s8] =	ssyncset.done $0x0  }
0x36: {  	[sflag:s8] =	ssyncadd.s32 $0xFFFFF060  }
0x37: {  	v5 =	vld [tilespmem:s0+$0x0];
	_ =	sdelay $0x4  }
0x38: {  	vm0 =	vge.s32 v5, v0;
	vm1 =	vlt.s32 v5, v1  }
0x39: {  	vm0 =	vmand vm0, vm1  }
0x3a: {  	v6 =	vsel vm0, $0x1, v3  }
0x3b: {  	(xrf0) =	vadd.scan.msk.s32 $0xffff, v6;
	_ =	sdelay $0x2  }
0x3c: {  	v6 =	vmov s0  }
0x3d: {  	v6 =	vadd.s32 $0xFFFFFFFF, v6  }
0x3e: {  	v6 =	vbroadcast v6, $0x0  }
0x3f: {  	v7, _, _ =	vpop (xrf0)  }
0x40: {  	v6 =	vadd.s32 v7, v6;
	(v2sf) =	vpush v7, $0xF  }
0x41: {  	v8 =	vld [tilespmem:s31+$0x0];
	_ =	sdelay $0x2  }
0x42: {  	v9 =	vor.u32 s0, v4  }
0x43: {  	[tilespmem:v6+s14+$0x0] =	vst.idx.msk vm0, v9  }
0x44: {  	[tilespmem:v6+s15+$0x0] =	vst.idx.msk vm0, v8  }
0x45: {  	s1 =	simm.s32 $0x10;
	[tilespmem:v6+s16+$0x0] =	vst.idx.msk vm0, v5  }
0x46: {  	s9 =	simm.s32 $0x20;
	s10 =	simm.s32 $0x10;
	s8 =	simm.s32 $0x1010;
	v5 =	vld [tilespmem:s1+$0x0]  }
.LBB2_6:
0x47: {  	p1 =	sne.s32 s9, $0xF90;
	v6 =	vld [tilespmem:s8+$0x0];
	_ =	sdelay $0x3  }
0x48: {  	vm0 =	vge.s32 v5, v0;
	vm1 =	vlt.s32 v5, v1  }
0x49: {  	vm0 =	vmand vm0, vm1  }
0x4a: {  	v7 =	vsel vm0, $0x1, v3;
	s11 =	spop (v2sf)  }
0x4b: {  	(xrf0) =	vadd.scan.msk.s32 $0xffff, v7;
	s0 =	sadd.s32 s0, s11  }
0x4c: {  	v7 =	vmov s0  }
0x4d: {  	v7 =	vadd.s32 $0xFFFFFFFF, v7  }
0x4e: {  	v7 =	vbroadcast v7, $0x0;
	_ =	sdelay $0x2  }
0x4f: {  	v8, _, _ =	vpop (xrf0)  }
0x50: {  	v7 =	vadd.s32 v8, v7;
	(v2sf) =	vpush v8, $0xF;
	_ =	sdelay $0x3  }
.Ltmp4:
0x51: {  	v8 =	vor.u32 s1, v4;
	s1 =	smov.u32 s9;
	(pc) =	sbr.rel @p1 .LBB2_6-.Ltmp4, $4  }
0x52: {  	[tilespmem:v7+s14+$0x0] =	vst.idx.msk vm0, v8  }
0x53: {  	[tilespmem:v7+s15+$0x0] =	vst.idx.msk vm0, v6  }
0x54: {  	s10 =	sadd.s32 $0x10, s10;
	[tilespmem:v7+s16+$0x0] =	vst.idx.msk vm0, v5  }
0x55: {  	s8 =	sadd.s32 $0x10, s8;
	s9 =	sadd.s32 $0x10, s9;
	v5 =	vld [tilespmem:s10+$0x0]  }
0x56: {  	_ =	sdelay $0x3  }
0x57: {  	vm0 =	vge.s32 v5, v0;
	vm1 =	vlt.s32 v5, v1  }
0x58: {  	vm0 =	vmand vm0, vm1  }
0x59: {  	v6 =	vsel vm0, $0x1, v3  }
0x5a: {  	(xrf0) =	vadd.scan.msk.s32 $0xffff, v6  }
0x5b: {  	s9 =	spop (v2sf)  }
0x5c: {  	s0 =	sadd.s32 s0, s9  }
0x5d: {  	v6 =	vmov s0  }
0x5e: {  	v6 =	vadd.s32 $0xFFFFFFFF, v6  }
0x5f: {  	v6 =	vbroadcast v6, $0x0  }
0x60: {  	v7, _, _ =	vpop (xrf0)  }
0x61: {  	v6 =	vadd.s32 v7, v6  }
0x62: {  	v8 =	vld [tilespmem:s8+$0x0];
	_ =	sdelay $0x2  }
0x63: {  	v9 =	vor.u32 s1, v4  }
0x64: {  	[tilespmem:v6+s14+$0x0] =	vst.idx.msk vm0, v9  }
0x65: {  	[tilespmem:v6+s15+$0x0] =	vst.idx.msk vm0, v8  }
0x66: {  	[tilespmem:v6+s16+$0x0] =	vst.idx.msk vm0, v5  }
0x67: {  	v5 =	vld [tilespmem:$0x3080]  }
0x68: {  	v6 =	vld [tilespmem:$0x4100]  }
0x69: {  	v8 =	vld [tilespmem:$0x2000]  }
0x6a: {  	v9 =	vld [tilespmem:$0x3090]  }
0x6b: {  	v10 =	vld [tilespmem:$0x4110]  }
0x6c: {  	v54 =	vld [tilespmem:$0x4120];
	[tilespmem:$0x5180] =	vst v5  }
0x6d: {  	v55 =	vld [tilespmem:$0x2020];
	[tilespmem:$0x5200] =	vst v6  }
0x6e: {  	v5 =	vld [tilespmem:$0x2010];
	[tilespmem:$0x5280] =	vst v8  }
0x6f: {  	v6 =	vld [tilespmem:$0x30A0];
	[tilespmem:$0x5190] =	vst v9  }
0x70: {  	v56 =	vld [tilespmem:$0x30B0];
	[tilespmem:$0x5210] =	vst v10  }
0x71: {  	v57 =	vld [tilespmem:$0x30C0];
	[tilespmem:$0x5220] =	vst v54  }
0x72: {  	v58 =	vld [tilespmem:$0x4140];
	[tilespmem:$0x52A0] =	vst v55  }
0x73: {  	[tilespmem:$0x5290] =	vst v5;
	v5 =	vld [tilespmem:$0x4130]  }
0x74: {  	[tilespmem:$0x51A0] =	vst v6;
	v6 =	vld [tilespmem:$0x2030]  }
0x75: {  	v59 =	vld [tilespmem:$0x2040];
	[tilespmem:$0x51B0] =	vst v56  }
0x76: {  	v60 =	vld [tilespmem:$0x2050];
	[tilespmem:$0x51C0] =	vst v57  }
0x77: {  	v61 =	vld [tilespmem:$0x30E0];
	[tilespmem:$0x5240] =	vst v58  }
0x78: {  	[tilespmem:$0x5230] =	vst v5;
	v5 =	vld [tilespmem:$0x30D0]  }
0x79: {  	(v2sf) =	vpush v7, $0xF;
	[tilespmem:$0x52B0] =	vst v6;
	v6 =	vld [tilespmem:$0x4150]  }
0x7a: {  	v62 =	vld [tilespmem:$0x4160];
	[tilespmem:$0x52C0] =	vst v59  }
0x7b: {  	v7 =	vld [tilespmem:$0x4170];
	[tilespmem:$0x52D0] =	vst v60  }
0x7c: {  	v63 =	vld [tilespmem:$0x2070];
	[tilespmem:$0x51E0] =	vst v61  }
0x7d: {  	[tilespmem:$0x51D0] =	vst v5;
	v5 =	vld [tilespmem:$0x2060]  }
0x7e: {  	[tilespmem:$0x5250] =	vst v6;
	v6 =	vld [tilespmem:$0x30F0]  }
0x7f: {  	[tilespmem:$0x5260] =	vst v62  }
0x80: {  	[tilespmem:$0x5270] =	vst v7  }
0x81: {  	[tilespmem:$0x52F0] =	vst v63  }
0x82: {  	[tilespmem:$0x52E0] =	vst v5  }
0x83: {  	[tilespmem:$0x51F0] =	vst v6  }
0x84: {  	[tilespmem:s19], [sflag:$0x2] =	stream.indirect.gather [hbm4b:s5+s17], $0x80, s18, s17, $0xb8;
	[tilespmem:$0x17700] =	vst v63  }
0x85: {  	_ = 	snop  }
0x86: {  	[tilespmem:s21], [sflag:$0x2] =	stream.indirect.gather [hbm4b:s7+s17], $0x80, s20, s17, $0xb8;
	[tilespmem:$0x17700] =	vst v63  }
.Ltmp5:
0x87: {  	s26 =	rddreg [dreg:$0x2];
	(pc) =	sbr.rel .LBB2_8-.Ltmp5, $4  }
0x88: {  	s30 =	rddreg [dreg:$0x3];
	s31 =	spop (v2sf)  }
0x89: {  	[tilespmem:s2], [sflag:$0x1] =	stream.linear.gather [hbm4b:s26+s2], $0xFA0, $0x38;
	[tilespmem:$0x17700] =	vst v63  }
0x8a: {  	s28 =	simm.s32 $0xFA0;
	s29 =	sadd.s32 s0, s31;
	s26 =	simm.s32 $0x1  }
0x8b: {  	[tilespmem:s22], [sflag:$0x1] =	stream.linear.gather [hbm4b:s30+s2], $0xFA0, $0x38;
	[tilespmem:$0x17700] =	vst v63  }
.LBB2_23:
0x8c: {  	v6 =	vadd.f32 v7, v6;
	_ =	sdelay $0x1  }
0x8d: {  	v5 =	vmax.f32 v5, v6  }
0x8e: {  	[tilespmem:s9+$0xD370] =	vst v5  }
.LBB2_24:
0x8f: {  	v5 =	vld [tilespmem:$0x3080]  }
0x90: {  	v6 =	vld [tilespmem:$0x4100]  }
0x91: {  	v7 =	vld [tilespmem:$0x2000]  }
0x92: {  	v8 =	vld [tilespmem:$0x3090]  }
0x93: {  	v9 =	vld [tilespmem:$0x4110]  }
0x94: {  	v57 =	vld [tilespmem:$0x2020];
	[tilespmem:$0x5180] =	vst v5  }
0x95: {  	v5 =	vld [tilespmem:$0x2010];
	[tilespmem:$0x5200] =	vst v6  }
0x96: {  	v6 =	vld [tilespmem:$0x30A0];
	[tilespmem:$0x5280] =	vst v7  }
0x97: {  	v7 =	vld [tilespmem:$0x4120];
	[tilespmem:$0x5190] =	vst v8  }
0x98: {  	v58 =	vld [tilespmem:$0x30B0];
	[tilespmem:$0x5210] =	vst v9  }
0x99: {  	v59 =	vld [tilespmem:$0x4140];
	[tilespmem:$0x52A0] =	vst v57  }
0x9a: {  	[tilespmem:$0x5290] =	vst v5;
	v5 =	vld [tilespmem:$0x4130]  }
0x9b: {  	[tilespmem:$0x51A0] =	vst v6;
	v6 =	vld [tilespmem:$0x2030]  }
0x9c: {  	[tilespmem:$0x5220] =	vst v7;
	v7 =	vld [tilespmem:$0x30C0]  }
0x9d: {  	v60 =	vld [tilespmem:$0x2040];
	[tilespmem:$0x51B0] =	vst v58  }
0x9e: {  	v61 =	vld [tilespmem:$0x30E0];
	[tilespmem:$0x5240] =	vst v59  }
0x9f: {  	[tilespmem:$0x5230] =	vst v5;
	v5 =	vld [tilespmem:$0x30D0]  }
0xa0: {  	[tilespmem:$0x52B0] =	vst v6;
	v6 =	vld [tilespmem:$0x4150]  }
0xa1: {  	[tilespmem:$0x51C0] =	vst v7;
	v7 =	vld [tilespmem:$0x2050]  }
0xa2: {  	v62 =	vld [tilespmem:$0x4160];
	[tilespmem:$0x52C0] =	vst v60  }
0xa3: {  	v63 =	vld [tilespmem:$0x2070];
	[tilespmem:$0x51E0] =	vst v61  }
0xa4: {  	[tilespmem:$0x51D0] =	vst v5;
	v5 =	vld [tilespmem:$0x2060]  }
0xa5: {  	[tilespmem:$0x5250] =	vst v6;
	v6 =	vld [tilespmem:$0x30F0]  }
0xa6: {  	[tilespmem:$0x52D0] =	vst v7;
	v7 =	vld [tilespmem:$0x4170]  }
0xa7: {  	[tilespmem:$0x5260] =	vst v62  }
0xa8: {  	[tilespmem:$0x52F0] =	vst v63  }
0xa9: {  	[tilespmem:$0x52E0] =	vst v5  }
0xaa: {  	s26 =	sadd.s32 $0x1, s26;
	[tilespmem:$0x51F0] =	vst v6  }
0xab: {  	s1 =	smul.u32 $0xFA0, s26;
	[tilespmem:$0x5270] =	vst v7  }
0xac: {  	[tilespmem:s19], [sflag:$0x2] =	stream.indirect.gather [hbm4b:s5+s17], $0x80, s18, s17, $0xb8;
	[tilespmem:$0x17700] =	vst v63  }
0xad: {  	p1 =	sne.s32 s26, $0x50;
	s1 =	smin.u32 s1, $0x4D260  }
0xae: {  	[tilespmem:s21], [sflag:$0x2] =	stream.indirect.gather [hbm4b:s7+s17], $0x80, s20, s17, $0xb8;
	[tilespmem:$0x17700] =	vst v63  }
.Ltmp6:
0xaf: {  	s1 =	sshrl.u32 s1, $0x3;
	(pc) =	sbr.rel @!p1 .LBB2_25-.Ltmp6, $4  }
0xb0: {  	s8 =	sadd.s32 s4, s1  }
0xb1: {  	[tilespmem:s2], [sflag:$0x1] =	stream.linear.gather [hbm4b:s8+s2], $0xFA0, $0x38;
	[tilespmem:$0x17700] =	vst v63  }
0xb2: {  	s28 =	sadd.s32 $0xFA0, s28;
	s29 =	smov.u32 s30;
	s1 =	sadd.s32 s3, s1  }
0xb3: {  	[tilespmem:s22], [sflag:$0x1] =	stream.linear.gather [hbm4b:s1+s2], $0xFA0, $0x38;
	[tilespmem:$0x17700] =	vst v63  }
.LBB2_8:
0xb4: {  	p1 =	slt.s32 s29, $0x81  }
.Ltmp7:
0xb5: {  	_ = 	snop;
	(pc) =	sbr.rel @p1 .LBB2_18-.Ltmp7, $1  }
0xb6: {  	_ =	sdelay $0x3  }
0xb7: {  	_ =	swait.ge [sflag:s23], $0x4000  }
0xb8: {  	[sflag:s23] =	ssyncset.done $0x0  }
0xb9: {  	[sflag:s23] =	ssyncadd.s32 $0xFFFFC000  }
0xba: {  	_ =	swait.ge [sflag:s23], $0x4000  }
0xbb: {  	s0 =	simm.s32 $0x0;
	[sflag:s23] =	ssyncset.done $0x0  }
0xbc: {  	s1 =	sand.u32 $0x70, s0;
	[sflag:s23] =	ssyncadd.s32 $0xFFFFC000  }
0xbd: {  	v5 =	vld [tilespmem:s1+$0x5200];
	_ =	sdelay $0x1  }
0xbe: {  	s0 =	sand.u32 $0xF, s0  }
0xbf: {  	v6 =	vmov s0  }
0xc0: {  	vm0 =	veq.s32 v6, v4  }
0xc1: {  	v5 =	vnsel vm0, $0x0, v5  }
0xc2: {  	(xrf0) =	vadd.scan.msk.s32 $0xffff, v5;
	_ =	sdelay $0x5  }
0xc3: {  	v5, _, _ =	vpop (xrf0)  }
0xc4: {  	(v2sf) =	vpush v5, $0xF;
	_ =	sdelay $0xe  }
0xc5: {  	s1 =	simm.s32 $0x5340;
	s8 =	spop (v2sf)  }
0xc6: {  	s0 =	simm.s32 $0x9340;
	v6 =	vld [tilespmem:s1+$0xFFFFFFC0];
	s8 =	ssub.s32 s8, s6  }
0xc7: {  	v5 =	vld [tilespmem:s0+$0xFFFFFFC0];
	s8 =	sshll.u32 s8, $0x9  }
0xc8: {  	s8 =	sshra.s32 s8, $0x2  }
0xc9: {  	v7 =	vld [tilespmem:s8+$0xD300];
	_ =	sdelay $0x2  }
0xca: {  	v5 =	vadd.f32 v5, v6;
	_ =	sdelay $0x1  }
0xcb: {  	v5 =	vmax.f32 v7, v5  }
0xcc: {  	[tilespmem:s8+$0xD300] =	vst v5  }
0xcd: {  	v5 =	vld [tilespmem:s1+$0xFFFFFFD0]  }
0xce: {  	v6 =	vld [tilespmem:s0+$0xFFFFFFD0];
	_ =	sdelay $0x1  }
0xcf: {  	v7 =	vld [tilespmem:s8+$0xD310];
	_ =	sdelay $0x2  }
0xd0: {  	v5 =	vadd.f32 v6, v5;
	_ =	sdelay $0x1  }
0xd1: {  	v5 =	vmax.f32 v7, v5  }
0xd2: {  	[tilespmem:s8+$0xD310] =	vst v5  }
0xd3: {  	v5 =	vld [tilespmem:s1+$0xFFFFFFE0]  }
0xd4: {  	v6 =	vld [tilespmem:s0+$0xFFFFFFE0];
	_ =	sdelay $0x1  }
0xd5: {  	v7 =	vld [tilespmem:s8+$0xD320];
	_ =	sdelay $0x2  }
0xd6: {  	v5 =	vadd.f32 v6, v5;
	_ =	sdelay $0x1  }
0xd7: {  	v5 =	vmax.f32 v7, v5  }
0xd8: {  	[tilespmem:s8+$0xD320] =	vst v5  }
0xd9: {  	v5 =	vld [tilespmem:s1+$0xFFFFFFF0]  }
0xda: {  	v6 =	vld [tilespmem:s0+$0xFFFFFFF0];
	_ =	sdelay $0x1  }
0xdb: {  	v7 =	vld [tilespmem:s8+$0xD330];
	_ =	sdelay $0x2  }
0xdc: {  	v5 =	vadd.f32 v6, v5;
	_ =	sdelay $0x1  }
0xdd: {  	v5 =	vmax.f32 v7, v5  }
0xde: {  	[tilespmem:s8+$0xD330] =	vst v5  }
0xdf: {  	v5 =	vld [tilespmem:s1+$0x0]  }
0xe0: {  	v6 =	vld [tilespmem:s0+$0x0];
	_ =	sdelay $0x1  }
0xe1: {  	v7 =	vld [tilespmem:s8+$0xD340];
	_ =	sdelay $0x2  }
0xe2: {  	v5 =	vadd.f32 v6, v5;
	_ =	sdelay $0x1  }
0xe3: {  	v5 =	vmax.f32 v7, v5  }
0xe4: {  	[tilespmem:s8+$0xD340] =	vst v5  }
0xe5: {  	v5 =	vld [tilespmem:s1+$0x10]  }
0xe6: {  	v7 =	vld [tilespmem:s0+$0x10];
	_ =	sdelay $0x1  }
0xe7: {  	v6 =	vld [tilespmem:s8+$0xD350];
	_ =	sdelay $0x2  }
0xe8: {  	v5 =	vadd.f32 v7, v5;
	_ =	sdelay $0x1  }
0xe9: {  	v5 =	vmax.f32 v6, v5  }
0xea: {  	[tilespmem:s8+$0xD350] =	vst v5  }
0xeb: {  	v5 =	vld [tilespmem:s1+$0x20]  }
0xec: {  	v6 =	vld [tilespmem:s0+$0x20];
	_ =	sdelay $0x1  }
0xed: {  	v7 =	vld [tilespmem:s8+$0xD360];
	_ =	sdelay $0x2  }
0xee: {  	v6 =	vadd.f32 v6, v5;
	_ =	sdelay $0x1  }
0xef: {  	v6 =	vmax.f32 v7, v6  }
0xf0: {  	v5 =	vld [tilespmem:s8+$0xD370];
	[tilespmem:s8+$0xD360] =	vst v6  }
0xf1: {  	v6 =	vld [tilespmem:s1+$0x30]  }
0xf2: {  	s9 =	simm.s32 $0x1;
	v7 =	vld [tilespmem:s0+$0x30]  }
.LBB2_10:
0xf3: {  	p1 =	sne.s32 s9, $0x7F;
	s0 =	sadd.s32 $0x80, s0;
	s1 =	sadd.s32 $0x80, s1  }
0xf4: {  	s10 =	smov.u32 s9;
	s9 =	sadd.s32 $0x1, s9;
	_ =	sdelay $0x2  }
0xf5: {  	v6 =	vadd.f32 v7, v6;
	_ =	sdelay $0x1  }
0xf6: {  	v5 =	vmax.f32 v5, v6  }
0xf7: {  	s11 =	sand.u32 $0x70, s10;
	[tilespmem:s8+$0xD370] =	vst v5  }
0xf8: {  	v5 =	vld [tilespmem:s11+$0x5200];
	_ =	sdelay $0x1  }
0xf9: {  	s8 =	sand.u32 $0xF, s10  }
0xfa: {  	v6 =	vmov s8  }
0xfb: {  	vm0 =	veq.s32 v6, v4  }
0xfc: {  	v5 =	vnsel vm0, $0x0, v5  }
0xfd: {  	(xrf0) =	vadd.scan.msk.s32 $0xffff, v5;
	_ =	sdelay $0x5  }
0xfe: {  	v5, _, _ =	vpop (xrf0)  }
0xff: {  	(v2sf) =	vpush v5, $0xF;
	_ =	sdelay $0xe  }
0x100: {  	s8 =	spop (v2sf)  }
0x101: {  	s8 =	ssub.s32 s8, s6;
	v5 =	vld [tilespmem:s0+$0xFFFFFFC0]  }
0x102: {  	v6 =	vld [tilespmem:s1+$0xFFFFFFC0];
	s8 =	sshll.u32 s8, $0x9  }
0x103: {  	s8 =	sshra.s32 s8, $0x2  }
0x104: {  	v7 =	vld [tilespmem:s8+$0xD300];
	_ =	sdelay $0x2  }
0x105: {  	v5 =	vadd.f32 v5, v6;
	_ =	sdelay $0x1  }
0x106: {  	v5 =	vmax.f32 v7, v5  }
0x107: {  	[tilespmem:s8+$0xD300] =	vst v5  }
0x108: {  	v5 =	vld [tilespmem:s1+$0xFFFFFFD0]  }
0x109: {  	v6 =	vld [tilespmem:s0+$0xFFFFFFD0]  }
0x10a: {  	v7 =	vld [tilespmem:s8+$0xD310];
	_ =	sdelay $0x3  }
0x10b: {  	v5 =	vadd.f32 v6, v5;
	_ =	sdelay $0x1  }
0x10c: {  	v5 =	vmax.f32 v7, v5  }
0x10d: {  	[tilespmem:s8+$0xD310] =	vst v5;
	v5 =	vld [tilespmem:s8+$0xD320]  }
0x10e: {  	v6 =	vld [tilespmem:s1+$0xFFFFFFE0]  }
0x10f: {  	v7 =	vld [tilespmem:s0+$0xFFFFFFE0];
	_ =	sdelay $0x4  }
0x110: {  	v6 =	vadd.f32 v7, v6;
	_ =	sdelay $0x1  }
0x111: {  	v5 =	vmax.f32 v5, v6  }
0x112: {  	[tilespmem:s8+$0xD320] =	vst v5;
	v5 =	vld [tilespmem:s8+$0xD330]  }
0x113: {  	v6 =	vld [tilespmem:s1+$0xFFFFFFF0]  }
0x114: {  	v7 =	vld [tilespmem:s0+$0xFFFFFFF0];
	_ =	sdelay $0x4  }
0x115: {  	v6 =	vadd.f32 v7, v6;
	_ =	sdelay $0x1  }
0x116: {  	v5 =	vmax.f32 v5, v6  }
0x117: {  	[tilespmem:s8+$0xD330] =	vst v5;
	v5 =	vld [tilespmem:s8+$0xD340]  }
0x118: {  	v6 =	vld [tilespmem:s1+$0x0]  }
0x119: {  	v7 =	vld [tilespmem:s0+$0x0];
	_ =	sdelay $0x4  }
0x11a: {  	v6 =	vadd.f32 v7, v6;
	_ =	sdelay $0x1  }
0x11b: {  	v5 =	vmax.f32 v5, v6;
	v6 =	vld [tilespmem:s8+$0xD350]  }
0x11c: {  	[tilespmem:s8+$0xD340] =	vst v5  }
0x11d: {  	v5 =	vld [tilespmem:s1+$0x10]  }
0x11e: {  	v7 =	vld [tilespmem:s0+$0x10];
	_ =	sdelay $0x4  }
0x11f: {  	v5 =	vadd.f32 v7, v5  }
0x120: {  	v7 =	vld [tilespmem:s8+$0xD360]  }
0x121: {  	v5 =	vmax.f32 v6, v5  }
0x122: {  	[tilespmem:s8+$0xD350] =	vst v5  }
0x123: {  	v5 =	vld [tilespmem:s1+$0x20]  }
0x124: {  	v6 =	vld [tilespmem:s0+$0x20];
	_ =	sdelay $0x4  }
0x125: {  	v6 =	vadd.f32 v6, v5;
	v5 =	vld [tilespmem:s8+$0xD370]  }
.Ltmp8:
0x126: {  	(pc) =	sbr.rel @p1 .LBB2_10-.Ltmp8, $4  }
0x127: {  	v6 =	vmax.f32 v7, v6  }
0x128: {  	[tilespmem:s8+$0xD360] =	vst v6  }
0x129: {  	v6 =	vld [tilespmem:s1+$0x30]  }
0x12a: {  	v7 =	vld [tilespmem:s0+$0x30]  }
0x12b: {  	s0 =	sadd.s32 $0x7F, s29  }
0x12c: {  	s1 =	sand.u32 $0x7F, s0  }
0x12d: {  	p1 =	slt.s32 s0, $0x0;
	p2 =	sne.s32 s1, $0x0  }
0x12e: {  	s30 =	sshra.s32 s0, $0x1F;
	p1 =	por !p1, !p2  }
0x12f: {  	s9 =	simm.s32 $0x1;
	s1 =	sshrl.u32 s30, $0x19;
	p1 =	por !p1, !p1  }
0x130: {  	s0 =	sadd.s32 s1, s0;
	s9 =	simm.s32 @!p1 $0x0  }
0x131: {  	s0 =	sshra.s32 s0, $0x7;
	s31 =	sxor.u32 $0xFFFFFFFF, s9  }
0x132: {  	s0 =	sadd.s32 s0, s31  }
0x133: {  	p1 =	slt.s32 s0, $0x1  }
.Ltmp9:
0x134: {  	_ = 	snop;
	(pc) =	sbr.rel @p1 .LBB2_18-.Ltmp9, $3  }
0x135: {  	v6 =	vadd.f32 v7, v6;
	_ =	sdelay $0x1  }
0x136: {  	v5 =	vmax.f32 v5, v6  }
0x137: {  	[tilespmem:s8+$0xD370] =	vst v5  }
.Ltmp10:
0x138: {  	(pc) =	sbr.rel .LBB2_14-.Ltmp10, $2  }
0x139: {  	_ =	sdelay $0x2  }
0x13a: {  	s30 =	sadd.s32 $0xFFFFFF80, s29;
	s31 =	simm.s32 $0x0;
	s1 =	simm.s32 $0x0  }
.LBB2_17:
0x13b: {  	v6 =	vadd.f32 v7, v6;
	_ =	sdelay $0x1  }
0x13c: {  	v5 =	vmax.f32 v5, v6  }
0x13d: {  	[tilespmem:s10+$0xD370] =	vst v5  }
.LBB2_13:
0x13e: {  	p1 =	seq.s32 s1, s0  }
.Ltmp11:
0x13f: {  	_ = 	snop;
	(pc) =	sbr.rel @p1 .LBB2_18-.Ltmp11, $2  }
0x140: {  	_ =	sdelay $0x2  }
0x141: {  	s30 =	sadd.s32 $0xFFFFFF80, s30  }
.LBB2_14:
0x142: {  	s1 =	sadd.s32 $0x1, s1  }
0x143: {  	s8 =	sshll.u32 s1, $0x7  }
0x144: {  	v5 =	vld [tilespmem:s8+$0x3080];
	_ =	sdelay $0x4  }
0x145: {  	[tilespmem:$0x5180] =	vst v5  }
0x146: {  	v5 =	vld [tilespmem:s8+$0x4100];
	_ =	sdelay $0x4  }
0x147: {  	[tilespmem:$0x5200] =	vst v5  }
0x148: {  	v5 =	vld [tilespmem:s8+$0x2000];
	_ =	sdelay $0x4  }
0x149: {  	[tilespmem:$0x5280] =	vst v5  }
0x14a: {  	v5 =	vld [tilespmem:s8+$0x3090];
	_ =	sdelay $0x4  }
0x14b: {  	[tilespmem:$0x5190] =	vst v5  }
0x14c: {  	v5 =	vld [tilespmem:s8+$0x4110];
	_ =	sdelay $0x4  }
0x14d: {  	[tilespmem:$0x5210] =	vst v5  }
0x14e: {  	v5 =	vld [tilespmem:s8+$0x2010];
	_ =	sdelay $0x4  }
0x14f: {  	[tilespmem:$0x5290] =	vst v5  }
0x150: {  	v5 =	vld [tilespmem:s8+$0x30A0];
	_ =	sdelay $0x4  }
0x151: {  	[tilespmem:$0x51A0] =	vst v5  }
0x152: {  	v5 =	vld [tilespmem:s8+$0x4120];
	_ =	sdelay $0x4  }
0x153: {  	[tilespmem:$0x5220] =	vst v5  }
0x154: {  	v5 =	vld [tilespmem:s8+$0x2020];
	_ =	sdelay $0x4  }
0x155: {  	[tilespmem:$0x52A0] =	vst v5  }
0x156: {  	v5 =	vld [tilespmem:s8+$0x30B0];
	_ =	sdelay $0x4  }
0x157: {  	[tilespmem:$0x51B0] =	vst v5  }
0x158: {  	v5 =	vld [tilespmem:s8+$0x4130];
	_ =	sdelay $0x4  }
0x159: {  	[tilespmem:$0x5230] =	vst v5  }
0x15a: {  	v5 =	vld [tilespmem:s8+$0x2030];
	_ =	sdelay $0x4  }
0x15b: {  	[tilespmem:$0x52B0] =	vst v5  }
0x15c: {  	v5 =	vld [tilespmem:s8+$0x30C0];
	_ =	sdelay $0x4  }
0x15d: {  	[tilespmem:$0x51C0] =	vst v5  }
0x15e: {  	v5 =	vld [tilespmem:s8+$0x4140];
	_ =	sdelay $0x4  }
0x15f: {  	[tilespmem:$0x5240] =	vst v5  }
0x160: {  	v5 =	vld [tilespmem:s8+$0x2040];
	_ =	sdelay $0x4  }
0x161: {  	[tilespmem:$0x52C0] =	vst v5  }
0x162: {  	v5 =	vld [tilespmem:s8+$0x30D0];
	_ =	sdelay $0x4  }
0x163: {  	[tilespmem:$0x51D0] =	vst v5  }
0x164: {  	v5 =	vld [tilespmem:s8+$0x4150];
	_ =	sdelay $0x4  }
0x165: {  	[tilespmem:$0x5250] =	vst v5  }
0x166: {  	v5 =	vld [tilespmem:s8+$0x2050];
	_ =	sdelay $0x4  }
0x167: {  	[tilespmem:$0x52D0] =	vst v5  }
0x168: {  	v5 =	vld [tilespmem:s8+$0x30E0];
	_ =	sdelay $0x4  }
0x169: {  	[tilespmem:$0x51E0] =	vst v5  }
0x16a: {  	v5 =	vld [tilespmem:s8+$0x4160];
	_ =	sdelay $0x4  }
0x16b: {  	[tilespmem:$0x5260] =	vst v5  }
0x16c: {  	v5 =	vld [tilespmem:s8+$0x2060];
	_ =	sdelay $0x4  }
0x16d: {  	[tilespmem:$0x52E0] =	vst v5  }
0x16e: {  	v5 =	vld [tilespmem:s8+$0x30F0];
	_ =	sdelay $0x4  }
0x16f: {  	[tilespmem:$0x51F0] =	vst v5  }
0x170: {  	v5 =	vld [tilespmem:s8+$0x4170];
	_ =	sdelay $0x4  }
0x171: {  	[tilespmem:$0x5270] =	vst v5  }
0x172: {  	v5 =	vld [tilespmem:s8+$0x2070];
	_ =	sdelay $0x4  }
0x173: {  	[tilespmem:$0x52F0] =	vst v5  }
0x174: {  	[tilespmem:s19], [sflag:$0x2] =	stream.indirect.gather [hbm4b:s5+s17], $0x80, s18, s17, $0xb8;
	[tilespmem:$0x17700] =	vst v63  }
0x175: {  	s8 =	ssub.s32 s29, s8  }
0x176: {  	[tilespmem:s21], [sflag:$0x2] =	stream.indirect.gather [hbm4b:s7+s17], $0x80, s20, s17, $0xb8;
	[tilespmem:$0x17700] =	vst v63  }
0x177: {  	p1 =	slt.s32 s8, $0x1;
	_ =	swait.ge [sflag:s23], $0x4000  }
.Ltmp12:
0x178: {  	[sflag:s23] =	ssyncset.done $0x0;
	(pc) =	sbr.rel @p1 .LBB2_13-.Ltmp12, $4  }
0x179: {  	[sflag:s23] =	ssyncadd.s32 $0xFFFFC000  }
0x17a: {  	_ =	swait.ge [sflag:s23], $0x4000  }
0x17b: {  	[sflag:s23] =	ssyncset.done $0x0  }
0x17c: {  	[sflag:s23] =	ssyncadd.s32 $0xFFFFC000  }
0x17d: {  	s8 =	sand.u32 $0x7FFFFFF0, s31  }
0x17e: {  	v5 =	vld [tilespmem:s8+$0x5200];
	_ =	sdelay $0x1  }
0x17f: {  	s25 =	sand.u32 $0xF, s31  }
0x180: {  	v6 =	vmov s25  }
0x181: {  	vm0 =	veq.s32 v6, v4  }
0x182: {  	v5 =	vnsel vm0, $0x0, v5  }
0x183: {  	(xrf0) =	vadd.scan.msk.s32 $0xffff, v5;
	_ =	sdelay $0x5  }
0x184: {  	v5, _, _ =	vpop (xrf0)  }
0x185: {  	(v2sf) =	vpush v5, $0xF;
	_ =	sdelay $0xe  }
0x186: {  	s9 =	simm.s32 $0x5340;
	s10 =	spop (v2sf)  }
0x187: {  	s8 =	simm.s32 $0x9340;
	v6 =	vld [tilespmem:s9+$0xFFFFFFC0];
	s10 =	ssub.s32 s10, s6  }
0x188: {  	v5 =	vld [tilespmem:s8+$0xFFFFFFC0];
	s10 =	sshll.u32 s10, $0x9  }
0x189: {  	s10 =	sshra.s32 s10, $0x2  }
0x18a: {  	v7 =	vld [tilespmem:s10+$0xD300];
	_ =	sdelay $0x2  }
0x18b: {  	v5 =	vadd.f32 v5, v6;
	_ =	sdelay $0x1  }
0x18c: {  	v5 =	vmax.f32 v7, v5  }
0x18d: {  	[tilespmem:s10+$0xD300] =	vst v5  }
0x18e: {  	v5 =	vld [tilespmem:s9+$0xFFFFFFD0]  }
0x18f: {  	v6 =	vld [tilespmem:s8+$0xFFFFFFD0];
	_ =	sdelay $0x1  }
0x190: {  	v7 =	vld [tilespmem:s10+$0xD310];
	_ =	sdelay $0x2  }
0x191: {  	v5 =	vadd.f32 v6, v5;
	_ =	sdelay $0x1  }
0x192: {  	v5 =	vmax.f32 v7, v5  }
0x193: {  	[tilespmem:s10+$0xD310] =	vst v5  }
0x194: {  	v5 =	vld [tilespmem:s9+$0xFFFFFFE0]  }
0x195: {  	v6 =	vld [tilespmem:s8+$0xFFFFFFE0];
	_ =	sdelay $0x1  }
0x196: {  	v7 =	vld [tilespmem:s10+$0xD320];
	_ =	sdelay $0x2  }
0x197: {  	v5 =	vadd.f32 v6, v5;
	_ =	sdelay $0x1  }
0x198: {  	v5 =	vmax.f32 v7, v5  }
0x199: {  	[tilespmem:s10+$0xD320] =	vst v5  }
0x19a: {  	v5 =	vld [tilespmem:s9+$0xFFFFFFF0]  }
0x19b: {  	v6 =	vld [tilespmem:s8+$0xFFFFFFF0];
	_ =	sdelay $0x1  }
0x19c: {  	v7 =	vld [tilespmem:s10+$0xD330];
	_ =	sdelay $0x2  }
0x19d: {  	v5 =	vadd.f32 v6, v5;
	_ =	sdelay $0x1  }
0x19e: {  	v5 =	vmax.f32 v7, v5  }
0x19f: {  	[tilespmem:s10+$0xD330] =	vst v5  }
0x1a0: {  	v5 =	vld [tilespmem:s9+$0x0]  }
0x1a1: {  	v6 =	vld [tilespmem:s8+$0x0];
	_ =	sdelay $0x1  }
0x1a2: {  	v7 =	vld [tilespmem:s10+$0xD340];
	_ =	sdelay $0x2  }
0x1a3: {  	v5 =	vadd.f32 v6, v5;
	_ =	sdelay $0x1  }
0x1a4: {  	v5 =	vmax.f32 v7, v5  }
0x1a5: {  	[tilespmem:s10+$0xD340] =	vst v5  }
0x1a6: {  	v5 =	vld [tilespmem:s9+$0x10]  }
0x1a7: {  	v7 =	vld [tilespmem:s8+$0x10];
	_ =	sdelay $0x1  }
0x1a8: {  	v6 =	vld [tilespmem:s10+$0xD350];
	_ =	sdelay $0x2  }
0x1a9: {  	v5 =	vadd.f32 v7, v5;
	_ =	sdelay $0x1  }
0x1aa: {  	v5 =	vmax.f32 v6, v5  }
0x1ab: {  	[tilespmem:s10+$0xD350] =	vst v5  }
0x1ac: {  	v5 =	vld [tilespmem:s9+$0x20]  }
0x1ad: {  	v6 =	vld [tilespmem:s8+$0x20];
	_ =	sdelay $0x1  }
0x1ae: {  	v7 =	vld [tilespmem:s10+$0xD360];
	_ =	sdelay $0x2  }
0x1af: {  	v6 =	vadd.f32 v6, v5  }
0x1b0: {  	p1 =	sgt.s32 s30, $0x1;
	s11 =	smov.u32 s30  }
0x1b1: {  	s11 =	simm.s32 @!p1 $0x1;
	v6 =	vmax.f32 v7, v6  }
0x1b2: {  	s11 =	smin.u32 s11, $0x80;
	[tilespmem:s10+$0xD360] =	vst v6  }
0x1b3: {  	p1 =	seq.s32 s11, $0x1;
	v6 =	vld [tilespmem:s9+$0x30]  }
.Ltmp13:
0x1b4: {  	v7 =	vld [tilespmem:s8+$0x30];
	(pc) =	sbr.rel @p1 .LBB2_17-.Ltmp13, $3  }
0x1b5: {  	_ = 	snop  }
0x1b6: {  	v5 =	vld [tilespmem:s10+$0xD370];
	_ =	sdelay $0x1  }
0x1b7: {  	s12 =	simm.s32 $0x1  }
.LBB2_16:
0x1b8: {  	s8 =	sadd.s32 $0x80, s8  }
0x1b9: {  	s9 =	sadd.s32 $0x80, s9;
	s13 =	smov.u32 s12;
	s12 =	sadd.s32 $0x1, s12  }
0x1ba: {  	p1 =	seq.s32 s11, s12;
	_ =	sdelay $0x2  }
0x1bb: {  	v6 =	vadd.f32 v7, v6;
	_ =	sdelay $0x1  }
0x1bc: {  	v5 =	vmax.f32 v5, v6  }
0x1bd: {  	s25 =	sand.u32 $0x7FFFFFF0, s13;
	[tilespmem:s10+$0xD370] =	vst v5  }
0x1be: {  	v5 =	vld [tilespmem:s25+$0x5200];
	_ =	sdelay $0x1  }
0x1bf: {  	s10 =	sand.u32 $0xF, s13  }
0x1c0: {  	v6 =	vmov s10  }
0x1c1: {  	vm0 =	veq.s32 v6, v4  }
0x1c2: {  	v5 =	vnsel vm0, $0x0, v5  }
0x1c3: {  	(xrf0) =	vadd.scan.msk.s32 $0xffff, v5;
	_ =	sdelay $0x5  }
0x1c4: {  	v5, _, _ =	vpop (xrf0)  }
0x1c5: {  	(v2sf) =	vpush v5, $0xF;
	_ =	sdelay $0xe  }
0x1c6: {  	s10 =	spop (v2sf)  }
0x1c7: {  	s10 =	ssub.s32 s10, s6;
	v5 =	vld [tilespmem:s8+$0xFFFFFFC0]  }
0x1c8: {  	v6 =	vld [tilespmem:s9+$0xFFFFFFC0];
	s10 =	sshll.u32 s10, $0x9  }
0x1c9: {  	s10 =	sshra.s32 s10, $0x2  }
0x1ca: {  	v7 =	vld [tilespmem:s10+$0xD300];
	_ =	sdelay $0x2  }
0x1cb: {  	v5 =	vadd.f32 v5, v6;
	_ =	sdelay $0x1  }
0x1cc: {  	v5 =	vmax.f32 v7, v5  }
0x1cd: {  	[tilespmem:s10+$0xD300] =	vst v5  }
0x1ce: {  	v5 =	vld [tilespmem:s9+$0xFFFFFFD0]  }
0x1cf: {  	v6 =	vld [tilespmem:s8+$0xFFFFFFD0]  }
0x1d0: {  	v7 =	vld [tilespmem:s10+$0xD310];
	_ =	sdelay $0x3  }
0x1d1: {  	v5 =	vadd.f32 v6, v5;
	_ =	sdelay $0x1  }
0x1d2: {  	v5 =	vmax.f32 v7, v5  }
0x1d3: {  	[tilespmem:s10+$0xD310] =	vst v5;
	v5 =	vld [tilespmem:s10+$0xD320]  }
0x1d4: {  	v6 =	vld [tilespmem:s9+$0xFFFFFFE0]  }
0x1d5: {  	v7 =	vld [tilespmem:s8+$0xFFFFFFE0];
	_ =	sdelay $0x4  }
0x1d6: {  	v6 =	vadd.f32 v7, v6;
	_ =	sdelay $0x1  }
0x1d7: {  	v5 =	vmax.f32 v5, v6  }
0x1d8: {  	[tilespmem:s10+$0xD320] =	vst v5;
	v5 =	vld [tilespmem:s10+$0xD330]  }
0x1d9: {  	v6 =	vld [tilespmem:s9+$0xFFFFFFF0]  }
0x1da: {  	v7 =	vld [tilespmem:s8+$0xFFFFFFF0];
	_ =	sdelay $0x4  }
0x1db: {  	v6 =	vadd.f32 v7, v6;
	_ =	sdelay $0x1  }
0x1dc: {  	v5 =	vmax.f32 v5, v6  }
0x1dd: {  	[tilespmem:s10+$0xD330] =	vst v5;
	v5 =	vld [tilespmem:s10+$0xD340]  }
0x1de: {  	v6 =	vld [tilespmem:s9+$0x0]  }
0x1df: {  	v7 =	vld [tilespmem:s8+$0x0];
	_ =	sdelay $0x4  }
0x1e0: {  	v6 =	vadd.f32 v7, v6;
	_ =	sdelay $0x1  }
0x1e1: {  	v5 =	vmax.f32 v5, v6;
	v6 =	vld [tilespmem:s10+$0xD350]  }
0x1e2: {  	[tilespmem:s10+$0xD340] =	vst v5  }
0x1e3: {  	v5 =	vld [tilespmem:s9+$0x10]  }
0x1e4: {  	v7 =	vld [tilespmem:s8+$0x10];
	_ =	sdelay $0x4  }
0x1e5: {  	v5 =	vadd.f32 v7, v5  }
0x1e6: {  	v7 =	vld [tilespmem:s10+$0xD360]  }
0x1e7: {  	v5 =	vmax.f32 v6, v5  }
0x1e8: {  	[tilespmem:s10+$0xD350] =	vst v5  }
0x1e9: {  	v5 =	vld [tilespmem:s9+$0x20]  }
0x1ea: {  	v6 =	vld [tilespmem:s8+$0x20];
	_ =	sdelay $0x4  }
0x1eb: {  	v6 =	vadd.f32 v6, v5;
	v5 =	vld [tilespmem:s10+$0xD370]  }
.Ltmp14:
0x1ec: {  	(pc) =	sbr.rel @!p1 .LBB2_16-.Ltmp14, $4  }
0x1ed: {  	v6 =	vmax.f32 v7, v6  }
0x1ee: {  	[tilespmem:s10+$0xD360] =	vst v6  }
0x1ef: {  	v6 =	vld [tilespmem:s9+$0x30]  }
0x1f0: {  	v7 =	vld [tilespmem:s8+$0x30]  }
.Ltmp15:
0x1f1: {  	_ = 	snop;
	(pc) =	sbr.rel .LBB2_17-.Ltmp15, $1  }
0x1f2: {  	_ =	sdelay $0x3  }
.LBB2_18:
0x1f3: {  	_ =	swait.ge [sflag:s24], $0xFA0  }
0x1f4: {  	[sflag:s24] =	ssyncset.done $0x0  }
0x1f5: {  	[sflag:s24] =	ssyncadd.s32 $0xFFFFF060  }
0x1f6: {  	_ =	swait.ge [sflag:s24], $0xFA0  }
0x1f7: {  	[sflag:s24] =	ssyncset.done $0x0  }
0x1f8: {  	s1 =	simm.s32 $0x0;
	[sflag:s24] =	ssyncadd.s32 $0xFFFFF060  }
0x1f9: {  	v5 =	vld [tilespmem:s1+$0x0];
	_ =	sdelay $0x4  }
0x1fa: {  	vm0 =	vge.s32 v5, v0;
	vm1 =	vlt.s32 v5, v1  }
0x1fb: {  	vm0 =	vmand vm0, vm1  }
0x1fc: {  	v6 =	vsel vm0, $0x1, v3  }
0x1fd: {  	(xrf0) =	vadd.scan.msk.s32 $0xffff, v6;
	_ =	sdelay $0x1  }
0x1fe: {  	s0 =	simm.s32 $0x0  }
0x1ff: {  	v6 =	vmov s0  }
0x200: {  	v6 =	vadd.s32 $0xFFFFFFFF, v6  }
0x201: {  	v6 =	vbroadcast v6, $0x0  }
0x202: {  	v7, _, _ =	vpop (xrf0)  }
0x203: {  	v6 =	vadd.s32 v7, v6;
	(v2sf) =	vpush v7, $0xF  }
0x204: {  	v8 =	vld [tilespmem:s1+$0x1000];
	_ =	sdelay $0x2  }
0x205: {  	v9 =	vor.u32 s28, v4  }
0x206: {  	[tilespmem:v6+s14+$0x0] =	vst.idx.msk vm0, v9  }
0x207: {  	[tilespmem:v6+s15+$0x0] =	vst.idx.msk vm0, v8  }
0x208: {  	s9 =	simm.s32 $0x10;
	s8 =	simm.s32 $0x80;
	s1 =	smov.u32 s28;
	[tilespmem:v6+s16+$0x0] =	vst.idx.msk vm0, v5  }
.LBB2_19:
0x209: {  	p1 =	sne.s32 s8, $0x3E40;
	v5 =	vld [tilespmem:s9+$0x0]  }
0x20a: {  	v6 =	vld [tilespmem:s9+$0x1000];
	_ =	sdelay $0x3  }
0x20b: {  	vm0 =	vge.s32 v5, v0;
	vm1 =	vlt.s32 v5, v1  }
0x20c: {  	vm0 =	vmand vm0, vm1  }
0x20d: {  	v7 =	vsel vm0, $0x1, v3;
	s9 =	spop (v2sf)  }
0x20e: {  	(xrf0) =	vadd.scan.msk.s32 $0xffff, v7;
	s0 =	sadd.s32 s0, s9  }
0x20f: {  	v7 =	vmov s0  }
0x210: {  	v7 =	vadd.s32 $0xFFFFFFFF, v7  }
0x211: {  	v7 =	vbroadcast v7, $0x0;
	_ =	sdelay $0x2  }
0x212: {  	v8, _, _ =	vpop (xrf0)  }
0x213: {  	v7 =	vadd.s32 v8, v7;
	(v2sf) =	vpush v8, $0xF;
	_ =	sdelay $0x2  }
.Ltmp16:
0x214: {  	s1 =	sadd.s32 $0x10, s1;
	(pc) =	sbr.rel @p1 .LBB2_19-.Ltmp16, $4  }
0x215: {  	v8 =	vor.u32 s1, v4  }
0x216: {  	[tilespmem:v7+s14+$0x0] =	vst.idx.msk vm0, v8  }
0x217: {  	[tilespmem:v7+s15+$0x0] =	vst.idx.msk vm0, v6  }
0x218: {  	s9 =	sshra.s32 s8, $0x2;
	s8 =	sadd.s32 $0x40, s8;
	[tilespmem:v7+s16+$0x0] =	vst.idx.msk vm0, v5  }
0x219: {  	v5 =	vld [tilespmem:s9+$0x0];
	_ =	sdelay $0x4  }
0x21a: {  	vm0 =	vge.s32 v5, v0;
	vm1 =	vlt.s32 v5, v1  }
0x21b: {  	vm0 =	vmand vm0, vm1  }
0x21c: {  	v6 =	vsel vm0, $0x1, v3  }
0x21d: {  	(xrf0) =	vadd.scan.msk.s32 $0xffff, v6;
	_ =	sdelay $0x5  }
0x21e: {  	v6, _, _ =	vpop (xrf0)  }
0x21f: {  	(v2sf) =	vpush v6, $0xF;
	_ =	sdelay $0x1  }
0x220: {  	s8 =	spop (v2sf)  }
0x221: {  	s31 =	sadd.s32 s0, s8  }
0x222: {  	v7 =	vmov s31  }
0x223: {  	v7 =	vadd.s32 $0xFFFFFFFF, v7  }
0x224: {  	v7 =	vbroadcast v7, $0x0;
	_ =	sdelay $0x1  }
0x225: {  	v6 =	vadd.s32 v6, v7  }
0x226: {  	v7 =	vld [tilespmem:s9+$0x1000];
	_ =	sdelay $0x1  }
0x227: {  	s25 =	sadd.s32 $0x10, s1  }
0x228: {  	v8 =	vor.u32 s25, v4  }
0x229: {  	[tilespmem:v6+s14+$0x0] =	vst.idx.msk vm0, v8  }
0x22a: {  	p1 =	sgt.s32 s29, $0x80;
	[tilespmem:v6+s15+$0x0] =	vst.idx.msk vm0, v7  }
0x22b: {  	s1 =	simm.s32 @!p1 $0x2;
	p2 =	slt.s32 @!p1 s29, $0x1;
	[tilespmem:v6+s16+$0x0] =	vst.idx.msk vm0, v5;
	s0 =	spop (v2sf)  }
0x22c: {  	p2 =	por p1, p2;
	_ =	swait.ge @!p1 [sflag:s1], $0x4000  }
.Ltmp17:
0x22d: {  	[sflag:s1] =	ssyncset.done @!p1 $0x0;
	(pc) =	sbr.rel @p2 .LBB2_24-.Ltmp17, $4  }
0x22e: {  	[sflag:s1] =	ssyncadd.s32 @!p1 $0xFFFFC000  }
0x22f: {  	_ =	swait.ge @!p1 [sflag:s1], $0x4000  }
0x230: {  	[sflag:s1] =	ssyncset.done @!p1 $0x0  }
0x231: {  	s30 =	sadd.s32 s31, s0;
	[sflag:s1] =	ssyncadd.s32 @!p1 $0xFFFFC000  }
0x232: {  	s1 =	simm.s32 @!p1 $0x0  }
0x233: {  	s8 =	sand.u32 $0x7FFFFFF0, s1  }
0x234: {  	v5 =	vld [tilespmem:s8+$0x5200];
	_ =	sdelay $0x1  }
0x235: {  	s1 =	sand.u32 $0xF, s1  }
0x236: {  	v6 =	vmov s1  }
0x237: {  	vm0 =	veq.s32 v6, v4  }
0x238: {  	v5 =	vnsel vm0, $0x0, v5  }
0x239: {  	(xrf0) =	vadd.scan.msk.s32 $0xffff, v5;
	_ =	sdelay $0x5  }
0x23a: {  	v5, _, _ =	vpop (xrf0)  }
0x23b: {  	(v2sf) =	vpush v5, $0xF;
	_ =	sdelay $0xe  }
0x23c: {  	s8 =	simm.s32 @!p1 $0x5340;
	s9 =	spop (v2sf)  }
0x23d: {  	s1 =	simm.s32 @!p1 $0x9340;
	v6 =	vld [tilespmem:s8+$0xFFFFFFC0];
	s9 =	ssub.s32 s9, s6  }
0x23e: {  	v5 =	vld [tilespmem:s1+$0xFFFFFFC0];
	s9 =	sshll.u32 s9, $0x9  }
0x23f: {  	s9 =	sshra.s32 s9, $0x2  }
0x240: {  	v7 =	vld [tilespmem:s9+$0xD300];
	_ =	sdelay $0x2  }
0x241: {  	v5 =	vadd.f32 v5, v6;
	_ =	sdelay $0x1  }
0x242: {  	v5 =	vmax.f32 v7, v5  }
0x243: {  	[tilespmem:s9+$0xD300] =	vst v5  }
0x244: {  	v5 =	vld [tilespmem:s8+$0xFFFFFFD0]  }
0x245: {  	v6 =	vld [tilespmem:s1+$0xFFFFFFD0];
	_ =	sdelay $0x1  }
0x246: {  	v7 =	vld [tilespmem:s9+$0xD310];
	_ =	sdelay $0x2  }
0x247: {  	v5 =	vadd.f32 v6, v5;
	_ =	sdelay $0x1  }
0x248: {  	v5 =	vmax.f32 v7, v5  }
0x249: {  	[tilespmem:s9+$0xD310] =	vst v5  }
0x24a: {  	v5 =	vld [tilespmem:s8+$0xFFFFFFE0]  }
0x24b: {  	v6 =	vld [tilespmem:s1+$0xFFFFFFE0];
	_ =	sdelay $0x1  }
0x24c: {  	v7 =	vld [tilespmem:s9+$0xD320];
	_ =	sdelay $0x2  }
0x24d: {  	v5 =	vadd.f32 v6, v5;
	_ =	sdelay $0x1  }
0x24e: {  	v5 =	vmax.f32 v7, v5  }
0x24f: {  	[tilespmem:s9+$0xD320] =	vst v5  }
0x250: {  	v5 =	vld [tilespmem:s8+$0xFFFFFFF0]  }
0x251: {  	v6 =	vld [tilespmem:s1+$0xFFFFFFF0];
	_ =	sdelay $0x1  }
0x252: {  	v7 =	vld [tilespmem:s9+$0xD330];
	_ =	sdelay $0x2  }
0x253: {  	v5 =	vadd.f32 v6, v5;
	_ =	sdelay $0x1  }
0x254: {  	v5 =	vmax.f32 v7, v5  }
0x255: {  	[tilespmem:s9+$0xD330] =	vst v5  }
0x256: {  	v5 =	vld [tilespmem:s8+$0x0]  }
0x257: {  	v6 =	vld [tilespmem:s1+$0x0];
	_ =	sdelay $0x1  }
0x258: {  	v7 =	vld [tilespmem:s9+$0xD340];
	_ =	sdelay $0x2  }
0x259: {  	v5 =	vadd.f32 v6, v5;
	_ =	sdelay $0x1  }
0x25a: {  	v5 =	vmax.f32 v7, v5  }
0x25b: {  	[tilespmem:s9+$0xD340] =	vst v5  }
0x25c: {  	v5 =	vld [tilespmem:s8+$0x10]  }
0x25d: {  	v7 =	vld [tilespmem:s1+$0x10];
	_ =	sdelay $0x1  }
0x25e: {  	v6 =	vld [tilespmem:s9+$0xD350];
	_ =	sdelay $0x2  }
0x25f: {  	v5 =	vadd.f32 v7, v5;
	_ =	sdelay $0x1  }
0x260: {  	v5 =	vmax.f32 v6, v5  }
0x261: {  	[tilespmem:s9+$0xD350] =	vst v5  }
0x262: {  	v5 =	vld [tilespmem:s8+$0x20]  }
0x263: {  	v6 =	vld [tilespmem:s1+$0x20];
	_ =	sdelay $0x1  }
0x264: {  	v7 =	vld [tilespmem:s9+$0xD360];
	_ =	sdelay $0x2  }
0x265: {  	v6 =	vadd.f32 v6, v5;
	_ =	sdelay $0x1  }
0x266: {  	v6 =	vmax.f32 v7, v6  }
0x267: {  	[tilespmem:s9+$0xD360] =	vst v6  }
0x268: {  	p1 =	sne.s32 s29, $0x1;
	v6 =	vld [tilespmem:s8+$0x30]  }
.Ltmp18:
0x269: {  	v7 =	vld [tilespmem:s1+$0x30];
	(pc) =	sbr.rel @!p1 .LBB2_23-.Ltmp18, $3  }
0x26a: {  	_ = 	snop  }
0x26b: {  	v5 =	vld [tilespmem:s9+$0xD370];
	_ =	sdelay $0x1  }
0x26c: {  	s10 =	simm.s32 $0x1  }
.LBB2_22:
0x26d: {  	s1 =	sadd.s32 $0x80, s1  }
0x26e: {  	s8 =	sadd.s32 $0x80, s8;
	s11 =	smov.u32 s10;
	s10 =	sadd.s32 $0x1, s10  }
0x26f: {  	p1 =	sne.s32 s29, s10;
	_ =	sdelay $0x2  }
0x270: {  	v6 =	vadd.f32 v7, v6;
	_ =	sdelay $0x1  }
0x271: {  	v5 =	vmax.f32 v5, v6  }
0x272: {  	s12 =	sand.u32 $0x7FFFFFF0, s11;
	[tilespmem:s9+$0xD370] =	vst v5  }
0x273: {  	v5 =	vld [tilespmem:s12+$0x5200];
	_ =	sdelay $0x1  }
0x274: {  	s9 =	sand.u32 $0xF, s11  }
0x275: {  	v6 =	vmov s9  }
0x276: {  	vm0 =	veq.s32 v6, v4  }
0x277: {  	v5 =	vnsel vm0, $0x0, v5  }
0x278: {  	(xrf0) =	vadd.scan.msk.s32 $0xffff, v5;
	_ =	sdelay $0x5  }
0x279: {  	v5, _, _ =	vpop (xrf0)  }
0x27a: {  	(v2sf) =	vpush v5, $0xF;
	_ =	sdelay $0xe  }
0x27b: {  	s9 =	spop (v2sf)  }
0x27c: {  	s9 =	ssub.s32 s9, s6;
	v5 =	vld [tilespmem:s1+$0xFFFFFFC0]  }
0x27d: {  	v6 =	vld [tilespmem:s8+$0xFFFFFFC0];
	s9 =	sshll.u32 s9, $0x9  }
0x27e: {  	s9 =	sshra.s32 s9, $0x2  }
0x27f: {  	v7 =	vld [tilespmem:s9+$0xD300];
	_ =	sdelay $0x2  }
0x280: {  	v5 =	vadd.f32 v5, v6;
	_ =	sdelay $0x1  }
0x281: {  	v5 =	vmax.f32 v7, v5  }
0x282: {  	[tilespmem:s9+$0xD300] =	vst v5  }
0x283: {  	v5 =	vld [tilespmem:s8+$0xFFFFFFD0]  }
0x284: {  	v6 =	vld [tilespmem:s1+$0xFFFFFFD0]  }
0x285: {  	v7 =	vld [tilespmem:s9+$0xD310];
	_ =	sdelay $0x3  }
0x286: {  	v5 =	vadd.f32 v6, v5;
	_ =	sdelay $0x1  }
0x287: {  	v5 =	vmax.f32 v7, v5  }
0x288: {  	[tilespmem:s9+$0xD310] =	vst v5;
	v5 =	vld [tilespmem:s9+$0xD320]  }
0x289: {  	v6 =	vld [tilespmem:s8+$0xFFFFFFE0]  }
0x28a: {  	v7 =	vld [tilespmem:s1+$0xFFFFFFE0];
	_ =	sdelay $0x4  }
0x28b: {  	v6 =	vadd.f32 v7, v6;
	_ =	sdelay $0x1  }
0x28c: {  	v5 =	vmax.f32 v5, v6  }
0x28d: {  	[tilespmem:s9+$0xD320] =	vst v5;
	v5 =	vld [tilespmem:s9+$0xD330]  }
0x28e: {  	v6 =	vld [tilespmem:s8+$0xFFFFFFF0]  }
0x28f: {  	v7 =	vld [tilespmem:s1+$0xFFFFFFF0];
	_ =	sdelay $0x4  }
0x290: {  	v6 =	vadd.f32 v7, v6;
	_ =	sdelay $0x1  }
0x291: {  	v5 =	vmax.f32 v5, v6  }
0x292: {  	[tilespmem:s9+$0xD330] =	vst v5;
	v5 =	vld [tilespmem:s9+$0xD340]  }
0x293: {  	v6 =	vld [tilespmem:s8+$0x0]  }
0x294: {  	v7 =	vld [tilespmem:s1+$0x0];
	_ =	sdelay $0x4  }
0x295: {  	v6 =	vadd.f32 v7, v6;
	_ =	sdelay $0x1  }
0x296: {  	v5 =	vmax.f32 v5, v6;
	v6 =	vld [tilespmem:s9+$0xD350]  }
0x297: {  	[tilespmem:s9+$0xD340] =	vst v5  }
0x298: {  	v5 =	vld [tilespmem:s8+$0x10]  }
0x299: {  	v7 =	vld [tilespmem:s1+$0x10];
	_ =	sdelay $0x4  }
0x29a: {  	v5 =	vadd.f32 v7, v5  }
0x29b: {  	v7 =	vld [tilespmem:s9+$0xD360]  }
0x29c: {  	v5 =	vmax.f32 v6, v5  }
0x29d: {  	[tilespmem:s9+$0xD350] =	vst v5  }
0x29e: {  	v5 =	vld [tilespmem:s8+$0x20]  }
0x29f: {  	v6 =	vld [tilespmem:s1+$0x20];
	_ =	sdelay $0x4  }
0x2a0: {  	v6 =	vadd.f32 v6, v5;
	v5 =	vld [tilespmem:s9+$0xD370]  }
.Ltmp19:
0x2a1: {  	(pc) =	sbr.rel @p1 .LBB2_22-.Ltmp19, $4  }
0x2a2: {  	v6 =	vmax.f32 v7, v6  }
0x2a3: {  	[tilespmem:s9+$0xD360] =	vst v6  }
0x2a4: {  	v6 =	vld [tilespmem:s8+$0x30]  }
0x2a5: {  	v7 =	vld [tilespmem:s1+$0x30]  }
.Ltmp20:
0x2a6: {  	_ = 	snop;
	(pc) =	sbr.rel .LBB2_23-.Ltmp20, $1  }
0x2a7: {  	_ =	sdelay $0x3  }
.LBB2_25:
0x2a8: {  	_ =	swait.ge [sflag:s24], $0xFA0  }
0x2a9: {  	[sflag:s24] =	ssyncset.done $0x0  }
0x2aa: {  	[sflag:s24] =	ssyncadd.s32 $0xFFFFF060  }
0x2ab: {  	_ =	swait.ge [sflag:s24], $0xFA0  }
0x2ac: {  	[sflag:s24] =	ssyncset.done $0x0  }
0x2ad: {  	[sflag:s24] =	ssyncadd.s32 $0xFFFFF060  }
0x2ae: {  	p1 =	slt.s32 s30, $0x1;
	_ =	swait.ge [sflag:s23], $0x4000  }
.Ltmp21:
0x2af: {  	[sflag:s23] =	ssyncset.done $0x0;
	(pc) =	sbr.rel @p1 .LBB2_29-.Ltmp21, $4  }
0x2b0: {  	[sflag:s23] =	ssyncadd.s32 $0xFFFFC000  }
0x2b1: {  	_ =	swait.ge [sflag:s23], $0x4000  }
0x2b2: {  	[sflag:s23] =	ssyncset.done $0x0  }
0x2b3: {  	[sflag:s23] =	ssyncadd.s32 $0xFFFFC000  }
0x2b4: {  	s1 =	simm.s32 $0x0  }
0x2b5: {  	s8 =	sand.u32 $0x7FFFFFF0, s1  }
0x2b6: {  	v5 =	vld [tilespmem:s8+$0x5200];
	_ =	sdelay $0x1  }
0x2b7: {  	s1 =	sand.u32 $0xF, s1  }
0x2b8: {  	v6 =	vmov s1  }
0x2b9: {  	vm0 =	veq.s32 v6, v4  }
0x2ba: {  	v5 =	vnsel vm0, $0x0, v5  }
0x2bb: {  	(xrf0) =	vadd.scan.msk.s32 $0xffff, v5;
	_ =	sdelay $0x5  }
0x2bc: {  	v5, _, _ =	vpop (xrf0)  }
0x2bd: {  	(v2sf) =	vpush v5, $0xF;
	_ =	sdelay $0xe  }
0x2be: {  	s8 =	simm.s32 $0x5340;
	s9 =	spop (v2sf)  }
0x2bf: {  	s1 =	simm.s32 $0x9340;
	v6 =	vld [tilespmem:s8+$0xFFFFFFC0];
	s9 =	ssub.s32 s9, s6  }
0x2c0: {  	v5 =	vld [tilespmem:s1+$0xFFFFFFC0];
	s9 =	sshll.u32 s9, $0x9  }
0x2c1: {  	s10 =	sshra.s32 s9, $0x2  }
0x2c2: {  	v7 =	vld [tilespmem:s10+$0xD300];
	_ =	sdelay $0x2  }
0x2c3: {  	v5 =	vadd.f32 v5, v6;
	_ =	sdelay $0x1  }
0x2c4: {  	v5 =	vmax.f32 v7, v5  }
0x2c5: {  	[tilespmem:s10+$0xD300] =	vst v5  }
0x2c6: {  	v5 =	vld [tilespmem:s8+$0xFFFFFFD0]  }
0x2c7: {  	v6 =	vld [tilespmem:s1+$0xFFFFFFD0];
	_ =	sdelay $0x1  }
0x2c8: {  	v7 =	vld [tilespmem:s10+$0xD310];
	_ =	sdelay $0x2  }
0x2c9: {  	v5 =	vadd.f32 v6, v5;
	_ =	sdelay $0x1  }
0x2ca: {  	v5 =	vmax.f32 v7, v5  }
0x2cb: {  	[tilespmem:s10+$0xD310] =	vst v5  }
0x2cc: {  	v5 =	vld [tilespmem:s8+$0xFFFFFFE0]  }
0x2cd: {  	v6 =	vld [tilespmem:s1+$0xFFFFFFE0];
	_ =	sdelay $0x1  }
0x2ce: {  	v7 =	vld [tilespmem:s10+$0xD320];
	_ =	sdelay $0x2  }
0x2cf: {  	v5 =	vadd.f32 v6, v5;
	_ =	sdelay $0x1  }
0x2d0: {  	v5 =	vmax.f32 v7, v5  }
0x2d1: {  	[tilespmem:s10+$0xD320] =	vst v5  }
0x2d2: {  	v5 =	vld [tilespmem:s8+$0xFFFFFFF0]  }
0x2d3: {  	v6 =	vld [tilespmem:s1+$0xFFFFFFF0];
	_ =	sdelay $0x1  }
0x2d4: {  	v7 =	vld [tilespmem:s10+$0xD330];
	_ =	sdelay $0x2  }
0x2d5: {  	v5 =	vadd.f32 v6, v5;
	_ =	sdelay $0x1  }
0x2d6: {  	v5 =	vmax.f32 v7, v5  }
0x2d7: {  	[tilespmem:s10+$0xD330] =	vst v5  }
0x2d8: {  	v5 =	vld [tilespmem:s8+$0x0]  }
0x2d9: {  	v6 =	vld [tilespmem:s1+$0x0];
	_ =	sdelay $0x1  }
0x2da: {  	v7 =	vld [tilespmem:s10+$0xD340];
	_ =	sdelay $0x2  }
0x2db: {  	v5 =	vadd.f32 v6, v5;
	_ =	sdelay $0x1  }
0x2dc: {  	v5 =	vmax.f32 v7, v5  }
0x2dd: {  	[tilespmem:s10+$0xD340] =	vst v5  }
0x2de: {  	v5 =	vld [tilespmem:s8+$0x10]  }
0x2df: {  	v7 =	vld [tilespmem:s1+$0x10];
	_ =	sdelay $0x1  }
0x2e0: {  	v6 =	vld [tilespmem:s10+$0xD350];
	_ =	sdelay $0x2  }
0x2e1: {  	v5 =	vadd.f32 v7, v5;
	_ =	sdelay $0x1  }
0x2e2: {  	v5 =	vmax.f32 v6, v5  }
0x2e3: {  	[tilespmem:s10+$0xD350] =	vst v5  }
0x2e4: {  	v5 =	vld [tilespmem:s8+$0x20]  }
0x2e5: {  	v6 =	vld [tilespmem:s1+$0x20];
	_ =	sdelay $0x1  }
0x2e6: {  	v7 =	vld [tilespmem:s10+$0xD360];
	_ =	sdelay $0x1  }
0x2e7: {  	s9 =	smin.u32 s30, $0x80  }
0x2e8: {  	p1 =	sne.s32 s9, $0x1;
	v6 =	vadd.f32 v6, v5  }
.Ltmp22:
0x2e9: {  	_ = 	snop;
	(pc) =	sbr.rel @!p1 .LBB2_28-.Ltmp22, $4  }
0x2ea: {  	v6 =	vmax.f32 v7, v6  }
0x2eb: {  	v5 =	vld [tilespmem:s10+$0xD370];
	[tilespmem:s10+$0xD360] =	vst v6  }
0x2ec: {  	v6 =	vld [tilespmem:s8+$0x30]  }
0x2ed: {  	s11 =	simm.s32 $0x1;
	v7 =	vld [tilespmem:s1+$0x30]  }
.LBB2_27:
0x2ee: {  	s1 =	sadd.s32 $0x80, s1  }
0x2ef: {  	s8 =	sadd.s32 $0x80, s8;
	s12 =	smov.u32 s11;
	s11 =	sadd.s32 $0x1, s11  }
0x2f0: {  	p1 =	sne.s32 s9, s11;
	_ =	sdelay $0x2  }
0x2f1: {  	v6 =	vadd.f32 v7, v6;
	_ =	sdelay $0x1  }
0x2f2: {  	v5 =	vmax.f32 v5, v6  }
0x2f3: {  	s13 =	sand.u32 $0x7FFFFFF0, s12;
	[tilespmem:s10+$0xD370] =	vst v5  }
0x2f4: {  	v5 =	vld [tilespmem:s13+$0x5200];
	_ =	sdelay $0x1  }
0x2f5: {  	s10 =	sand.u32 $0xF, s12  }
0x2f6: {  	v6 =	vmov s10  }
0x2f7: {  	vm0 =	veq.s32 v6, v4  }
0x2f8: {  	v5 =	vnsel vm0, $0x0, v5  }
0x2f9: {  	(xrf0) =	vadd.scan.msk.s32 $0xffff, v5;
	_ =	sdelay $0x5  }
0x2fa: {  	v5, _, _ =	vpop (xrf0)  }
0x2fb: {  	(v2sf) =	vpush v5, $0xF;
	_ =	sdelay $0xe  }
0x2fc: {  	s10 =	spop (v2sf)  }
0x2fd: {  	s10 =	ssub.s32 s10, s6;
	v5 =	vld [tilespmem:s1+$0xFFFFFFC0]  }
0x2fe: {  	v6 =	vld [tilespmem:s8+$0xFFFFFFC0];
	s10 =	sshll.u32 s10, $0x9  }
0x2ff: {  	s10 =	sshra.s32 s10, $0x2  }
0x300: {  	v7 =	vld [tilespmem:s10+$0xD300];
	_ =	sdelay $0x2  }
0x301: {  	v5 =	vadd.f32 v5, v6;
	_ =	sdelay $0x1  }
0x302: {  	v5 =	vmax.f32 v7, v5  }
0x303: {  	[tilespmem:s10+$0xD300] =	vst v5  }
0x304: {  	v5 =	vld [tilespmem:s8+$0xFFFFFFD0]  }
0x305: {  	v6 =	vld [tilespmem:s1+$0xFFFFFFD0]  }
0x306: {  	v7 =	vld [tilespmem:s10+$0xD310];
	_ =	sdelay $0x3  }
0x307: {  	v5 =	vadd.f32 v6, v5;
	_ =	sdelay $0x1  }
0x308: {  	v5 =	vmax.f32 v7, v5  }
0x309: {  	[tilespmem:s10+$0xD310] =	vst v5;
	v5 =	vld [tilespmem:s10+$0xD320]  }
0x30a: {  	v6 =	vld [tilespmem:s8+$0xFFFFFFE0]  }
0x30b: {  	v7 =	vld [tilespmem:s1+$0xFFFFFFE0];
	_ =	sdelay $0x4  }
0x30c: {  	v6 =	vadd.f32 v7, v6;
	_ =	sdelay $0x1  }
0x30d: {  	v5 =	vmax.f32 v5, v6  }
0x30e: {  	[tilespmem:s10+$0xD320] =	vst v5;
	v5 =	vld [tilespmem:s10+$0xD330]  }
0x30f: {  	v6 =	vld [tilespmem:s8+$0xFFFFFFF0]  }
0x310: {  	v7 =	vld [tilespmem:s1+$0xFFFFFFF0];
	_ =	sdelay $0x4  }
0x311: {  	v6 =	vadd.f32 v7, v6;
	_ =	sdelay $0x1  }
0x312: {  	v5 =	vmax.f32 v5, v6  }
0x313: {  	[tilespmem:s10+$0xD330] =	vst v5;
	v5 =	vld [tilespmem:s10+$0xD340]  }
0x314: {  	v6 =	vld [tilespmem:s8+$0x0]  }
0x315: {  	v7 =	vld [tilespmem:s1+$0x0];
	_ =	sdelay $0x4  }
0x316: {  	v6 =	vadd.f32 v7, v6;
	_ =	sdelay $0x1  }
0x317: {  	v5 =	vmax.f32 v5, v6;
	v6 =	vld [tilespmem:s10+$0xD350]  }
0x318: {  	[tilespmem:s10+$0xD340] =	vst v5  }
0x319: {  	v5 =	vld [tilespmem:s8+$0x10]  }
0x31a: {  	v7 =	vld [tilespmem:s1+$0x10];
	_ =	sdelay $0x4  }
0x31b: {  	v5 =	vadd.f32 v7, v5  }
0x31c: {  	v7 =	vld [tilespmem:s10+$0xD360]  }
0x31d: {  	v5 =	vmax.f32 v6, v5  }
0x31e: {  	[tilespmem:s10+$0xD350] =	vst v5  }
0x31f: {  	v5 =	vld [tilespmem:s8+$0x20]  }
0x320: {  	v6 =	vld [tilespmem:s1+$0x20];
	_ =	sdelay $0x4  }
0x321: {  	v6 =	vadd.f32 v6, v5;
	v5 =	vld [tilespmem:s10+$0xD370]  }
.Ltmp23:
0x322: {  	(pc) =	sbr.rel @p1 .LBB2_27-.Ltmp23, $4  }
0x323: {  	v6 =	vmax.f32 v7, v6  }
0x324: {  	[tilespmem:s10+$0xD360] =	vst v6  }
0x325: {  	v6 =	vld [tilespmem:s8+$0x30]  }
0x326: {  	v7 =	vld [tilespmem:s1+$0x30]  }
.LBB2_28:
0x327: {  	_ =	sdelay $0x3  }
0x328: {  	v6 =	vadd.f32 v7, v6;
	_ =	sdelay $0x1  }
0x329: {  	v5 =	vmax.f32 v5, v6  }
0x32a: {  	[tilespmem:s10+$0xD370] =	vst v5  }
.LBB2_29:
0x32b: {  	s1 =	sadd.s32 $0x7F, s30  }
0x32c: {  	s8 =	sand.u32 $0x7F, s1  }
0x32d: {  	p1 =	slt.s32 s1, $0x1;
	p2 =	sne.s32 s8, $0x0  }
0x32e: {  	s28 =	sshra.s32 s1, $0x1F;
	p1 =	por !p1, !p2  }
0x32f: {  	s9 =	simm.s32 $0x1;
	s8 =	sshrl.u32 s28, $0x19;
	p1 =	por !p1, !p1  }
0x330: {  	s1 =	sadd.s32 s8, s1;
	s9 =	simm.s32 @!p1 $0x0  }
0x331: {  	s1 =	sshra.s32 s1, $0x7;
	s29 =	sxor.u32 $0xFFFFFFFF, s9  }
0x332: {  	s26 =	sadd.s32 s1, s29  }
0x333: {  	p1 =	slt.s32 s26, $0x1  }
.Ltmp24:
0x334: {  	_ = 	snop;
	(pc) =	sbr.rel @p1 .LBB2_36-.Ltmp24, $1  }
0x335: {  	_ =	sdelay $0x3  }
.Ltmp25:
0x336: {  	(pc) =	sbr.rel .LBB2_32-.Ltmp25, $3  }
0x337: {  	_ =	sdelay $0x1  }
0x338: {  	s0 =	sadd.s32 s31, s0  }
0x339: {  	s28 =	simm.s32 $0x0;
	s1 =	simm.s32 $0x0;
	s0 =	sadd.s32 $0xFFFFFF80, s0  }
.LBB2_35:
0x33a: {  	v6 =	vadd.f32 v7, v6;
	_ =	sdelay $0x1  }
0x33b: {  	v5 =	vmax.f32 v5, v6  }
0x33c: {  	[tilespmem:s10+$0xD370] =	vst v5  }
.LBB2_31:
0x33d: {  	p1 =	seq.s32 s1, s26  }
.Ltmp26:
0x33e: {  	_ = 	snop;
	(pc) =	sbr.rel @p1 .LBB2_36-.Ltmp26, $2  }
0x33f: {  	_ =	sdelay $0x2  }
0x340: {  	s0 =	sadd.s32 $0xFFFFFF80, s0  }
.LBB2_32:
0x341: {  	s1 =	sadd.s32 $0x1, s1  }
0x342: {  	s8 =	sshll.u32 s1, $0x7  }
0x343: {  	v5 =	vld [tilespmem:s8+$0x3080];
	_ =	sdelay $0x4  }
0x344: {  	[tilespmem:$0x5180] =	vst v5  }
0x345: {  	v5 =	vld [tilespmem:s8+$0x4100];
	_ =	sdelay $0x4  }
0x346: {  	[tilespmem:$0x5200] =	vst v5  }
0x347: {  	v5 =	vld [tilespmem:s8+$0x2000];
	_ =	sdelay $0x4  }
0x348: {  	[tilespmem:$0x5280] =	vst v5  }
0x349: {  	v5 =	vld [tilespmem:s8+$0x3090];
	_ =	sdelay $0x4  }
0x34a: {  	[tilespmem:$0x5190] =	vst v5  }
0x34b: {  	v5 =	vld [tilespmem:s8+$0x4110];
	_ =	sdelay $0x4  }
0x34c: {  	[tilespmem:$0x5210] =	vst v5  }
0x34d: {  	v5 =	vld [tilespmem:s8+$0x2010];
	_ =	sdelay $0x4  }
0x34e: {  	[tilespmem:$0x5290] =	vst v5  }
0x34f: {  	v5 =	vld [tilespmem:s8+$0x30A0];
	_ =	sdelay $0x4  }
0x350: {  	[tilespmem:$0x51A0] =	vst v5  }
0x351: {  	v5 =	vld [tilespmem:s8+$0x4120];
	_ =	sdelay $0x4  }
0x352: {  	[tilespmem:$0x5220] =	vst v5  }
0x353: {  	v5 =	vld [tilespmem:s8+$0x2020];
	_ =	sdelay $0x4  }
0x354: {  	[tilespmem:$0x52A0] =	vst v5  }
0x355: {  	v5 =	vld [tilespmem:s8+$0x30B0];
	_ =	sdelay $0x4  }
0x356: {  	[tilespmem:$0x51B0] =	vst v5  }
0x357: {  	v5 =	vld [tilespmem:s8+$0x4130];
	_ =	sdelay $0x4  }
0x358: {  	[tilespmem:$0x5230] =	vst v5  }
0x359: {  	v5 =	vld [tilespmem:s8+$0x2030];
	_ =	sdelay $0x4  }
0x35a: {  	[tilespmem:$0x52B0] =	vst v5  }
0x35b: {  	v5 =	vld [tilespmem:s8+$0x30C0];
	_ =	sdelay $0x4  }
0x35c: {  	[tilespmem:$0x51C0] =	vst v5  }
0x35d: {  	v5 =	vld [tilespmem:s8+$0x4140];
	_ =	sdelay $0x4  }
0x35e: {  	[tilespmem:$0x5240] =	vst v5  }
0x35f: {  	v5 =	vld [tilespmem:s8+$0x2040];
	_ =	sdelay $0x4  }
0x360: {  	[tilespmem:$0x52C0] =	vst v5  }
0x361: {  	v5 =	vld [tilespmem:s8+$0x30D0];
	_ =	sdelay $0x4  }
0x362: {  	[tilespmem:$0x51D0] =	vst v5  }
0x363: {  	v5 =	vld [tilespmem:s8+$0x4150];
	_ =	sdelay $0x4  }
0x364: {  	[tilespmem:$0x5250] =	vst v5  }
0x365: {  	v5 =	vld [tilespmem:s8+$0x2050];
	_ =	sdelay $0x4  }
0x366: {  	[tilespmem:$0x52D0] =	vst v5  }
0x367: {  	v5 =	vld [tilespmem:s8+$0x30E0];
	_ =	sdelay $0x4  }
0x368: {  	[tilespmem:$0x51E0] =	vst v5  }
0x369: {  	v5 =	vld [tilespmem:s8+$0x4160];
	_ =	sdelay $0x4  }
0x36a: {  	[tilespmem:$0x5260] =	vst v5  }
0x36b: {  	v5 =	vld [tilespmem:s8+$0x2060];
	_ =	sdelay $0x4  }
0x36c: {  	[tilespmem:$0x52E0] =	vst v5  }
0x36d: {  	v5 =	vld [tilespmem:s8+$0x30F0];
	_ =	sdelay $0x4  }
0x36e: {  	[tilespmem:$0x51F0] =	vst v5  }
0x36f: {  	v5 =	vld [tilespmem:s8+$0x4170];
	_ =	sdelay $0x4  }
0x370: {  	[tilespmem:$0x5270] =	vst v5  }
0x371: {  	v5 =	vld [tilespmem:s8+$0x2070];
	_ =	sdelay $0x4  }
0x372: {  	[tilespmem:$0x52F0] =	vst v5  }
0x373: {  	[tilespmem:s19], [sflag:$0x2] =	stream.indirect.gather [hbm4b:s5+s17], $0x80, s18, s17, $0xb8;
	[tilespmem:$0x17700] =	vst v63  }
0x374: {  	s8 =	ssub.s32 s30, s8  }
0x375: {  	[tilespmem:s21], [sflag:$0x2] =	stream.indirect.gather [hbm4b:s7+s17], $0x80, s20, s17, $0xb8;
	[tilespmem:$0x17700] =	vst v63  }
0x376: {  	p1 =	slt.s32 s8, $0x1;
	_ =	swait.ge [sflag:s23], $0x4000  }
.Ltmp27:
0x377: {  	[sflag:s23] =	ssyncset.done $0x0;
	(pc) =	sbr.rel @p1 .LBB2_31-.Ltmp27, $4  }
0x378: {  	[sflag:s23] =	ssyncadd.s32 $0xFFFFC000  }
0x379: {  	_ =	swait.ge [sflag:s23], $0x4000  }
0x37a: {  	[sflag:s23] =	ssyncset.done $0x0  }
0x37b: {  	[sflag:s23] =	ssyncadd.s32 $0xFFFFC000  }
0x37c: {  	s8 =	sand.u32 $0x7FFFFFF0, s28  }
0x37d: {  	v5 =	vld [tilespmem:s8+$0x5200];
	_ =	sdelay $0x1  }
0x37e: {  	s31 =	sand.u32 $0xF, s28  }
0x37f: {  	v6 =	vmov s31  }
0x380: {  	vm0 =	veq.s32 v6, v4  }
0x381: {  	v5 =	vnsel vm0, $0x0, v5  }
0x382: {  	(xrf0) =	vadd.scan.msk.s32 $0xffff, v5;
	_ =	sdelay $0x5  }
0x383: {  	v5, _, _ =	vpop (xrf0)  }
0x384: {  	(v2sf) =	vpush v5, $0xF;
	_ =	sdelay $0xe  }
0x385: {  	s9 =	simm.s32 $0x5340;
	s10 =	spop (v2sf)  }
0x386: {  	s8 =	simm.s32 $0x9340;
	v6 =	vld [tilespmem:s9+$0xFFFFFFC0];
	s10 =	ssub.s32 s10, s6  }
0x387: {  	v5 =	vld [tilespmem:s8+$0xFFFFFFC0];
	s10 =	sshll.u32 s10, $0x9  }
0x388: {  	s10 =	sshra.s32 s10, $0x2  }
0x389: {  	v7 =	vld [tilespmem:s10+$0xD300];
	_ =	sdelay $0x2  }
0x38a: {  	v5 =	vadd.f32 v5, v6;
	_ =	sdelay $0x1  }
0x38b: {  	v5 =	vmax.f32 v7, v5  }
0x38c: {  	[tilespmem:s10+$0xD300] =	vst v5  }
0x38d: {  	v5 =	vld [tilespmem:s9+$0xFFFFFFD0]  }
0x38e: {  	v6 =	vld [tilespmem:s8+$0xFFFFFFD0];
	_ =	sdelay $0x1  }
0x38f: {  	v7 =	vld [tilespmem:s10+$0xD310];
	_ =	sdelay $0x2  }
0x390: {  	v5 =	vadd.f32 v6, v5;
	_ =	sdelay $0x1  }
0x391: {  	v5 =	vmax.f32 v7, v5  }
0x392: {  	[tilespmem:s10+$0xD310] =	vst v5  }
0x393: {  	v5 =	vld [tilespmem:s9+$0xFFFFFFE0]  }
0x394: {  	v6 =	vld [tilespmem:s8+$0xFFFFFFE0];
	_ =	sdelay $0x1  }
0x395: {  	v7 =	vld [tilespmem:s10+$0xD320];
	_ =	sdelay $0x2  }
0x396: {  	v5 =	vadd.f32 v6, v5;
	_ =	sdelay $0x1  }
0x397: {  	v5 =	vmax.f32 v7, v5  }
0x398: {  	[tilespmem:s10+$0xD320] =	vst v5  }
0x399: {  	v5 =	vld [tilespmem:s9+$0xFFFFFFF0]  }
0x39a: {  	v6 =	vld [tilespmem:s8+$0xFFFFFFF0];
	_ =	sdelay $0x1  }
0x39b: {  	v7 =	vld [tilespmem:s10+$0xD330];
	_ =	sdelay $0x2  }
0x39c: {  	v5 =	vadd.f32 v6, v5;
	_ =	sdelay $0x1  }
0x39d: {  	v5 =	vmax.f32 v7, v5  }
0x39e: {  	[tilespmem:s10+$0xD330] =	vst v5  }
0x39f: {  	v5 =	vld [tilespmem:s9+$0x0]  }
0x3a0: {  	v6 =	vld [tilespmem:s8+$0x0];
	_ =	sdelay $0x1  }
0x3a1: {  	v7 =	vld [tilespmem:s10+$0xD340];
	_ =	sdelay $0x2  }
0x3a2: {  	v5 =	vadd.f32 v6, v5;
	_ =	sdelay $0x1  }
0x3a3: {  	v5 =	vmax.f32 v7, v5  }
0x3a4: {  	[tilespmem:s10+$0xD340] =	vst v5  }
0x3a5: {  	v5 =	vld [tilespmem:s9+$0x10]  }
0x3a6: {  	v7 =	vld [tilespmem:s8+$0x10];
	_ =	sdelay $0x1  }
0x3a7: {  	v6 =	vld [tilespmem:s10+$0xD350];
	_ =	sdelay $0x2  }
0x3a8: {  	v5 =	vadd.f32 v7, v5;
	_ =	sdelay $0x1  }
0x3a9: {  	v5 =	vmax.f32 v6, v5  }
0x3aa: {  	[tilespmem:s10+$0xD350] =	vst v5  }
0x3ab: {  	v5 =	vld [tilespmem:s9+$0x20]  }
0x3ac: {  	v6 =	vld [tilespmem:s8+$0x20];
	_ =	sdelay $0x1  }
0x3ad: {  	v7 =	vld [tilespmem:s10+$0xD360];
	_ =	sdelay $0x2  }
0x3ae: {  	v6 =	vadd.f32 v6, v5  }
0x3af: {  	p1 =	sgt.s32 s0, $0x1;
	s11 =	smov.u32 s0  }
0x3b0: {  	s11 =	simm.s32 @!p1 $0x1;
	v6 =	vmax.f32 v7, v6  }
0x3b1: {  	s11 =	smin.u32 s11, $0x80;
	[tilespmem:s10+$0xD360] =	vst v6  }
0x3b2: {  	p1 =	seq.s32 s11, $0x1;
	v6 =	vld [tilespmem:s9+$0x30]  }
.Ltmp28:
0x3b3: {  	v7 =	vld [tilespmem:s8+$0x30];
	(pc) =	sbr.rel @p1 .LBB2_35-.Ltmp28, $3  }
0x3b4: {  	_ = 	snop  }
0x3b5: {  	v5 =	vld [tilespmem:s10+$0xD370];
	_ =	sdelay $0x1  }
0x3b6: {  	s12 =	simm.s32 $0x1  }
.LBB2_34:
0x3b7: {  	s8 =	sadd.s32 $0x80, s8  }
0x3b8: {  	s9 =	sadd.s32 $0x80, s9;
	s13 =	smov.u32 s12;
	s12 =	sadd.s32 $0x1, s12  }
0x3b9: {  	p1 =	seq.s32 s11, s12;
	_ =	sdelay $0x2  }
0x3ba: {  	v6 =	vadd.f32 v7, v6;
	_ =	sdelay $0x1  }
0x3bb: {  	v5 =	vmax.f32 v5, v6  }
0x3bc: {  	s25 =	sand.u32 $0x7FFFFFF0, s13;
	[tilespmem:s10+$0xD370] =	vst v5  }
0x3bd: {  	v5 =	vld [tilespmem:s25+$0x5200];
	_ =	sdelay $0x1  }
0x3be: {  	s10 =	sand.u32 $0xF, s13  }
0x3bf: {  	v6 =	vmov s10  }
0x3c0: {  	vm0 =	veq.s32 v6, v4  }
0x3c1: {  	v5 =	vnsel vm0, $0x0, v5  }
0x3c2: {  	(xrf0) =	vadd.scan.msk.s32 $0xffff, v5;
	_ =	sdelay $0x5  }
0x3c3: {  	v5, _, _ =	vpop (xrf0)  }
0x3c4: {  	(v2sf) =	vpush v5, $0xF;
	_ =	sdelay $0xe  }
0x3c5: {  	s10 =	spop (v2sf)  }
0x3c6: {  	s10 =	ssub.s32 s10, s6;
	v5 =	vld [tilespmem:s8+$0xFFFFFFC0]  }
0x3c7: {  	v6 =	vld [tilespmem:s9+$0xFFFFFFC0];
	s10 =	sshll.u32 s10, $0x9  }
0x3c8: {  	s10 =	sshra.s32 s10, $0x2  }
0x3c9: {  	v7 =	vld [tilespmem:s10+$0xD300];
	_ =	sdelay $0x2  }
0x3ca: {  	v5 =	vadd.f32 v5, v6;
	_ =	sdelay $0x1  }
0x3cb: {  	v5 =	vmax.f32 v7, v5  }
0x3cc: {  	[tilespmem:s10+$0xD300] =	vst v5  }
0x3cd: {  	v5 =	vld [tilespmem:s9+$0xFFFFFFD0]  }
0x3ce: {  	v6 =	vld [tilespmem:s8+$0xFFFFFFD0]  }
0x3cf: {  	v7 =	vld [tilespmem:s10+$0xD310];
	_ =	sdelay $0x3  }
0x3d0: {  	v5 =	vadd.f32 v6, v5;
	_ =	sdelay $0x1  }
0x3d1: {  	v5 =	vmax.f32 v7, v5  }
0x3d2: {  	[tilespmem:s10+$0xD310] =	vst v5;
	v5 =	vld [tilespmem:s10+$0xD320]  }
0x3d3: {  	v6 =	vld [tilespmem:s9+$0xFFFFFFE0]  }
0x3d4: {  	v7 =	vld [tilespmem:s8+$0xFFFFFFE0];
	_ =	sdelay $0x4  }
0x3d5: {  	v6 =	vadd.f32 v7, v6;
	_ =	sdelay $0x1  }
0x3d6: {  	v5 =	vmax.f32 v5, v6  }
0x3d7: {  	[tilespmem:s10+$0xD320] =	vst v5;
	v5 =	vld [tilespmem:s10+$0xD330]  }
0x3d8: {  	v6 =	vld [tilespmem:s9+$0xFFFFFFF0]  }
0x3d9: {  	v7 =	vld [tilespmem:s8+$0xFFFFFFF0];
	_ =	sdelay $0x4  }
0x3da: {  	v6 =	vadd.f32 v7, v6;
	_ =	sdelay $0x1  }
0x3db: {  	v5 =	vmax.f32 v5, v6  }
0x3dc: {  	[tilespmem:s10+$0xD330] =	vst v5;
	v5 =	vld [tilespmem:s10+$0xD340]  }
0x3dd: {  	v6 =	vld [tilespmem:s9+$0x0]  }
0x3de: {  	v7 =	vld [tilespmem:s8+$0x0];
	_ =	sdelay $0x4  }
0x3df: {  	v6 =	vadd.f32 v7, v6;
	_ =	sdelay $0x1  }
0x3e0: {  	v5 =	vmax.f32 v5, v6;
	v6 =	vld [tilespmem:s10+$0xD350]  }
0x3e1: {  	[tilespmem:s10+$0xD340] =	vst v5  }
0x3e2: {  	v5 =	vld [tilespmem:s9+$0x10]  }
0x3e3: {  	v7 =	vld [tilespmem:s8+$0x10];
	_ =	sdelay $0x4  }
0x3e4: {  	v5 =	vadd.f32 v7, v5  }
0x3e5: {  	v7 =	vld [tilespmem:s10+$0xD360]  }
0x3e6: {  	v5 =	vmax.f32 v6, v5  }
0x3e7: {  	[tilespmem:s10+$0xD350] =	vst v5  }
0x3e8: {  	v5 =	vld [tilespmem:s9+$0x20]  }
0x3e9: {  	v6 =	vld [tilespmem:s8+$0x20];
	_ =	sdelay $0x4  }
0x3ea: {  	v6 =	vadd.f32 v6, v5;
	v5 =	vld [tilespmem:s10+$0xD370]  }
.Ltmp29:
0x3eb: {  	(pc) =	sbr.rel @!p1 .LBB2_34-.Ltmp29, $4  }
0x3ec: {  	v6 =	vmax.f32 v7, v6  }
0x3ed: {  	[tilespmem:s10+$0xD360] =	vst v6  }
0x3ee: {  	v6 =	vld [tilespmem:s9+$0x30]  }
0x3ef: {  	v7 =	vld [tilespmem:s8+$0x30]  }
.Ltmp30:
0x3f0: {  	_ = 	snop;
	(pc) =	sbr.rel .LBB2_35-.Ltmp30, $1  }
0x3f1: {  	_ =	sdelay $0x3  }
.LBB2_37:
0x3f2: {  	_ =	sfence.sel $0x180000  }
0x3f3: {  	[bflag:$0x0] =	sbarrier.arrive $0xFFFF  }
0x3f4: {  	_ =	strace $0x90000047  }
0x3f5: {  	s0 =	stileid.u32;
	[bflag:$0x2] =	sbarrier.arrive $0xFFFF  }
0x3f6: {  	p0 =	sne.s32 s0, $0x0;
	s0 =	rddreg [dreg:$0x1]  }
0x3f7: {  	s0 =	sadd.s32 @!p0 $0x100000, s0  }
0x3f8: {  	[sflag:s0] =	ssyncadd.tile.s32 @!p0 $0x1;
	_ =	shalt  }
.Lfunc_end2:
_tile_overlayer_lowered:
.L_overlay_start_2:
0x3f9: {  	(tag) =	ssettag $0x2  }
0x3fa: {  	s0 =	rddreg [dreg:$0x0];
	s2 =	stileid.u32  }
0x3fb: {  	s1 =	rddreg [dreg:$0x1];
	p0 =	sne.s32 s2, $0x0  }
0x3fc: {  	s3 =	rddreg [dreg:$0x2];
	[bflag:$0x3] =	sbarrier.arrive $0xFFFF;
	s2 =	simm.s32 @!p0 $0x1C03  }
0x3fd: {  	[timem:s3], [sflag:s2] =	dma.local @!p0 [hbm:s0], s1  }
0x3fe: {  	s0 =	simm.s32 @!p0 $0x3  }
0x3ff: {  	_ =	swait.ge @!p0 [sflag:s0], s1  }
0x400: {  	s1 =	ssub.s32 @!p0 $0x0, s1;
	[sflag:s0] =	ssyncset.done @!p0 $0x0  }
0x401: {  	[sflag:s0] =	ssyncadd.s32 @!p0 s1  }
0x402: {  	[bflag:$0x3] =	sbarrier.arrive $0xFFFF  }
0x403: {  	_ =	shalt  }

</sc_bundles>
